<compile_context>
chip_gen: v7x
topology: tpu7x:2x2x1
jax: 0.10.2.dev20260603
libtpu: 0.0.44.dev20260713+nightly
codegen_flags: <defaults>
</compile_context>

<pallas_src>
import functools

import jax
import jax.numpy as jnp
import numpy as np
from jax import lax
from jax.experimental import pallas as pl
from jax.experimental.pallas import tpu as pltpu
from jax.experimental.pallas import tpu_sc as plsc

_F = 26
_D = 64
_B = 4096
_V = 100000
_NPAIR = (_F * (_F - 1)) // 2
_OUT_W = _NPAIR + _F

_PAIRS = [(i, j) for i in range(_F - 1) for j in range(i + 1, _F)]

_NC, _NS = 2, 16
_NW = _NC * _NS
_TOTAL = _B * _F
_PER_W = _TOTAL // _NW
_CHUNK = 832
_NCHUNK = _PER_W // _CHUNK

_s = np.arange(_TOTAL, dtype=np.int64)
_b, _f = _s % _B, _s // _B
_DPERM = (((_b // 8) * (_F // 2) + _f // 2) * 16 + (_b % 8) * 2 + (_f % 2))
_DPERM = _DPERM.astype(np.int32).reshape(_NW, _NCHUNK, _CHUNK)


def _sc_gather_body(xtf_hbm, emb_hbm, lin_hbm, dperm_hbm,
                    out_e, out_l,
                    idxt_v, dp_v, rows_v0, rows_v1, lin_v,
                    gsem, osem):
    wid = lax.axis_index("s") * _NC + lax.axis_index("c")
    base = wid * _PER_W
    pltpu.sync_copy(xtf_hbm.at[pl.ds(base, _PER_W)], idxt_v)
    pltpu.sync_copy(dperm_hbm.at[wid], dp_v)
    lin_g = pltpu.async_copy(lin_hbm.at[idxt_v], lin_v, gsem)
    bufs = (rows_v0, rows_v1)
    outs = []
    for c in range(_NCHUNK):
        buf = bufs[c % 2]
        g = pltpu.async_copy(
            emb_hbm.at[idxt_v.at[pl.ds(c * _CHUNK, _CHUNK)]], buf, gsem
        )
        if c >= 2:
            outs[c - 2].wait()
        g.wait()
        outs.append(pltpu.async_copy(buf, out_e.at[dp_v.at[c]], osem))
    lin_g.wait()
    outs[-2].wait()
    outs[-1].wait()
    pltpu.sync_copy(lin_v, out_l.at[pl.ds(base, _PER_W)])


@functools.cache
def _make_gather():
    return pl.kernel(
        _sc_gather_body,
        out_type=[
            jax.ShapeDtypeStruct((_TOTAL, _D), jnp.float32),
            jax.ShapeDtypeStruct((_TOTAL,), jnp.float32),
        ],
        mesh=plsc.VectorSubcoreMesh(
            core_axis_name="c", subcore_axis_name="s",
            num_cores=_NC, num_subcores=_NS,
        ),
        scratch_types=[
            pltpu.VMEM((_PER_W,), jnp.int32),
            pltpu.VMEM((_NCHUNK, _CHUNK), jnp.int32),
            pltpu.VMEM((_CHUNK, _D), jnp.float32),
            pltpu.VMEM((_CHUNK, _D), jnp.float32),
            pltpu.VMEM((_PER_W,), jnp.float32),
            pltpu.SemaphoreType.DMA,
            pltpu.SemaphoreType.DMA,
        ],
        compiler_params=pltpu.CompilerParams(use_tc_tiling_on_sc=False),
    )


_BBLK = 256
_NBAND = _BBLK // 8


def _tc_pairs_body(e_ref, lin_ref, out_ref):
    e4 = e_ref[...]
    pieces = [jnp.transpose(e4[:, tc].reshape(_BBLK, 128))
              for tc in range(_F // 2)]

    def slab(f):
        return pieces[f // 2][(f % 2) * _D:(f % 2) * _D + _D, :]

    for p, (i, j) in enumerate(_PAIRS):
        prod = slab(i) * slab(j)
        out_ref[p, :] = jnp.sum(prod, axis=0)
    out_ref[_NPAIR:_OUT_W, :] = lin_ref[...]


_pairs_call = pl.pallas_call(
    _tc_pairs_body,
    out_shape=jax.ShapeDtypeStruct((_OUT_W, _B), jnp.float32),
    grid=(_B // _BBLK,),
    in_specs=[
        pl.BlockSpec((_NBAND, _F // 2, 8, 128), lambda b: (b, 0, 0, 0)),
        pl.BlockSpec((_F, _BBLK), lambda b: (0, b)),
    ],
    out_specs=pl.BlockSpec((_OUT_W, _BBLK), lambda b: (0, b)),
)


def kernel(x, emb_weight, lin_weight):
    xtf = x.T.reshape(_TOTAL)
    dperm = jnp.asarray(_DPERM)
    e_g, l_g = _make_gather()(xtf, emb_weight, lin_weight.reshape(-1),
                              dperm)
    e4 = e_g.reshape(_B // 8, _F // 2, 8, 128)
    out_t = _pairs_call(e4, l_g.reshape(_F, _B))
    return out_t.T

# --- scband reference (transcript-rebuilt; emitter-appended) ---
"""Pipeline reference for scband-feature-embedding-67130338836774 (READ-ONLY COPY).

The authoritative reference and input builder live on the scoring server;
editing this copy changes nothing except your own understanding.
"""

import jax, jax.numpy as jnp
import numpy as np

FEATURE_NUMBERS = 100000
FIELD_NUMS = 26
LATENT_DIMS = 64
OUTPUT_DIM = 1
BATCH = 4096

_row, _col = [], []
for i in range(FIELD_NUMS - 1):
    for j in range(i + 1, FIELD_NUMS):
        _row.append(i)
        _col.append(j)
ROW = jnp.asarray(np.array(_row, dtype=np.int32))
COL = jnp.asarray(np.array(_col, dtype=np.int32))


def setup_inputs(seed: int = 0) -> dict:
    key = jax.random.key(seed)
    k1, k2, k3 = jax.random.split(key, 3)
    x = jax.random.randint(k1, (BATCH, FIELD_NUMS), 0, FEATURE_NUMBERS, dtype=jnp.int32)
    # xavier_normal init: std = sqrt(2 / (fan_in + fan_out))
    std_emb = float(np.sqrt(2.0 / (FEATURE_NUMBERS + LATENT_DIMS)))
    std_lin = float(np.sqrt(2.0 / (FEATURE_NUMBERS + OUTPUT_DIM)))
    emb_weight = jax.random.normal(k2, (FEATURE_NUMBERS, LATENT_DIMS), dtype=jnp.float32) * std_emb
    lin_weight = jax.random.normal(k3, (FEATURE_NUMBERS, OUTPUT_DIM), dtype=jnp.float32) * std_lin
    return {"x": x, "emb_weight": emb_weight, "lin_weight": lin_weight}


def reference(x, emb_weight, lin_weight):
    x_first_embedding = jnp.take(lin_weight, x, axis=0)          # [B, F, 1]
    x_second_embedding = jnp.take(emb_weight, x, axis=0)         # [B, F, D]
    hadamard_product = x_second_embedding[:, ROW] * x_second_embedding[:, COL]  # [B, F*(F-1)/2, D]
    inner_product = jnp.sum(hadamard_product, axis=2)            # [B, F*(F-1)/2]
    embedding_vectors = jnp.concatenate(
        [inner_product, x_first_embedding.reshape(-1, FIELD_NUMS)], axis=1
    )                                                            # [B, F*(F-1)/2 + F]
    return embedding_vectors

if __name__ == "__main__":
    import jax
    _d = setup_inputs()
    print(jax.jit(kernel)(*tuple(_d.values())))

</pallas_src>

<mosaic_0001>
#map = affine_map<(d0, d1) -> (0)>
#map1 = affine_map<(d0, d1) -> (0, 0)>
#map2 = affine_map<(d0, d1) -> (0, 0, 0)>
module attributes {stable_mosaic.version = 14 : i64} {
  func.func @_sc_gather_body(%arg0: i32, %arg1: i32, %arg2: memref<106496xi32, #tpu.memory_space<hbm>>, %arg3: memref<100000x64xf32, #tpu.memory_space<hbm>>, %arg4: memref<100000xf32, #tpu.memory_space<hbm>>, %arg5: memref<32x4x832xi32, #tpu.memory_space<hbm>>, %arg6: memref<106496x64xf32, #tpu.memory_space<hbm>>, %arg7: memref<106496xf32, #tpu.memory_space<hbm>>, %arg8: memref<3328xi32, #tpu.memory_space<vmem>>, %arg9: memref<4x832xi32, #tpu.memory_space<vmem>>, %arg10: memref<832x64xf32, #tpu.memory_space<vmem>>, %arg11: memref<832x64xf32, #tpu.memory_space<vmem>>, %arg12: memref<3328xf32, #tpu.memory_space<vmem>>, %arg13: memref<!tpu.dma_semaphore, #tpu.memory_space<semaphore_mem>>, %arg14: memref<!tpu.dma_semaphore, #tpu.memory_space<semaphore_mem>>) attributes {dimension_semantics = [#tpu.dimension_semantics<core_parallel>, #tpu.dimension_semantics<subcore_parallel>], iteration_bounds = array<i64: 2, 16>, scalar_prefetch = 0 : i64, scratch_operands = 7 : i64, tpu.core_type = #tpu.core_type<sc_vector_subcore>, window_params = [{transform_indices = #map}, {transform_indices = #map1}, {transform_indices = #map}, {transform_indices = #map2}, {transform_indices = #map1}, {transform_indices = #map}]} {
    %mul3A = arith.constant 2 : i32
    %mul3A_0 = arith.muli %arg1, %mul3A : i32
    %add3A = arith.addi %mul3A_0, %arg0 : i32
    %mul3A_1 = arith.constant 3328 : i32
    %mul3A_2 = arith.muli %add3A, %mul3A_1 : i32
    "tpu.region"() ({
      %run_scoped3A = tpu.sem_alloc : memref<!tpu.dma_semaphore, #tpu.memory_space<semaphore_mem>>
      %dma_start3A_101 = tpu.memref_slice %arg2[%mul3A_2] : memref<106496xi32, #tpu.memory_space<hbm>> -> memref<3328xi32, #tpu.memory_space<hbm>>
      %dma_start3A_102 = tpu.memref_slice %arg2[%mul3A_2] : memref<106496xi32, #tpu.memory_space<hbm>> -> memref<3328xi32, #tpu.memory_space<hbm>>
      tpu.enqueue_dma source(%dma_start3A_102 : memref<3328xi32, #tpu.memory_space<hbm>>) target(%arg8 : memref<3328xi32, #tpu.memory_space<vmem>>) target_semaphore(%run_scoped3A : memref<!tpu.dma_semaphore, #tpu.memory_space<semaphore_mem>>)
      %dma_wait3A_103 = tpu.memref_slice %arg2[%mul3A_2] : memref<106496xi32, #tpu.memory_space<hbm>> -> memref<3328xi32, #tpu.memory_space<hbm>>
      %dma_wait3A_104 = tpu.memref_slice %arg2[%mul3A_2] : memref<106496xi32, #tpu.memory_space<hbm>> -> memref<3328xi32, #tpu.memory_space<hbm>>
      tpu.wait_dma2 semaphore(%run_scoped3A : memref<!tpu.dma_semaphore, #tpu.memory_space<semaphore_mem>>) src(%dma_wait3A_104 : memref<3328xi32, #tpu.memory_space<hbm>>) dst(%arg8 : memref<3328xi32, #tpu.memory_space<vmem>>)
      tpu.yield
    }) : () -> ()
    "tpu.region"() ({
      %run_scoped3A = tpu.sem_alloc : memref<!tpu.dma_semaphore, #tpu.memory_space<semaphore_mem>>
      %dma_start3A_101 = arith.constant 0 : i32
      %dma_start3A_102 = arith.constant 0 : i32
      %dma_start3A_103 = tpu.memref_slice %arg5[%add3A, %dma_start3A_101, %dma_start3A_102] : memref<32x4x832xi32, #tpu.memory_space<hbm>> -> memref<1x4x832xi32, #tpu.memory_space<hbm>>
      %dma_start3A_104 = tpu.memref_squeeze %dma_start3A_103 : memref<1x4x832xi32, #tpu.memory_space<hbm>> -> memref<4x832xi32, #tpu.memory_space<hbm>>
      %dma_start3A_105 = arith.constant 0 : i32
      %dma_start3A_106 = arith.constant 0 : i32
      %dma_start3A_107 = tpu.memref_slice %arg5[%add3A, %dma_start3A_105, %dma_start3A_106] : memref<32x4x832xi32, #tpu.memory_space<hbm>> -> memref<1x4x832xi32, #tpu.memory_space<hbm>>
      %dma_start3A_108 = tpu.memref_squeeze %dma_start3A_107 : memref<1x4x832xi32, #tpu.memory_space<hbm>> -> memref<4x832xi32, #tpu.memory_space<hbm>>
      tpu.enqueue_dma source(%dma_start3A_108 : memref<4x832xi32, #tpu.memory_space<hbm>>) target(%arg9 : memref<4x832xi32, #tpu.memory_space<vmem>>) target_semaphore(%run_scoped3A : memref<!tpu.dma_semaphore, #tpu.memory_space<semaphore_mem>>)
      %dma_wait3A_109 = arith.constant 0 : i32
      %dma_wait3A_110 = arith.constant 0 : i32
      %dma_wait3A_111 = tpu.memref_slice %arg5[%add3A, %dma_wait3A_109, %dma_wait3A_110] : memref<32x4x832xi32, #tpu.memory_space<hbm>> -> memref<1x4x832xi32, #tpu.memory_space<hbm>>
      %dma_wait3A_112 = tpu.memref_squeeze %dma_wait3A_111 : memref<1x4x832xi32, #tpu.memory_space<hbm>> -> memref<4x832xi32, #tpu.memory_space<hbm>>
      %dma_wait3A_113 = arith.constant 0 : i32
      %dma_wait3A_114 = arith.constant 0 : i32
      %dma_wait3A_115 = tpu.memref_slice %arg5[%add3A, %dma_wait3A_113, %dma_wait3A_114] : memref<32x4x832xi32, #tpu.memory_space<hbm>> -> memref<1x4x832xi32, #tpu.memory_space<hbm>>
      %dma_wait3A_116 = tpu.memref_squeeze %dma_wait3A_115 : memref<1x4x832xi32, #tpu.memory_space<hbm>> -> memref<4x832xi32, #tpu.memory_space<hbm>>
      tpu.wait_dma2 semaphore(%run_scoped3A : memref<!tpu.dma_semaphore, #tpu.memory_space<semaphore_mem>>) src(%dma_wait3A_116 : memref<4x832xi32, #tpu.memory_space<hbm>>) dst(%arg9 : memref<4x832xi32, #tpu.memory_space<vmem>>)
      tpu.yield
    }) : () -> ()
    %dma_start3A = arith.constant 0 : i32
    %dma_start3A_3 = tpu.memref_slice %arg4[%dma_start3A] : memref<100000xf32, #tpu.memory_space<hbm>> -> memref<100000xf32, #tpu.memory_space<hbm>>
    tpu.enqueue_indirect_dma source(%dma_start3A_3 : memref<100000xf32, #tpu.memory_space<hbm>>) target(%arg12 : memref<3328xf32, #tpu.memory_space<vmem>>) offsets(%arg8 : memref<3328xi32, #tpu.memory_space<vmem>>) semaphore(%arg13 : memref<!tpu.dma_semaphore, #tpu.memory_space<semaphore_mem>>)
    %dma_start3A_4 = arith.constant 0 : i32
    %dma_start3A_5 = tpu.memref_slice %arg8[%dma_start3A_4] : memref<3328xi32, #tpu.memory_space<vmem>> -> memref<832xi32, #tpu.memory_space<vmem>>
    %dma_start3A_6 = arith.constant 0 : i32
    %dma_start3A_7 = arith.constant 0 : i32
    %dma_start3A_8 = tpu.memref_slice %arg3[%dma_start3A_6, %dma_start3A_7] : memref<100000x64xf32, #tpu.memory_space<hbm>> -> memref<100000x64xf32, #tpu.memory_space<hbm>>
    tpu.enqueue_indirect_dma source(%dma_start3A_8 : memref<100000x64xf32, #tpu.memory_space<hbm>>) target(%arg10 : memref<832x64xf32, #tpu.memory_space<vmem>>) offsets(%dma_start3A_5 : memref<832xi32, #tpu.memory_space<vmem>>) semaphore(%arg13 : memref<!tpu.dma_semaphore, #tpu.memory_space<semaphore_mem>>)
    %dma_wait3A = arith.constant 0 : i32
    %dma_wait3A_9 = tpu.memref_slice %arg8[%dma_wait3A] : memref<3328xi32, #tpu.memory_space<vmem>> -> memref<832xi32, #tpu.memory_space<vmem>>
    %dma_wait3A_10 = arith.constant 0 : i32
    %dma_wait3A_11 = arith.constant 0 : i32
    %dma_wait3A_12 = tpu.memref_slice %arg3[%dma_wait3A_10, %dma_wait3A_11] : memref<100000x64xf32, #tpu.memory_space<hbm>> -> memref<100000x64xf32, #tpu.memory_space<hbm>>
    tpu.wait_indirect_dma semaphore(%arg13 : memref<!tpu.dma_semaphore, #tpu.memory_space<semaphore_mem>>) src(%dma_wait3A_12 : memref<100000x64xf32, #tpu.memory_space<hbm>>) dst(%arg10 : memref<832x64xf32, #tpu.memory_space<vmem>>)
    %dma_start3A_13 = arith.constant 0 : i32
    %dma_start3A_14 = arith.constant 0 : i32
    %dma_start3A_15 = tpu.memref_slice %arg9[%dma_start3A_13, %dma_start3A_14] : memref<4x832xi32, #tpu.memory_space<vmem>> -> memref<1x832xi32, #tpu.memory_space<vmem>>
    %dma_start3A_16 = tpu.memref_squeeze %dma_start3A_15 : memref<1x832xi32, #tpu.memory_space<vmem>> -> memref<832xi32, #tpu.memory_space<vmem>>
    %dma_start3A_17 = arith.constant 0 : i32
    %dma_start3A_18 = arith.constant 0 : i32
    %dma_start3A_19 = tpu.memref_slice %arg6[%dma_start3A_17, %dma_start3A_18] : memref<106496x64xf32, #tpu.memory_space<hbm>> -> memref<106496x64xf32, #tpu.memory_space<hbm>>
    tpu.enqueue_indirect_dma source(%arg10 : memref<832x64xf32, #tpu.memory_space<vmem>>) target(%dma_start3A_19 : memref<106496x64xf32, #tpu.memory_space<hbm>>) offsets(%dma_start3A_16 : memref<832xi32, #tpu.memory_space<vmem>>) semaphore(%arg14 : memref<!tpu.dma_semaphore, #tpu.memory_space<semaphore_mem>>)
    %dma_start3A_20 = arith.constant 832 : i32
    %dma_start3A_21 = tpu.memref_slice %arg8[%dma_start3A_20] : memref<3328xi32, #tpu.memory_space<vmem>> -> memref<832xi32, #tpu.memory_space<vmem>>
    %dma_start3A_22 = arith.constant 0 : i32
    %dma_start3A_23 = arith.constant 0 : i32
    %dma_start3A_24 = tpu.memref_slice %arg3[%dma_start3A_22, %dma_start3A_23] : memref<100000x64xf32, #tpu.memory_space<hbm>> -> memref<100000x64xf32, #tpu.memory_space<hbm>>
    tpu.enqueue_indirect_dma source(%dma_start3A_24 : memref<100000x64xf32, #tpu.memory_space<hbm>>) target(%arg11 : memref<832x64xf32, #tpu.memory_space<vmem>>) offsets(%dma_start3A_21 : memref<832xi32, #tpu.memory_space<vmem>>) semaphore(%arg13 : memref<!tpu.dma_semaphore, #tpu.memory_space<semaphore_mem>>)
    %dma_wait3A_25 = arith.constant 832 : i32
    %dma_wait3A_26 = tpu.memref_slice %arg8[%dma_wait3A_25] : memref<3328xi32, #tpu.memory_space<vmem>> -> memref<832xi32, #tpu.memory_space<vmem>>
    %dma_wait3A_27 = arith.constant 0 : i32
    %dma_wait3A_28 = arith.constant 0 : i32
    %dma_wait3A_29 = tpu.memref_slice %arg3[%dma_wait3A_27, %dma_wait3A_28] : memref<100000x64xf32, #tpu.memory_space<hbm>> -> memref<100000x64xf32, #tpu.memory_space<hbm>>
    tpu.wait_indirect_dma semaphore(%arg13 : memref<!tpu.dma_semaphore, #tpu.memory_space<semaphore_mem>>) src(%dma_wait3A_29 : memref<100000x64xf32, #tpu.memory_space<hbm>>) dst(%arg11 : memref<832x64xf32, #tpu.memory_space<vmem>>)
    %dma_start3A_30 = arith.constant 1 : i32
    %dma_start3A_31 = arith.constant 0 : i32
    %dma_start3A_32 = tpu.memref_slice %arg9[%dma_start3A_30, %dma_start3A_31] : memref<4x832xi32, #tpu.memory_space<vmem>> -> memref<1x832xi32, #tpu.memory_space<vmem>>
    %dma_start3A_33 = tpu.memref_squeeze %dma_start3A_32 : memref<1x832xi32, #tpu.memory_space<vmem>> -> memref<832xi32, #tpu.memory_space<vmem>>
    %dma_start3A_34 = arith.constant 0 : i32
    %dma_start3A_35 = arith.constant 0 : i32
    %dma_start3A_36 = tpu.memref_slice %arg6[%dma_start3A_34, %dma_start3A_35] : memref<106496x64xf32, #tpu.memory_space<hbm>> -> memref<106496x64xf32, #tpu.memory_space<hbm>>
    tpu.enqueue_indirect_dma source(%arg11 : memref<832x64xf32, #tpu.memory_space<vmem>>) target(%dma_start3A_36 : memref<106496x64xf32, #tpu.memory_space<hbm>>) offsets(%dma_start3A_33 : memref<832xi32, #tpu.memory_space<vmem>>) semaphore(%arg14 : memref<!tpu.dma_semaphore, #tpu.memory_space<semaphore_mem>>)
    %dma_start3A_37 = arith.constant 1664 : i32
    %dma_start3A_38 = tpu.memref_slice %arg8[%dma_start3A_37] : memref<3328xi32, #tpu.memory_space<vmem>> -> memref<832xi32, #tpu.memory_space<vmem>>
    %dma_start3A_39 = arith.constant 0 : i32
    %dma_start3A_40 = arith.constant 0 : i32
    %dma_start3A_41 = tpu.memref_slice %arg3[%dma_start3A_39, %dma_start3A_40] : memref<100000x64xf32, #tpu.memory_space<hbm>> -> memref<100000x64xf32, #tpu.memory_space<hbm>>
    tpu.enqueue_indirect_dma source(%dma_start3A_41 : memref<100000x64xf32, #tpu.memory_space<hbm>>) target(%arg10 : memref<832x64xf32, #tpu.memory_space<vmem>>) offsets(%dma_start3A_38 : memref<832xi32, #tpu.memory_space<vmem>>) semaphore(%arg13 : memref<!tpu.dma_semaphore, #tpu.memory_space<semaphore_mem>>)
    %dma_wait3A_42 = arith.constant 0 : i32
    %dma_wait3A_43 = arith.constant 0 : i32
    %dma_wait3A_44 = tpu.memref_slice %arg9[%dma_wait3A_42, %dma_wait3A_43] : memref<4x832xi32, #tpu.memory_space<vmem>> -> memref<1x832xi32, #tpu.memory_space<vmem>>
    %dma_wait3A_45 = tpu.memref_squeeze %dma_wait3A_44 : memref<1x832xi32, #tpu.memory_space<vmem>> -> memref<832xi32, #tpu.memory_space<vmem>>
    %dma_wait3A_46 = arith.constant 0 : i32
    %dma_wait3A_47 = arith.constant 0 : i32
    %dma_wait3A_48 = tpu.memref_slice %arg6[%dma_wait3A_46, %dma_wait3A_47] : memref<106496x64xf32, #tpu.memory_space<hbm>> -> memref<106496x64xf32, #tpu.memory_space<hbm>>
    tpu.wait_indirect_dma semaphore(%arg14 : memref<!tpu.dma_semaphore, #tpu.memory_space<semaphore_mem>>) src(%arg10 : memref<832x64xf32, #tpu.memory_space<vmem>>) dst(%dma_wait3A_48 : memref<106496x64xf32, #tpu.memory_space<hbm>>)
    %dma_wait3A_49 = arith.constant 1664 : i32
    %dma_wait3A_50 = tpu.memref_slice %arg8[%dma_wait3A_49] : memref<3328xi32, #tpu.memory_space<vmem>> -> memref<832xi32, #tpu.memory_space<vmem>>
    %dma_wait3A_51 = arith.constant 0 : i32
    %dma_wait3A_52 = arith.constant 0 : i32
    %dma_wait3A_53 = tpu.memref_slice %arg3[%dma_wait3A_51, %dma_wait3A_52] : memref<100000x64xf32, #tpu.memory_space<hbm>> -> memref<100000x64xf32, #tpu.memory_space<hbm>>
    tpu.wait_indirect_dma semaphore(%arg13 : memref<!tpu.dma_semaphore, #tpu.memory_space<semaphore_mem>>) src(%dma_wait3A_53 : memref<100000x64xf32, #tpu.memory_space<hbm>>) dst(%arg10 : memref<832x64xf32, #tpu.memory_space<vmem>>)
    %dma_start3A_54 = arith.constant 2 : i32
    %dma_start3A_55 = arith.constant 0 : i32
    %dma_start3A_56 = tpu.memref_slice %arg9[%dma_start3A_54, %dma_start3A_55] : memref<4x832xi32, #tpu.memory_space<vmem>> -> memref<1x832xi32, #tpu.memory_space<vmem>>
    %dma_start3A_57 = tpu.memref_squeeze %dma_start3A_56 : memref<1x832xi32, #tpu.memory_space<vmem>> -> memref<832xi32, #tpu.memory_space<vmem>>
    %dma_start3A_58 = arith.constant 0 : i32
    %dma_start3A_59 = arith.constant 0 : i32
    %dma_start3A_60 = tpu.memref_slice %arg6[%dma_start3A_58, %dma_start3A_59] : memref<106496x64xf32, #tpu.memory_space<hbm>> -> memref<106496x64xf32, #tpu.memory_space<hbm>>
    tpu.enqueue_indirect_dma source(%arg10 : memref<832x64xf32, #tpu.memory_space<vmem>>) target(%dma_start3A_60 : memref<106496x64xf32, #tpu.memory_space<hbm>>) offsets(%dma_start3A_57 : memref<832xi32, #tpu.memory_space<vmem>>) semaphore(%arg14 : memref<!tpu.dma_semaphore, #tpu.memory_space<semaphore_mem>>)
    %dma_start3A_61 = arith.constant 2496 : i32
    %dma_start3A_62 = tpu.memref_slice %arg8[%dma_start3A_61] : memref<3328xi32, #tpu.memory_space<vmem>> -> memref<832xi32, #tpu.memory_space<vmem>>
    %dma_start3A_63 = arith.constant 0 : i32
    %dma_start3A_64 = arith.constant 0 : i32
    %dma_start3A_65 = tpu.memref_slice %arg3[%dma_start3A_63, %dma_start3A_64] : memref<100000x64xf32, #tpu.memory_space<hbm>> -> memref<100000x64xf32, #tpu.memory_space<hbm>>
    tpu.enqueue_indirect_dma source(%dma_start3A_65 : memref<100000x64xf32, #tpu.memory_space<hbm>>) target(%arg11 : memref<832x64xf32, #tpu.memory_space<vmem>>) offsets(%dma_start3A_62 : memref<832xi32, #tpu.memory_space<vmem>>) semaphore(%arg13 : memref<!tpu.dma_semaphore, #tpu.memory_space<semaphore_mem>>)
    %dma_wait3A_66 = arith.constant 1 : i32
    %dma_wait3A_67 = arith.constant 0 : i32
    %dma_wait3A_68 = tpu.memref_slice %arg9[%dma_wait3A_66, %dma_wait3A_67] : memref<4x832xi32, #tpu.memory_space<vmem>> -> memref<1x832xi32, #tpu.memory_space<vmem>>
    %dma_wait3A_69 = tpu.memref_squeeze %dma_wait3A_68 : memref<1x832xi32, #tpu.memory_space<vmem>> -> memref<832xi32, #tpu.memory_space<vmem>>
    %dma_wait3A_70 = arith.constant 0 : i32
    %dma_wait3A_71 = arith.constant 0 : i32
    %dma_wait3A_72 = tpu.memref_slice %arg6[%dma_wait3A_70, %dma_wait3A_71] : memref<106496x64xf32, #tpu.memory_space<hbm>> -> memref<106496x64xf32, #tpu.memory_space<hbm>>
    tpu.wait_indirect_dma semaphore(%arg14 : memref<!tpu.dma_semaphore, #tpu.memory_space<semaphore_mem>>) src(%arg11 : memref<832x64xf32, #tpu.memory_space<vmem>>) dst(%dma_wait3A_72 : memref<106496x64xf32, #tpu.memory_space<hbm>>)
    %dma_wait3A_73 = arith.constant 2496 : i32
    %dma_wait3A_74 = tpu.memref_slice %arg8[%dma_wait3A_73] : memref<3328xi32, #tpu.memory_space<vmem>> -> memref<832xi32, #tpu.memory_space<vmem>>
    %dma_wait3A_75 = arith.constant 0 : i32
    %dma_wait3A_76 = arith.constant 0 : i32
    %dma_wait3A_77 = tpu.memref_slice %arg3[%dma_wait3A_75, %dma_wait3A_76] : memref<100000x64xf32, #tpu.memory_space<hbm>> -> memref<100000x64xf32, #tpu.memory_space<hbm>>
    tpu.wait_indirect_dma semaphore(%arg13 : memref<!tpu.dma_semaphore, #tpu.memory_space<semaphore_mem>>) src(%dma_wait3A_77 : memref<100000x64xf32, #tpu.memory_space<hbm>>) dst(%arg11 : memref<832x64xf32, #tpu.memory_space<vmem>>)
    %dma_start3A_78 = arith.constant 3 : i32
    %dma_start3A_79 = arith.constant 0 : i32
    %dma_start3A_80 = tpu.memref_slice %arg9[%dma_start3A_78, %dma_start3A_79] : memref<4x832xi32, #tpu.memory_space<vmem>> -> memref<1x832xi32, #tpu.memory_space<vmem>>
    %dma_start3A_81 = tpu.memref_squeeze %dma_start3A_80 : memref<1x832xi32, #tpu.memory_space<vmem>> -> memref<832xi32, #tpu.memory_space<vmem>>
    %dma_start3A_82 = arith.constant 0 : i32
    %dma_start3A_83 = arith.constant 0 : i32
    %dma_start3A_84 = tpu.memref_slice %arg6[%dma_start3A_82, %dma_start3A_83] : memref<106496x64xf32, #tpu.memory_space<hbm>> -> memref<106496x64xf32, #tpu.memory_space<hbm>>
    tpu.enqueue_indirect_dma source(%arg11 : memref<832x64xf32, #tpu.memory_space<vmem>>) target(%dma_start3A_84 : memref<106496x64xf32, #tpu.memory_space<hbm>>) offsets(%dma_start3A_81 : memref<832xi32, #tpu.memory_space<vmem>>) semaphore(%arg14 : memref<!tpu.dma_semaphore, #tpu.memory_space<semaphore_mem>>)
    %dma_wait3A_85 = arith.constant 0 : i32
    %dma_wait3A_86 = tpu.memref_slice %arg4[%dma_wait3A_85] : memref<100000xf32, #tpu.memory_space<hbm>> -> memref<100000xf32, #tpu.memory_space<hbm>>
    tpu.wait_indirect_dma semaphore(%arg13 : memref<!tpu.dma_semaphore, #tpu.memory_space<semaphore_mem>>) src(%dma_wait3A_86 : memref<100000xf32, #tpu.memory_space<hbm>>) dst(%arg12 : memref<3328xf32, #tpu.memory_space<vmem>>)
    %dma_wait3A_87 = arith.constant 2 : i32
    %dma_wait3A_88 = arith.constant 0 : i32
    %dma_wait3A_89 = tpu.memref_slice %arg9[%dma_wait3A_87, %dma_wait3A_88] : memref<4x832xi32, #tpu.memory_space<vmem>> -> memref<1x832xi32, #tpu.memory_space<vmem>>
    %dma_wait3A_90 = tpu.memref_squeeze %dma_wait3A_89 : memref<1x832xi32, #tpu.memory_space<vmem>> -> memref<832xi32, #tpu.memory_space<vmem>>
    %dma_wait3A_91 = arith.constant 0 : i32
    %dma_wait3A_92 = arith.constant 0 : i32
    %dma_wait3A_93 = tpu.memref_slice %arg6[%dma_wait3A_91, %dma_wait3A_92] : memref<106496x64xf32, #tpu.memory_space<hbm>> -> memref<106496x64xf32, #tpu.memory_space<hbm>>
    tpu.wait_indirect_dma semaphore(%arg14 : memref<!tpu.dma_semaphore, #tpu.memory_space<semaphore_mem>>) src(%arg10 : memref<832x64xf32, #tpu.memory_space<vmem>>) dst(%dma_wait3A_93 : memref<106496x64xf32, #tpu.memory_space<hbm>>)
    %dma_wait3A_94 = arith.constant 3 : i32
    %dma_wait3A_95 = arith.constant 0 : i32
    %dma_wait3A_96 = tpu.memref_slice %arg9[%dma_wait3A_94, %dma_wait3A_95] : memref<4x832xi32, #tpu.memory_space<vmem>> -> memref<1x832xi32, #tpu.memory_space<vmem>>
    %dma_wait3A_97 = tpu.memref_squeeze %dma_wait3A_96 : memref<1x832xi32, #tpu.memory_space<vmem>> -> memref<832xi32, #tpu.memory_space<vmem>>
    %dma_wait3A_98 = arith.constant 0 : i32
    %dma_wait3A_99 = arith.constant 0 : i32
    %dma_wait3A_100 = tpu.memref_slice %arg6[%dma_wait3A_98, %dma_wait3A_99] : memref<106496x64xf32, #tpu.memory_space<hbm>> -> memref<106496x64xf32, #tpu.memory_space<hbm>>
    tpu.wait_indirect_dma semaphore(%arg14 : memref<!tpu.dma_semaphore, #tpu.memory_space<semaphore_mem>>) src(%arg11 : memref<832x64xf32, #tpu.memory_space<vmem>>) dst(%dma_wait3A_100 : memref<106496x64xf32, #tpu.memory_space<hbm>>)
    "tpu.region"() ({
      %run_scoped3A = tpu.sem_alloc : memref<!tpu.dma_semaphore, #tpu.memory_space<semaphore_mem>>
      %dma_start3A_101 = tpu.memref_slice %arg7[%mul3A_2] : memref<106496xf32, #tpu.memory_space<hbm>> -> memref<3328xf32, #tpu.memory_space<hbm>>
      %dma_start3A_102 = tpu.memref_slice %arg7[%mul3A_2] : memref<106496xf32, #tpu.memory_space<hbm>> -> memref<3328xf32, #tpu.memory_space<hbm>>
      tpu.enqueue_dma source(%arg12 : memref<3328xf32, #tpu.memory_space<vmem>>) target(%dma_start3A_102 : memref<3328xf32, #tpu.memory_space<hbm>>) target_semaphore(%run_scoped3A : memref<!tpu.dma_semaphore, #tpu.memory_space<semaphore_mem>>)
      %dma_wait3A_103 = tpu.memref_slice %arg7[%mul3A_2] : memref<106496xf32, #tpu.memory_space<hbm>> -> memref<3328xf32, #tpu.memory_space<hbm>>
      %dma_wait3A_104 = tpu.memref_slice %arg7[%mul3A_2] : memref<106496xf32, #tpu.memory_space<hbm>> -> memref<3328xf32, #tpu.memory_space<hbm>>
      tpu.wait_dma2 semaphore(%run_scoped3A : memref<!tpu.dma_semaphore, #tpu.memory_space<semaphore_mem>>) src(%arg12 : memref<3328xf32, #tpu.memory_space<vmem>>) dst(%dma_wait3A_104 : memref<3328xf32, #tpu.memory_space<hbm>>)
      tpu.yield
    }) : () -> ()
    return
  }
}

module attributes {stable_mosaic.version = 14 : i64} {
  func.func @_tc_pairs_body(%arg0: i32, %arg1: memref<32x13x8x128xf32, #tpu.memory_space<vmem>>, %arg2: memref<26x256xf32, #tpu.memory_space<vmem>>, %arg3: memref<351x256xf32, #tpu.memory_space<vmem>>) attributes {dimension_semantics = [#tpu.dimension_semantics<arbitrary>], iteration_bounds = array<i64: 16>, scalar_prefetch = 0 : i64, scratch_operands = 0 : i64, tpu.core_type = #tpu.core_type<tc>, window_params = [{transform_indices = @transform_0, window_bounds = array<i64: 32, 13, 8, 128>}, {transform_indices = @transform_1, window_bounds = array<i64: 26, 256>}, {transform_indices = @transform_2, window_bounds = array<i64: 351, 256>}]} {
    %get3A = arith.constant 0 : index
    %get3A_0 = arith.constant 0 : index
    %get3A_1 = arith.constant 0 : index
    %get3A_2 = arith.constant 0 : index
    %get3A_3 = vector.load %arg1[%get3A, %get3A_0, %get3A_1, %get3A_2] : memref<32x13x8x128xf32, #tpu.memory_space<vmem>>, vector<32x13x8x128xf32>
    %slice3A = vector.extract_strided_slice %get3A_3 {offsets = [0, 0, 0, 0], sizes = [32, 1, 8, 128], strides = [1, 1, 1, 1]} : vector<32x13x8x128xf32> to vector<32x1x8x128xf32>
    %squeeze3A = vector.shape_cast %slice3A : vector<32x1x8x128xf32> to vector<32x8x128xf32>
    %reshape3A = vector.shape_cast %squeeze3A : vector<32x8x128xf32> to vector<256x128xf32>
    %transpose3A = tpu.transpose %reshape3A, [1, 0] : vector<256x128xf32> -> vector<128x256xf32>
    %slice3A_4 = vector.extract_strided_slice %get3A_3 {offsets = [0, 1, 0, 0], sizes = [32, 1, 8, 128], strides = [1, 1, 1, 1]} : vector<32x13x8x128xf32> to vector<32x1x8x128xf32>
    %squeeze3A_5 = vector.shape_cast %slice3A_4 : vector<32x1x8x128xf32> to vector<32x8x128xf32>
    %reshape3A_6 = vector.shape_cast %squeeze3A_5 : vector<32x8x128xf32> to vector<256x128xf32>
    %transpose3A_7 = tpu.transpose %reshape3A_6, [1, 0] : vector<256x128xf32> -> vector<128x256xf32>
    %slice3A_8 = vector.extract_strided_slice %get3A_3 {offsets = [0, 2, 0, 0], sizes = [32, 1, 8, 128], strides = [1, 1, 1, 1]} : vector<32x13x8x128xf32> to vector<32x1x8x128xf32>
    %squeeze3A_9 = vector.shape_cast %slice3A_8 : vector<32x1x8x128xf32> to vector<32x8x128xf32>
    %reshape3A_10 = vector.shape_cast %squeeze3A_9 : vector<32x8x128xf32> to vector<256x128xf32>
    %transpose3A_11 = tpu.transpose %reshape3A_10, [1, 0] : vector<256x128xf32> -> vector<128x256xf32>
    %slice3A_12 = vector.extract_strided_slice %get3A_3 {offsets = [0, 3, 0, 0], sizes = [32, 1, 8, 128], strides = [1, 1, 1, 1]} : vector<32x13x8x128xf32> to vector<32x1x8x128xf32>
    %squeeze3A_13 = vector.shape_cast %slice3A_12 : vector<32x1x8x128xf32> to vector<32x8x128xf32>
    %reshape3A_14 = vector.shape_cast %squeeze3A_13 : vector<32x8x128xf32> to vector<256x128xf32>
    %transpose3A_15 = tpu.transpose %reshape3A_14, [1, 0] : vector<256x128xf32> -> vector<128x256xf32>
    %slice3A_16 = vector.extract_strided_slice %get3A_3 {offsets = [0, 4, 0, 0], sizes = [32, 1, 8, 128], strides = [1, 1, 1, 1]} : vector<32x13x8x128xf32> to vector<32x1x8x128xf32>
    %squeeze3A_17 = vector.shape_cast %slice3A_16 : vector<32x1x8x128xf32> to vector<32x8x128xf32>
    %reshape3A_18 = vector.shape_cast %squeeze3A_17 : vector<32x8x128xf32> to vector<256x128xf32>
    %transpose3A_19 = tpu.transpose %reshape3A_18, [1, 0] : vector<256x128xf32> -> vector<128x256xf32>
    %slice3A_20 = vector.extract_strided_slice %get3A_3 {offsets = [0, 5, 0, 0], sizes = [32, 1, 8, 128], strides = [1, 1, 1, 1]} : vector<32x13x8x128xf32> to vector<32x1x8x128xf32>
    %squeeze3A_21 = vector.shape_cast %slice3A_20 : vector<32x1x8x128xf32> to vector<32x8x128xf32>
    %reshape3A_22 = vector.shape_cast %squeeze3A_21 : vector<32x8x128xf32> to vector<256x128xf32>
    %transpose3A_23 = tpu.transpose %reshape3A_22, [1, 0] : vector<256x128xf32> -> vector<128x256xf32>
    %slice3A_24 = vector.extract_strided_slice %get3A_3 {offsets = [0, 6, 0, 0], sizes = [32, 1, 8, 128], strides = [1, 1, 1, 1]} : vector<32x13x8x128xf32> to vector<32x1x8x128xf32>
    %squeeze3A_25 = vector.shape_cast %slice3A_24 : vector<32x1x8x128xf32> to vector<32x8x128xf32>
    %reshape3A_26 = vector.shape_cast %squeeze3A_25 : vector<32x8x128xf32> to vector<256x128xf32>
    %transpose3A_27 = tpu.transpose %reshape3A_26, [1, 0] : vector<256x128xf32> -> vector<128x256xf32>
    %slice3A_28 = vector.extract_strided_slice %get3A_3 {offsets = [0, 7, 0, 0], sizes = [32, 1, 8, 128], strides = [1, 1, 1, 1]} : vector<32x13x8x128xf32> to vector<32x1x8x128xf32>
    %squeeze3A_29 = vector.shape_cast %slice3A_28 : vector<32x1x8x128xf32> to vector<32x8x128xf32>
    %reshape3A_30 = vector.shape_cast %squeeze3A_29 : vector<32x8x128xf32> to vector<256x128xf32>
    %transpose3A_31 = tpu.transpose %reshape3A_30, [1, 0] : vector<256x128xf32> -> vector<128x256xf32>
    %slice3A_32 = vector.extract_strided_slice %get3A_3 {offsets = [0, 8, 0, 0], sizes = [32, 1, 8, 128], strides = [1, 1, 1, 1]} : vector<32x13x8x128xf32> to vector<32x1x8x128xf32>
    %squeeze3A_33 = vector.shape_cast %slice3A_32 : vector<32x1x8x128xf32> to vector<32x8x128xf32>
    %reshape3A_34 = vector.shape_cast %squeeze3A_33 : vector<32x8x128xf32> to vector<256x128xf32>
    %transpose3A_35 = tpu.transpose %reshape3A_34, [1, 0] : vector<256x128xf32> -> vector<128x256xf32>
    %slice3A_36 = vector.extract_strided_slice %get3A_3 {offsets = [0, 9, 0, 0], sizes = [32, 1, 8, 128], strides = [1, 1, 1, 1]} : vector<32x13x8x128xf32> to vector<32x1x8x128xf32>
    %squeeze3A_37 = vector.shape_cast %slice3A_36 : vector<32x1x8x128xf32> to vector<32x8x128xf32>
    %reshape3A_38 = vector.shape_cast %squeeze3A_37 : vector<32x8x128xf32> to vector<256x128xf32>
    %transpose3A_39 = tpu.transpose %reshape3A_38, [1, 0] : vector<256x128xf32> -> vector<128x256xf32>
    %slice3A_40 = vector.extract_strided_slice %get3A_3 {offsets = [0, 10, 0, 0], sizes = [32, 1, 8, 128], strides = [1, 1, 1, 1]} : vector<32x13x8x128xf32> to vector<32x1x8x128xf32>
    %squeeze3A_41 = vector.shape_cast %slice3A_40 : vector<32x1x8x128xf32> to vector<32x8x128xf32>
    %reshape3A_42 = vector.shape_cast %squeeze3A_41 : vector<32x8x128xf32> to vector<256x128xf32>
    %transpose3A_43 = tpu.transpose %reshape3A_42, [1, 0] : vector<256x128xf32> -> vector<128x256xf32>
    %slice3A_44 = vector.extract_strided_slice %get3A_3 {offsets = [0, 11, 0, 0], sizes = [32, 1, 8, 128], strides = [1, 1, 1, 1]} : vector<32x13x8x128xf32> to vector<32x1x8x128xf32>
    %squeeze3A_45 = vector.shape_cast %slice3A_44 : vector<32x1x8x128xf32> to vector<32x8x128xf32>
    %reshape3A_46 = vector.shape_cast %squeeze3A_45 : vector<32x8x128xf32> to vector<256x128xf32>
    %transpose3A_47 = tpu.transpose %reshape3A_46, [1, 0] : vector<256x128xf32> -> vector<128x256xf32>
    %slice3A_48 = vector.extract_strided_slice %get3A_3 {offsets = [0, 12, 0, 0], sizes = [32, 1, 8, 128], strides = [1, 1, 1, 1]} : vector<32x13x8x128xf32> to vector<32x1x8x128xf32>
    %squeeze3A_49 = vector.shape_cast %slice3A_48 : vector<32x1x8x128xf32> to vector<32x8x128xf32>
    %reshape3A_50 = vector.shape_cast %squeeze3A_49 : vector<32x8x128xf32> to vector<256x128xf32>
    %transpose3A_51 = tpu.transpose %reshape3A_50, [1, 0] : vector<256x128xf32> -> vector<128x256xf32>
    %slice3A_52 = vector.extract_strided_slice %transpose3A {offsets = [0, 0], sizes = [64, 256], strides = [1, 1]} : vector<128x256xf32> to vector<64x256xf32>
    %slice3A_53 = vector.extract_strided_slice %transpose3A {offsets = [64, 0], sizes = [64, 256], strides = [1, 1]} : vector<128x256xf32> to vector<64x256xf32>
    %mul3A = arith.mulf %slice3A_52, %slice3A_53 : vector<64x256xf32>
    %reduce_sum3A = arith.constant dense<0.000000e+00> : vector<256xf32>
    %reduce_sum3A_54 = vector.multi_reduction <add>, %mul3A, %reduce_sum3A [0] : vector<64x256xf32> to vector<256xf32>
    %swap3A = arith.constant 0 : index
    %swap3A_55 = arith.constant 0 : index
    %swap3A_56 = vector.load %arg3[%swap3A, %swap3A_55] : memref<351x256xf32, #tpu.memory_space<vmem>>, vector<1x256xf32>
    %swap3A_57 = vector.shape_cast %swap3A_56 : vector<1x256xf32> to vector<256xf32>
    %swap3A_58 = vector.shape_cast %reduce_sum3A_54 : vector<256xf32> to vector<1x256xf32>
    tpu.vector_store %arg3[%swap3A, %swap3A_55], %swap3A_58 {strides = array<i32>} : memref<351x256xf32, #tpu.memory_space<vmem>>, vector<1x256xf32>,
    %slice3A_59 = vector.extract_strided_slice %transpose3A {offsets = [0, 0], sizes = [64, 256], strides = [1, 1]} : vector<128x256xf32> to vector<64x256xf32>
    %slice3A_60 = vector.extract_strided_slice %transpose3A_7 {offsets = [0, 0], sizes = [64, 256], strides = [1, 1]} : vector<128x256xf32> to vector<64x256xf32>
    %mul3A_61 = arith.mulf %slice3A_59, %slice3A_60 : vector<64x256xf32>
    %reduce_sum3A_62 = arith.constant dense<0.000000e+00> : vector<256xf32>
    %reduce_sum3A_63 = vector.multi_reduction <add>, %mul3A_61, %reduce_sum3A_62 [0] : vector<64x256xf32> to vector<256xf32>
    %swap3A_64 = arith.constant 1 : index
    %swap3A_65 = arith.constant 0 : index
    %swap3A_66 = vector.load %arg3[%swap3A_64, %swap3A_65] : memref<351x256xf32, #tpu.memory_space<vmem>>, vector<1x256xf32>
    %swap3A_67 = vector.shape_cast %swap3A_66 : vector<1x256xf32> to vector<256xf32>
    %swap3A_68 = vector.shape_cast %reduce_sum3A_63 : vector<256xf32> to vector<1x256xf32>
    tpu.vector_store %arg3[%swap3A_64, %swap3A_65], %swap3A_68 {strides = array<i32>} : memref<351x256xf32, #tpu.memory_space<vmem>>, vector<1x256xf32>,
    %slice3A_69 = vector.extract_strided_slice %transpose3A {offsets = [0, 0], sizes = [64, 256], strides = [1, 1]} : vector<128x256xf32> to vector<64x256xf32>
    %slice3A_70 = vector.extract_strided_slice %transpose3A_7 {offsets = [64, 0], sizes = [64, 256], strides = [1, 1]} : vector<128x256xf32> to vector<64x256xf32>
    %mul3A_71 = arith.mulf %slice3A_69, %slice3A_70 : vector<64x256xf32>
    %reduce_sum3A_72 = arith.constant dense<0.000000e+00> : vector<256xf32>
    %reduce_sum3A_73 = vector.multi_reduction <add>, %mul3A_71, %reduce_sum3A_72 [0] : vector<64x256xf32> to vector<256xf32>
    %swap3A_74 = arith.constant 2 : index
    %swap3A_75 = arith.constant 0 : index
    %swap3A_76 = vector.load %arg3[%swap3A_74, %swap3A_75] : memref<351x256xf32, #tpu.memory_space<vmem>>, vector<1x256xf32>
    %swap3A_77 = vector.shape_cast %swap3A_76 : vector<1x256xf32> to vector<256xf32>
    %swap3A_78 = vector.shape_cast %reduce_sum3A_73 : vector<256xf32> to vector<1x256xf32>
    tpu.vector_store %arg3[%swap3A_74, %swap3A_75], %swap3A_78 {strides = array<i32>} : memref<351x256xf32, #tpu.memory_space<vmem>>, vector<1x256xf32>,
    %slice3A_79 = vector.extract_strided_slice %transpose3A {offsets = [0, 0], sizes = [64, 256], strides = [1, 1]} : vector<128x256xf32> to vector<64x256xf32>
    %slice3A_80 = vector.extract_strided_slice %transpose3A_11 {offsets = [0, 0], sizes = [64, 256], strides = [1, 1]} : vector<128x256xf32> to vector<64x256xf32>
    %mul3A_81 = arith.mulf %slice3A_79, %slice3A_80 : vector<64x256xf32>
    %reduce_sum3A_82 = arith.constant dense<0.000000e+00> : vector<256xf32>
    %reduce_sum3A_83 = vector.multi_reduction <add>, %mul3A_81, %reduce_sum3A_82 [0] : vector<64x256xf32> to vector<256xf32>
    %swap3A_84 = arith.constant 3 : index
    %swap3A_85 = arith.constant 0 : index
    %swap3A_86 = vector.load %arg3[%swap3A_84, %swap3A_85] : memref<351x256xf32, #tpu.memory_space<vmem>>, vector<1x256xf32>
    %swap3A_87 = vector.shape_cast %swap3A_86 : vector<1x256xf32> to vector<256xf32>
    %swap3A_88 = vector.shape_cast %reduce_sum3A_83 : vector<256xf32> to vector<1x256xf32>
    tpu.vector_store %arg3[%swap3A_84, %swap3A_85], %swap3A_88 {strides = array<i32>} : memref<351x256xf32, #tpu.memory_space<vmem>>, vector<1x256xf32>,
    %slice3A_89 = vector.extract_strided_slice %transpose3A {offsets = [0, 0], sizes = [64, 256], strides = [1, 1]} : vector<128x256xf32> to vector<64x256xf32>
    %slice3A_90 = vector.extract_strided_slice %transpose3A_11 {offsets = [64, 0], sizes = [64, 256], strides = [1, 1]} : vector<128x256xf32> to vector<64x256xf32>
    %mul3A_91 = arith.mulf %slice3A_89, %slice3A_90 : vector<64x256xf32>
    %reduce_sum3A_92 = arith.constant dense<0.000000e+00> : vector<256xf32>
    %reduce_sum3A_93 = vector.multi_reduction <add>, %mul3A_91, %reduce_sum3A_92 [0] : vector<64x256xf32> to vector<256xf32>
    %swap3A_94 = arith.constant 4 : index
    %swap3A_95 = arith.constant 0 : index
    %swap3A_96 = vector.load %arg3[%swap3A_94, %swap3A_95] : memref<351x256xf32, #tpu.memory_space<vmem>>, vector<1x256xf32>
    %swap3A_97 = vector.shape_cast %swap3A_96 : vector<1x256xf32> to vector<256xf32>
    %swap3A_98 = vector.shape_cast %reduce_sum3A_93 : vector<256xf32> to vector<1x256xf32>
    tpu.vector_store %arg3[%swap3A_94, %swap3A_95], %swap3A_98 {strides = array<i32>} : memref<351x256xf32, #tpu.memory_space<vmem>>, vector<1x256xf32>,
    %slice3A_99 = vector.extract_strided_slice %transpose3A {offsets = [0, 0], sizes = [64, 256], strides = [1, 1]} : vector<128x256xf32> to vector<64x256xf32>
    %slice3A_100 = vector.extract_strided_slice %transpose3A_15 {offsets = [0, 0], sizes = [64, 256], strides = [1, 1]} : vector<128x256xf32> to vector<64x256xf32>
    %mul3A_101 = arith.mulf %slice3A_99, %slice3A_100 : vector<64x256xf32>
    %reduce_sum3A_102 = arith.constant dense<0.000000e+00> : vector<256xf32>
    %reduce_sum3A_103 = vector.multi_reduction <add>, %mul3A_101, %reduce_sum3A_102 [0] : vector<64x256xf32> to vector<256xf32>
    %swap3A_104 = arith.constant 5 : index
    %swap3A_105 = arith.constant 0 : index
    %swap3A_106 = vector.load %arg3[%swap3A_104, %swap3A_105] : memref<351x256xf32, #tpu.memory_space<vmem>>, vector<1x256xf32>
    %swap3A_107 = vector.shape_cast %swap3A_106 : vector<1x256xf32> to vector<256xf32>
    %swap3A_108 = vector.shape_cast %reduce_sum3A_103 : vector<256xf32> to vector<1x256xf32>
    tpu.vector_store %arg3[%swap3A_104, %swap3A_105], %swap3A_108 {strides = array<i32>} : memref<351x256xf32, #tpu.memory_space<vmem>>, vector<1x256xf32>,
    %slice3A_109 = vector.extract_strided_slice %transpose3A {offsets = [0, 0], sizes = [64, 256], strides = [1, 1]} : vector<128x256xf32> to vector<64x256xf32>
    %slice3A_110 = vector.extract_strided_slice %transpose3A_15 {offsets = [64, 0], sizes = [64, 256], strides = [1, 1]} : vector<128x256xf32> to vector<64x256xf32>
    %mul3A_111 = arith.mulf %slice3A_109, %slice3A_110 : vector<64x256xf32>
    %reduce_sum3A_112 = arith.constant dense<0.000000e+00> : vector<256xf32>
    %reduce_sum3A_113 = vector.multi_reduction <add>, %mul3A_111, %reduce_sum3A_112 [0] : vector<64x256xf32> to vector<256xf32>
    %swap3A_114 = arith.constant 6 : index
    %swap3A_115 = arith.constant 0 : index
    %swap3A_116 = vector.load %arg3[%swap3A_114, %swap3A_115] : memref<351x256xf32, #tpu.memory_space<vmem>>, vector<1x256xf32>
    %swap3A_117 = vector.shape_cast %swap3A_116 : vector<1x256xf32> to vector<256xf32>
    %swap3A_118 = vector.shape_cast %reduce_sum3A_113 : vector<256xf32> to vector<1x256xf32>
    tpu.vector_store %arg3[%swap3A_114, %swap3A_115], %swap3A_118 {strides = array<i32>} : memref<351x256xf32, #tpu.memory_space<vmem>>, vector<1x256xf32>,
    %slice3A_119 = vector.extract_strided_slice %transpose3A {offsets = [0, 0], sizes = [64, 256], strides = [1, 1]} : vector<128x256xf32> to vector<64x256xf32>
    %slice3A_120 = vector.extract_strided_slice %transpose3A_19 {offsets = [0, 0], sizes = [64, 256], strides = [1, 1]} : vector<128x256xf32> to vector<64x256xf32>
    %mul3A_121 = arith.mulf %slice3A_119, %slice3A_120 : vector<64x256xf32>
    %reduce_sum3A_122 = arith.constant dense<0.000000e+00> : vector<256xf32>
    %reduce_sum3A_123 = vector.multi_reduction <add>, %mul3A_121, %reduce_sum3A_122 [0] : vector<64x256xf32> to vector<256xf32>
    %swap3A_124 = arith.constant 7 : index
    %swap3A_125 = arith.constant 0 : index
    %swap3A_126 = vector.load %arg3[%swap3A_124, %swap3A_125] : memref<351x256xf32, #tpu.memory_space<vmem>>, vector<1x256xf32>
    %swap3A_127 = vector.shape_cast %swap3A_126 : vector<1x256xf32> to vector<256xf32>
    %swap3A_128 = vector.shape_cast %reduce_sum3A_123 : vector<256xf32> to vector<1x256xf32>
    tpu.vector_store %arg3[%swap3A_124, %swap3A_125], %swap3A_128 {strides = array<i32>} : memref<351x256xf32, #tpu.memory_space<vmem>>, vector<1x256xf32>,
    %slice3A_129 = vector.extract_strided_slice %transpose3A {offsets = [0, 0], sizes = [64, 256], strides = [1, 1]} : vector<128x256xf32> to vector<64x256xf32>
    %slice3A_130 = vector.extract_strided_slice %transpose3A_19 {offsets = [64, 0], sizes = [64, 256], strides = [1, 1]} : vector<128x256xf32> to vector<64x256xf32>
    %mul3A_131 = arith.mulf %slice3A_129, %slice3A_130 : vector<64x256xf32>
    %reduce_sum3A_132 = arith.constant dense<0.000000e+00> : vector<256xf32>
    %reduce_sum3A_133 = vector.multi_reduction <add>, %mul3A_131, %reduce_sum3A_132 [0] : vector<64x256xf32> to vector<256xf32>
    %swap3A_134 = arith.constant 8 : index
    %swap3A_135 = arith.constant 0 : index
    %swap3A_136 = vector.load %arg3[%swap3A_134, %swap3A_135] : memref<351x256xf32, #tpu.memory_space<vmem>>, vector<1x256xf32>
    %swap3A_137 = vector.shape_cast %swap3A_136 : vector<1x256xf32> to vector<256xf32>
    %swap3A_138 = vector.shape_cast %reduce_sum3A_133 : vector<256xf32> to vector<1x256xf32>
    tpu.vector_store %arg3[%swap3A_134, %swap3A_135], %swap3A_138 {strides = array<i32>} : memref<351x256xf32, #tpu.memory_space<vmem>>, vector<1x256xf32>,
    %slice3A_139 = vector.extract_strided_slice %transpose3A {offsets = [0, 0], sizes = [64, 256], strides = [1, 1]} : vector<128x256xf32> to vector<64x256xf32>
    %slice3A_140 = vector.extract_strided_slice %transpose3A_23 {offsets = [0, 0], sizes = [64, 256], strides = [1, 1]} : vector<128x256xf32> to vector<64x256xf32>
    %mul3A_141 = arith.mulf %slice3A_139, %slice3A_140 : vector<64x256xf32>
    %reduce_sum3A_142 = arith.constant dense<0.000000e+00> : vector<256xf32>
    %reduce_sum3A_143 = vector.multi_reduction <add>, %mul3A_141, %reduce_sum3A_142 [0] : vector<64x256xf32> to vector<256xf32>
    %swap3A_144 = arith.constant 9 : index
    %swap3A_145 = arith.constant 0 : index
    %swap3A_146 = vector.load %arg3[%swap3A_144, %swap3A_145] : memref<351x256xf32, #tpu.memory_space<vmem>>, vector<1x256xf32>
    %swap3A_147 = vector.shape_cast %swap3A_146 : vector<1x256xf32> to vector<256xf32>
    %swap3A_148 = vector.shape_cast %reduce_sum3A_143 : vector<256xf32> to vector<1x256xf32>
    tpu.vector_store %arg3[%swap3A_144, %swap3A_145], %swap3A_148 {strides = array<i32>} : memref<351x256xf32, #tpu.memory_space<vmem>>, vector<1x256xf32>,
    %slice3A_149 = vector.extract_strided_slice %transpose3A {offsets = [0, 0], sizes = [64, 256], strides = [1, 1]} : vector<128x256xf32> to vector<64x256xf32>
    %slice3A_150 = vector.extract_strided_slice %transpose3A_23 {offsets = [64, 0], sizes = [64, 256], strides = [1, 1]} : vector<128x256xf32> to vector<64x256xf32>
    %mul3A_151 = arith.mulf %slice3A_149, %slice3A_150 : vector<64x256xf32>
    %reduce_sum3A_152 = arith.constant dense<0.000000e+00> : vector<256xf32>
    %reduce_sum3A_153 = vector.multi_reduction <add>, %mul3A_151, %reduce_sum3A_152 [0] : vector<64x256xf32> to vector<256xf32>
    %swap3A_154 = arith.constant 10 : index
    %swap3A_155 = arith.constant 0 : index
    %swap3A_156 = vector.load %arg3[%swap3A_154, %swap3A_155] : memref<351x256xf32, #tpu.memory_space<vmem>>, vector<1x256xf32>
    %swap3A_157 = vector.shape_cast %swap3A_156 : vector<1x256xf32> to vector<256xf32>
    %swap3A_158 = vector.shape_cast %reduce_sum3A_153 : vector<256xf32> to vector<1x256xf32>
    tpu.vector_store %arg3[%swap3A_154, %swap3A_155], %swap3A_158 {strides = array<i32>} : memref<351x256xf32, #tpu.memory_space<vmem>>, vector<1x256xf32>,
    %slice3A_159 = vector.extract_strided_slice %transpose3A {offsets = [0, 0], sizes = [64, 256], strides = [1, 1]} : vector<128x256xf32> to vector<64x256xf32>
    %slice3A_160 = vector.extract_strided_slice %transpose3A_27 {offsets = [0, 0], sizes = [64, 256], strides = [1, 1]} : vector<128x256xf32> to vector<64x256xf32>
    %mul3A_161 = arith.mulf %slice3A_159, %slice3A_160 : vector<64x256xf32>
    %reduce_sum3A_162 = arith.constant dense<0.000000e+00> : vector<256xf32>
    %reduce_sum3A_163 = vector.multi_reduction <add>, %mul3A_161, %reduce_sum3A_162 [0] : vector<64x256xf32> to vector<256xf32>
    %swap3A_164 = arith.constant 11 : index
    %swap3A_165 = arith.constant 0 : index
    %swap3A_166 = vector.load %arg3[%swap3A_164, %swap3A_165] : memref<351x256xf32, #tpu.memory_space<vmem>>, vector<1x256xf32>
    %swap3A_167 = vector.shape_cast %swap3A_166 : vector<1x256xf32> to vector<256xf32>
    %swap3A_168 = vector.shape_cast %reduce_sum3A_163 : vector<256xf32> to vector<1x256xf32>
    tpu.vector_store %arg3[%swap3A_164, %swap3A_165], %swap3A_168 {strides = array<i32>} : memref<351x256xf32, #tpu.memory_space<vmem>>, vector<1x256xf32>,
    %slice3A_169 = vector.extract_strided_slice %transpose3A {offsets = [0, 0], sizes = [64, 256], strides = [1, 1]} : vector<128x256xf32> to vector<64x256xf32>
    %slice3A_170 = vector.extract_strided_slice %transpose3A_27 {offsets = [64, 0], sizes = [64, 256], strides = [1, 1]} : vector<128x256xf32> to vector<64x256xf32>
    %mul3A_171 = arith.mulf %slice3A_169, %slice3A_170 : vector<64x256xf32>
    %reduce_sum3A_172 = arith.constant dense<0.000000e+00> : vector<256xf32>
    %reduce_sum3A_173 = vector.multi_reduction <add>, %mul3A_171, %reduce_sum3A_172 [0] : vector<64x256xf32> to vector<256xf32>
    %swap3A_174 = arith.constant 12 : index
    %swap3A_175 = arith.constant 0 : index
    %swap3A_176 = vector.load %arg3[%swap3A_174, %swap3A_175] : memref<351x256xf32, #tpu.memory_space<vmem>>, vector<1x256xf32>
    %swap3A_177 = vector.shape_cast %swap3A_176 : vector<1x256xf32> to vector<256xf32>
    %swap3A_178 = vector.shape_cast %reduce_sum3A_173 : vector<256xf32> to vector<1x256xf32>
    tpu.vector_store %arg3[%swap3A_174, %swap3A_175], %swap3A_178 {strides = array<i32>} : memref<351x256xf32, #tpu.memory_space<vmem>>, vector<1x256xf32>,
    %slice3A_179 = vector.extract_strided_slice %transpose3A {offsets = [0, 0], sizes = [64, 256], strides = [1, 1]} : vector<128x256xf32> to vector<64x256xf32>
    %slice3A_180 = vector.extract_strided_slice %transpose3A_31 {offsets = [0, 0], sizes = [64, 256], strides = [1, 1]} : vector<128x256xf32> to vector<64x256xf32>
    %mul3A_181 = arith.mulf %slice3A_179, %slice3A_180 : vector<64x256xf32>
    %reduce_sum3A_182 = arith.constant dense<0.000000e+00> : vector<256xf32>
    %reduce_sum3A_183 = vector.multi_reduction <add>, %mul3A_181, %reduce_sum3A_182 [0] : vector<64x256xf32> to vector<256xf32>
    %swap3A_184 = arith.constant 13 : index
    %swap3A_185 = arith.constant 0 : index
    %swap3A_186 = vector.load %arg3[%swap3A_184, %swap3A_185] : memref<351x256xf32, #tpu.memory_space<vmem>>, vector<1x256xf32>
    %swap3A_187 = vector.shape_cast %swap3A_186 : vector<1x256xf32> to vector<256xf32>
    %swap3A_188 = vector.shape_cast %reduce_sum3A_183 : vector<256xf32> to vector<1x256xf32>
    tpu.vector_store %arg3[%swap3A_184, %swap3A_185], %swap3A_188 {strides = array<i32>} : memref<351x256xf32, #tpu.memory_space<vmem>>, vector<1x256xf32>,
    %slice3A_189 = vector.extract_strided_slice %transpose3A {offsets = [0, 0], sizes = [64, 256], strides = [1, 1]} : vector<128x256xf32> to vector<64x256xf32>
    %slice3A_190 = vector.extract_strided_slice %transpose3A_31 {offsets = [64, 0], sizes = [64, 256], strides = [1, 1]} : vector<128x256xf32> to vector<64x256xf32>
    %mul3A_191 = arith.mulf %slice3A_189, %slice3A_190 : vector<64x256xf32>
    %reduce_sum3A_192 = arith.constant dense<0.000000e+00> : vector<256xf32>
    %reduce_sum3A_193 = vector.multi_reduction <add>, %mul3A_191, %reduce_sum3A_192 [0] : vector<64x256xf32> to vector<256xf32>
    %swap3A_194 = arith.constant 14 : index
    %swap3A_195 = arith.constant 0 : index
    %swap3A_196 = vector.load %arg3[%swap3A_194, %swap3A_195] : memref<351x256xf32, #tpu.memory_space<vmem>>, vector<1x256xf32>
    %swap3A_197 = vector.shape_cast %swap3A_196 : vector<1x256xf32> to vector<256xf32>
    %swap3A_198 = vector.shape_cast %reduce_sum3A_193 : vector<256xf32> to vector<1x256xf32>
    tpu.vector_store %arg3[%swap3A_194, %swap3A_195], %swap3A_198 {strides = array<i32>} : memref<351x256xf32, #tpu.memory_space<vmem>>, vector<1x256xf32>,
    %slice3A_199 = vector.extract_strided_slice %transpose3A {offsets = [0, 0], sizes = [64, 256], strides = [1, 1]} : vector<128x256xf32> to vector<64x256xf32>
    %slice3A_200 = vector.extract_strided_slice %transpose3A_35 {offsets = [0, 0], sizes = [64, 256], strides = [1, 1]} : vector<128x256xf32> to vector<64x256xf32>
    %mul3A_201 = arith.mulf %slice3A_199, %slice3A_200 : vector<64x256xf32>
    %reduce_sum3A_202 = arith.constant dense<0.000000e+00> : vector<256xf32>
    %reduce_sum3A_203 = vector.multi_reduction <add>, %mul3A_201, %reduce_sum3A_202 [0] : vector<64x256xf32> to vector<256xf32>
    %swap3A_204 = arith.constant 15 : index
    %swap3A_205 = arith.constant 0 : index
    %swap3A_206 = vector.load %arg3[%swap3A_204, %swap3A_205] : memref<351x256xf32, #tpu.memory_space<vmem>>, vector<1x256xf32>
    %swap3A_207 = vector.shape_cast %swap3A_206 : vector<1x256xf32> to vector<256xf32>
    %swap3A_208 = vector.shape_cast %reduce_sum3A_203 : vector<256xf32> to vector<1x256xf32>
    tpu.vector_store %arg3[%swap3A_204, %swap3A_205], %swap3A_208 {strides = array<i32>} : memref<351x256xf32, #tpu.memory_space<vmem>>, vector<1x256xf32>,
    %slice3A_209 = vector.extract_strided_slice %transpose3A {offsets = [0, 0], sizes = [64, 256], strides = [1, 1]} : vector<128x256xf32> to vector<64x256xf32>
    %slice3A_210 = vector.extract_strided_slice %transpose3A_35 {offsets = [64, 0], sizes = [64, 256], strides = [1, 1]} : vector<128x256xf32> to vector<64x256xf32>
    %mul3A_211 = arith.mulf %slice3A_209, %slice3A_210 : vector<64x256xf32>
    %reduce_sum3A_212 = arith.constant dense<0.000000e+00> : vector<256xf32>
    %reduce_sum3A_213 = vector.multi_reduction <add>, %mul3A_211, %reduce_sum3A_212 [0] : vector<64x256xf32> to vector<256xf32>
    %swap3A_214 = arith.constant 16 : index
    %swap3A_215 = arith.constant 0 : index
    %swap3A_216 = vector.load %arg3[%swap3A_214, %swap3A_215] : memref<351x256xf32, #tpu.memory_space<vmem>>, vector<1x256xf32>
    %swap3A_217 = vector.shape_cast %swap3A_216 : vector<1x256xf32> to vector<256xf32>
    %swap3A_218 = vector.shape_cast %reduce_sum3A_213 : vector<256xf32> to vector<1x256xf32>
    tpu.vector_store %arg3[%swap3A_214, %swap3A_215], %swap3A_218 {strides = array<i32>} : memref<351x256xf32, #tpu.memory_space<vmem>>, vector<1x256xf32>,
    %slice3A_219 = vector.extract_strided_slice %transpose3A {offsets = [0, 0], sizes = [64, 256], strides = [1, 1]} : vector<128x256xf32> to vector<64x256xf32>
    %slice3A_220 = vector.extract_strided_slice %transpose3A_39 {offsets = [0, 0], sizes = [64, 256], strides = [1, 1]} : vector<128x256xf32> to vector<64x256xf32>
    %mul3A_221 = arith.mulf %slice3A_219, %slice3A_220 : vector<64x256xf32>
    %reduce_sum3A_222 = arith.constant dense<0.000000e+00> : vector<256xf32>
    %reduce_sum3A_223 = vector.multi_reduction <add>, %mul3A_221, %reduce_sum3A_222 [0] : vector<64x256xf32> to vector<256xf32>
    %swap3A_224 = arith.constant 17 : index
    %swap3A_225 = arith.constant 0 : index
    %swap3A_226 = vector.load %arg3[%swap3A_224, %swap3A_225] : memref<351x256xf32, #tpu.memory_space<vmem>>, vector<1x256xf32>
    %swap3A_227 = vector.shape_cast %swap3A_226 : vector<1x256xf32> to vector<256xf32>
    %swap3A_228 = vector.shape_cast %reduce_sum3A_223 : vector<256xf32> to vector<1x256xf32>
    tpu.vector_store %arg3[%swap3A_224, %swap3A_225], %swap3A_228 {strides = array<i32>} : memref<351x256xf32, #tpu.memory_space<vmem>>, vector<1x256xf32>,
    %slice3A_229 = vector.extract_strided_slice %transpose3A {offsets = [0, 0], sizes = [64, 256], strides = [1, 1]} : vector<128x256xf32> to vector<64x256xf32>
    %slice3A_230 = vector.extract_strided_slice %transpose3A_39 {offsets = [64, 0], sizes = [64, 256], strides = [1, 1]} : vector<128x256xf32> to vector<64x256xf32>
    %mul3A_231 = arith.mulf %slice3A_229, %slice3A_230 : vector<64x256xf32>
    %reduce_sum3A_232 = arith.constant dense<0.000000e+00> : vector<256xf32>
    %reduce_sum3A_233 = vector.multi_reduction <add>, %mul3A_231, %reduce_sum3A_232 [0] : vector<64x256xf32> to vector<256xf32>
    %swap3A_234 = arith.constant 18 : index
    %swap3A_235 = arith.constant 0 : index
    %swap3A_236 = vector.load %arg3[%swap3A_234, %swap3A_235] : memref<351x256xf32, #tpu.memory_space<vmem>>, vector<1x256xf32>
    %swap3A_237 = vector.shape_cast %swap3A_236 : vector<1x256xf32> to vector<256xf32>
    %swap3A_238 = vector.shape_cast %reduce_sum3A_233 : vector<256xf32> to vector<1x256xf32>
    tpu.vector_store %arg3[%swap3A_234, %swap3A_235], %swap3A_238 {strides = array<i32>} : memref<351x256xf32, #tpu.memory_space<vmem>>, vector<1x256xf32>,
    %slice3A_239 = vector.extract_strided_slice %transpose3A {offsets = [0, 0], sizes = [64, 256], strides = [1, 1]} : vector<128x256xf32> to vector<64x256xf32>
    %slice3A_240 = vector.extract_strided_slice %transpose3A_43 {offsets = [0, 0], sizes = [64, 256], strides = [1, 1]} : vector<128x256xf32> to vector<64x256xf32>
    %mul3A_241 = arith.mulf %slice3A_239, %slice3A_240 : vector<64x256xf32>
    %reduce_sum3A_242 = arith.constant dense<0.000000e+00> : vector<256xf32>
    %reduce_sum3A_243 = vector.multi_reduction <add>, %mul3A_241, %reduce_sum3A_242 [0] : vector<64x256xf32> to vector<256xf32>
    %swap3A_244 = arith.constant 19 : index
    %swap3A_245 = arith.constant 0 : index
    %swap3A_246 = vector.load %arg3[%swap3A_244, %swap3A_245] : memref<351x256xf32, #tpu.memory_space<vmem>>, vector<1x256xf32>
    %swap3A_247 = vector.shape_cast %swap3A_246 : vector<1x256xf32> to vector<256xf32>
    %swap3A_248 = vector.shape_cast %reduce_sum3A_243 : vector<256xf32> to vector<1x256xf32>
    tpu.vector_store %arg3[%swap3A_244, %swap3A_245], %swap3A_248 {strides = array<i32>} : memref<351x256xf32, #tpu.memory_space<vmem>>, vector<1x256xf32>,
    %slice3A_249 = vector.extract_strided_slice %transpose3A {offsets = [0, 0], sizes = [64, 256], strides = [1, 1]} : vector<128x256xf32> to vector<64x256xf32>
    %slice3A_250 = vector.extract_strided_slice %transpose3A_43 {offsets = [64, 0], sizes = [64, 256], strides = [1, 1]} : vector<128x256xf32> to vector<64x256xf32>
    %mul3A_251 = arith.mulf %slice3A_249, %slice3A_250 : vector<64x256xf32>
    %reduce_sum3A_252 = arith.constant dense<0.000000e+00> : vector<256xf32>
    %reduce_sum3A_253 = vector.multi_reduction <add>, %mul3A_251, %reduce_sum3A_252 [0] : vector<64x256xf32> to vector<256xf32>
    %swap3A_254 = arith.constant 20 : index
    %swap3A_255 = arith.constant 0 : index
    %swap3A_256 = vector.load %arg3[%swap3A_254, %swap3A_255] : memref<351x256xf32, #tpu.memory_space<vmem>>, vector<1x256xf32>
    %swap3A_257 = vector.shape_cast %swap3A_256 : vector<1x256xf32> to vector<256xf32>
    %swap3A_258 = vector.shape_cast %reduce_sum3A_253 : vector<256xf32> to vector<1x256xf32>
    tpu.vector_store %arg3[%swap3A_254, %swap3A_255], %swap3A_258 {strides = array<i32>} : memref<351x256xf32, #tpu.memory_space<vmem>>, vector<1x256xf32>,
    %slice3A_259 = vector.extract_strided_slice %transpose3A {offsets = [0, 0], sizes = [64, 256], strides = [1, 1]} : vector<128x256xf32> to vector<64x256xf32>
    %slice3A_260 = vector.extract_strided_slice %transpose3A_47 {offsets = [0, 0], sizes = [64, 256], strides = [1, 1]} : vector<128x256xf32> to vector<64x256xf32>
    %mul3A_261 = arith.mulf %slice3A_259, %slice3A_260 : vector<64x256xf32>
    %reduce_sum3A_262 = arith.constant dense<0.000000e+00> : vector<256xf32>
    %reduce_sum3A_263 = vector.multi_reduction <add>, %mul3A_261, %reduce_sum3A_262 [0] : vector<64x256xf32> to vector<256xf32>
    %swap3A_264 = arith.constant 21 : index
    %swap3A_265 = arith.constant 0 : index
    %swap3A_266 = vector.load %arg3[%swap3A_264, %swap3A_265] : memref<351x256xf32, #tpu.memory_space<vmem>>, vector<1x256xf32>
    %swap3A_267 = vector.shape_cast %swap3A_266 : vector<1x256xf32> to vector<256xf32>
    %swap3A_268 = vector.shape_cast %reduce_sum3A_263 : vector<256xf32> to vector<1x256xf32>
    tpu.vector_store %arg3[%swap3A_264, %swap3A_265], %swap3A_268 {strides = array<i32>} : memref<351x256xf32, #tpu.memory_space<vmem>>, vector<1x256xf32>,
    %slice3A_269 = vector.extract_strided_slice %transpose3A {offsets = [0, 0], sizes = [64, 256], strides = [1, 1]} : vector<128x256xf32> to vector<64x256xf32>
    %slice3A_270 = vector.extract_strided_slice %transpose3A_47 {offsets = [64, 0], sizes = [64, 256], strides = [1, 1]} : vector<128x256xf32> to vector<64x256xf32>
    %mul3A_271 = arith.mulf %slice3A_269, %slice3A_270 : vector<64x256xf32>
    %reduce_sum3A_272 = arith.constant dense<0.000000e+00> : vector<256xf32>
    %reduce_sum3A_273 = vector.multi_reduction <add>, %mul3A_271, %reduce_sum3A_272 [0] : vector<64x256xf32> to vector<256xf32>
    %swap3A_274 = arith.constant 22 : index
    %swap3A_275 = arith.constant 0 : index
    %swap3A_276 = vector.load %arg3[%swap3A_274, %swap3A_275] : memref<351x256xf32, #tpu.memory_space<vmem>>, vector<1x256xf32>
    %swap3A_277 = vector.shape_cast %swap3A_276 : vector<1x256xf32> to vector<256xf32>
    %swap3A_278 = vector.shape_cast %reduce_sum3A_273 : vector<256xf32> to vector<1x256xf32>
    tpu.vector_store %arg3[%swap3A_274, %swap3A_275], %swap3A_278 {strides = array<i32>} : memref<351x256xf32, #tpu.memory_space<vmem>>, vector<1x256xf32>,
    %slice3A_279 = vector.extract_strided_slice %transpose3A {offsets = [0, 0], sizes = [64, 256], strides = [1, 1]} : vector<128x256xf32> to vector<64x256xf32>
    %slice3A_280 = vector.extract_strided_slice %transpose3A_51 {offsets = [0, 0], sizes = [64, 256], strides = [1, 1]} : vector<128x256xf32> to vector<64x256xf32>
    %mul3A_281 = arith.mulf %slice3A_279, %slice3A_280 : vector<64x256xf32>
    %reduce_sum3A_282 = arith.constant dense<0.000000e+00> : vector<256xf32>
    %reduce_sum3A_283 = vector.multi_reduction <add>, %mul3A_281, %reduce_sum3A_282 [0] : vector<64x256xf32> to vector<256xf32>
    %swap3A_284 = arith.constant 23 : index
    %swap3A_285 = arith.constant 0 : index
    %swap3A_286 = vector.load %arg3[%swap3A_284, %swap3A_285] : memref<351x256xf32, #tpu.memory_space<vmem>>, vector<1x256xf32>
    %swap3A_287 = vector.shape_cast %swap3A_286 : vector<1x256xf32> to vector<256xf32>
    %swap3A_288 = vector.shape_cast %reduce_sum3A_283 : vector<256xf32> to vector<1x256xf32>
    tpu.vector_store %arg3[%swap3A_284, %swap3A_285], %swap3A_288 {strides = array<i32>} : memref<351x256xf32, #tpu.memory_space<vmem>>, vector<1x256xf32>,
    %slice3A_289 = vector.extract_strided_slice %transpose3A {offsets = [0, 0], sizes = [64, 256], strides = [1, 1]} : vector<128x256xf32> to vector<64x256xf32>
    %slice3A_290 = vector.extract_strided_slice %transpose3A_51 {offsets = [64, 0], sizes = [64, 256], strides = [1, 1]} : vector<128x256xf32> to vector<64x256xf32>
    %mul3A_291 = arith.mulf %slice3A_289, %slice3A_290 : vector<64x256xf32>
    %reduce_sum3A_292 = arith.constant dense<0.000000e+00> : vector<256xf32>
    %reduce_sum3A_293 = vector.multi_reduction <add>, %mul3A_291, %reduce_sum3A_292 [0] : vector<64x256xf32> to vector<256xf32>
    %swap3A_294 = arith.constant 24 : index
    %swap3A_295 = arith.constant 0 : index
    %swap3A_296 = vector.load %arg3[%swap3A_294, %swap3A_295] : memref<351x256xf32, #tpu.memory_space<vmem>>, vector<1x256xf32>
    %swap3A_297 = vector.shape_cast %swap3A_296 : vector<1x256xf32> to vector<256xf32>
    %swap3A_298 = vector.shape_cast %reduce_sum3A_293 : vector<256xf32> to vector<1x256xf32>
    tpu.vector_store %arg3[%swap3A_294, %swap3A_295], %swap3A_298 {strides = array<i32>} : memref<351x256xf32, #tpu.memory_space<vmem>>, vector<1x256xf32>,
    %slice3A_299 = vector.extract_strided_slice %transpose3A {offsets = [64, 0], sizes = [64, 256], strides = [1, 1]} : vector<128x256xf32> to vector<64x256xf32>
    %slice3A_300 = vector.extract_strided_slice %transpose3A_7 {offsets = [0, 0], sizes = [64, 256], strides = [1, 1]} : vector<128x256xf32> to vector<64x256xf32>
    %mul3A_301 = arith.mulf %slice3A_299, %slice3A_300 : vector<64x256xf32>
    %reduce_sum3A_302 = arith.constant dense<0.000000e+00> : vector<256xf32>
    %reduce_sum3A_303 = vector.multi_reduction <add>, %mul3A_301, %reduce_sum3A_302 [0] : vector<64x256xf32> to vector<256xf32>
    %swap3A_304 = arith.constant 25 : index
    %swap3A_305 = arith.constant 0 : index
    %swap3A_306 = vector.load %arg3[%swap3A_304, %swap3A_305] : memref<351x256xf32, #tpu.memory_space<vmem>>, vector<1x256xf32>
    %swap3A_307 = vector.shape_cast %swap3A_306 : vector<1x256xf32> to vector<256xf32>
    %swap3A_308 = vector.shape_cast %reduce_sum3A_303 : vector<256xf32> to vector<1x256xf32>
    tpu.vector_store %arg3[%swap3A_304, %swap3A_305], %swap3A_308 {strides = array<i32>} : memref<351x256xf32, #tpu.memory_space<vmem>>, vector<1x256xf32>,
    %slice3A_309 = vector.extract_strided_slice %transpose3A {offsets = [64, 0], sizes = [64, 256], strides = [1, 1]} : vector<128x256xf32> to vector<64x256xf32>
    %slice3A_310 = vector.extract_strided_slice %transpose3A_7 {offsets = [64, 0], sizes = [64, 256], strides = [1, 1]} : vector<128x256xf32> to vector<64x256xf32>
    %mul3A_311 = arith.mulf %slice3A_309, %slice3A_310 : vector<64x256xf32>
    %reduce_sum3A_312 = arith.constant dense<0.000000e+00> : vector<256xf32>
    %reduce_sum3A_313 = vector.multi_reduction <add>, %mul3A_311, %reduce_sum3A_312 [0] : vector<64x256xf32> to vector<256xf32>
    %swap3A_314 = arith.constant 26 : index
    %swap3A_315 = arith.constant 0 : index
    %swap3A_316 = vector.load %arg3[%swap3A_314, %swap3A_315] : memref<351x256xf32, #tpu.memory_space<vmem>>, vector<1x256xf32>
    %swap3A_317 = vector.shape_cast %swap3A_316 : vector<1x256xf32> to vector<256xf32>
    %swap3A_318 = vector.shape_cast %reduce_sum3A_313 : vector<256xf32> to vector<1x256xf32>
    tpu.vector_store %arg3[%swap3A_314, %swap3A_315], %swap3A_318 {strides = array<i32>} : memref<351x256xf32, #tpu.memory_space<vmem>>, vector<1x256xf32>,
    %slice3A_319 = vector.extract_strided_slice %transpose3A {offsets = [64, 0], sizes = [64, 256], strides = [1, 1]} : vector<128x256xf32> to vector<64x256xf32>
    %slice3A_320 = vector.extract_strided_slice %transpose3A_11 {offsets = [0, 0], sizes = [64, 256], strides = [1, 1]} : vector<128x256xf32> to vector<64x256xf32>
    %mul3A_321 = arith.mulf %slice3A_319, %slice3A_320 : vector<64x256xf32>
    %reduce_sum3A_322 = arith.constant dense<0.000000e+00> : vector<256xf32>
    %reduce_sum3A_323 = vector.multi_reduction <add>, %mul3A_321, %reduce_sum3A_322 [0] : vector<64x256xf32> to vector<256xf32>
    %swap3A_324 = arith.constant 27 : index
    %swap3A_325 = arith.constant 0 : index
    %swap3A_326 = vector.load %arg3[%swap3A_324, %swap3A_325] : memref<351x256xf32, #tpu.memory_space<vmem>>, vector<1x256xf32>
    %swap3A_327 = vector.shape_cast %swap3A_326 : vector<1x256xf32> to vector<256xf32>
    %swap3A_328 = vector.shape_cast %reduce_sum3A_323 : vector<256xf32> to vector<1x256xf32>
    tpu.vector_store %arg3[%swap3A_324, %swap3A_325], %swap3A_328 {strides = array<i32>} : memref<351x256xf32, #tpu.memory_space<vmem>>, vector<1x256xf32>,
    %slice3A_329 = vector.extract_strided_slice %transpose3A {offsets = [64, 0], sizes = [64, 256], strides = [1, 1]} : vector<128x256xf32> to vector<64x256xf32>
    %slice3A_330 = vector.extract_strided_slice %transpose3A_11 {offsets = [64, 0], sizes = [64, 256], strides = [1, 1]} : vector<128x256xf32> to vector<64x256xf32>
    %mul3A_331 = arith.mulf %slice3A_329, %slice3A_330 : vector<64x256xf32>
    %reduce_sum3A_332 = arith.constant dense<0.000000e+00> : vector<256xf32>
    %reduce_sum3A_333 = vector.multi_reduction <add>, %mul3A_331, %reduce_sum3A_332 [0] : vector<64x256xf32> to vector<256xf32>
    %swap3A_334 = arith.constant 28 : index
    %swap3A_335 = arith.constant 0 : index
    %swap3A_336 = vector.load %arg3[%swap3A_334, %swap3A_335] : memref<351x256xf32, #tpu.memory_space<vmem>>, vector<1x256xf32>
    %swap3A_337 = vector.shape_cast %swap3A_336 : vector<1x256xf32> to vector<256xf32>
    %swap3A_338 = vector.shape_cast %reduce_sum3A_333 : vector<256xf32> to vector<1x256xf32>
    tpu.vector_store %arg3[%swap3A_334, %swap3A_335], %swap3A_338 {strides = array<i32>} : memref<351x256xf32, #tpu.memory_space<vmem>>, vector<1x256xf32>,
    %slice3A_339 = vector.extract_strided_slice %transpose3A {offsets = [64, 0], sizes = [64, 256], strides = [1, 1]} : vector<128x256xf32> to vector<64x256xf32>
    %slice3A_340 = vector.extract_strided_slice %transpose3A_15 {offsets = [0, 0], sizes = [64, 256], strides = [1, 1]} : vector<128x256xf32> to vector<64x256xf32>
    %mul3A_341 = arith.mulf %slice3A_339, %slice3A_340 : vector<64x256xf32>
    %reduce_sum3A_342 = arith.constant dense<0.000000e+00> : vector<256xf32>
    %reduce_sum3A_343 = vector.multi_reduction <add>, %mul3A_341, %reduce_sum3A_342 [0] : vector<64x256xf32> to vector<256xf32>
    %swap3A_344 = arith.constant 29 : index
    %swap3A_345 = arith.constant 0 : index
    %swap3A_346 = vector.load %arg3[%swap3A_344, %swap3A_345] : memref<351x256xf32, #tpu.memory_space<vmem>>, vector<1x256xf32>
    %swap3A_347 = vector.shape_cast %swap3A_346 : vector<1x256xf32> to vector<256xf32>
    %swap3A_348 = vector.shape_cast %reduce_sum3A_343 : vector<256xf32> to vector<1x256xf32>
    tpu.vector_store %arg3[%swap3A_344, %swap3A_345], %swap3A_348 {strides = array<i32>} : memref<351x256xf32, #tpu.memory_space<vmem>>, vector<1x256xf32>,
    %slice3A_349 = vector.extract_strided_slice %transpose3A {offsets = [64, 0], sizes = [64, 256], strides = [1, 1]} : vector<128x256xf32> to vector<64x256xf32>
    %slice3A_350 = vector.extract_strided_slice %transpose3A_15 {offsets = [64, 0], sizes = [64, 256], strides = [1, 1]} : vector<128x256xf32> to vector<64x256xf32>
    %mul3A_351 = arith.mulf %slice3A_349, %slice3A_350 : vector<64x256xf32>
    %reduce_sum3A_352 = arith.constant dense<0.000000e+00> : vector<256xf32>
    %reduce_sum3A_353 = vector.multi_reduction <add>, %mul3A_351, %reduce_sum3A_352 [0] : vector<64x256xf32> to vector<256xf32>
    %swap3A_354 = arith.constant 30 : index
    %swap3A_355 = arith.constant 0 : index
    %swap3A_356 = vector.load %arg3[%swap3A_354, %swap3A_355] : memref<351x256xf32, #tpu.memory_space<vmem>>, vector<1x256xf32>
    %swap3A_357 = vector.shape_cast %swap3A_356 : vector<1x256xf32> to vector<256xf32>
    %swap3A_358 = vector.shape_cast %reduce_sum3A_353 : vector<256xf32> to vector<1x256xf32>
    tpu.vector_store %arg3[%swap3A_354, %swap3A_355], %swap3A_358 {strides = array<i32>} : memref<351x256xf32, #tpu.memory_space<vmem>>, vector<1x256xf32>,
    %slice3A_359 = vector.extract_strided_slice %transpose3A {offsets = [64, 0], sizes = [64, 256], strides = [1, 1]} : vector<128x256xf32> to vector<64x256xf32>
    %slice3A_360 = vector.extract_strided_slice %transpose3A_19 {offsets = [0, 0], sizes = [64, 256], strides = [1, 1]} : vector<128x256xf32> to vector<64x256xf32>
    %mul3A_361 = arith.mulf %slice3A_359, %slice3A_360 : vector<64x256xf32>
    %reduce_sum3A_362 = arith.constant dense<0.000000e+00> : vector<256xf32>
    %reduce_sum3A_363 = vector.multi_reduction <add>, %mul3A_361, %reduce_sum3A_362 [0] : vector<64x256xf32> to vector<256xf32>
    %swap3A_364 = arith.constant 31 : index
    %swap3A_365 = arith.constant 0 : index
    %swap3A_366 = vector.load %arg3[%swap3A_364, %swap3A_365] : memref<351x256xf32, #tpu.memory_space<vmem>>, vector<1x256xf32>
    %swap3A_367 = vector.shape_cast %swap3A_366 : vector<1x256xf32> to vector<256xf32>
    %swap3A_368 = vector.shape_cast %reduce_sum3A_363 : vector<256xf32> to vector<1x256xf32>
    tpu.vector_store %arg3[%swap3A_364, %swap3A_365], %swap3A_368 {strides = array<i32>} : memref<351x256xf32, #tpu.memory_space<vmem>>, vector<1x256xf32>,
    %slice3A_369 = vector.extract_strided_slice %transpose3A {offsets = [64, 0], sizes = [64, 256], strides = [1, 1]} : vector<128x256xf32> to vector<64x256xf32>
    %slice3A_370 = vector.extract_strided_slice %transpose3A_19 {offsets = [64, 0], sizes = [64, 256], strides = [1, 1]} : vector<128x256xf32> to vector<64x256xf32>
    %mul3A_371 = arith.mulf %slice3A_369, %slice3A_370 : vector<64x256xf32>
    %reduce_sum3A_372 = arith.constant dense<0.000000e+00> : vector<256xf32>
    %reduce_sum3A_373 = vector.multi_reduction <add>, %mul3A_371, %reduce_sum3A_372 [0] : vector<64x256xf32> to vector<256xf32>
    %swap3A_374 = arith.constant 32 : index
    %swap3A_375 = arith.constant 0 : index
    %swap3A_376 = vector.load %arg3[%swap3A_374, %swap3A_375] : memref<351x256xf32, #tpu.memory_space<vmem>>, vector<1x256xf32>
    %swap3A_377 = vector.shape_cast %swap3A_376 : vector<1x256xf32> to vector<256xf32>
    %swap3A_378 = vector.shape_cast %reduce_sum3A_373 : vector<256xf32> to vector<1x256xf32>
    tpu.vector_store %arg3[%swap3A_374, %swap3A_375], %swap3A_378 {strides = array<i32>} : memref<351x256xf32, #tpu.memory_space<vmem>>, vector<1x256xf32>,
    %slice3A_379 = vector.extract_strided_slice %transpose3A {offsets = [64, 0], sizes = [64, 256], strides = [1, 1]} : vector<128x256xf32> to vector<64x256xf32>
    %slice3A_380 = vector.extract_strided_slice %transpose3A_23 {offsets = [0, 0], sizes = [64, 256], strides = [1, 1]} : vector<128x256xf32> to vector<64x256xf32>
    %mul3A_381 = arith.mulf %slice3A_379, %slice3A_380 : vector<64x256xf32>
    %reduce_sum3A_382 = arith.constant dense<0.000000e+00> : vector<256xf32>
    %reduce_sum3A_383 = vector.multi_reduction <add>, %mul3A_381, %reduce_sum3A_382 [0] : vector<64x256xf32> to vector<256xf32>
    %swap3A_384 = arith.constant 33 : index
    %swap3A_385 = arith.constant 0 : index
    %swap3A_386 = vector.load %arg3[%swap3A_384, %swap3A_385] : memref<351x256xf32, #tpu.memory_space<vmem>>, vector<1x256xf32>
    %swap3A_387 = vector.shape_cast %swap3A_386 : vector<1x256xf32> to vector<256xf32>
    %swap3A_388 = vector.shape_cast %reduce_sum3A_383 : vector<256xf32> to vector<1x256xf32>
    tpu.vector_store %arg3[%swap3A_384, %swap3A_385], %swap3A_388 {strides = array<i32>} : memref<351x256xf32, #tpu.memory_space<vmem>>, vector<1x256xf32>,
    %slice3A_389 = vector.extract_strided_slice %transpose3A {offsets = [64, 0], sizes = [64, 256], strides = [1, 1]} : vector<128x256xf32> to vector<64x256xf32>
    %slice3A_390 = vector.extract_strided_slice %transpose3A_23 {offsets = [64, 0], sizes = [64, 256], strides = [1, 1]} : vector<128x256xf32> to vector<64x256xf32>
    %mul3A_391 = arith.mulf %slice3A_389, %slice3A_390 : vector<64x256xf32>
    %reduce_sum3A_392 = arith.constant dense<0.000000e+00> : vector<256xf32>
    %reduce_sum3A_393 = vector.multi_reduction <add>, %mul3A_391, %reduce_sum3A_392 [0] : vector<64x256xf32> to vector<256xf32>
    %swap3A_394 = arith.constant 34 : index
    %swap3A_395 = arith.constant 0 : index
    %swap3A_396 = vector.load %arg3[%swap3A_394, %swap3A_395] : memref<351x256xf32, #tpu.memory_space<vmem>>, vector<1x256xf32>
    %swap3A_397 = vector.shape_cast %swap3A_396 : vector<1x256xf32> to vector<256xf32>
    %swap3A_398 = vector.shape_cast %reduce_sum3A_393 : vector<256xf32> to vector<1x256xf32>
    tpu.vector_store %arg3[%swap3A_394, %swap3A_395], %swap3A_398 {strides = array<i32>} : memref<351x256xf32, #tpu.memory_space<vmem>>, vector<1x256xf32>,
    %slice3A_399 = vector.extract_strided_slice %transpose3A {offsets = [64, 0], sizes = [64, 256], strides = [1, 1]} : vector<128x256xf32> to vector<64x256xf32>
    %slice3A_400 = vector.extract_strided_slice %transpose3A_27 {offsets = [0, 0], sizes = [64, 256], strides = [1, 1]} : vector<128x256xf32> to vector<64x256xf32>
    %mul3A_401 = arith.mulf %slice3A_399, %slice3A_400 : vector<64x256xf32>
    %reduce_sum3A_402 = arith.constant dense<0.000000e+00> : vector<256xf32>
    %reduce_sum3A_403 = vector.multi_reduction <add>, %mul3A_401, %reduce_sum3A_402 [0] : vector<64x256xf32> to vector<256xf32>
    %swap3A_404 = arith.constant 35 : index
    %swap3A_405 = arith.constant 0 : index
    %swap3A_406 = vector.load %arg3[%swap3A_404, %swap3A_405] : memref<351x256xf32, #tpu.memory_space<vmem>>, vector<1x256xf32>
    %swap3A_407 = vector.shape_cast %swap3A_406 : vector<1x256xf32> to vector<256xf32>
    %swap3A_408 = vector.shape_cast %reduce_sum3A_403 : vector<256xf32> to vector<1x256xf32>
    tpu.vector_store %arg3[%swap3A_404, %swap3A_405], %swap3A_408 {strides = array<i32>} : memref<351x256xf32, #tpu.memory_space<vmem>>, vector<1x256xf32>,
    %slice3A_409 = vector.extract_strided_slice %transpose3A {offsets = [64, 0], sizes = [64, 256], strides = [1, 1]} : vector<128x256xf32> to vector<64x256xf32>
    %slice3A_410 = vector.extract_strided_slice %transpose3A_27 {offsets = [64, 0], sizes = [64, 256], strides = [1, 1]} : vector<128x256xf32> to vector<64x256xf32>
    %mul3A_411 = arith.mulf %slice3A_409, %slice3A_410 : vector<64x256xf32>
    %reduce_sum3A_412 = arith.constant dense<0.000000e+00> : vector<256xf32>
    %reduce_sum3A_413 = vector.multi_reduction <add>, %mul3A_411, %reduce_sum3A_412 [0] : vector<64x256xf32> to vector<256xf32>
    %swap3A_414 = arith.constant 36 : index
    %swap3A_415 = arith.constant 0 : index
    %swap3A_416 = vector.load %arg3[%swap3A_414, %swap3A_415] : memref<351x256xf32, #tpu.memory_space<vmem>>, vector<1x256xf32>
    %swap3A_417 = vector.shape_cast %swap3A_416 : vector<1x256xf32> to vector<256xf32>
    %swap3A_418 = vector.shape_cast %reduce_sum3A_413 : vector<256xf32> to vector<1x256xf32>
    tpu.vector_store %arg3[%swap3A_414, %swap3A_415], %swap3A_418 {strides = array<i32>} : memref<351x256xf32, #tpu.memory_space<vmem>>, vector<1x256xf32>,
    %slice3A_419 = vector.extract_strided_slice %transpose3A {offsets = [64, 0], sizes = [64, 256], strides = [1, 1]} : vector<128x256xf32> to vector<64x256xf32>
    %slice3A_420 = vector.extract_strided_slice %transpose3A_31 {offsets = [0, 0], sizes = [64, 256], strides = [1, 1]} : vector<128x256xf32> to vector<64x256xf32>
    %mul3A_421 = arith.mulf %slice3A_419, %slice3A_420 : vector<64x256xf32>
    %reduce_sum3A_422 = arith.constant dense<0.000000e+00> : vector<256xf32>
    %reduce_sum3A_423 = vector.multi_reduction <add>, %mul3A_421, %reduce_sum3A_422 [0] : vector<64x256xf32> to vector<256xf32>
    %swap3A_424 = arith.constant 37 : index
    %swap3A_425 = arith.constant 0 : index
    %swap3A_426 = vector.load %arg3[%swap3A_424, %swap3A_425] : memref<351x256xf32, #tpu.memory_space<vmem>>, vector<1x256xf32>
    %swap3A_427 = vector.shape_cast %swap3A_426 : vector<1x256xf32> to vector<256xf32>
    %swap3A_428 = vector.shape_cast %reduce_sum3A_423 : vector<256xf32> to vector<1x256xf32>
    tpu.vector_store %arg3[%swap3A_424, %swap3A_425], %swap3A_428 {strides = array<i32>} : memref<351x256xf32, #tpu.memory_space<vmem>>, vector<1x256xf32>,
    %slice3A_429 = vector.extract_strided_slice %transpose3A {offsets = [64, 0], sizes = [64, 256], strides = [1, 1]} : vector<128x256xf32> to vector<64x256xf32>
    %slice3A_430 = vector.extract_strided_slice %transpose3A_31 {offsets = [64, 0], sizes = [64, 256], strides = [1, 1]} : vector<128x256xf32> to vector<64x256xf32>
    %mul3A_431 = arith.mulf %slice3A_429, %slice3A_430 : vector<64x256xf32>
    %reduce_sum3A_432 = arith.constant dense<0.000000e+00> : vector<256xf32>
    %reduce_sum3A_433 = vector.multi_reduction <add>, %mul3A_431, %reduce_sum3A_432 [0] : vector<64x256xf32> to vector<256xf32>
    %swap3A_434 = arith.constant 38 : index
    %swap3A_435 = arith.constant 0 : index
    %swap3A_436 = vector.load %arg3[%swap3A_434, %swap3A_435] : memref<351x256xf32, #tpu.memory_space<vmem>>, vector<1x256xf32>
    %swap3A_437 = vector.shape_cast %swap3A_436 : vector<1x256xf32> to vector<256xf32>
    %swap3A_438 = vector.shape_cast %reduce_sum3A_433 : vector<256xf32> to vector<1x256xf32>
    tpu.vector_store %arg3[%swap3A_434, %swap3A_435], %swap3A_438 {strides = array<i32>} : memref<351x256xf32, #tpu.memory_space<vmem>>, vector<1x256xf32>,
    %slice3A_439 = vector.extract_strided_slice %transpose3A {offsets = [64, 0], sizes = [64, 256], strides = [1, 1]} : vector<128x256xf32> to vector<64x256xf32>
    %slice3A_440 = vector.extract_strided_slice %transpose3A_35 {offsets = [0, 0], sizes = [64, 256], strides = [1, 1]} : vector<128x256xf32> to vector<64x256xf32>
    %mul3A_441 = arith.mulf %slice3A_439, %slice3A_440 : vector<64x256xf32>
    %reduce_sum3A_442 = arith.constant dense<0.000000e+00> : vector<256xf32>
    %reduce_sum3A_443 = vector.multi_reduction <add>, %mul3A_441, %reduce_sum3A_442 [0] : vector<64x256xf32> to vector<256xf32>
    %swap3A_444 = arith.constant 39 : index
    %swap3A_445 = arith.constant 0 : index
    %swap3A_446 = vector.load %arg3[%swap3A_444, %swap3A_445] : memref<351x256xf32, #tpu.memory_space<vmem>>, vector<1x256xf32>
    %swap3A_447 = vector.shape_cast %swap3A_446 : vector<1x256xf32> to vector<256xf32>
    %swap3A_448 = vector.shape_cast %reduce_sum3A_443 : vector<256xf32> to vector<1x256xf32>
    tpu.vector_store %arg3[%swap3A_444, %swap3A_445], %swap3A_448 {strides = array<i32>} : memref<351x256xf32, #tpu.memory_space<vmem>>, vector<1x256xf32>,
    %slice3A_449 = vector.extract_strided_slice %transpose3A {offsets = [64, 0], sizes = [64, 256], strides = [1, 1]} : vector<128x256xf32> to vector<64x256xf32>
    %slice3A_450 = vector.extract_strided_slice %transpose3A_35 {offsets = [64, 0], sizes = [64, 256], strides = [1, 1]} : vector<128x256xf32> to vector<64x256xf32>
    %mul3A_451 = arith.mulf %slice3A_449, %slice3A_450 : vector<64x256xf32>
    %reduce_sum3A_452 = arith.constant dense<0.000000e+00> : vector<256xf32>
    %reduce_sum3A_453 = vector.multi_reduction <add>, %mul3A_451, %reduce_sum3A_452 [0] : vector<64x256xf32> to vector<256xf32>
    %swap3A_454 = arith.constant 40 : index
    %swap3A_455 = arith.constant 0 : index
    %swap3A_456 = vector.load %arg3[%swap3A_454, %swap3A_455] : memref<351x256xf32, #tpu.memory_space<vmem>>, vector<1x256xf32>
    %swap3A_457 = vector.shape_cast %swap3A_456 : vector<1x256xf32> to vector<256xf32>
    %swap3A_458 = vector.shape_cast %reduce_sum3A_453 : vector<256xf32> to vector<1x256xf32>
    tpu.vector_store %arg3[%swap3A_454, %swap3A_455], %swap3A_458 {strides = array<i32>} : memref<351x256xf32, #tpu.memory_space<vmem>>, vector<1x256xf32>,
    %slice3A_459 = vector.extract_strided_slice %transpose3A {offsets = [64, 0], sizes = [64, 256], strides = [1, 1]} : vector<128x256xf32> to vector<64x256xf32>
    %slice3A_460 = vector.extract_strided_slice %transpose3A_39 {offsets = [0, 0], sizes = [64, 256], strides = [1, 1]} : vector<128x256xf32> to vector<64x256xf32>
    %mul3A_461 = arith.mulf %slice3A_459, %slice3A_460 : vector<64x256xf32>
    %reduce_sum3A_462 = arith.constant dense<0.000000e+00> : vector<256xf32>
    %reduce_sum3A_463 = vector.multi_reduction <add>, %mul3A_461, %reduce_sum3A_462 [0] : vector<64x256xf32> to vector<256xf32>
    %swap3A_464 = arith.constant 41 : index
    %swap3A_465 = arith.constant 0 : index
    %swap3A_466 = vector.load %arg3[%swap3A_464, %swap3A_465] : memref<351x256xf32, #tpu.memory_space<vmem>>, vector<1x256xf32>
    %swap3A_467 = vector.shape_cast %swap3A_466 : vector<1x256xf32> to vector<256xf32>
    %swap3A_468 = vector.shape_cast %reduce_sum3A_463 : vector<256xf32> to vector<1x256xf32>
    tpu.vector_store %arg3[%swap3A_464, %swap3A_465], %swap3A_468 {strides = array<i32>} : memref<351x256xf32, #tpu.memory_space<vmem>>, vector<1x256xf32>,
    %slice3A_469 = vector.extract_strided_slice %transpose3A {offsets = [64, 0], sizes = [64, 256], strides = [1, 1]} : vector<128x256xf32> to vector<64x256xf32>
    %slice3A_470 = vector.extract_strided_slice %transpose3A_39 {offsets = [64, 0], sizes = [64, 256], strides = [1, 1]} : vector<128x256xf32> to vector<64x256xf32>
    %mul3A_471 = arith.mulf %slice3A_469, %slice3A_470 : vector<64x256xf32>
    %reduce_sum3A_472 = arith.constant dense<0.000000e+00> : vector<256xf32>
    %reduce_sum3A_473 = vector.multi_reduction <add>, %mul3A_471, %reduce_sum3A_472 [0] : vector<64x256xf32> to vector<256xf32>
    %swap3A_474 = arith.constant 42 : index
    %swap3A_475 = arith.constant 0 : index
    %swap3A_476 = vector.load %arg3[%swap3A_474, %swap3A_475] : memref<351x256xf32, #tpu.memory_space<vmem>>, vector<1x256xf32>
    %swap3A_477 = vector.shape_cast %swap3A_476 : vector<1x256xf32> to vector<256xf32>
    %swap3A_478 = vector.shape_cast %reduce_sum3A_473 : vector<256xf32> to vector<1x256xf32>
    tpu.vector_store %arg3[%swap3A_474, %swap3A_475], %swap3A_478 {strides = array<i32>} : memref<351x256xf32, #tpu.memory_space<vmem>>, vector<1x256xf32>,
    %slice3A_479 = vector.extract_strided_slice %transpose3A {offsets = [64, 0], sizes = [64, 256], strides = [1, 1]} : vector<128x256xf32> to vector<64x256xf32>
    %slice3A_480 = vector.extract_strided_slice %transpose3A_43 {offsets = [0, 0], sizes = [64, 256], strides = [1, 1]} : vector<128x256xf32> to vector<64x256xf32>
    %mul3A_481 = arith.mulf %slice3A_479, %slice3A_480 : vector<64x256xf32>
    %reduce_sum3A_482 = arith.constant dense<0.000000e+00> : vector<256xf32>
    %reduce_sum3A_483 = vector.multi_reduction <add>, %mul3A_481, %reduce_sum3A_482 [0] : vector<64x256xf32> to vector<256xf32>
    %swap3A_484 = arith.constant 43 : index
    %swap3A_485 = arith.constant 0 : index
    %swap3A_486 = vector.load %arg3[%swap3A_484, %swap3A_485] : memref<351x256xf32, #tpu.memory_space<vmem>>, vector<1x256xf32>
    %swap3A_487 = vector.shape_cast %swap3A_486 : vector<1x256xf32> to vector<256xf32>
    %swap3A_488 = vector.shape_cast %reduce_sum3A_483 : vector<256xf32> to vector<1x256xf32>
    tpu.vector_store %arg3[%swap3A_484, %swap3A_485], %swap3A_488 {strides = array<i32>} : memref<351x256xf32, #tpu.memory_space<vmem>>, vector<1x256xf32>,
    %slice3A_489 = vector.extract_strided_slice %transpose3A {offsets = [64, 0], sizes = [64, 256], strides = [1, 1]} : vector<128x256xf32> to vector<64x256xf32>
    %slice3A_490 = vector.extract_strided_slice %transpose3A_43 {offsets = [64, 0], sizes = [64, 256], strides = [1, 1]} : vector<128x256xf32> to vector<64x256xf32>
    %mul3A_491 = arith.mulf %slice3A_489, %slice3A_490 : vector<64x256xf32>
    %reduce_sum3A_492 = arith.constant dense<0.000000e+00> : vector<256xf32>
    %reduce_sum3A_493 = vector.multi_reduction <add>, %mul3A_491, %reduce_sum3A_492 [0] : vector<64x256xf32> to vector<256xf32>
    %swap3A_494 = arith.constant 44 : index
    %swap3A_495 = arith.constant 0 : index
    %swap3A_496 = vector.load %arg3[%swap3A_494, %swap3A_495] : memref<351x256xf32, #tpu.memory_space<vmem>>, vector<1x256xf32>
    %swap3A_497 = vector.shape_cast %swap3A_496 : vector<1x256xf32> to vector<256xf32>
    %swap3A_498 = vector.shape_cast %reduce_sum3A_493 : vector<256xf32> to vector<1x256xf32>
    tpu.vector_store %arg3[%swap3A_494, %swap3A_495], %swap3A_498 {strides = array<i32>} : memref<351x256xf32, #tpu.memory_space<vmem>>, vector<1x256xf32>,
    %slice3A_499 = vector.extract_strided_slice %transpose3A {offsets = [64, 0], sizes = [64, 256], strides = [1, 1]} : vector<128x256xf32> to vector<64x256xf32>
    %slice3A_500 = vector.extract_strided_slice %transpose3A_47 {offsets = [0, 0], sizes = [64, 256], strides = [1, 1]} : vector<128x256xf32> to vector<64x256xf32>
    %mul3A_501 = arith.mulf %slice3A_499, %slice3A_500 : vector<64x256xf32>
    %reduce_sum3A_502 = arith.constant dense<0.000000e+00> : vector<256xf32>
    %reduce_sum3A_503 = vector.multi_reduction <add>, %mul3A_501, %reduce_sum3A_502 [0] : vector<64x256xf32> to vector<256xf32>
    %swap3A_504 = arith.constant 45 : index
    %swap3A_505 = arith.constant 0 : index
    %swap3A_506 = vector.load %arg3[%swap3A_504, %swap3A_505] : memref<351x256xf32, #tpu.memory_space<vmem>>, vector<1x256xf32>
    %swap3A_507 = vector.shape_cast %swap3A_506 : vector<1x256xf32> to vector<256xf32>
    %swap3A_508 = vector.shape_cast %reduce_sum3A_503 : vector<256xf32> to vector<1x256xf32>
    tpu.vector_store %arg3[%swap3A_504, %swap3A_505], %swap3A_508 {strides = array<i32>} : memref<351x256xf32, #tpu.memory_space<vmem>>, vector<1x256xf32>,
    %slice3A_509 = vector.extract_strided_slice %transpose3A {offsets = [64, 0], sizes = [64, 256], strides = [1, 1]} : vector<128x256xf32> to vector<64x256xf32>
    %slice3A_510 = vector.extract_strided_slice %transpose3A_47 {offsets = [64, 0], sizes = [64, 256], strides = [1, 1]} : vector<128x256xf32> to vector<64x256xf32>
    %mul3A_511 = arith.mulf %slice3A_509, %slice3A_510 : vector<64x256xf32>
    %reduce_sum3A_512 = arith.constant dense<0.000000e+00> : vector<256xf32>
    %reduce_sum3A_513 = vector.multi_reduction <add>, %mul3A_511, %reduce_sum3A_512 [0] : vector<64x256xf32> to vector<256xf32>
    %swap3A_514 = arith.constant 46 : index
    %swap3A_515 = arith.constant 0 : index
    %swap3A_516 = vector.load %arg3[%swap3A_514, %swap3A_515] : memref<351x256xf32, #tpu.memory_space<vmem>>, vector<1x256xf32>
    %swap3A_517 = vector.shape_cast %swap3A_516 : vector<1x256xf32> to vector<256xf32>
    %swap3A_518 = vector.shape_cast %reduce_sum3A_513 : vector<256xf32> to vector<1x256xf32>
    tpu.vector_store %arg3[%swap3A_514, %swap3A_515], %swap3A_518 {strides = array<i32>} : memref<351x256xf32, #tpu.memory_space<vmem>>, vector<1x256xf32>,
    %slice3A_519 = vector.extract_strided_slice %transpose3A {offsets = [64, 0], sizes = [64, 256], strides = [1, 1]} : vector<128x256xf32> to vector<64x256xf32>
    %slice3A_520 = vector.extract_strided_slice %transpose3A_51 {offsets = [0, 0], sizes = [64, 256], strides = [1, 1]} : vector<128x256xf32> to vector<64x256xf32>
    %mul3A_521 = arith.mulf %slice3A_519, %slice3A_520 : vector<64x256xf32>
    %reduce_sum3A_522 = arith.constant dense<0.000000e+00> : vector<256xf32>
    %reduce_sum3A_523 = vector.multi_reduction <add>, %mul3A_521, %reduce_sum3A_522 [0] : vector<64x256xf32> to vector<256xf32>
    %swap3A_524 = arith.constant 47 : index
    %swap3A_525 = arith.constant 0 : index
    %swap3A_526 = vector.load %arg3[%swap3A_524, %swap3A_525] : memref<351x256xf32, #tpu.memory_space<vmem>>, vector<1x256xf32>
    %swap3A_527 = vector.shape_cast %swap3A_526 : vector<1x256xf32> to vector<256xf32>
    %swap3A_528 = vector.shape_cast %reduce_sum3A_523 : vector<256xf32> to vector<1x256xf32>
    tpu.vector_store %arg3[%swap3A_524, %swap3A_525], %swap3A_528 {strides = array<i32>} : memref<351x256xf32, #tpu.memory_space<vmem>>, vector<1x256xf32>,
    %slice3A_529 = vector.extract_strided_slice %transpose3A {offsets = [64, 0], sizes = [64, 256], strides = [1, 1]} : vector<128x256xf32> to vector<64x256xf32>
    %slice3A_530 = vector.extract_strided_slice %transpose3A_51 {offsets = [64, 0], sizes = [64, 256], strides = [1, 1]} : vector<128x256xf32> to vector<64x256xf32>
    %mul3A_531 = arith.mulf %slice3A_529, %slice3A_530 : vector<64x256xf32>
    %reduce_sum3A_532 = arith.constant dense<0.000000e+00> : vector<256xf32>
    %reduce_sum3A_533 = vector.multi_reduction <add>, %mul3A_531, %reduce_sum3A_532 [0] : vector<64x256xf32> to vector<256xf32>
    %swap3A_534 = arith.constant 48 : index
    %swap3A_535 = arith.constant 0 : index
    %swap3A_536 = vector.load %arg3[%swap3A_534, %swap3A_535] : memref<351x256xf32, #tpu.memory_space<vmem>>, vector<1x256xf32>
    %swap3A_537 = vector.shape_cast %swap3A_536 : vector<1x256xf32> to vector<256xf32>
    %swap3A_538 = vector.shape_cast %reduce_sum3A_533 : vector<256xf32> to vector<1x256xf32>
    tpu.vector_store %arg3[%swap3A_534, %swap3A_535], %swap3A_538 {strides = array<i32>} : memref<351x256xf32, #tpu.memory_space<vmem>>, vector<1x256xf32>,
    %slice3A_539 = vector.extract_strided_slice %transpose3A_7 {offsets = [0, 0], sizes = [64, 256], strides = [1, 1]} : vector<128x256xf32> to vector<64x256xf32>
    %slice3A_540 = vector.extract_strided_slice %transpose3A_7 {offsets = [64, 0], sizes = [64, 256], strides = [1, 1]} : vector<128x256xf32> to vector<64x256xf32>
    %mul3A_541 = arith.mulf %slice3A_539, %slice3A_540 : vector<64x256xf32>
    %reduce_sum3A_542 = arith.constant dense<0.000000e+00> : vector<256xf32>
    %reduce_sum3A_543 = vector.multi_reduction <add>, %mul3A_541, %reduce_sum3A_542 [0] : vector<64x256xf32> to vector<256xf32>
    %swap3A_544 = arith.constant 49 : index
    %swap3A_545 = arith.constant 0 : index
    %swap3A_546 = vector.load %arg3[%swap3A_544, %swap3A_545] : memref<351x256xf32, #tpu.memory_space<vmem>>, vector<1x256xf32>
    %swap3A_547 = vector.shape_cast %swap3A_546 : vector<1x256xf32> to vector<256xf32>
    %swap3A_548 = vector.shape_cast %reduce_sum3A_543 : vector<256xf32> to vector<1x256xf32>
    tpu.vector_store %arg3[%swap3A_544, %swap3A_545], %swap3A_548 {strides = array<i32>} : memref<351x256xf32, #tpu.memory_space<vmem>>, vector<1x256xf32>,
    %slice3A_549 = vector.extract_strided_slice %transpose3A_7 {offsets = [0, 0], sizes = [64, 256], strides = [1, 1]} : vector<128x256xf32> to vector<64x256xf32>
    %slice3A_550 = vector.extract_strided_slice %transpose3A_11 {offsets = [0, 0], sizes = [64, 256], strides = [1, 1]} : vector<128x256xf32> to vector<64x256xf32>
    %mul3A_551 = arith.mulf %slice3A_549, %slice3A_550 : vector<64x256xf32>
    %reduce_sum3A_552 = arith.constant dense<0.000000e+00> : vector<256xf32>
    %reduce_sum3A_553 = vector.multi_reduction <add>, %mul3A_551, %reduce_sum3A_552 [0] : vector<64x256xf32> to vector<256xf32>
    %swap3A_554 = arith.constant 50 : index
    %swap3A_555 = arith.constant 0 : index
    %swap3A_556 = vector.load %arg3[%swap3A_554, %swap3A_555] : memref<351x256xf32, #tpu.memory_space<vmem>>, vector<1x256xf32>
    %swap3A_557 = vector.shape_cast %swap3A_556 : vector<1x256xf32> to vector<256xf32>
    %swap3A_558 = vector.shape_cast %reduce_sum3A_553 : vector<256xf32> to vector<1x256xf32>
    tpu.vector_store %arg3[%swap3A_554, %swap3A_555], %swap3A_558 {strides = array<i32>} : memref<351x256xf32, #tpu.memory_space<vmem>>, vector<1x256xf32>,
    %slice3A_559 = vector.extract_strided_slice %transpose3A_7 {offsets = [0, 0], sizes = [64, 256], strides = [1, 1]} : vector<128x256xf32> to vector<64x256xf32>
    %slice3A_560 = vector.extract_strided_slice %transpose3A_11 {offsets = [64, 0], sizes = [64, 256], strides = [1, 1]} : vector<128x256xf32> to vector<64x256xf32>
    %mul3A_561 = arith.mulf %slice3A_559, %slice3A_560 : vector<64x256xf32>
    %reduce_sum3A_562 = arith.constant dense<0.000000e+00> : vector<256xf32>
    %reduce_sum3A_563 = vector.multi_reduction <add>, %mul3A_561, %reduce_sum3A_562 [0] : vector<64x256xf32> to vector<256xf32>
    %swap3A_564 = arith.constant 51 : index
    %swap3A_565 = arith.constant 0 : index
    %swap3A_566 = vector.load %arg3[%swap3A_564, %swap3A_565] : memref<351x256xf32, #tpu.memory_space<vmem>>, vector<1x256xf32>
    %swap3A_567 = vector.shape_cast %swap3A_566 : vector<1x256xf32> to vector<256xf32>
    %swap3A_568 = vector.shape_cast %reduce_sum3A_563 : vector<256xf32> to vector<1x256xf32>
    tpu.vector_store %arg3[%swap3A_564, %swap3A_565], %swap3A_568 {strides = array<i32>} : memref<351x256xf32, #tpu.memory_space<vmem>>, vector<1x256xf32>,
    %slice3A_569 = vector.extract_strided_slice %transpose3A_7 {offsets = [0, 0], sizes = [64, 256], strides = [1, 1]} : vector<128x256xf32> to vector<64x256xf32>
    %slice3A_570 = vector.extract_strided_slice %transpose3A_15 {offsets = [0, 0], sizes = [64, 256], strides = [1, 1]} : vector<128x256xf32> to vector<64x256xf32>
    %mul3A_571 = arith.mulf %slice3A_569, %slice3A_570 : vector<64x256xf32>
    %reduce_sum3A_572 = arith.constant dense<0.000000e+00> : vector<256xf32>
    %reduce_sum3A_573 = vector.multi_reduction <add>, %mul3A_571, %reduce_sum3A_572 [0] : vector<64x256xf32> to vector<256xf32>
    %swap3A_574 = arith.constant 52 : index
    %swap3A_575 = arith.constant 0 : index
    %swap3A_576 = vector.load %arg3[%swap3A_574, %swap3A_575] : memref<351x256xf32, #tpu.memory_space<vmem>>, vector<1x256xf32>
    %swap3A_577 = vector.shape_cast %swap3A_576 : vector<1x256xf32> to vector<256xf32>
    %swap3A_578 = vector.shape_cast %reduce_sum3A_573 : vector<256xf32> to vector<1x256xf32>
    tpu.vector_store %arg3[%swap3A_574, %swap3A_575], %swap3A_578 {strides = array<i32>} : memref<351x256xf32, #tpu.memory_space<vmem>>, vector<1x256xf32>,
    %slice3A_579 = vector.extract_strided_slice %transpose3A_7 {offsets = [0, 0], sizes = [64, 256], strides = [1, 1]} : vector<128x256xf32> to vector<64x256xf32>
    %slice3A_580 = vector.extract_strided_slice %transpose3A_15 {offsets = [64, 0], sizes = [64, 256], strides = [1, 1]} : vector<128x256xf32> to vector<64x256xf32>
    %mul3A_581 = arith.mulf %slice3A_579, %slice3A_580 : vector<64x256xf32>
    %reduce_sum3A_582 = arith.constant dense<0.000000e+00> : vector<256xf32>
    %reduce_sum3A_583 = vector.multi_reduction <add>, %mul3A_581, %reduce_sum3A_582 [0] : vector<64x256xf32> to vector<256xf32>
    %swap3A_584 = arith.constant 53 : index
    %swap3A_585 = arith.constant 0 : index
    %swap3A_586 = vector.load %arg3[%swap3A_584, %swap3A_585] : memref<351x256xf32, #tpu.memory_space<vmem>>, vector<1x256xf32>
    %swap3A_587 = vector.shape_cast %swap3A_586 : vector<1x256xf32> to vector<256xf32>
    %swap3A_588 = vector.shape_cast %reduce_sum3A_583 : vector<256xf32> to vector<1x256xf32>
    tpu.vector_store %arg3[%swap3A_584, %swap3A_585], %swap3A_588 {strides = array<i32>} : memref<351x256xf32, #tpu.memory_space<vmem>>, vector<1x256xf32>,
    %slice3A_589 = vector.extract_strided_slice %transpose3A_7 {offsets = [0, 0], sizes = [64, 256], strides = [1, 1]} : vector<128x256xf32> to vector<64x256xf32>
    %slice3A_590 = vector.extract_strided_slice %transpose3A_19 {offsets = [0, 0], sizes = [64, 256], strides = [1, 1]} : vector<128x256xf32> to vector<64x256xf32>
    %mul3A_591 = arith.mulf %slice3A_589, %slice3A_590 : vector<64x256xf32>
    %reduce_sum3A_592 = arith.constant dense<0.000000e+00> : vector<256xf32>
    %reduce_sum3A_593 = vector.multi_reduction <add>, %mul3A_591, %reduce_sum3A_592 [0] : vector<64x256xf32> to vector<256xf32>
    %swap3A_594 = arith.constant 54 : index
    %swap3A_595 = arith.constant 0 : index
    %swap3A_596 = vector.load %arg3[%swap3A_594, %swap3A_595] : memref<351x256xf32, #tpu.memory_space<vmem>>, vector<1x256xf32>
    %swap3A_597 = vector.shape_cast %swap3A_596 : vector<1x256xf32> to vector<256xf32>
    %swap3A_598 = vector.shape_cast %reduce_sum3A_593 : vector<256xf32> to vector<1x256xf32>
    tpu.vector_store %arg3[%swap3A_594, %swap3A_595], %swap3A_598 {strides = array<i32>} : memref<351x256xf32, #tpu.memory_space<vmem>>, vector<1x256xf32>,
    %slice3A_599 = vector.extract_strided_slice %transpose3A_7 {offsets = [0, 0], sizes = [64, 256], strides = [1, 1]} : vector<128x256xf32> to vector<64x256xf32>
    %slice3A_600 = vector.extract_strided_slice %transpose3A_19 {offsets = [64, 0], sizes = [64, 256], strides = [1, 1]} : vector<128x256xf32> to vector<64x256xf32>
    %mul3A_601 = arith.mulf %slice3A_599, %slice3A_600 : vector<64x256xf32>
    %reduce_sum3A_602 = arith.constant dense<0.000000e+00> : vector<256xf32>
    %reduce_sum3A_603 = vector.multi_reduction <add>, %mul3A_601, %reduce_sum3A_602 [0] : vector<64x256xf32> to vector<256xf32>
    %swap3A_604 = arith.constant 55 : index
    %swap3A_605 = arith.constant 0 : index
    %swap3A_606 = vector.load %arg3[%swap3A_604, %swap3A_605] : memref<351x256xf32, #tpu.memory_space<vmem>>, vector<1x256xf32>
    %swap3A_607 = vector.shape_cast %swap3A_606 : vector<1x256xf32> to vector<256xf32>
    %swap3A_608 = vector.shape_cast %reduce_sum3A_603 : vector<256xf32> to vector<1x256xf32>
    tpu.vector_store %arg3[%swap3A_604, %swap3A_605], %swap3A_608 {strides = array<i32>} : memref<351x256xf32, #tpu.memory_space<vmem>>, vector<1x256xf32>,
    %slice3A_609 = vector.extract_strided_slice %transpose3A_7 {offsets = [0, 0], sizes = [64, 256], strides = [1, 1]} : vector<128x256xf32> to vector<64x256xf32>
    %slice3A_610 = vector.extract_strided_slice %transpose3A_23 {offsets = [0, 0], sizes = [64, 256], strides = [1, 1]} : vector<128x256xf32> to vector<64x256xf32>
    %mul3A_611 = arith.mulf %slice3A_609, %slice3A_610 : vector<64x256xf32>
    %reduce_sum3A_612 = arith.constant dense<0.000000e+00> : vector<256xf32>
    %reduce_sum3A_613 = vector.multi_reduction <add>, %mul3A_611, %reduce_sum3A_612 [0] : vector<64x256xf32> to vector<256xf32>
    %swap3A_614 = arith.constant 56 : index
    %swap3A_615 = arith.constant 0 : index
    %swap3A_616 = vector.load %arg3[%swap3A_614, %swap3A_615] : memref<351x256xf32, #tpu.memory_space<vmem>>, vector<1x256xf32>
    %swap3A_617 = vector.shape_cast %swap3A_616 : vector<1x256xf32> to vector<256xf32>
    %swap3A_618 = vector.shape_cast %reduce_sum3A_613 : vector<256xf32> to vector<1x256xf32>
    tpu.vector_store %arg3[%swap3A_614, %swap3A_615], %swap3A_618 {strides = array<i32>} : memref<351x256xf32, #tpu.memory_space<vmem>>, vector<1x256xf32>,
    %slice3A_619 = vector.extract_strided_slice %transpose3A_7 {offsets = [0, 0], sizes = [64, 256], strides = [1, 1]} : vector<128x256xf32> to vector<64x256xf32>
    %slice3A_620 = vector.extract_strided_slice %transpose3A_23 {offsets = [64, 0], sizes = [64, 256], strides = [1, 1]} : vector<128x256xf32> to vector<64x256xf32>
    %mul3A_621 = arith.mulf %slice3A_619, %slice3A_620 : vector<64x256xf32>
    %reduce_sum3A_622 = arith.constant dense<0.000000e+00> : vector<256xf32>
    %reduce_sum3A_623 = vector.multi_reduction <add>, %mul3A_621, %reduce_sum3A_622 [0] : vector<64x256xf32> to vector<256xf32>
    %swap3A_624 = arith.constant 57 : index
    %swap3A_625 = arith.constant 0 : index
    %swap3A_626 = vector.load %arg3[%swap3A_624, %swap3A_625] : memref<351x256xf32, #tpu.memory_space<vmem>>, vector<1x256xf32>
    %swap3A_627 = vector.shape_cast %swap3A_626 : vector<1x256xf32> to vector<256xf32>
    %swap3A_628 = vector.shape_cast %reduce_sum3A_623 : vector<256xf32> to vector<1x256xf32>
    tpu.vector_store %arg3[%swap3A_624, %swap3A_625], %swap3A_628 {strides = array<i32>} : memref<351x256xf32, #tpu.memory_space<vmem>>, vector<1x256xf32>,
    %slice3A_629 = vector.extract_strided_slice %transpose3A_7 {offsets = [0, 0], sizes = [64, 256], strides = [1, 1]} : vector<128x256xf32> to vector<64x256xf32>
    %slice3A_630 = vector.extract_strided_slice %transpose3A_27 {offsets = [0, 0], sizes = [64, 256], strides = [1, 1]} : vector<128x256xf32> to vector<64x256xf32>
    %mul3A_631 = arith.mulf %slice3A_629, %slice3A_630 : vector<64x256xf32>
    %reduce_sum3A_632 = arith.constant dense<0.000000e+00> : vector<256xf32>
    %reduce_sum3A_633 = vector.multi_reduction <add>, %mul3A_631, %reduce_sum3A_632 [0] : vector<64x256xf32> to vector<256xf32>
    %swap3A_634 = arith.constant 58 : index
    %swap3A_635 = arith.constant 0 : index
    %swap3A_636 = vector.load %arg3[%swap3A_634, %swap3A_635] : memref<351x256xf32, #tpu.memory_space<vmem>>, vector<1x256xf32>
    %swap3A_637 = vector.shape_cast %swap3A_636 : vector<1x256xf32> to vector<256xf32>
    %swap3A_638 = vector.shape_cast %reduce_sum3A_633 : vector<256xf32> to vector<1x256xf32>
    tpu.vector_store %arg3[%swap3A_634, %swap3A_635], %swap3A_638 {strides = array<i32>} : memref<351x256xf32, #tpu.memory_space<vmem>>, vector<1x256xf32>,
    %slice3A_639 = vector.extract_strided_slice %transpose3A_7 {offsets = [0, 0], sizes = [64, 256], strides = [1, 1]} : vector<128x256xf32> to vector<64x256xf32>
    %slice3A_640 = vector.extract_strided_slice %transpose3A_27 {offsets = [64, 0], sizes = [64, 256], strides = [1, 1]} : vector<128x256xf32> to vector<64x256xf32>
    %mul3A_641 = arith.mulf %slice3A_639, %slice3A_640 : vector<64x256xf32>
    %reduce_sum3A_642 = arith.constant dense<0.000000e+00> : vector<256xf32>
    %reduce_sum3A_643 = vector.multi_reduction <add>, %mul3A_641, %reduce_sum3A_642 [0] : vector<64x256xf32> to vector<256xf32>
    %swap3A_644 = arith.constant 59 : index
    %swap3A_645 = arith.constant 0 : index
    %swap3A_646 = vector.load %arg3[%swap3A_644, %swap3A_645] : memref<351x256xf32, #tpu.memory_space<vmem>>, vector<1x256xf32>
    %swap3A_647 = vector.shape_cast %swap3A_646 : vector<1x256xf32> to vector<256xf32>
    %swap3A_648 = vector.shape_cast %reduce_sum3A_643 : vector<256xf32> to vector<1x256xf32>
    tpu.vector_store %arg3[%swap3A_644, %swap3A_645], %swap3A_648 {strides = array<i32>} : memref<351x256xf32, #tpu.memory_space<vmem>>, vector<1x256xf32>,
    %slice3A_649 = vector.extract_strided_slice %transpose3A_7 {offsets = [0, 0], sizes = [64, 256], strides = [1, 1]} : vector<128x256xf32> to vector<64x256xf32>
    %slice3A_650 = vector.extract_strided_slice %transpose3A_31 {offsets = [0, 0], sizes = [64, 256], strides = [1, 1]} : vector<128x256xf32> to vector<64x256xf32>
    %mul3A_651 = arith.mulf %slice3A_649, %slice3A_650 : vector<64x256xf32>
    %reduce_sum3A_652 = arith.constant dense<0.000000e+00> : vector<256xf32>
    %reduce_sum3A_653 = vector.multi_reduction <add>, %mul3A_651, %reduce_sum3A_652 [0] : vector<64x256xf32> to vector<256xf32>
    %swap3A_654 = arith.constant 60 : index
    %swap3A_655 = arith.constant 0 : index
    %swap3A_656 = vector.load %arg3[%swap3A_654, %swap3A_655] : memref<351x256xf32, #tpu.memory_space<vmem>>, vector<1x256xf32>
    %swap3A_657 = vector.shape_cast %swap3A_656 : vector<1x256xf32> to vector<256xf32>
    %swap3A_658 = vector.shape_cast %reduce_sum3A_653 : vector<256xf32> to vector<1x256xf32>
    tpu.vector_store %arg3[%swap3A_654, %swap3A_655], %swap3A_658 {strides = array<i32>} : memref<351x256xf32, #tpu.memory_space<vmem>>, vector<1x256xf32>,
    %slice3A_659 = vector.extract_strided_slice %transpose3A_7 {offsets = [0, 0], sizes = [64, 256], strides = [1, 1]} : vector<128x256xf32> to vector<64x256xf32>
    %slice3A_660 = vector.extract_strided_slice %transpose3A_31 {offsets = [64, 0], sizes = [64, 256], strides = [1, 1]} : vector<128x256xf32> to vector<64x256xf32>
    %mul3A_661 = arith.mulf %slice3A_659, %slice3A_660 : vector<64x256xf32>
    %reduce_sum3A_662 = arith.constant dense<0.000000e+00> : vector<256xf32>
    %reduce_sum3A_663 = vector.multi_reduction <add>, %mul3A_661, %reduce_sum3A_662 [0] : vector<64x256xf32> to vector<256xf32>
    %swap3A_664 = arith.constant 61 : index
    %swap3A_665 = arith.constant 0 : index
    %swap3A_666 = vector.load %arg3[%swap3A_664, %swap3A_665] : memref<351x256xf32, #tpu.memory_space<vmem>>, vector<1x256xf32>
    %swap3A_667 = vector.shape_cast %swap3A_666 : vector<1x256xf32> to vector<256xf32>
    %swap3A_668 = vector.shape_cast %reduce_sum3A_663 : vector<256xf32> to vector<1x256xf32>
    tpu.vector_store %arg3[%swap3A_664, %swap3A_665], %swap3A_668 {strides = array<i32>} : memref<351x256xf32, #tpu.memory_space<vmem>>, vector<1x256xf32>,
    %slice3A_669 = vector.extract_strided_slice %transpose3A_7 {offsets = [0, 0], sizes = [64, 256], strides = [1, 1]} : vector<128x256xf32> to vector<64x256xf32>
    %slice3A_670 = vector.extract_strided_slice %transpose3A_35 {offsets = [0, 0], sizes = [64, 256], strides = [1, 1]} : vector<128x256xf32> to vector<64x256xf32>
    %mul3A_671 = arith.mulf %slice3A_669, %slice3A_670 : vector<64x256xf32>
    %reduce_sum3A_672 = arith.constant dense<0.000000e+00> : vector<256xf32>
    %reduce_sum3A_673 = vector.multi_reduction <add>, %mul3A_671, %reduce_sum3A_672 [0] : vector<64x256xf32> to vector<256xf32>
    %swap3A_674 = arith.constant 62 : index
    %swap3A_675 = arith.constant 0 : index
    %swap3A_676 = vector.load %arg3[%swap3A_674, %swap3A_675] : memref<351x256xf32, #tpu.memory_space<vmem>>, vector<1x256xf32>
    %swap3A_677 = vector.shape_cast %swap3A_676 : vector<1x256xf32> to vector<256xf32>
    %swap3A_678 = vector.shape_cast %reduce_sum3A_673 : vector<256xf32> to vector<1x256xf32>
    tpu.vector_store %arg3[%swap3A_674, %swap3A_675], %swap3A_678 {strides = array<i32>} : memref<351x256xf32, #tpu.memory_space<vmem>>, vector<1x256xf32>,
    %slice3A_679 = vector.extract_strided_slice %transpose3A_7 {offsets = [0, 0], sizes = [64, 256], strides = [1, 1]} : vector<128x256xf32> to vector<64x256xf32>
    %slice3A_680 = vector.extract_strided_slice %transpose3A_35 {offsets = [64, 0], sizes = [64, 256], strides = [1, 1]} : vector<128x256xf32> to vector<64x256xf32>
    %mul3A_681 = arith.mulf %slice3A_679, %slice3A_680 : vector<64x256xf32>
    %reduce_sum3A_682 = arith.constant dense<0.000000e+00> : vector<256xf32>
    %reduce_sum3A_683 = vector.multi_reduction <add>, %mul3A_681, %reduce_sum3A_682 [0] : vector<64x256xf32> to vector<256xf32>
    %swap3A_684 = arith.constant 63 : index
    %swap3A_685 = arith.constant 0 : index
    %swap3A_686 = vector.load %arg3[%swap3A_684, %swap3A_685] : memref<351x256xf32, #tpu.memory_space<vmem>>, vector<1x256xf32>
    %swap3A_687 = vector.shape_cast %swap3A_686 : vector<1x256xf32> to vector<256xf32>
    %swap3A_688 = vector.shape_cast %reduce_sum3A_683 : vector<256xf32> to vector<1x256xf32>
    tpu.vector_store %arg3[%swap3A_684, %swap3A_685], %swap3A_688 {strides = array<i32>} : memref<351x256xf32, #tpu.memory_space<vmem>>, vector<1x256xf32>,
    %slice3A_689 = vector.extract_strided_slice %transpose3A_7 {offsets = [0, 0], sizes = [64, 256], strides = [1, 1]} : vector<128x256xf32> to vector<64x256xf32>
    %slice3A_690 = vector.extract_strided_slice %transpose3A_39 {offsets = [0, 0], sizes = [64, 256], strides = [1, 1]} : vector<128x256xf32> to vector<64x256xf32>
    %mul3A_691 = arith.mulf %slice3A_689, %slice3A_690 : vector<64x256xf32>
    %reduce_sum3A_692 = arith.constant dense<0.000000e+00> : vector<256xf32>
    %reduce_sum3A_693 = vector.multi_reduction <add>, %mul3A_691, %reduce_sum3A_692 [0] : vector<64x256xf32> to vector<256xf32>
    %swap3A_694 = arith.constant 64 : index
    %swap3A_695 = arith.constant 0 : index
    %swap3A_696 = vector.load %arg3[%swap3A_694, %swap3A_695] : memref<351x256xf32, #tpu.memory_space<vmem>>, vector<1x256xf32>
    %swap3A_697 = vector.shape_cast %swap3A_696 : vector<1x256xf32> to vector<256xf32>
    %swap3A_698 = vector.shape_cast %reduce_sum3A_693 : vector<256xf32> to vector<1x256xf32>
    tpu.vector_store %arg3[%swap3A_694, %swap3A_695], %swap3A_698 {strides = array<i32>} : memref<351x256xf32, #tpu.memory_space<vmem>>, vector<1x256xf32>,
    %slice3A_699 = vector.extract_strided_slice %transpose3A_7 {offsets = [0, 0], sizes = [64, 256], strides = [1, 1]} : vector<128x256xf32> to vector<64x256xf32>
    %slice3A_700 = vector.extract_strided_slice %transpose3A_39 {offsets = [64, 0], sizes = [64, 256], strides = [1, 1]} : vector<128x256xf32> to vector<64x256xf32>
    %mul3A_701 = arith.mulf %slice3A_699, %slice3A_700 : vector<64x256xf32>
    %reduce_sum3A_702 = arith.constant dense<0.000000e+00> : vector<256xf32>
    %reduce_sum3A_703 = vector.multi_reduction <add>, %mul3A_701, %reduce_sum3A_702 [0] : vector<64x256xf32> to vector<256xf32>
    %swap3A_704 = arith.constant 65 : index
    %swap3A_705 = arith.constant 0 : index
    %swap3A_706 = vector.load %arg3[%swap3A_704, %swap3A_705] : memref<351x256xf32, #tpu.memory_space<vmem>>, vector<1x256xf32>
    %swap3A_707 = vector.shape_cast %swap3A_706 : vector<1x256xf32> to vector<256xf32>
    %swap3A_708 = vector.shape_cast %reduce_sum3A_703 : vector<256xf32> to vector<1x256xf32>
    tpu.vector_store %arg3[%swap3A_704, %swap3A_705], %swap3A_708 {strides = array<i32>} : memref<351x256xf32, #tpu.memory_space<vmem>>, vector<1x256xf32>,
    %slice3A_709 = vector.extract_strided_slice %transpose3A_7 {offsets = [0, 0], sizes = [64, 256], strides = [1, 1]} : vector<128x256xf32> to vector<64x256xf32>
    %slice3A_710 = vector.extract_strided_slice %transpose3A_43 {offsets = [0, 0], sizes = [64, 256], strides = [1, 1]} : vector<128x256xf32> to vector<64x256xf32>
    %mul3A_711 = arith.mulf %slice3A_709, %slice3A_710 : vector<64x256xf32>
    %reduce_sum3A_712 = arith.constant dense<0.000000e+00> : vector<256xf32>
    %reduce_sum3A_713 = vector.multi_reduction <add>, %mul3A_711, %reduce_sum3A_712 [0] : vector<64x256xf32> to vector<256xf32>
    %swap3A_714 = arith.constant 66 : index
    %swap3A_715 = arith.constant 0 : index
    %swap3A_716 = vector.load %arg3[%swap3A_714, %swap3A_715] : memref<351x256xf32, #tpu.memory_space<vmem>>, vector<1x256xf32>
    %swap3A_717 = vector.shape_cast %swap3A_716 : vector<1x256xf32> to vector<256xf32>
    %swap3A_718 = vector.shape_cast %reduce_sum3A_713 : vector<256xf32> to vector<1x256xf32>
    tpu.vector_store %arg3[%swap3A_714, %swap3A_715], %swap3A_718 {strides = array<i32>} : memref<351x256xf32, #tpu.memory_space<vmem>>, vector<1x256xf32>,
    %slice3A_719 = vector.extract_strided_slice %transpose3A_7 {offsets = [0, 0], sizes = [64, 256], strides = [1, 1]} : vector<128x256xf32> to vector<64x256xf32>
    %slice3A_720 = vector.extract_strided_slice %transpose3A_43 {offsets = [64, 0], sizes = [64, 256], strides = [1, 1]} : vector<128x256xf32> to vector<64x256xf32>
    %mul3A_721 = arith.mulf %slice3A_719, %slice3A_720 : vector<64x256xf32>
    %reduce_sum3A_722 = arith.constant dense<0.000000e+00> : vector<256xf32>
    %reduce_sum3A_723 = vector.multi_reduction <add>, %mul3A_721, %reduce_sum3A_722 [0] : vector<64x256xf32> to vector<256xf32>
    %swap3A_724 = arith.constant 67 : index
    %swap3A_725 = arith.constant 0 : index
    %swap3A_726 = vector.load %arg3[%swap3A_724, %swap3A_725] : memref<351x256xf32, #tpu.memory_space<vmem>>, vector<1x256xf32>
    %swap3A_727 = vector.shape_cast %swap3A_726 : vector<1x256xf32> to vector<256xf32>
    %swap3A_728 = vector.shape_cast %reduce_sum3A_723 : vector<256xf32> to vector<1x256xf32>
    tpu.vector_store %arg3[%swap3A_724, %swap3A_725], %swap3A_728 {strides = array<i32>} : memref<351x256xf32, #tpu.memory_space<vmem>>, vector<1x256xf32>,
    %slice3A_729 = vector.extract_strided_slice %transpose3A_7 {offsets = [0, 0], sizes = [64, 256], strides = [1, 1]} : vector<128x256xf32> to vector<64x256xf32>
    %slice3A_730 = vector.extract_strided_slice %transpose3A_47 {offsets = [0, 0], sizes = [64, 256], strides = [1, 1]} : vector<128x256xf32> to vector<64x256xf32>
    %mul3A_731 = arith.mulf %slice3A_729, %slice3A_730 : vector<64x256xf32>
    %reduce_sum3A_732 = arith.constant dense<0.000000e+00> : vector<256xf32>
    %reduce_sum3A_733 = vector.multi_reduction <add>, %mul3A_731, %reduce_sum3A_732 [0] : vector<64x256xf32> to vector<256xf32>
    %swap3A_734 = arith.constant 68 : index
    %swap3A_735 = arith.constant 0 : index
    %swap3A_736 = vector.load %arg3[%swap3A_734, %swap3A_735] : memref<351x256xf32, #tpu.memory_space<vmem>>, vector<1x256xf32>
    %swap3A_737 = vector.shape_cast %swap3A_736 : vector<1x256xf32> to vector<256xf32>
    %swap3A_738 = vector.shape_cast %reduce_sum3A_733 : vector<256xf32> to vector<1x256xf32>
    tpu.vector_store %arg3[%swap3A_734, %swap3A_735], %swap3A_738 {strides = array<i32>} : memref<351x256xf32, #tpu.memory_space<vmem>>, vector<1x256xf32>,
    %slice3A_739 = vector.extract_strided_slice %transpose3A_7 {offsets = [0, 0], sizes = [64, 256], strides = [1, 1]} : vector<128x256xf32> to vector<64x256xf32>
    %slice3A_740 = vector.extract_strided_slice %transpose3A_47 {offsets = [64, 0], sizes = [64, 256], strides = [1, 1]} : vector<128x256xf32> to vector<64x256xf32>
    %mul3A_741 = arith.mulf %slice3A_739, %slice3A_740 : vector<64x256xf32>
    %reduce_sum3A_742 = arith.constant dense<0.000000e+00> : vector<256xf32>
    %reduce_sum3A_743 = vector.multi_reduction <add>, %mul3A_741, %reduce_sum3A_742 [0] : vector<64x256xf32> to vector<256xf32>
    %swap3A_744 = arith.constant 69 : index
    %swap3A_745 = arith.constant 0 : index
    %swap3A_746 = vector.load %arg3[%swap3A_744, %swap3A_745] : memref<351x256xf32, #tpu.memory_space<vmem>>, vector<1x256xf32>
    %swap3A_747 = vector.shape_cast %swap3A_746 : vector<1x256xf32> to vector<256xf32>
    %swap3A_748 = vector.shape_cast %reduce_sum3A_743 : vector<256xf32> to vector<1x256xf32>
    tpu.vector_store %arg3[%swap3A_744, %swap3A_745], %swap3A_748 {strides = array<i32>} : memref<351x256xf32, #tpu.memory_space<vmem>>, vector<1x256xf32>,
    %slice3A_749 = vector.extract_strided_slice %transpose3A_7 {offsets = [0, 0], sizes = [64, 256], strides = [1, 1]} : vector<128x256xf32> to vector<64x256xf32>
    %slice3A_750 = vector.extract_strided_slice %transpose3A_51 {offsets = [0, 0], sizes = [64, 256], strides = [1, 1]} : vector<128x256xf32> to vector<64x256xf32>
    %mul3A_751 = arith.mulf %slice3A_749, %slice3A_750 : vector<64x256xf32>
    %reduce_sum3A_752 = arith.constant dense<0.000000e+00> : vector<256xf32>
    %reduce_sum3A_753 = vector.multi_reduction <add>, %mul3A_751, %reduce_sum3A_752 [0] : vector<64x256xf32> to vector<256xf32>
    %swap3A_754 = arith.constant 70 : index
    %swap3A_755 = arith.constant 0 : index
    %swap3A_756 = vector.load %arg3[%swap3A_754, %swap3A_755] : memref<351x256xf32, #tpu.memory_space<vmem>>, vector<1x256xf32>
    %swap3A_757 = vector.shape_cast %swap3A_756 : vector<1x256xf32> to vector<256xf32>
    %swap3A_758 = vector.shape_cast %reduce_sum3A_753 : vector<256xf32> to vector<1x256xf32>
    tpu.vector_store %arg3[%swap3A_754, %swap3A_755], %swap3A_758 {strides = array<i32>} : memref<351x256xf32, #tpu.memory_space<vmem>>, vector<1x256xf32>,
    %slice3A_759 = vector.extract_strided_slice %transpose3A_7 {offsets = [0, 0], sizes = [64, 256], strides = [1, 1]} : vector<128x256xf32> to vector<64x256xf32>
    %slice3A_760 = vector.extract_strided_slice %transpose3A_51 {offsets = [64, 0], sizes = [64, 256], strides = [1, 1]} : vector<128x256xf32> to vector<64x256xf32>
    %mul3A_761 = arith.mulf %slice3A_759, %slice3A_760 : vector<64x256xf32>
    %reduce_sum3A_762 = arith.constant dense<0.000000e+00> : vector<256xf32>
    %reduce_sum3A_763 = vector.multi_reduction <add>, %mul3A_761, %reduce_sum3A_762 [0] : vector<64x256xf32> to vector<256xf32>
    %swap3A_764 = arith.constant 71 : index
    %swap3A_765 = arith.constant 0 : index
    %swap3A_766 = vector.load %arg3[%swap3A_764, %swap3A_765] : memref<351x256xf32, #tpu.memory_space<vmem>>, vector<1x256xf32>
    %swap3A_767 = vector.shape_cast %swap3A_766 : vector<1x256xf32> to vector<256xf32>
    %swap3A_768 = vector.shape_cast %reduce_sum3A_763 : vector<256xf32> to vector<1x256xf32>
    tpu.vector_store %arg3[%swap3A_764, %swap3A_765], %swap3A_768 {strides = array<i32>} : memref<351x256xf32, #tpu.memory_space<vmem>>, vector<1x256xf32>,
    %slice3A_769 = vector.extract_strided_slice %transpose3A_7 {offsets = [64, 0], sizes = [64, 256], strides = [1, 1]} : vector<128x256xf32> to vector<64x256xf32>
    %slice3A_770 = vector.extract_strided_slice %transpose3A_11 {offsets = [0, 0], sizes = [64, 256], strides = [1, 1]} : vector<128x256xf32> to vector<64x256xf32>
    %mul3A_771 = arith.mulf %slice3A_769, %slice3A_770 : vector<64x256xf32>
    %reduce_sum3A_772 = arith.constant dense<0.000000e+00> : vector<256xf32>
    %reduce_sum3A_773 = vector.multi_reduction <add>, %mul3A_771, %reduce_sum3A_772 [0] : vector<64x256xf32> to vector<256xf32>
    %swap3A_774 = arith.constant 72 : index
    %swap3A_775 = arith.constant 0 : index
    %swap3A_776 = vector.load %arg3[%swap3A_774, %swap3A_775] : memref<351x256xf32, #tpu.memory_space<vmem>>, vector<1x256xf32>
    %swap3A_777 = vector.shape_cast %swap3A_776 : vector<1x256xf32> to vector<256xf32>
    %swap3A_778 = vector.shape_cast %reduce_sum3A_773 : vector<256xf32> to vector<1x256xf32>
    tpu.vector_store %arg3[%swap3A_774, %swap3A_775], %swap3A_778 {strides = array<i32>} : memref<351x256xf32, #tpu.memory_space<vmem>>, vector<1x256xf32>,
    %slice3A_779 = vector.extract_strided_slice %transpose3A_7 {offsets = [64, 0], sizes = [64, 256], strides = [1, 1]} : vector<128x256xf32> to vector<64x256xf32>
    %slice3A_780 = vector.extract_strided_slice %transpose3A_11 {offsets = [64, 0], sizes = [64, 256], strides = [1, 1]} : vector<128x256xf32> to vector<64x256xf32>
    %mul3A_781 = arith.mulf %slice3A_779, %slice3A_780 : vector<64x256xf32>
    %reduce_sum3A_782 = arith.constant dense<0.000000e+00> : vector<256xf32>
    %reduce_sum3A_783 = vector.multi_reduction <add>, %mul3A_781, %reduce_sum3A_782 [0] : vector<64x256xf32> to vector<256xf32>
    %swap3A_784 = arith.constant 73 : index
    %swap3A_785 = arith.constant 0 : index
    %swap3A_786 = vector.load %arg3[%swap3A_784, %swap3A_785] : memref<351x256xf32, #tpu.memory_space<vmem>>, vector<1x256xf32>
    %swap3A_787 = vector.shape_cast %swap3A_786 : vector<1x256xf32> to vector<256xf32>
    %swap3A_788 = vector.shape_cast %reduce_sum3A_783 : vector<256xf32> to vector<1x256xf32>
    tpu.vector_store %arg3[%swap3A_784, %swap3A_785], %swap3A_788 {strides = array<i32>} : memref<351x256xf32, #tpu.memory_space<vmem>>, vector<1x256xf32>,
    %slice3A_789 = vector.extract_strided_slice %transpose3A_7 {offsets = [64, 0], sizes = [64, 256], strides = [1, 1]} : vector<128x256xf32> to vector<64x256xf32>
    %slice3A_790 = vector.extract_strided_slice %transpose3A_15 {offsets = [0, 0], sizes = [64, 256], strides = [1, 1]} : vector<128x256xf32> to vector<64x256xf32>
    %mul3A_791 = arith.mulf %slice3A_789, %slice3A_790 : vector<64x256xf32>
    %reduce_sum3A_792 = arith.constant dense<0.000000e+00> : vector<256xf32>
    %reduce_sum3A_793 = vector.multi_reduction <add>, %mul3A_791, %reduce_sum3A_792 [0] : vector<64x256xf32> to vector<256xf32>
    %swap3A_794 = arith.constant 74 : index
    %swap3A_795 = arith.constant 0 : index
    %swap3A_796 = vector.load %arg3[%swap3A_794, %swap3A_795] : memref<351x256xf32, #tpu.memory_space<vmem>>, vector<1x256xf32>
    %swap3A_797 = vector.shape_cast %swap3A_796 : vector<1x256xf32> to vector<256xf32>
    %swap3A_798 = vector.shape_cast %reduce_sum3A_793 : vector<256xf32> to vector<1x256xf32>
    tpu.vector_store %arg3[%swap3A_794, %swap3A_795], %swap3A_798 {strides = array<i32>} : memref<351x256xf32, #tpu.memory_space<vmem>>, vector<1x256xf32>,
    %slice3A_799 = vector.extract_strided_slice %transpose3A_7 {offsets = [64, 0], sizes = [64, 256], strides = [1, 1]} : vector<128x256xf32> to vector<64x256xf32>
    %slice3A_800 = vector.extract_strided_slice %transpose3A_15 {offsets = [64, 0], sizes = [64, 256], strides = [1, 1]} : vector<128x256xf32> to vector<64x256xf32>
    %mul3A_801 = arith.mulf %slice3A_799, %slice3A_800 : vector<64x256xf32>
    %reduce_sum3A_802 = arith.constant dense<0.000000e+00> : vector<256xf32>
    %reduce_sum3A_803 = vector.multi_reduction <add>, %mul3A_801, %reduce_sum3A_802 [0] : vector<64x256xf32> to vector<256xf32>
    %swap3A_804 = arith.constant 75 : index
    %swap3A_805 = arith.constant 0 : index
    %swap3A_806 = vector.load %arg3[%swap3A_804, %swap3A_805] : memref<351x256xf32, #tpu.memory_space<vmem>>, vector<1x256xf32>
    %swap3A_807 = vector.shape_cast %swap3A_806 : vector<1x256xf32> to vector<256xf32>
    %swap3A_808 = vector.shape_cast %reduce_sum3A_803 : vector<256xf32> to vector<1x256xf32>
    tpu.vector_store %arg3[%swap3A_804, %swap3A_805], %swap3A_808 {strides = array<i32>} : memref<351x256xf32, #tpu.memory_space<vmem>>, vector<1x256xf32>,
    %slice3A_809 = vector.extract_strided_slice %transpose3A_7 {offsets = [64, 0], sizes = [64, 256], strides = [1, 1]} : vector<128x256xf32> to vector<64x256xf32>
    %slice3A_810 = vector.extract_strided_slice %transpose3A_19 {offsets = [0, 0], sizes = [64, 256], strides = [1, 1]} : vector<128x256xf32> to vector<64x256xf32>
    %mul3A_811 = arith.mulf %slice3A_809, %slice3A_810 : vector<64x256xf32>
    %reduce_sum3A_812 = arith.constant dense<0.000000e+00> : vector<256xf32>
    %reduce_sum3A_813 = vector.multi_reduction <add>, %mul3A_811, %reduce_sum3A_812 [0] : vector<64x256xf32> to vector<256xf32>
    %swap3A_814 = arith.constant 76 : index
    %swap3A_815 = arith.constant 0 : index
    %swap3A_816 = vector.load %arg3[%swap3A_814, %swap3A_815] : memref<351x256xf32, #tpu.memory_space<vmem>>, vector<1x256xf32>
    %swap3A_817 = vector.shape_cast %swap3A_816 : vector<1x256xf32> to vector<256xf32>
    %swap3A_818 = vector.shape_cast %reduce_sum3A_813 : vector<256xf32> to vector<1x256xf32>
    tpu.vector_store %arg3[%swap3A_814, %swap3A_815], %swap3A_818 {strides = array<i32>} : memref<351x256xf32, #tpu.memory_space<vmem>>, vector<1x256xf32>,
    %slice3A_819 = vector.extract_strided_slice %transpose3A_7 {offsets = [64, 0], sizes = [64, 256], strides = [1, 1]} : vector<128x256xf32> to vector<64x256xf32>
    %slice3A_820 = vector.extract_strided_slice %transpose3A_19 {offsets = [64, 0], sizes = [64, 256], strides = [1, 1]} : vector<128x256xf32> to vector<64x256xf32>
    %mul3A_821 = arith.mulf %slice3A_819, %slice3A_820 : vector<64x256xf32>
    %reduce_sum3A_822 = arith.constant dense<0.000000e+00> : vector<256xf32>
    %reduce_sum3A_823 = vector.multi_reduction <add>, %mul3A_821, %reduce_sum3A_822 [0] : vector<64x256xf32> to vector<256xf32>
    %swap3A_824 = arith.constant 77 : index
    %swap3A_825 = arith.constant 0 : index
    %swap3A_826 = vector.load %arg3[%swap3A_824, %swap3A_825] : memref<351x256xf32, #tpu.memory_space<vmem>>, vector<1x256xf32>
    %swap3A_827 = vector.shape_cast %swap3A_826 : vector<1x256xf32> to vector<256xf32>
    %swap3A_828 = vector.shape_cast %reduce_sum3A_823 : vector<256xf32> to vector<1x256xf32>
    tpu.vector_store %arg3[%swap3A_824, %swap3A_825], %swap3A_828 {strides = array<i32>} : memref<351x256xf32, #tpu.memory_space<vmem>>, vector<1x256xf32>,
    %slice3A_829 = vector.extract_strided_slice %transpose3A_7 {offsets = [64, 0], sizes = [64, 256], strides = [1, 1]} : vector<128x256xf32> to vector<64x256xf32>
    %slice3A_830 = vector.extract_strided_slice %transpose3A_23 {offsets = [0, 0], sizes = [64, 256], strides = [1, 1]} : vector<128x256xf32> to vector<64x256xf32>
    %mul3A_831 = arith.mulf %slice3A_829, %slice3A_830 : vector<64x256xf32>
    %reduce_sum3A_832 = arith.constant dense<0.000000e+00> : vector<256xf32>
    %reduce_sum3A_833 = vector.multi_reduction <add>, %mul3A_831, %reduce_sum3A_832 [0] : vector<64x256xf32> to vector<256xf32>
    %swap3A_834 = arith.constant 78 : index
    %swap3A_835 = arith.constant 0 : index
    %swap3A_836 = vector.load %arg3[%swap3A_834, %swap3A_835] : memref<351x256xf32, #tpu.memory_space<vmem>>, vector<1x256xf32>
    %swap3A_837 = vector.shape_cast %swap3A_836 : vector<1x256xf32> to vector<256xf32>
    %swap3A_838 = vector.shape_cast %reduce_sum3A_833 : vector<256xf32> to vector<1x256xf32>
    tpu.vector_store %arg3[%swap3A_834, %swap3A_835], %swap3A_838 {strides = array<i32>} : memref<351x256xf32, #tpu.memory_space<vmem>>, vector<1x256xf32>,
    %slice3A_839 = vector.extract_strided_slice %transpose3A_7 {offsets = [64, 0], sizes = [64, 256], strides = [1, 1]} : vector<128x256xf32> to vector<64x256xf32>
    %slice3A_840 = vector.extract_strided_slice %transpose3A_23 {offsets = [64, 0], sizes = [64, 256], strides = [1, 1]} : vector<128x256xf32> to vector<64x256xf32>
    %mul3A_841 = arith.mulf %slice3A_839, %slice3A_840 : vector<64x256xf32>
    %reduce_sum3A_842 = arith.constant dense<0.000000e+00> : vector<256xf32>
    %reduce_sum3A_843 = vector.multi_reduction <add>, %mul3A_841, %reduce_sum3A_842 [0] : vector<64x256xf32> to vector<256xf32>
    %swap3A_844 = arith.constant 79 : index
    %swap3A_845 = arith.constant 0 : index
    %swap3A_846 = vector.load %arg3[%swap3A_844, %swap3A_845] : memref<351x256xf32, #tpu.memory_space<vmem>>, vector<1x256xf32>
    %swap3A_847 = vector.shape_cast %swap3A_846 : vector<1x256xf32> to vector<256xf32>
    %swap3A_848 = vector.shape_cast %reduce_sum3A_843 : vector<256xf32> to vector<1x256xf32>
    tpu.vector_store %arg3[%swap3A_844, %swap3A_845], %swap3A_848 {strides = array<i32>} : memref<351x256xf32, #tpu.memory_space<vmem>>, vector<1x256xf32>,
    %slice3A_849 = vector.extract_strided_slice %transpose3A_7 {offsets = [64, 0], sizes = [64, 256], strides = [1, 1]} : vector<128x256xf32> to vector<64x256xf32>
    %slice3A_850 = vector.extract_strided_slice %transpose3A_27 {offsets = [0, 0], sizes = [64, 256], strides = [1, 1]} : vector<128x256xf32> to vector<64x256xf32>
    %mul3A_851 = arith.mulf %slice3A_849, %slice3A_850 : vector<64x256xf32>
    %reduce_sum3A_852 = arith.constant dense<0.000000e+00> : vector<256xf32>
    %reduce_sum3A_853 = vector.multi_reduction <add>, %mul3A_851, %reduce_sum3A_852 [0] : vector<64x256xf32> to vector<256xf32>
    %swap3A_854 = arith.constant 80 : index
    %swap3A_855 = arith.constant 0 : index
    %swap3A_856 = vector.load %arg3[%swap3A_854, %swap3A_855] : memref<351x256xf32, #tpu.memory_space<vmem>>, vector<1x256xf32>
    %swap3A_857 = vector.shape_cast %swap3A_856 : vector<1x256xf32> to vector<256xf32>
    %swap3A_858 = vector.shape_cast %reduce_sum3A_853 : vector<256xf32> to vector<1x256xf32>
    tpu.vector_store %arg3[%swap3A_854, %swap3A_855], %swap3A_858 {strides = array<i32>} : memref<351x256xf32, #tpu.memory_space<vmem>>, vector<1x256xf32>,
    %slice3A_859 = vector.extract_strided_slice %transpose3A_7 {offsets = [64, 0], sizes = [64, 256], strides = [1, 1]} : vector<128x256xf32> to vector<64x256xf32>
    %slice3A_860 = vector.extract_strided_slice %transpose3A_27 {offsets = [64, 0], sizes = [64, 256], strides = [1, 1]} : vector<128x256xf32> to vector<64x256xf32>
    %mul3A_861 = arith.mulf %slice3A_859, %slice3A_860 : vector<64x256xf32>
    %reduce_sum3A_862 = arith.constant dense<0.000000e+00> : vector<256xf32>
    %reduce_sum3A_863 = vector.multi_reduction <add>, %mul3A_861, %reduce_sum3A_862 [0] : vector<64x256xf32> to vector<256xf32>
    %swap3A_864 = arith.constant 81 : index
    %swap3A_865 = arith.constant 0 : index
    %swap3A_866 = vector.load %arg3[%swap3A_864, %swap3A_865] : memref<351x256xf32, #tpu.memory_space<vmem>>, vector<1x256xf32>
    %swap3A_867 = vector.shape_cast %swap3A_866 : vector<1x256xf32> to vector<256xf32>
    %swap3A_868 = vector.shape_cast %reduce_sum3A_863 : vector<256xf32> to vector<1x256xf32>
    tpu.vector_store %arg3[%swap3A_864, %swap3A_865], %swap3A_868 {strides = array<i32>} : memref<351x256xf32, #tpu.memory_space<vmem>>, vector<1x256xf32>,
    %slice3A_869 = vector.extract_strided_slice %transpose3A_7 {offsets = [64, 0], sizes = [64, 256], strides = [1, 1]} : vector<128x256xf32> to vector<64x256xf32>
    %slice3A_870 = vector.extract_strided_slice %transpose3A_31 {offsets = [0, 0], sizes = [64, 256], strides = [1, 1]} : vector<128x256xf32> to vector<64x256xf32>
    %mul3A_871 = arith.mulf %slice3A_869, %slice3A_870 : vector<64x256xf32>
    %reduce_sum3A_872 = arith.constant dense<0.000000e+00> : vector<256xf32>
    %reduce_sum3A_873 = vector.multi_reduction <add>, %mul3A_871, %reduce_sum3A_872 [0] : vector<64x256xf32> to vector<256xf32>
    %swap3A_874 = arith.constant 82 : index
    %swap3A_875 = arith.constant 0 : index
    %swap3A_876 = vector.load %arg3[%swap3A_874, %swap3A_875] : memref<351x256xf32, #tpu.memory_space<vmem>>, vector<1x256xf32>
    %swap3A_877 = vector.shape_cast %swap3A_876 : vector<1x256xf32> to vector<256xf32>
    %swap3A_878 = vector.shape_cast %reduce_sum3A_873 : vector<256xf32> to vector<1x256xf32>
    tpu.vector_store %arg3[%swap3A_874, %swap3A_875], %swap3A_878 {strides = array<i32>} : memref<351x256xf32, #tpu.memory_space<vmem>>, vector<1x256xf32>,
    %slice3A_879 = vector.extract_strided_slice %transpose3A_7 {offsets = [64, 0], sizes = [64, 256], strides = [1, 1]} : vector<128x256xf32> to vector<64x256xf32>
    %slice3A_880 = vector.extract_strided_slice %transpose3A_31 {offsets = [64, 0], sizes = [64, 256], strides = [1, 1]} : vector<128x256xf32> to vector<64x256xf32>
    %mul3A_881 = arith.mulf %slice3A_879, %slice3A_880 : vector<64x256xf32>
    %reduce_sum3A_882 = arith.constant dense<0.000000e+00> : vector<256xf32>
    %reduce_sum3A_883 = vector.multi_reduction <add>, %mul3A_881, %reduce_sum3A_882 [0] : vector<64x256xf32> to vector<256xf32>
    %swap3A_884 = arith.constant 83 : index
    %swap3A_885 = arith.constant 0 : index
    %swap3A_886 = vector.load %arg3[%swap3A_884, %swap3A_885] : memref<351x256xf32, #tpu.memory_space<vmem>>, vector<1x256xf32>
    %swap3A_887 = vector.shape_cast %swap3A_886 : vector<1x256xf32> to vector<256xf32>
    %swap3A_888 = vector.shape_cast %reduce_sum3A_883 : vector<256xf32> to vector<1x256xf32>
    tpu.vector_store %arg3[%swap3A_884, %swap3A_885], %swap3A_888 {strides = array<i32>} : memref<351x256xf32, #tpu.memory_space<vmem>>, vector<1x256xf32>,
    %slice3A_889 = vector.extract_strided_slice %transpose3A_7 {offsets = [64, 0], sizes = [64, 256], strides = [1, 1]} : vector<128x256xf32> to vector<64x256xf32>
    %slice3A_890 = vector.extract_strided_slice %transpose3A_35 {offsets = [0, 0], sizes = [64, 256], strides = [1, 1]} : vector<128x256xf32> to vector<64x256xf32>
    %mul3A_891 = arith.mulf %slice3A_889, %slice3A_890 : vector<64x256xf32>
    %reduce_sum3A_892 = arith.constant dense<0.000000e+00> : vector<256xf32>
    %reduce_sum3A_893 = vector.multi_reduction <add>, %mul3A_891, %reduce_sum3A_892 [0] : vector<64x256xf32> to vector<256xf32>
    %swap3A_894 = arith.constant 84 : index
    %swap3A_895 = arith.constant 0 : index
    %swap3A_896 = vector.load %arg3[%swap3A_894, %swap3A_895] : memref<351x256xf32, #tpu.memory_space<vmem>>, vector<1x256xf32>
    %swap3A_897 = vector.shape_cast %swap3A_896 : vector<1x256xf32> to vector<256xf32>
    %swap3A_898 = vector.shape_cast %reduce_sum3A_893 : vector<256xf32> to vector<1x256xf32>
    tpu.vector_store %arg3[%swap3A_894, %swap3A_895], %swap3A_898 {strides = array<i32>} : memref<351x256xf32, #tpu.memory_space<vmem>>, vector<1x256xf32>,
    %slice3A_899 = vector.extract_strided_slice %transpose3A_7 {offsets = [64, 0], sizes = [64, 256], strides = [1, 1]} : vector<128x256xf32> to vector<64x256xf32>
    %slice3A_900 = vector.extract_strided_slice %transpose3A_35 {offsets = [64, 0], sizes = [64, 256], strides = [1, 1]} : vector<128x256xf32> to vector<64x256xf32>
    %mul3A_901 = arith.mulf %slice3A_899, %slice3A_900 : vector<64x256xf32>
    %reduce_sum3A_902 = arith.constant dense<0.000000e+00> : vector<256xf32>
    %reduce_sum3A_903 = vector.multi_reduction <add>, %mul3A_901, %reduce_sum3A_902 [0] : vector<64x256xf32> to vector<256xf32>
    %swap3A_904 = arith.constant 85 : index
    %swap3A_905 = arith.constant 0 : index
    %swap3A_906 = vector.load %arg3[%swap3A_904, %swap3A_905] : memref<351x256xf32, #tpu.memory_space<vmem>>, vector<1x256xf32>
    %swap3A_907 = vector.shape_cast %swap3A_906 : vector<1x256xf32> to vector<256xf32>
    %swap3A_908 = vector.shape_cast %reduce_sum3A_903 : vector<256xf32> to vector<1x256xf32>
    tpu.vector_store %arg3[%swap3A_904, %swap3A_905], %swap3A_908 {strides = array<i32>} : memref<351x256xf32, #tpu.memory_space<vmem>>, vector<1x256xf32>,
    %slice3A_909 = vector.extract_strided_slice %transpose3A_7 {offsets = [64, 0], sizes = [64, 256], strides = [1, 1]} : vector<128x256xf32> to vector<64x256xf32>
    %slice3A_910 = vector.extract_strided_slice %transpose3A_39 {offsets = [0, 0], sizes = [64, 256], strides = [1, 1]} : vector<128x256xf32> to vector<64x256xf32>
    %mul3A_911 = arith.mulf %slice3A_909, %slice3A_910 : vector<64x256xf32>
    %reduce_sum3A_912 = arith.constant dense<0.000000e+00> : vector<256xf32>
    %reduce_sum3A_913 = vector.multi_reduction <add>, %mul3A_911, %reduce_sum3A_912 [0] : vector<64x256xf32> to vector<256xf32>
    %swap3A_914 = arith.constant 86 : index
    %swap3A_915 = arith.constant 0 : index
    %swap3A_916 = vector.load %arg3[%swap3A_914, %swap3A_915] : memref<351x256xf32, #tpu.memory_space<vmem>>, vector<1x256xf32>
    %swap3A_917 = vector.shape_cast %swap3A_916 : vector<1x256xf32> to vector<256xf32>
    %swap3A_918 = vector.shape_cast %reduce_sum3A_913 : vector<256xf32> to vector<1x256xf32>
    tpu.vector_store %arg3[%swap3A_914, %swap3A_915], %swap3A_918 {strides = array<i32>} : memref<351x256xf32, #tpu.memory_space<vmem>>, vector<1x256xf32>,
    %slice3A_919 = vector.extract_strided_slice %transpose3A_7 {offsets = [64, 0], sizes = [64, 256], strides = [1, 1]} : vector<128x256xf32> to vector<64x256xf32>
    %slice3A_920 = vector.extract_strided_slice %transpose3A_39 {offsets = [64, 0], sizes = [64, 256], strides = [1, 1]} : vector<128x256xf32> to vector<64x256xf32>
    %mul3A_921 = arith.mulf %slice3A_919, %slice3A_920 : vector<64x256xf32>
    %reduce_sum3A_922 = arith.constant dense<0.000000e+00> : vector<256xf32>
    %reduce_sum3A_923 = vector.multi_reduction <add>, %mul3A_921, %reduce_sum3A_922 [0] : vector<64x256xf32> to vector<256xf32>
    %swap3A_924 = arith.constant 87 : index
    %swap3A_925 = arith.constant 0 : index
    %swap3A_926 = vector.load %arg3[%swap3A_924, %swap3A_925] : memref<351x256xf32, #tpu.memory_space<vmem>>, vector<1x256xf32>
    %swap3A_927 = vector.shape_cast %swap3A_926 : vector<1x256xf32> to vector<256xf32>
    %swap3A_928 = vector.shape_cast %reduce_sum3A_923 : vector<256xf32> to vector<1x256xf32>
    tpu.vector_store %arg3[%swap3A_924, %swap3A_925], %swap3A_928 {strides = array<i32>} : memref<351x256xf32, #tpu.memory_space<vmem>>, vector<1x256xf32>,
    %slice3A_929 = vector.extract_strided_slice %transpose3A_7 {offsets = [64, 0], sizes = [64, 256], strides = [1, 1]} : vector<128x256xf32> to vector<64x256xf32>
    %slice3A_930 = vector.extract_strided_slice %transpose3A_43 {offsets = [0, 0], sizes = [64, 256], strides = [1, 1]} : vector<128x256xf32> to vector<64x256xf32>
    %mul3A_931 = arith.mulf %slice3A_929, %slice3A_930 : vector<64x256xf32>
    %reduce_sum3A_932 = arith.constant dense<0.000000e+00> : vector<256xf32>
    %reduce_sum3A_933 = vector.multi_reduction <add>, %mul3A_931, %reduce_sum3A_932 [0] : vector<64x256xf32> to vector<256xf32>
    %swap3A_934 = arith.constant 88 : index
    %swap3A_935 = arith.constant 0 : index
    %swap3A_936 = vector.load %arg3[%swap3A_934, %swap3A_935] : memref<351x256xf32, #tpu.memory_space<vmem>>, vector<1x256xf32>
    %swap3A_937 = vector.shape_cast %swap3A_936 : vector<1x256xf32> to vector<256xf32>
    %swap3A_938 = vector.shape_cast %reduce_sum3A_933 : vector<256xf32> to vector<1x256xf32>
    tpu.vector_store %arg3[%swap3A_934, %swap3A_935], %swap3A_938 {strides = array<i32>} : memref<351x256xf32, #tpu.memory_space<vmem>>, vector<1x256xf32>,
    %slice3A_939 = vector.extract_strided_slice %transpose3A_7 {offsets = [64, 0], sizes = [64, 256], strides = [1, 1]} : vector<128x256xf32> to vector<64x256xf32>
    %slice3A_940 = vector.extract_strided_slice %transpose3A_43 {offsets = [64, 0], sizes = [64, 256], strides = [1, 1]} : vector<128x256xf32> to vector<64x256xf32>
    %mul3A_941 = arith.mulf %slice3A_939, %slice3A_940 : vector<64x256xf32>
    %reduce_sum3A_942 = arith.constant dense<0.000000e+00> : vector<256xf32>
    %reduce_sum3A_943 = vector.multi_reduction <add>, %mul3A_941, %reduce_sum3A_942 [0] : vector<64x256xf32> to vector<256xf32>
    %swap3A_944 = arith.constant 89 : index
    %swap3A_945 = arith.constant 0 : index
    %swap3A_946 = vector.load %arg3[%swap3A_944, %swap3A_945] : memref<351x256xf32, #tpu.memory_space<vmem>>, vector<1x256xf32>
    %swap3A_947 = vector.shape_cast %swap3A_946 : vector<1x256xf32> to vector<256xf32>
    %swap3A_948 = vector.shape_cast %reduce_sum3A_943 : vector<256xf32> to vector<1x256xf32>
    tpu.vector_store %arg3[%swap3A_944, %swap3A_945], %swap3A_948 {strides = array<i32>} : memref<351x256xf32, #tpu.memory_space<vmem>>, vector<1x256xf32>,
    %slice3A_949 = vector.extract_strided_slice %transpose3A_7 {offsets = [64, 0], sizes = [64, 256], strides = [1, 1]} : vector<128x256xf32> to vector<64x256xf32>
    %slice3A_950 = vector.extract_strided_slice %transpose3A_47 {offsets = [0, 0], sizes = [64, 256], strides = [1, 1]} : vector<128x256xf32> to vector<64x256xf32>
    %mul3A_951 = arith.mulf %slice3A_949, %slice3A_950 : vector<64x256xf32>
    %reduce_sum3A_952 = arith.constant dense<0.000000e+00> : vector<256xf32>
    %reduce_sum3A_953 = vector.multi_reduction <add>, %mul3A_951, %reduce_sum3A_952 [0] : vector<64x256xf32> to vector<256xf32>
    %swap3A_954 = arith.constant 90 : index
    %swap3A_955 = arith.constant 0 : index
    %swap3A_956 = vector.load %arg3[%swap3A_954, %swap3A_955] : memref<351x256xf32, #tpu.memory_space<vmem>>, vector<1x256xf32>
    %swap3A_957 = vector.shape_cast %swap3A_956 : vector<1x256xf32> to vector<256xf32>
    %swap3A_958 = vector.shape_cast %reduce_sum3A_953 : vector<256xf32> to vector<1x256xf32>
    tpu.vector_store %arg3[%swap3A_954, %swap3A_955], %swap3A_958 {strides = array<i32>} : memref<351x256xf32, #tpu.memory_space<vmem>>, vector<1x256xf32>,
    %slice3A_959 = vector.extract_strided_slice %transpose3A_7 {offsets = [64, 0], sizes = [64, 256], strides = [1, 1]} : vector<128x256xf32> to vector<64x256xf32>
    %slice3A_960 = vector.extract_strided_slice %transpose3A_47 {offsets = [64, 0], sizes = [64, 256], strides = [1, 1]} : vector<128x256xf32> to vector<64x256xf32>
    %mul3A_961 = arith.mulf %slice3A_959, %slice3A_960 : vector<64x256xf32>
    %reduce_sum3A_962 = arith.constant dense<0.000000e+00> : vector<256xf32>
    %reduce_sum3A_963 = vector.multi_reduction <add>, %mul3A_961, %reduce_sum3A_962 [0] : vector<64x256xf32> to vector<256xf32>
    %swap3A_964 = arith.constant 91 : index
    %swap3A_965 = arith.constant 0 : index
    %swap3A_966 = vector.load %arg3[%swap3A_964, %swap3A_965] : memref<351x256xf32, #tpu.memory_space<vmem>>, vector<1x256xf32>
    %swap3A_967 = vector.shape_cast %swap3A_966 : vector<1x256xf32> to vector<256xf32>
    %swap3A_968 = vector.shape_cast %reduce_sum3A_963 : vector<256xf32> to vector<1x256xf32>
    tpu.vector_store %arg3[%swap3A_964, %swap3A_965], %swap3A_968 {strides = array<i32>} : memref<351x256xf32, #tpu.memory_space<vmem>>, vector<1x256xf32>,
    %slice3A_969 = vector.extract_strided_slice %transpose3A_7 {offsets = [64, 0], sizes = [64, 256], strides = [1, 1]} : vector<128x256xf32> to vector<64x256xf32>
    %slice3A_970 = vector.extract_strided_slice %transpose3A_51 {offsets = [0, 0], sizes = [64, 256], strides = [1, 1]} : vector<128x256xf32> to vector<64x256xf32>
    %mul3A_971 = arith.mulf %slice3A_969, %slice3A_970 : vector<64x256xf32>
    %reduce_sum3A_972 = arith.constant dense<0.000000e+00> : vector<256xf32>
    %reduce_sum3A_973 = vector.multi_reduction <add>, %mul3A_971, %reduce_sum3A_972 [0] : vector<64x256xf32> to vector<256xf32>
    %swap3A_974 = arith.constant 92 : index
    %swap3A_975 = arith.constant 0 : index
    %swap3A_976 = vector.load %arg3[%swap3A_974, %swap3A_975] : memref<351x256xf32, #tpu.memory_space<vmem>>, vector<1x256xf32>
    %swap3A_977 = vector.shape_cast %swap3A_976 : vector<1x256xf32> to vector<256xf32>
    %swap3A_978 = vector.shape_cast %reduce_sum3A_973 : vector<256xf32> to vector<1x256xf32>
    tpu.vector_store %arg3[%swap3A_974, %swap3A_975], %swap3A_978 {strides = array<i32>} : memref<351x256xf32, #tpu.memory_space<vmem>>, vector<1x256xf32>,
    %slice3A_979 = vector.extract_strided_slice %transpose3A_7 {offsets = [64, 0], sizes = [64, 256], strides = [1, 1]} : vector<128x256xf32> to vector<64x256xf32>
    %slice3A_980 = vector.extract_strided_slice %transpose3A_51 {offsets = [64, 0], sizes = [64, 256], strides = [1, 1]} : vector<128x256xf32> to vector<64x256xf32>
    %mul3A_981 = arith.mulf %slice3A_979, %slice3A_980 : vector<64x256xf32>
    %reduce_sum3A_982 = arith.constant dense<0.000000e+00> : vector<256xf32>
    %reduce_sum3A_983 = vector.multi_reduction <add>, %mul3A_981, %reduce_sum3A_982 [0] : vector<64x256xf32> to vector<256xf32>
    %swap3A_984 = arith.constant 93 : index
    %swap3A_985 = arith.constant 0 : index
    %swap3A_986 = vector.load %arg3[%swap3A_984, %swap3A_985] : memref<351x256xf32, #tpu.memory_space<vmem>>, vector<1x256xf32>
    %swap3A_987 = vector.shape_cast %swap3A_986 : vector<1x256xf32> to vector<256xf32>
    %swap3A_988 = vector.shape_cast %reduce_sum3A_983 : vector<256xf32> to vector<1x256xf32>
    tpu.vector_store %arg3[%swap3A_984, %swap3A_985], %swap3A_988 {strides = array<i32>} : memref<351x256xf32, #tpu.memory_space<vmem>>, vector<1x256xf32>,
    %slice3A_989 = vector.extract_strided_slice %transpose3A_11 {offsets = [0, 0], sizes = [64, 256], strides = [1, 1]} : vector<128x256xf32> to vector<64x256xf32>
    %slice3A_990 = vector.extract_strided_slice %transpose3A_11 {offsets = [64, 0], sizes = [64, 256], strides = [1, 1]} : vector<128x256xf32> to vector<64x256xf32>
    %mul3A_991 = arith.mulf %slice3A_989, %slice3A_990 : vector<64x256xf32>
    %reduce_sum3A_992 = arith.constant dense<0.000000e+00> : vector<256xf32>
    %reduce_sum3A_993 = vector.multi_reduction <add>, %mul3A_991, %reduce_sum3A_992 [0] : vector<64x256xf32> to vector<256xf32>
    %swap3A_994 = arith.constant 94 : index
    %swap3A_995 = arith.constant 0 : index
    %swap3A_996 = vector.load %arg3[%swap3A_994, %swap3A_995] : memref<351x256xf32, #tpu.memory_space<vmem>>, vector<1x256xf32>
    %swap3A_997 = vector.shape_cast %swap3A_996 : vector<1x256xf32> to vector<256xf32>
    %swap3A_998 = vector.shape_cast %reduce_sum3A_993 : vector<256xf32> to vector<1x256xf32>
    tpu.vector_store %arg3[%swap3A_994, %swap3A_995], %swap3A_998 {strides = array<i32>} : memref<351x256xf32, #tpu.memory_space<vmem>>, vector<1x256xf32>,
    %slice3A_999 = vector.extract_strided_slice %transpose3A_11 {offsets = [0, 0], sizes = [64, 256], strides = [1, 1]} : vector<128x256xf32> to vector<64x256xf32>
    %slice3A_1000 = vector.extract_strided_slice %transpose3A_15 {offsets = [0, 0], sizes = [64, 256], strides = [1, 1]} : vector<128x256xf32> to vector<64x256xf32>
    %mul3A_1001 = arith.mulf %slice3A_999, %slice3A_1000 : vector<64x256xf32>
    %reduce_sum3A_1002 = arith.constant dense<0.000000e+00> : vector<256xf32>
    %reduce_sum3A_1003 = vector.multi_reduction <add>, %mul3A_1001, %reduce_sum3A_1002 [0] : vector<64x256xf32> to vector<256xf32>
    %swap3A_1004 = arith.constant 95 : index
    %swap3A_1005 = arith.constant 0 : index
    %swap3A_1006 = vector.load %arg3[%swap3A_1004, %swap3A_1005] : memref<351x256xf32, #tpu.memory_space<vmem>>, vector<1x256xf32>
    %swap3A_1007 = vector.shape_cast %swap3A_1006 : vector<1x256xf32> to vector<256xf32>
    %swap3A_1008 = vector.shape_cast %reduce_sum3A_1003 : vector<256xf32> to vector<1x256xf32>
    tpu.vector_store %arg3[%swap3A_1004, %swap3A_1005], %swap3A_1008 {strides = array<i32>} : memref<351x256xf32, #tpu.memory_space<vmem>>, vector<1x256xf32>,
    %slice3A_1009 = vector.extract_strided_slice %transpose3A_11 {offsets = [0, 0], sizes = [64, 256], strides = [1, 1]} : vector<128x256xf32> to vector<64x256xf32>
    %slice3A_1010 = vector.extract_strided_slice %transpose3A_15 {offsets = [64, 0], sizes = [64, 256], strides = [1, 1]} : vector<128x256xf32> to vector<64x256xf32>
    %mul3A_1011 = arith.mulf %slice3A_1009, %slice3A_1010 : vector<64x256xf32>
    %reduce_sum3A_1012 = arith.constant dense<0.000000e+00> : vector<256xf32>
    %reduce_sum3A_1013 = vector.multi_reduction <add>, %mul3A_1011, %reduce_sum3A_1012 [0] : vector<64x256xf32> to vector<256xf32>
    %swap3A_1014 = arith.constant 96 : index
    %swap3A_1015 = arith.constant 0 : index
    %swap3A_1016 = vector.load %arg3[%swap3A_1014, %swap3A_1015] : memref<351x256xf32, #tpu.memory_space<vmem>>, vector<1x256xf32>
    %swap3A_1017 = vector.shape_cast %swap3A_1016 : vector<1x256xf32> to vector<256xf32>
    %swap3A_1018 = vector.shape_cast %reduce_sum3A_1013 : vector<256xf32> to vector<1x256xf32>
    tpu.vector_store %arg3[%swap3A_1014, %swap3A_1015], %swap3A_1018 {strides = array<i32>} : memref<351x256xf32, #tpu.memory_space<vmem>>, vector<1x256xf32>,
    %slice3A_1019 = vector.extract_strided_slice %transpose3A_11 {offsets = [0, 0], sizes = [64, 256], strides = [1, 1]} : vector<128x256xf32> to vector<64x256xf32>
    %slice3A_1020 = vector.extract_strided_slice %transpose3A_19 {offsets = [0, 0], sizes = [64, 256], strides = [1, 1]} : vector<128x256xf32> to vector<64x256xf32>
    %mul3A_1021 = arith.mulf %slice3A_1019, %slice3A_1020 : vector<64x256xf32>
    %reduce_sum3A_1022 = arith.constant dense<0.000000e+00> : vector<256xf32>
    %reduce_sum3A_1023 = vector.multi_reduction <add>, %mul3A_1021, %reduce_sum3A_1022 [0] : vector<64x256xf32> to vector<256xf32>
    %swap3A_1024 = arith.constant 97 : index
    %swap3A_1025 = arith.constant 0 : index
    %swap3A_1026 = vector.load %arg3[%swap3A_1024, %swap3A_1025] : memref<351x256xf32, #tpu.memory_space<vmem>>, vector<1x256xf32>
    %swap3A_1027 = vector.shape_cast %swap3A_1026 : vector<1x256xf32> to vector<256xf32>
    %swap3A_1028 = vector.shape_cast %reduce_sum3A_1023 : vector<256xf32> to vector<1x256xf32>
    tpu.vector_store %arg3[%swap3A_1024, %swap3A_1025], %swap3A_1028 {strides = array<i32>} : memref<351x256xf32, #tpu.memory_space<vmem>>, vector<1x256xf32>,
    %slice3A_1029 = vector.extract_strided_slice %transpose3A_11 {offsets = [0, 0], sizes = [64, 256], strides = [1, 1]} : vector<128x256xf32> to vector<64x256xf32>
    %slice3A_1030 = vector.extract_strided_slice %transpose3A_19 {offsets = [64, 0], sizes = [64, 256], strides = [1, 1]} : vector<128x256xf32> to vector<64x256xf32>
    %mul3A_1031 = arith.mulf %slice3A_1029, %slice3A_1030 : vector<64x256xf32>
    %reduce_sum3A_1032 = arith.constant dense<0.000000e+00> : vector<256xf32>
    %reduce_sum3A_1033 = vector.multi_reduction <add>, %mul3A_1031, %reduce_sum3A_1032 [0] : vector<64x256xf32> to vector<256xf32>
    %swap3A_1034 = arith.constant 98 : index
    %swap3A_1035 = arith.constant 0 : index
    %swap3A_1036 = vector.load %arg3[%swap3A_1034, %swap3A_1035] : memref<351x256xf32, #tpu.memory_space<vmem>>, vector<1x256xf32>
    %swap3A_1037 = vector.shape_cast %swap3A_1036 : vector<1x256xf32> to vector<256xf32>
    %swap3A_1038 = vector.shape_cast %reduce_sum3A_1033 : vector<256xf32> to vector<1x256xf32>
    tpu.vector_store %arg3[%swap3A_1034, %swap3A_1035], %swap3A_1038 {strides = array<i32>} : memref<351x256xf32, #tpu.memory_space<vmem>>, vector<1x256xf32>,
    %slice3A_1039 = vector.extract_strided_slice %transpose3A_11 {offsets = [0, 0], sizes = [64, 256], strides = [1, 1]} : vector<128x256xf32> to vector<64x256xf32>
    %slice3A_1040 = vector.extract_strided_slice %transpose3A_23 {offsets = [0, 0], sizes = [64, 256], strides = [1, 1]} : vector<128x256xf32> to vector<64x256xf32>
    %mul3A_1041 = arith.mulf %slice3A_1039, %slice3A_1040 : vector<64x256xf32>
    %reduce_sum3A_1042 = arith.constant dense<0.000000e+00> : vector<256xf32>
    %reduce_sum3A_1043 = vector.multi_reduction <add>, %mul3A_1041, %reduce_sum3A_1042 [0] : vector<64x256xf32> to vector<256xf32>
    %swap3A_1044 = arith.constant 99 : index
    %swap3A_1045 = arith.constant 0 : index
    %swap3A_1046 = vector.load %arg3[%swap3A_1044, %swap3A_1045] : memref<351x256xf32, #tpu.memory_space<vmem>>, vector<1x256xf32>
    %swap3A_1047 = vector.shape_cast %swap3A_1046 : vector<1x256xf32> to vector<256xf32>
    %swap3A_1048 = vector.shape_cast %reduce_sum3A_1043 : vector<256xf32> to vector<1x256xf32>
    tpu.vector_store %arg3[%swap3A_1044, %swap3A_1045], %swap3A_1048 {strides = array<i32>} : memref<351x256xf32, #tpu.memory_space<vmem>>, vector<1x256xf32>,
    %slice3A_1049 = vector.extract_strided_slice %transpose3A_11 {offsets = [0, 0], sizes = [64, 256], strides = [1, 1]} : vector<128x256xf32> to vector<64x256xf32>
    %slice3A_1050 = vector.extract_strided_slice %transpose3A_23 {offsets = [64, 0], sizes = [64, 256], strides = [1, 1]} : vector<128x256xf32> to vector<64x256xf32>
    %mul3A_1051 = arith.mulf %slice3A_1049, %slice3A_1050 : vector<64x256xf32>
    %reduce_sum3A_1052 = arith.constant dense<0.000000e+00> : vector<256xf32>
    %reduce_sum3A_1053 = vector.multi_reduction <add>, %mul3A_1051, %reduce_sum3A_1052 [0] : vector<64x256xf32> to vector<256xf32>
    %swap3A_1054 = arith.constant 100 : index
    %swap3A_1055 = arith.constant 0 : index
    %swap3A_1056 = vector.load %arg3[%swap3A_1054, %swap3A_1055] : memref<351x256xf32, #tpu.memory_space<vmem>>, vector<1x256xf32>
    %swap3A_1057 = vector.shape_cast %swap3A_1056 : vector<1x256xf32> to vector<256xf32>
    %swap3A_1058 = vector.shape_cast %reduce_sum3A_1053 : vector<256xf32> to vector<1x256xf32>
    tpu.vector_store %arg3[%swap3A_1054, %swap3A_1055], %swap3A_1058 {strides = array<i32>} : memref<351x256xf32, #tpu.memory_space<vmem>>, vector<1x256xf32>,
    %slice3A_1059 = vector.extract_strided_slice %transpose3A_11 {offsets = [0, 0], sizes = [64, 256], strides = [1, 1]} : vector<128x256xf32> to vector<64x256xf32>
    %slice3A_1060 = vector.extract_strided_slice %transpose3A_27 {offsets = [0, 0], sizes = [64, 256], strides = [1, 1]} : vector<128x256xf32> to vector<64x256xf32>
    %mul3A_1061 = arith.mulf %slice3A_1059, %slice3A_1060 : vector<64x256xf32>
    %reduce_sum3A_1062 = arith.constant dense<0.000000e+00> : vector<256xf32>
    %reduce_sum3A_1063 = vector.multi_reduction <add>, %mul3A_1061, %reduce_sum3A_1062 [0] : vector<64x256xf32> to vector<256xf32>
    %swap3A_1064 = arith.constant 101 : index
    %swap3A_1065 = arith.constant 0 : index
    %swap3A_1066 = vector.load %arg3[%swap3A_1064, %swap3A_1065] : memref<351x256xf32, #tpu.memory_space<vmem>>, vector<1x256xf32>
    %swap3A_1067 = vector.shape_cast %swap3A_1066 : vector<1x256xf32> to vector<256xf32>
    %swap3A_1068 = vector.shape_cast %reduce_sum3A_1063 : vector<256xf32> to vector<1x256xf32>
    tpu.vector_store %arg3[%swap3A_1064, %swap3A_1065], %swap3A_1068 {strides = array<i32>} : memref<351x256xf32, #tpu.memory_space<vmem>>, vector<1x256xf32>,
    %slice3A_1069 = vector.extract_strided_slice %transpose3A_11 {offsets = [0, 0], sizes = [64, 256], strides = [1, 1]} : vector<128x256xf32> to vector<64x256xf32>
    %slice3A_1070 = vector.extract_strided_slice %transpose3A_27 {offsets = [64, 0], sizes = [64, 256], strides = [1, 1]} : vector<128x256xf32> to vector<64x256xf32>
    %mul3A_1071 = arith.mulf %slice3A_1069, %slice3A_1070 : vector<64x256xf32>
    %reduce_sum3A_1072 = arith.constant dense<0.000000e+00> : vector<256xf32>
    %reduce_sum3A_1073 = vector.multi_reduction <add>, %mul3A_1071, %reduce_sum3A_1072 [0] : vector<64x256xf32> to vector<256xf32>
    %swap3A_1074 = arith.constant 102 : index
    %swap3A_1075 = arith.constant 0 : index
    %swap3A_1076 = vector.load %arg3[%swap3A_1074, %swap3A_1075] : memref<351x256xf32, #tpu.memory_space<vmem>>, vector<1x256xf32>
    %swap3A_1077 = vector.shape_cast %swap3A_1076 : vector<1x256xf32> to vector<256xf32>
    %swap3A_1078 = vector.shape_cast %reduce_sum3A_1073 : vector<256xf32> to vector<1x256xf32>
    tpu.vector_store %arg3[%swap3A_1074, %swap3A_1075], %swap3A_1078 {strides = array<i32>} : memref<351x256xf32, #tpu.memory_space<vmem>>, vector<1x256xf32>,
    %slice3A_1079 = vector.extract_strided_slice %transpose3A_11 {offsets = [0, 0], sizes = [64, 256], strides = [1, 1]} : vector<128x256xf32> to vector<64x256xf32>
    %slice3A_1080 = vector.extract_strided_slice %transpose3A_31 {offsets = [0, 0], sizes = [64, 256], strides = [1, 1]} : vector<128x256xf32> to vector<64x256xf32>
    %mul3A_1081 = arith.mulf %slice3A_1079, %slice3A_1080 : vector<64x256xf32>
    %reduce_sum3A_1082 = arith.constant dense<0.000000e+00> : vector<256xf32>
    %reduce_sum3A_1083 = vector.multi_reduction <add>, %mul3A_1081, %reduce_sum3A_1082 [0] : vector<64x256xf32> to vector<256xf32>
    %swap3A_1084 = arith.constant 103 : index
    %swap3A_1085 = arith.constant 0 : index
    %swap3A_1086 = vector.load %arg3[%swap3A_1084, %swap3A_1085] : memref<351x256xf32, #tpu.memory_space<vmem>>, vector<1x256xf32>
    %swap3A_1087 = vector.shape_cast %swap3A_1086 : vector<1x256xf32> to vector<256xf32>
    %swap3A_1088 = vector.shape_cast %reduce_sum3A_1083 : vector<256xf32> to vector<1x256xf32>
    tpu.vector_store %arg3[%swap3A_1084, %swap3A_1085], %swap3A_1088 {strides = array<i32>} : memref<351x256xf32, #tpu.memory_space<vmem>>, vector<1x256xf32>,
    %slice3A_1089 = vector.extract_strided_slice %transpose3A_11 {offsets = [0, 0], sizes = [64, 256], strides = [1, 1]} : vector<128x256xf32> to vector<64x256xf32>
    %slice3A_1090 = vector.extract_strided_slice %transpose3A_31 {offsets = [64, 0], sizes = [64, 256], strides = [1, 1]} : vector<128x256xf32> to vector<64x256xf32>
    %mul3A_1091 = arith.mulf %slice3A_1089, %slice3A_1090 : vector<64x256xf32>
    %reduce_sum3A_1092 = arith.constant dense<0.000000e+00> : vector<256xf32>
    %reduce_sum3A_1093 = vector.multi_reduction <add>, %mul3A_1091, %reduce_sum3A_1092 [0] : vector<64x256xf32> to vector<256xf32>
    %swap3A_1094 = arith.constant 104 : index
    %swap3A_1095 = arith.constant 0 : index
    %swap3A_1096 = vector.load %arg3[%swap3A_1094, %swap3A_1095] : memref<351x256xf32, #tpu.memory_space<vmem>>, vector<1x256xf32>
    %swap3A_1097 = vector.shape_cast %swap3A_1096 : vector<1x256xf32> to vector<256xf32>
    %swap3A_1098 = vector.shape_cast %reduce_sum3A_1093 : vector<256xf32> to vector<1x256xf32>
    tpu.vector_store %arg3[%swap3A_1094, %swap3A_1095], %swap3A_1098 {strides = array<i32>} : memref<351x256xf32, #tpu.memory_space<vmem>>, vector<1x256xf32>,
    %slice3A_1099 = vector.extract_strided_slice %transpose3A_11 {offsets = [0, 0], sizes = [64, 256], strides = [1, 1]} : vector<128x256xf32> to vector<64x256xf32>
    %slice3A_1100 = vector.extract_strided_slice %transpose3A_35 {offsets = [0, 0], sizes = [64, 256], strides = [1, 1]} : vector<128x256xf32> to vector<64x256xf32>
    %mul3A_1101 = arith.mulf %slice3A_1099, %slice3A_1100 : vector<64x256xf32>
    %reduce_sum3A_1102 = arith.constant dense<0.000000e+00> : vector<256xf32>
    %reduce_sum3A_1103 = vector.multi_reduction <add>, %mul3A_1101, %reduce_sum3A_1102 [0] : vector<64x256xf32> to vector<256xf32>
    %swap3A_1104 = arith.constant 105 : index
    %swap3A_1105 = arith.constant 0 : index
    %swap3A_1106 = vector.load %arg3[%swap3A_1104, %swap3A_1105] : memref<351x256xf32, #tpu.memory_space<vmem>>, vector<1x256xf32>
    %swap3A_1107 = vector.shape_cast %swap3A_1106 : vector<1x256xf32> to vector<256xf32>
    %swap3A_1108 = vector.shape_cast %reduce_sum3A_1103 : vector<256xf32> to vector<1x256xf32>
    tpu.vector_store %arg3[%swap3A_1104, %swap3A_1105], %swap3A_1108 {strides = array<i32>} : memref<351x256xf32, #tpu.memory_space<vmem>>, vector<1x256xf32>,
    %slice3A_1109 = vector.extract_strided_slice %transpose3A_11 {offsets = [0, 0], sizes = [64, 256], strides = [1, 1]} : vector<128x256xf32> to vector<64x256xf32>
    %slice3A_1110 = vector.extract_strided_slice %transpose3A_35 {offsets = [64, 0], sizes = [64, 256], strides = [1, 1]} : vector<128x256xf32> to vector<64x256xf32>
    %mul3A_1111 = arith.mulf %slice3A_1109, %slice3A_1110 : vector<64x256xf32>
    %reduce_sum3A_1112 = arith.constant dense<0.000000e+00> : vector<256xf32>
    %reduce_sum3A_1113 = vector.multi_reduction <add>, %mul3A_1111, %reduce_sum3A_1112 [0] : vector<64x256xf32> to vector<256xf32>
    %swap3A_1114 = arith.constant 106 : index
    %swap3A_1115 = arith.constant 0 : index
    %swap3A_1116 = vector.load %arg3[%swap3A_1114, %swap3A_1115] : memref<351x256xf32, #tpu.memory_space<vmem>>, vector<1x256xf32>
    %swap3A_1117 = vector.shape_cast %swap3A_1116 : vector<1x256xf32> to vector<256xf32>
    %swap3A_1118 = vector.shape_cast %reduce_sum3A_1113 : vector<256xf32> to vector<1x256xf32>
    tpu.vector_store %arg3[%swap3A_1114, %swap3A_1115], %swap3A_1118 {strides = array<i32>} : memref<351x256xf32, #tpu.memory_space<vmem>>, vector<1x256xf32>,
    %slice3A_1119 = vector.extract_strided_slice %transpose3A_11 {offsets = [0, 0], sizes = [64, 256], strides = [1, 1]} : vector<128x256xf32> to vector<64x256xf32>
    %slice3A_1120 = vector.extract_strided_slice %transpose3A_39 {offsets = [0, 0], sizes = [64, 256], strides = [1, 1]} : vector<128x256xf32> to vector<64x256xf32>
    %mul3A_1121 = arith.mulf %slice3A_1119, %slice3A_1120 : vector<64x256xf32>
    %reduce_sum3A_1122 = arith.constant dense<0.000000e+00> : vector<256xf32>
    %reduce_sum3A_1123 = vector.multi_reduction <add>, %mul3A_1121, %reduce_sum3A_1122 [0] : vector<64x256xf32> to vector<256xf32>
    %swap3A_1124 = arith.constant 107 : index
    %swap3A_1125 = arith.constant 0 : index
    %swap3A_1126 = vector.load %arg3[%swap3A_1124, %swap3A_1125] : memref<351x256xf32, #tpu.memory_space<vmem>>, vector<1x256xf32>
    %swap3A_1127 = vector.shape_cast %swap3A_1126 : vector<1x256xf32> to vector<256xf32>
    %swap3A_1128 = vector.shape_cast %reduce_sum3A_1123 : vector<256xf32> to vector<1x256xf32>
    tpu.vector_store %arg3[%swap3A_1124, %swap3A_1125], %swap3A_1128 {strides = array<i32>} : memref<351x256xf32, #tpu.memory_space<vmem>>, vector<1x256xf32>,
    %slice3A_1129 = vector.extract_strided_slice %transpose3A_11 {offsets = [0, 0], sizes = [64, 256], strides = [1, 1]} : vector<128x256xf32> to vector<64x256xf32>
    %slice3A_1130 = vector.extract_strided_slice %transpose3A_39 {offsets = [64, 0], sizes = [64, 256], strides = [1, 1]} : vector<128x256xf32> to vector<64x256xf32>
    %mul3A_1131 = arith.mulf %slice3A_1129, %slice3A_1130 : vector<64x256xf32>
    %reduce_sum3A_1132 = arith.constant dense<0.000000e+00> : vector<256xf32>
    %reduce_sum3A_1133 = vector.multi_reduction <add>, %mul3A_1131, %reduce_sum3A_1132 [0] : vector<64x256xf32> to vector<256xf32>
    %swap3A_1134 = arith.constant 108 : index
    %swap3A_1135 = arith.constant 0 : index
    %swap3A_1136 = vector.load %arg3[%swap3A_1134, %swap3A_1135] : memref<351x256xf32, #tpu.memory_space<vmem>>, vector<1x256xf32>
    %swap3A_1137 = vector.shape_cast %swap3A_1136 : vector<1x256xf32> to vector<256xf32>
    %swap3A_1138 = vector.shape_cast %reduce_sum3A_1133 : vector<256xf32> to vector<1x256xf32>
    tpu.vector_store %arg3[%swap3A_1134, %swap3A_1135], %swap3A_1138 {strides = array<i32>} : memref<351x256xf32, #tpu.memory_space<vmem>>, vector<1x256xf32>,
    %slice3A_1139 = vector.extract_strided_slice %transpose3A_11 {offsets = [0, 0], sizes = [64, 256], strides = [1, 1]} : vector<128x256xf32> to vector<64x256xf32>
    %slice3A_1140 = vector.extract_strided_slice %transpose3A_43 {offsets = [0, 0], sizes = [64, 256], strides = [1, 1]} : vector<128x256xf32> to vector<64x256xf32>
    %mul3A_1141 = arith.mulf %slice3A_1139, %slice3A_1140 : vector<64x256xf32>
    %reduce_sum3A_1142 = arith.constant dense<0.000000e+00> : vector<256xf32>
    %reduce_sum3A_1143 = vector.multi_reduction <add>, %mul3A_1141, %reduce_sum3A_1142 [0] : vector<64x256xf32> to vector<256xf32>
    %swap3A_1144 = arith.constant 109 : index
    %swap3A_1145 = arith.constant 0 : index
    %swap3A_1146 = vector.load %arg3[%swap3A_1144, %swap3A_1145] : memref<351x256xf32, #tpu.memory_space<vmem>>, vector<1x256xf32>
    %swap3A_1147 = vector.shape_cast %swap3A_1146 : vector<1x256xf32> to vector<256xf32>
    %swap3A_1148 = vector.shape_cast %reduce_sum3A_1143 : vector<256xf32> to vector<1x256xf32>
    tpu.vector_store %arg3[%swap3A_1144, %swap3A_1145], %swap3A_1148 {strides = array<i32>} : memref<351x256xf32, #tpu.memory_space<vmem>>, vector<1x256xf32>,
    %slice3A_1149 = vector.extract_strided_slice %transpose3A_11 {offsets = [0, 0], sizes = [64, 256], strides = [1, 1]} : vector<128x256xf32> to vector<64x256xf32>
    %slice3A_1150 = vector.extract_strided_slice %transpose3A_43 {offsets = [64, 0], sizes = [64, 256], strides = [1, 1]} : vector<128x256xf32> to vector<64x256xf32>
    %mul3A_1151 = arith.mulf %slice3A_1149, %slice3A_1150 : vector<64x256xf32>
    %reduce_sum3A_1152 = arith.constant dense<0.000000e+00> : vector<256xf32>
    %reduce_sum3A_1153 = vector.multi_reduction <add>, %mul3A_1151, %reduce_sum3A_1152 [0] : vector<64x256xf32> to vector<256xf32>
    %swap3A_1154 = arith.constant 110 : index
    %swap3A_1155 = arith.constant 0 : index
    %swap3A_1156 = vector.load %arg3[%swap3A_1154, %swap3A_1155] : memref<351x256xf32, #tpu.memory_space<vmem>>, vector<1x256xf32>
    %swap3A_1157 = vector.shape_cast %swap3A_1156 : vector<1x256xf32> to vector<256xf32>
    %swap3A_1158 = vector.shape_cast %reduce_sum3A_1153 : vector<256xf32> to vector<1x256xf32>
    tpu.vector_store %arg3[%swap3A_1154, %swap3A_1155], %swap3A_1158 {strides = array<i32>} : memref<351x256xf32, #tpu.memory_space<vmem>>, vector<1x256xf32>,
    %slice3A_1159 = vector.extract_strided_slice %transpose3A_11 {offsets = [0, 0], sizes = [64, 256], strides = [1, 1]} : vector<128x256xf32> to vector<64x256xf32>
    %slice3A_1160 = vector.extract_strided_slice %transpose3A_47 {offsets = [0, 0], sizes = [64, 256], strides = [1, 1]} : vector<128x256xf32> to vector<64x256xf32>
    %mul3A_1161 = arith.mulf %slice3A_1159, %slice3A_1160 : vector<64x256xf32>
    %reduce_sum3A_1162 = arith.constant dense<0.000000e+00> : vector<256xf32>
    %reduce_sum3A_1163 = vector.multi_reduction <add>, %mul3A_1161, %reduce_sum3A_1162 [0] : vector<64x256xf32> to vector<256xf32>
    %swap3A_1164 = arith.constant 111 : index
    %swap3A_1165 = arith.constant 0 : index
    %swap3A_1166 = vector.load %arg3[%swap3A_1164, %swap3A_1165] : memref<351x256xf32, #tpu.memory_space<vmem>>, vector<1x256xf32>
    %swap3A_1167 = vector.shape_cast %swap3A_1166 : vector<1x256xf32> to vector<256xf32>
    %swap3A_1168 = vector.shape_cast %reduce_sum3A_1163 : vector<256xf32> to vector<1x256xf32>
    tpu.vector_store %arg3[%swap3A_1164, %swap3A_1165], %swap3A_1168 {strides = array<i32>} : memref<351x256xf32, #tpu.memory_space<vmem>>, vector<1x256xf32>,
    %slice3A_1169 = vector.extract_strided_slice %transpose3A_11 {offsets = [0, 0], sizes = [64, 256], strides = [1, 1]} : vector<128x256xf32> to vector<64x256xf32>
    %slice3A_1170 = vector.extract_strided_slice %transpose3A_47 {offsets = [64, 0], sizes = [64, 256], strides = [1, 1]} : vector<128x256xf32> to vector<64x256xf32>
    %mul3A_1171 = arith.mulf %slice3A_1169, %slice3A_1170 : vector<64x256xf32>
    %reduce_sum3A_1172 = arith.constant dense<0.000000e+00> : vector<256xf32>
    %reduce_sum3A_1173 = vector.multi_reduction <add>, %mul3A_1171, %reduce_sum3A_1172 [0] : vector<64x256xf32> to vector<256xf32>
    %swap3A_1174 = arith.constant 112 : index
    %swap3A_1175 = arith.constant 0 : index
    %swap3A_1176 = vector.load %arg3[%swap3A_1174, %swap3A_1175] : memref<351x256xf32, #tpu.memory_space<vmem>>, vector<1x256xf32>
    %swap3A_1177 = vector.shape_cast %swap3A_1176 : vector<1x256xf32> to vector<256xf32>
    %swap3A_1178 = vector.shape_cast %reduce_sum3A_1173 : vector<256xf32> to vector<1x256xf32>
    tpu.vector_store %arg3[%swap3A_1174, %swap3A_1175], %swap3A_1178 {strides = array<i32>} : memref<351x256xf32, #tpu.memory_space<vmem>>, vector<1x256xf32>,
    %slice3A_1179 = vector.extract_strided_slice %transpose3A_11 {offsets = [0, 0], sizes = [64, 256], strides = [1, 1]} : vector<128x256xf32> to vector<64x256xf32>
    %slice3A_1180 = vector.extract_strided_slice %transpose3A_51 {offsets = [0, 0], sizes = [64, 256], strides = [1, 1]} : vector<128x256xf32> to vector<64x256xf32>
    %mul3A_1181 = arith.mulf %slice3A_1179, %slice3A_1180 : vector<64x256xf32>
    %reduce_sum3A_1182 = arith.constant dense<0.000000e+00> : vector<256xf32>
    %reduce_sum3A_1183 = vector.multi_reduction <add>, %mul3A_1181, %reduce_sum3A_1182 [0] : vector<64x256xf32> to vector<256xf32>
    %swap3A_1184 = arith.constant 113 : index
    %swap3A_1185 = arith.constant 0 : index
    %swap3A_1186 = vector.load %arg3[%swap3A_1184, %swap3A_1185] : memref<351x256xf32, #tpu.memory_space<vmem>>, vector<1x256xf32>
    %swap3A_1187 = vector.shape_cast %swap3A_1186 : vector<1x256xf32> to vector<256xf32>
    %swap3A_1188 = vector.shape_cast %reduce_sum3A_1183 : vector<256xf32> to vector<1x256xf32>
    tpu.vector_store %arg3[%swap3A_1184, %swap3A_1185], %swap3A_1188 {strides = array<i32>} : memref<351x256xf32, #tpu.memory_space<vmem>>, vector<1x256xf32>,
    %slice3A_1189 = vector.extract_strided_slice %transpose3A_11 {offsets = [0, 0], sizes = [64, 256], strides = [1, 1]} : vector<128x256xf32> to vector<64x256xf32>
    %slice3A_1190 = vector.extract_strided_slice %transpose3A_51 {offsets = [64, 0], sizes = [64, 256], strides = [1, 1]} : vector<128x256xf32> to vector<64x256xf32>
    %mul3A_1191 = arith.mulf %slice3A_1189, %slice3A_1190 : vector<64x256xf32>
    %reduce_sum3A_1192 = arith.constant dense<0.000000e+00> : vector<256xf32>
    %reduce_sum3A_1193 = vector.multi_reduction <add>, %mul3A_1191, %reduce_sum3A_1192 [0] : vector<64x256xf32> to vector<256xf32>
    %swap3A_1194 = arith.constant 114 : index
    %swap3A_1195 = arith.constant 0 : index
    %swap3A_1196 = vector.load %arg3[%swap3A_1194, %swap3A_1195] : memref<351x256xf32, #tpu.memory_space<vmem>>, vector<1x256xf32>
    %swap3A_1197 = vector.shape_cast %swap3A_1196 : vector<1x256xf32> to vector<256xf32>
    %swap3A_1198 = vector.shape_cast %reduce_sum3A_1193 : vector<256xf32> to vector<1x256xf32>
    tpu.vector_store %arg3[%swap3A_1194, %swap3A_1195], %swap3A_1198 {strides = array<i32>} : memref<351x256xf32, #tpu.memory_space<vmem>>, vector<1x256xf32>,
    %slice3A_1199 = vector.extract_strided_slice %transpose3A_11 {offsets = [64, 0], sizes = [64, 256], strides = [1, 1]} : vector<128x256xf32> to vector<64x256xf32>
    %slice3A_1200 = vector.extract_strided_slice %transpose3A_15 {offsets = [0, 0], sizes = [64, 256], strides = [1, 1]} : vector<128x256xf32> to vector<64x256xf32>
    %mul3A_1201 = arith.mulf %slice3A_1199, %slice3A_1200 : vector<64x256xf32>
    %reduce_sum3A_1202 = arith.constant dense<0.000000e+00> : vector<256xf32>
    %reduce_sum3A_1203 = vector.multi_reduction <add>, %mul3A_1201, %reduce_sum3A_1202 [0] : vector<64x256xf32> to vector<256xf32>
    %swap3A_1204 = arith.constant 115 : index
    %swap3A_1205 = arith.constant 0 : index
    %swap3A_1206 = vector.load %arg3[%swap3A_1204, %swap3A_1205] : memref<351x256xf32, #tpu.memory_space<vmem>>, vector<1x256xf32>
    %swap3A_1207 = vector.shape_cast %swap3A_1206 : vector<1x256xf32> to vector<256xf32>
    %swap3A_1208 = vector.shape_cast %reduce_sum3A_1203 : vector<256xf32> to vector<1x256xf32>
    tpu.vector_store %arg3[%swap3A_1204, %swap3A_1205], %swap3A_1208 {strides = array<i32>} : memref<351x256xf32, #tpu.memory_space<vmem>>, vector<1x256xf32>,
    %slice3A_1209 = vector.extract_strided_slice %transpose3A_11 {offsets = [64, 0], sizes = [64, 256], strides = [1, 1]} : vector<128x256xf32> to vector<64x256xf32>
    %slice3A_1210 = vector.extract_strided_slice %transpose3A_15 {offsets = [64, 0], sizes = [64, 256], strides = [1, 1]} : vector<128x256xf32> to vector<64x256xf32>
    %mul3A_1211 = arith.mulf %slice3A_1209, %slice3A_1210 : vector<64x256xf32>
    %reduce_sum3A_1212 = arith.constant dense<0.000000e+00> : vector<256xf32>
    %reduce_sum3A_1213 = vector.multi_reduction <add>, %mul3A_1211, %reduce_sum3A_1212 [0] : vector<64x256xf32> to vector<256xf32>
    %swap3A_1214 = arith.constant 116 : index
    %swap3A_1215 = arith.constant 0 : index
    %swap3A_1216 = vector.load %arg3[%swap3A_1214, %swap3A_1215] : memref<351x256xf32, #tpu.memory_space<vmem>>, vector<1x256xf32>
    %swap3A_1217 = vector.shape_cast %swap3A_1216 : vector<1x256xf32> to vector<256xf32>
    %swap3A_1218 = vector.shape_cast %reduce_sum3A_1213 : vector<256xf32> to vector<1x256xf32>
    tpu.vector_store %arg3[%swap3A_1214, %swap3A_1215], %swap3A_1218 {strides = array<i32>} : memref<351x256xf32, #tpu.memory_space<vmem>>, vector<1x256xf32>,
    %slice3A_1219 = vector.extract_strided_slice %transpose3A_11 {offsets = [64, 0], sizes = [64, 256], strides = [1, 1]} : vector<128x256xf32> to vector<64x256xf32>
    %slice3A_1220 = vector.extract_strided_slice %transpose3A_19 {offsets = [0, 0], sizes = [64, 256], strides = [1, 1]} : vector<128x256xf32> to vector<64x256xf32>
    %mul3A_1221 = arith.mulf %slice3A_1219, %slice3A_1220 : vector<64x256xf32>
    %reduce_sum3A_1222 = arith.constant dense<0.000000e+00> : vector<256xf32>
    %reduce_sum3A_1223 = vector.multi_reduction <add>, %mul3A_1221, %reduce_sum3A_1222 [0] : vector<64x256xf32> to vector<256xf32>
    %swap3A_1224 = arith.constant 117 : index
    %swap3A_1225 = arith.constant 0 : index
    %swap3A_1226 = vector.load %arg3[%swap3A_1224, %swap3A_1225] : memref<351x256xf32, #tpu.memory_space<vmem>>, vector<1x256xf32>
    %swap3A_1227 = vector.shape_cast %swap3A_1226 : vector<1x256xf32> to vector<256xf32>
    %swap3A_1228 = vector.shape_cast %reduce_sum3A_1223 : vector<256xf32> to vector<1x256xf32>
    tpu.vector_store %arg3[%swap3A_1224, %swap3A_1225], %swap3A_1228 {strides = array<i32>} : memref<351x256xf32, #tpu.memory_space<vmem>>, vector<1x256xf32>,
    %slice3A_1229 = vector.extract_strided_slice %transpose3A_11 {offsets = [64, 0], sizes = [64, 256], strides = [1, 1]} : vector<128x256xf32> to vector<64x256xf32>
    %slice3A_1230 = vector.extract_strided_slice %transpose3A_19 {offsets = [64, 0], sizes = [64, 256], strides = [1, 1]} : vector<128x256xf32> to vector<64x256xf32>
    %mul3A_1231 = arith.mulf %slice3A_1229, %slice3A_1230 : vector<64x256xf32>
    %reduce_sum3A_1232 = arith.constant dense<0.000000e+00> : vector<256xf32>
    %reduce_sum3A_1233 = vector.multi_reduction <add>, %mul3A_1231, %reduce_sum3A_1232 [0] : vector<64x256xf32> to vector<256xf32>
    %swap3A_1234 = arith.constant 118 : index
    %swap3A_1235 = arith.constant 0 : index
    %swap3A_1236 = vector.load %arg3[%swap3A_1234, %swap3A_1235] : memref<351x256xf32, #tpu.memory_space<vmem>>, vector<1x256xf32>
    %swap3A_1237 = vector.shape_cast %swap3A_1236 : vector<1x256xf32> to vector<256xf32>
    %swap3A_1238 = vector.shape_cast %reduce_sum3A_1233 : vector<256xf32> to vector<1x256xf32>
    tpu.vector_store %arg3[%swap3A_1234, %swap3A_1235], %swap3A_1238 {strides = array<i32>} : memref<351x256xf32, #tpu.memory_space<vmem>>, vector<1x256xf32>,
    %slice3A_1239 = vector.extract_strided_slice %transpose3A_11 {offsets = [64, 0], sizes = [64, 256], strides = [1, 1]} : vector<128x256xf32> to vector<64x256xf32>
    %slice3A_1240 = vector.extract_strided_slice %transpose3A_23 {offsets = [0, 0], sizes = [64, 256], strides = [1, 1]} : vector<128x256xf32> to vector<64x256xf32>
    %mul3A_1241 = arith.mulf %slice3A_1239, %slice3A_1240 : vector<64x256xf32>
    %reduce_sum3A_1242 = arith.constant dense<0.000000e+00> : vector<256xf32>
    %reduce_sum3A_1243 = vector.multi_reduction <add>, %mul3A_1241, %reduce_sum3A_1242 [0] : vector<64x256xf32> to vector<256xf32>
    %swap3A_1244 = arith.constant 119 : index
    %swap3A_1245 = arith.constant 0 : index
    %swap3A_1246 = vector.load %arg3[%swap3A_1244, %swap3A_1245] : memref<351x256xf32, #tpu.memory_space<vmem>>, vector<1x256xf32>
    %swap3A_1247 = vector.shape_cast %swap3A_1246 : vector<1x256xf32> to vector<256xf32>
    %swap3A_1248 = vector.shape_cast %reduce_sum3A_1243 : vector<256xf32> to vector<1x256xf32>
    tpu.vector_store %arg3[%swap3A_1244, %swap3A_1245], %swap3A_1248 {strides = array<i32>} : memref<351x256xf32, #tpu.memory_space<vmem>>, vector<1x256xf32>,
    %slice3A_1249 = vector.extract_strided_slice %transpose3A_11 {offsets = [64, 0], sizes = [64, 256], strides = [1, 1]} : vector<128x256xf32> to vector<64x256xf32>
    %slice3A_1250 = vector.extract_strided_slice %transpose3A_23 {offsets = [64, 0], sizes = [64, 256], strides = [1, 1]} : vector<128x256xf32> to vector<64x256xf32>
    %mul3A_1251 = arith.mulf %slice3A_1249, %slice3A_1250 : vector<64x256xf32>
    %reduce_sum3A_1252 = arith.constant dense<0.000000e+00> : vector<256xf32>
    %reduce_sum3A_1253 = vector.multi_reduction <add>, %mul3A_1251, %reduce_sum3A_1252 [0] : vector<64x256xf32> to vector<256xf32>
    %swap3A_1254 = arith.constant 120 : index
    %swap3A_1255 = arith.constant 0 : index
    %swap3A_1256 = vector.load %arg3[%swap3A_1254, %swap3A_1255] : memref<351x256xf32, #tpu.memory_space<vmem>>, vector<1x256xf32>
    %swap3A_1257 = vector.shape_cast %swap3A_1256 : vector<1x256xf32> to vector<256xf32>
    %swap3A_1258 = vector.shape_cast %reduce_sum3A_1253 : vector<256xf32> to vector<1x256xf32>
    tpu.vector_store %arg3[%swap3A_1254, %swap3A_1255], %swap3A_1258 {strides = array<i32>} : memref<351x256xf32, #tpu.memory_space<vmem>>, vector<1x256xf32>,
    %slice3A_1259 = vector.extract_strided_slice %transpose3A_11 {offsets = [64, 0], sizes = [64, 256], strides = [1, 1]} : vector<128x256xf32> to vector<64x256xf32>
    %slice3A_1260 = vector.extract_strided_slice %transpose3A_27 {offsets = [0, 0], sizes = [64, 256], strides = [1, 1]} : vector<128x256xf32> to vector<64x256xf32>
    %mul3A_1261 = arith.mulf %slice3A_1259, %slice3A_1260 : vector<64x256xf32>
    %reduce_sum3A_1262 = arith.constant dense<0.000000e+00> : vector<256xf32>
    %reduce_sum3A_1263 = vector.multi_reduction <add>, %mul3A_1261, %reduce_sum3A_1262 [0] : vector<64x256xf32> to vector<256xf32>
    %swap3A_1264 = arith.constant 121 : index
    %swap3A_1265 = arith.constant 0 : index
    %swap3A_1266 = vector.load %arg3[%swap3A_1264, %swap3A_1265] : memref<351x256xf32, #tpu.memory_space<vmem>>, vector<1x256xf32>
    %swap3A_1267 = vector.shape_cast %swap3A_1266 : vector<1x256xf32> to vector<256xf32>
    %swap3A_1268 = vector.shape_cast %reduce_sum3A_1263 : vector<256xf32> to vector<1x256xf32>
    tpu.vector_store %arg3[%swap3A_1264, %swap3A_1265], %swap3A_1268 {strides = array<i32>} : memref<351x256xf32, #tpu.memory_space<vmem>>, vector<1x256xf32>,
    %slice3A_1269 = vector.extract_strided_slice %transpose3A_11 {offsets = [64, 0], sizes = [64, 256], strides = [1, 1]} : vector<128x256xf32> to vector<64x256xf32>
    %slice3A_1270 = vector.extract_strided_slice %transpose3A_27 {offsets = [64, 0], sizes = [64, 256], strides = [1, 1]} : vector<128x256xf32> to vector<64x256xf32>
    %mul3A_1271 = arith.mulf %slice3A_1269, %slice3A_1270 : vector<64x256xf32>
    %reduce_sum3A_1272 = arith.constant dense<0.000000e+00> : vector<256xf32>
    %reduce_sum3A_1273 = vector.multi_reduction <add>, %mul3A_1271, %reduce_sum3A_1272 [0] : vector<64x256xf32> to vector<256xf32>
    %swap3A_1274 = arith.constant 122 : index
    %swap3A_1275 = arith.constant 0 : index
    %swap3A_1276 = vector.load %arg3[%swap3A_1274, %swap3A_1275] : memref<351x256xf32, #tpu.memory_space<vmem>>, vector<1x256xf32>
    %swap3A_1277 = vector.shape_cast %swap3A_1276 : vector<1x256xf32> to vector<256xf32>
    %swap3A_1278 = vector.shape_cast %reduce_sum3A_1273 : vector<256xf32> to vector<1x256xf32>
    tpu.vector_store %arg3[%swap3A_1274, %swap3A_1275], %swap3A_1278 {strides = array<i32>} : memref<351x256xf32, #tpu.memory_space<vmem>>, vector<1x256xf32>,
    %slice3A_1279 = vector.extract_strided_slice %transpose3A_11 {offsets = [64, 0], sizes = [64, 256], strides = [1, 1]} : vector<128x256xf32> to vector<64x256xf32>
    %slice3A_1280 = vector.extract_strided_slice %transpose3A_31 {offsets = [0, 0], sizes = [64, 256], strides = [1, 1]} : vector<128x256xf32> to vector<64x256xf32>
    %mul3A_1281 = arith.mulf %slice3A_1279, %slice3A_1280 : vector<64x256xf32>
    %reduce_sum3A_1282 = arith.constant dense<0.000000e+00> : vector<256xf32>
    %reduce_sum3A_1283 = vector.multi_reduction <add>, %mul3A_1281, %reduce_sum3A_1282 [0] : vector<64x256xf32> to vector<256xf32>
    %swap3A_1284 = arith.constant 123 : index
    %swap3A_1285 = arith.constant 0 : index
    %swap3A_1286 = vector.load %arg3[%swap3A_1284, %swap3A_1285] : memref<351x256xf32, #tpu.memory_space<vmem>>, vector<1x256xf32>
    %swap3A_1287 = vector.shape_cast %swap3A_1286 : vector<1x256xf32> to vector<256xf32>
    %swap3A_1288 = vector.shape_cast %reduce_sum3A_1283 : vector<256xf32> to vector<1x256xf32>
    tpu.vector_store %arg3[%swap3A_1284, %swap3A_1285], %swap3A_1288 {strides = array<i32>} : memref<351x256xf32, #tpu.memory_space<vmem>>, vector<1x256xf32>,
    %slice3A_1289 = vector.extract_strided_slice %transpose3A_11 {offsets = [64, 0], sizes = [64, 256], strides = [1, 1]} : vector<128x256xf32> to vector<64x256xf32>
    %slice3A_1290 = vector.extract_strided_slice %transpose3A_31 {offsets = [64, 0], sizes = [64, 256], strides = [1, 1]} : vector<128x256xf32> to vector<64x256xf32>
    %mul3A_1291 = arith.mulf %slice3A_1289, %slice3A_1290 : vector<64x256xf32>
    %reduce_sum3A_1292 = arith.constant dense<0.000000e+00> : vector<256xf32>
    %reduce_sum3A_1293 = vector.multi_reduction <add>, %mul3A_1291, %reduce_sum3A_1292 [0] : vector<64x256xf32> to vector<256xf32>
    %swap3A_1294 = arith.constant 124 : index
    %swap3A_1295 = arith.constant 0 : index
    %swap3A_1296 = vector.load %arg3[%swap3A_1294, %swap3A_1295] : memref<351x256xf32, #tpu.memory_space<vmem>>, vector<1x256xf32>
    %swap3A_1297 = vector.shape_cast %swap3A_1296 : vector<1x256xf32> to vector<256xf32>
    %swap3A_1298 = vector.shape_cast %reduce_sum3A_1293 : vector<256xf32> to vector<1x256xf32>
    tpu.vector_store %arg3[%swap3A_1294, %swap3A_1295], %swap3A_1298 {strides = array<i32>} : memref<351x256xf32, #tpu.memory_space<vmem>>, vector<1x256xf32>,
    %slice3A_1299 = vector.extract_strided_slice %transpose3A_11 {offsets = [64, 0], sizes = [64, 256], strides = [1, 1]} : vector<128x256xf32> to vector<64x256xf32>
    %slice3A_1300 = vector.extract_strided_slice %transpose3A_35 {offsets = [0, 0], sizes = [64, 256], strides = [1, 1]} : vector<128x256xf32> to vector<64x256xf32>
    %mul3A_1301 = arith.mulf %slice3A_1299, %slice3A_1300 : vector<64x256xf32>
    %reduce_sum3A_1302 = arith.constant dense<0.000000e+00> : vector<256xf32>
    %reduce_sum3A_1303 = vector.multi_reduction <add>, %mul3A_1301, %reduce_sum3A_1302 [0] : vector<64x256xf32> to vector<256xf32>
    %swap3A_1304 = arith.constant 125 : index
    %swap3A_1305 = arith.constant 0 : index
    %swap3A_1306 = vector.load %arg3[%swap3A_1304, %swap3A_1305] : memref<351x256xf32, #tpu.memory_space<vmem>>, vector<1x256xf32>
    %swap3A_1307 = vector.shape_cast %swap3A_1306 : vector<1x256xf32> to vector<256xf32>
    %swap3A_1308 = vector.shape_cast %reduce_sum3A_1303 : vector<256xf32> to vector<1x256xf32>
    tpu.vector_store %arg3[%swap3A_1304, %swap3A_1305], %swap3A_1308 {strides = array<i32>} : memref<351x256xf32, #tpu.memory_space<vmem>>, vector<1x256xf32>,
    %slice3A_1309 = vector.extract_strided_slice %transpose3A_11 {offsets = [64, 0], sizes = [64, 256], strides = [1, 1]} : vector<128x256xf32> to vector<64x256xf32>
    %slice3A_1310 = vector.extract_strided_slice %transpose3A_35 {offsets = [64, 0], sizes = [64, 256], strides = [1, 1]} : vector<128x256xf32> to vector<64x256xf32>
    %mul3A_1311 = arith.mulf %slice3A_1309, %slice3A_1310 : vector<64x256xf32>
    %reduce_sum3A_1312 = arith.constant dense<0.000000e+00> : vector<256xf32>
    %reduce_sum3A_1313 = vector.multi_reduction <add>, %mul3A_1311, %reduce_sum3A_1312 [0] : vector<64x256xf32> to vector<256xf32>
    %swap3A_1314 = arith.constant 126 : index
    %swap3A_1315 = arith.constant 0 : index
    %swap3A_1316 = vector.load %arg3[%swap3A_1314, %swap3A_1315] : memref<351x256xf32, #tpu.memory_space<vmem>>, vector<1x256xf32>
    %swap3A_1317 = vector.shape_cast %swap3A_1316 : vector<1x256xf32> to vector<256xf32>
    %swap3A_1318 = vector.shape_cast %reduce_sum3A_1313 : vector<256xf32> to vector<1x256xf32>
    tpu.vector_store %arg3[%swap3A_1314, %swap3A_1315], %swap3A_1318 {strides = array<i32>} : memref<351x256xf32, #tpu.memory_space<vmem>>, vector<1x256xf32>,
    %slice3A_1319 = vector.extract_strided_slice %transpose3A_11 {offsets = [64, 0], sizes = [64, 256], strides = [1, 1]} : vector<128x256xf32> to vector<64x256xf32>
    %slice3A_1320 = vector.extract_strided_slice %transpose3A_39 {offsets = [0, 0], sizes = [64, 256], strides = [1, 1]} : vector<128x256xf32> to vector<64x256xf32>
    %mul3A_1321 = arith.mulf %slice3A_1319, %slice3A_1320 : vector<64x256xf32>
    %reduce_sum3A_1322 = arith.constant dense<0.000000e+00> : vector<256xf32>
    %reduce_sum3A_1323 = vector.multi_reduction <add>, %mul3A_1321, %reduce_sum3A_1322 [0] : vector<64x256xf32> to vector<256xf32>
    %swap3A_1324 = arith.constant 127 : index
    %swap3A_1325 = arith.constant 0 : index
    %swap3A_1326 = vector.load %arg3[%swap3A_1324, %swap3A_1325] : memref<351x256xf32, #tpu.memory_space<vmem>>, vector<1x256xf32>
    %swap3A_1327 = vector.shape_cast %swap3A_1326 : vector<1x256xf32> to vector<256xf32>
    %swap3A_1328 = vector.shape_cast %reduce_sum3A_1323 : vector<256xf32> to vector<1x256xf32>
    tpu.vector_store %arg3[%swap3A_1324, %swap3A_1325], %swap3A_1328 {strides = array<i32>} : memref<351x256xf32, #tpu.memory_space<vmem>>, vector<1x256xf32>,
    %slice3A_1329 = vector.extract_strided_slice %transpose3A_11 {offsets = [64, 0], sizes = [64, 256], strides = [1, 1]} : vector<128x256xf32> to vector<64x256xf32>
    %slice3A_1330 = vector.extract_strided_slice %transpose3A_39 {offsets = [64, 0], sizes = [64, 256], strides = [1, 1]} : vector<128x256xf32> to vector<64x256xf32>
    %mul3A_1331 = arith.mulf %slice3A_1329, %slice3A_1330 : vector<64x256xf32>
    %reduce_sum3A_1332 = arith.constant dense<0.000000e+00> : vector<256xf32>
    %reduce_sum3A_1333 = vector.multi_reduction <add>, %mul3A_1331, %reduce_sum3A_1332 [0] : vector<64x256xf32> to vector<256xf32>
    %swap3A_1334 = arith.constant 128 : index
    %swap3A_1335 = arith.constant 0 : index
    %swap3A_1336 = vector.load %arg3[%swap3A_1334, %swap3A_1335] : memref<351x256xf32, #tpu.memory_space<vmem>>, vector<1x256xf32>
    %swap3A_1337 = vector.shape_cast %swap3A_1336 : vector<1x256xf32> to vector<256xf32>
    %swap3A_1338 = vector.shape_cast %reduce_sum3A_1333 : vector<256xf32> to vector<1x256xf32>
    tpu.vector_store %arg3[%swap3A_1334, %swap3A_1335], %swap3A_1338 {strides = array<i32>} : memref<351x256xf32, #tpu.memory_space<vmem>>, vector<1x256xf32>,
    %slice3A_1339 = vector.extract_strided_slice %transpose3A_11 {offsets = [64, 0], sizes = [64, 256], strides = [1, 1]} : vector<128x256xf32> to vector<64x256xf32>
    %slice3A_1340 = vector.extract_strided_slice %transpose3A_43 {offsets = [0, 0], sizes = [64, 256], strides = [1, 1]} : vector<128x256xf32> to vector<64x256xf32>
    %mul3A_1341 = arith.mulf %slice3A_1339, %slice3A_1340 : vector<64x256xf32>
    %reduce_sum3A_1342 = arith.constant dense<0.000000e+00> : vector<256xf32>
    %reduce_sum3A_1343 = vector.multi_reduction <add>, %mul3A_1341, %reduce_sum3A_1342 [0] : vector<64x256xf32> to vector<256xf32>
    %swap3A_1344 = arith.constant 129 : index
    %swap3A_1345 = arith.constant 0 : index
    %swap3A_1346 = vector.load %arg3[%swap3A_1344, %swap3A_1345] : memref<351x256xf32, #tpu.memory_space<vmem>>, vector<1x256xf32>
    %swap3A_1347 = vector.shape_cast %swap3A_1346 : vector<1x256xf32> to vector<256xf32>
    %swap3A_1348 = vector.shape_cast %reduce_sum3A_1343 : vector<256xf32> to vector<1x256xf32>
    tpu.vector_store %arg3[%swap3A_1344, %swap3A_1345], %swap3A_1348 {strides = array<i32>} : memref<351x256xf32, #tpu.memory_space<vmem>>, vector<1x256xf32>,
    %slice3A_1349 = vector.extract_strided_slice %transpose3A_11 {offsets = [64, 0], sizes = [64, 256], strides = [1, 1]} : vector<128x256xf32> to vector<64x256xf32>
    %slice3A_1350 = vector.extract_strided_slice %transpose3A_43 {offsets = [64, 0], sizes = [64, 256], strides = [1, 1]} : vector<128x256xf32> to vector<64x256xf32>
    %mul3A_1351 = arith.mulf %slice3A_1349, %slice3A_1350 : vector<64x256xf32>
    %reduce_sum3A_1352 = arith.constant dense<0.000000e+00> : vector<256xf32>
    %reduce_sum3A_1353 = vector.multi_reduction <add>, %mul3A_1351, %reduce_sum3A_1352 [0] : vector<64x256xf32> to vector<256xf32>
    %swap3A_1354 = arith.constant 130 : index
    %swap3A_1355 = arith.constant 0 : index
    %swap3A_1356 = vector.load %arg3[%swap3A_1354, %swap3A_1355] : memref<351x256xf32, #tpu.memory_space<vmem>>, vector<1x256xf32>
    %swap3A_1357 = vector.shape_cast %swap3A_1356 : vector<1x256xf32> to vector<256xf32>
    %swap3A_1358 = vector.shape_cast %reduce_sum3A_1353 : vector<256xf32> to vector<1x256xf32>
    tpu.vector_store %arg3[%swap3A_1354, %swap3A_1355], %swap3A_1358 {strides = array<i32>} : memref<351x256xf32, #tpu.memory_space<vmem>>, vector<1x256xf32>,
    %slice3A_1359 = vector.extract_strided_slice %transpose3A_11 {offsets = [64, 0], sizes = [64, 256], strides = [1, 1]} : vector<128x256xf32> to vector<64x256xf32>
    %slice3A_1360 = vector.extract_strided_slice %transpose3A_47 {offsets = [0, 0], sizes = [64, 256], strides = [1, 1]} : vector<128x256xf32> to vector<64x256xf32>
    %mul3A_1361 = arith.mulf %slice3A_1359, %slice3A_1360 : vector<64x256xf32>
    %reduce_sum3A_1362 = arith.constant dense<0.000000e+00> : vector<256xf32>
    %reduce_sum3A_1363 = vector.multi_reduction <add>, %mul3A_1361, %reduce_sum3A_1362 [0] : vector<64x256xf32> to vector<256xf32>
    %swap3A_1364 = arith.constant 131 : index
    %swap3A_1365 = arith.constant 0 : index
    %swap3A_1366 = vector.load %arg3[%swap3A_1364, %swap3A_1365] : memref<351x256xf32, #tpu.memory_space<vmem>>, vector<1x256xf32>
    %swap3A_1367 = vector.shape_cast %swap3A_1366 : vector<1x256xf32> to vector<256xf32>
    %swap3A_1368 = vector.shape_cast %reduce_sum3A_1363 : vector<256xf32> to vector<1x256xf32>
    tpu.vector_store %arg3[%swap3A_1364, %swap3A_1365], %swap3A_1368 {strides = array<i32>} : memref<351x256xf32, #tpu.memory_space<vmem>>, vector<1x256xf32>,
    %slice3A_1369 = vector.extract_strided_slice %transpose3A_11 {offsets = [64, 0], sizes = [64, 256], strides = [1, 1]} : vector<128x256xf32> to vector<64x256xf32>
    %slice3A_1370 = vector.extract_strided_slice %transpose3A_47 {offsets = [64, 0], sizes = [64, 256], strides = [1, 1]} : vector<128x256xf32> to vector<64x256xf32>
    %mul3A_1371 = arith.mulf %slice3A_1369, %slice3A_1370 : vector<64x256xf32>
    %reduce_sum3A_1372 = arith.constant dense<0.000000e+00> : vector<256xf32>
    %reduce_sum3A_1373 = vector.multi_reduction <add>, %mul3A_1371, %reduce_sum3A_1372 [0] : vector<64x256xf32> to vector<256xf32>
    %swap3A_1374 = arith.constant 132 : index
    %swap3A_1375 = arith.constant 0 : index
    %swap3A_1376 = vector.load %arg3[%swap3A_1374, %swap3A_1375] : memref<351x256xf32, #tpu.memory_space<vmem>>, vector<1x256xf32>
    %swap3A_1377 = vector.shape_cast %swap3A_1376 : vector<1x256xf32> to vector<256xf32>
    %swap3A_1378 = vector.shape_cast %reduce_sum3A_1373 : vector<256xf32> to vector<1x256xf32>
    tpu.vector_store %arg3[%swap3A_1374, %swap3A_1375], %swap3A_1378 {strides = array<i32>} : memref<351x256xf32, #tpu.memory_space<vmem>>, vector<1x256xf32>,
    %slice3A_1379 = vector.extract_strided_slice %transpose3A_11 {offsets = [64, 0], sizes = [64, 256], strides = [1, 1]} : vector<128x256xf32> to vector<64x256xf32>
    %slice3A_1380 = vector.extract_strided_slice %transpose3A_51 {offsets = [0, 0], sizes = [64, 256], strides = [1, 1]} : vector<128x256xf32> to vector<64x256xf32>
    %mul3A_1381 = arith.mulf %slice3A_1379, %slice3A_1380 : vector<64x256xf32>
    %reduce_sum3A_1382 = arith.constant dense<0.000000e+00> : vector<256xf32>
    %reduce_sum3A_1383 = vector.multi_reduction <add>, %mul3A_1381, %reduce_sum3A_1382 [0] : vector<64x256xf32> to vector<256xf32>
    %swap3A_1384 = arith.constant 133 : index
    %swap3A_1385 = arith.constant 0 : index
    %swap3A_1386 = vector.load %arg3[%swap3A_1384, %swap3A_1385] : memref<351x256xf32, #tpu.memory_space<vmem>>, vector<1x256xf32>
    %swap3A_1387 = vector.shape_cast %swap3A_1386 : vector<1x256xf32> to vector<256xf32>
    %swap3A_1388 = vector.shape_cast %reduce_sum3A_1383 : vector<256xf32> to vector<1x256xf32>
    tpu.vector_store %arg3[%swap3A_1384, %swap3A_1385], %swap3A_1388 {strides = array<i32>} : memref<351x256xf32, #tpu.memory_space<vmem>>, vector<1x256xf32>,
    %slice3A_1389 = vector.extract_strided_slice %transpose3A_11 {offsets = [64, 0], sizes = [64, 256], strides = [1, 1]} : vector<128x256xf32> to vector<64x256xf32>
    %slice3A_1390 = vector.extract_strided_slice %transpose3A_51 {offsets = [64, 0], sizes = [64, 256], strides = [1, 1]} : vector<128x256xf32> to vector<64x256xf32>
    %mul3A_1391 = arith.mulf %slice3A_1389, %slice3A_1390 : vector<64x256xf32>
    %reduce_sum3A_1392 = arith.constant dense<0.000000e+00> : vector<256xf32>
    %reduce_sum3A_1393 = vector.multi_reduction <add>, %mul3A_1391, %reduce_sum3A_1392 [0] : vector<64x256xf32> to vector<256xf32>
    %swap3A_1394 = arith.constant 134 : index
    %swap3A_1395 = arith.constant 0 : index
    %swap3A_1396 = vector.load %arg3[%swap3A_1394, %swap3A_1395] : memref<351x256xf32, #tpu.memory_space<vmem>>, vector<1x256xf32>
    %swap3A_1397 = vector.shape_cast %swap3A_1396 : vector<1x256xf32> to vector<256xf32>
    %swap3A_1398 = vector.shape_cast %reduce_sum3A_1393 : vector<256xf32> to vector<1x256xf32>
    tpu.vector_store %arg3[%swap3A_1394, %swap3A_1395], %swap3A_1398 {strides = array<i32>} : memref<351x256xf32, #tpu.memory_space<vmem>>, vector<1x256xf32>,
    %slice3A_1399 = vector.extract_strided_slice %transpose3A_15 {offsets = [0, 0], sizes = [64, 256], strides = [1, 1]} : vector<128x256xf32> to vector<64x256xf32>
    %slice3A_1400 = vector.extract_strided_slice %transpose3A_15 {offsets = [64, 0], sizes = [64, 256], strides = [1, 1]} : vector<128x256xf32> to vector<64x256xf32>
    %mul3A_1401 = arith.mulf %slice3A_1399, %slice3A_1400 : vector<64x256xf32>
    %reduce_sum3A_1402 = arith.constant dense<0.000000e+00> : vector<256xf32>
    %reduce_sum3A_1403 = vector.multi_reduction <add>, %mul3A_1401, %reduce_sum3A_1402 [0] : vector<64x256xf32> to vector<256xf32>
    %swap3A_1404 = arith.constant 135 : index
    %swap3A_1405 = arith.constant 0 : index
    %swap3A_1406 = vector.load %arg3[%swap3A_1404, %swap3A_1405] : memref<351x256xf32, #tpu.memory_space<vmem>>, vector<1x256xf32>
    %swap3A_1407 = vector.shape_cast %swap3A_1406 : vector<1x256xf32> to vector<256xf32>
    %swap3A_1408 = vector.shape_cast %reduce_sum3A_1403 : vector<256xf32> to vector<1x256xf32>
    tpu.vector_store %arg3[%swap3A_1404, %swap3A_1405], %swap3A_1408 {strides = array<i32>} : memref<351x256xf32, #tpu.memory_space<vmem>>, vector<1x256xf32>,
    %slice3A_1409 = vector.extract_strided_slice %transpose3A_15 {offsets = [0, 0], sizes = [64, 256], strides = [1, 1]} : vector<128x256xf32> to vector<64x256xf32>
    %slice3A_1410 = vector.extract_strided_slice %transpose3A_19 {offsets = [0, 0], sizes = [64, 256], strides = [1, 1]} : vector<128x256xf32> to vector<64x256xf32>
    %mul3A_1411 = arith.mulf %slice3A_1409, %slice3A_1410 : vector<64x256xf32>
    %reduce_sum3A_1412 = arith.constant dense<0.000000e+00> : vector<256xf32>
    %reduce_sum3A_1413 = vector.multi_reduction <add>, %mul3A_1411, %reduce_sum3A_1412 [0] : vector<64x256xf32> to vector<256xf32>
    %swap3A_1414 = arith.constant 136 : index
    %swap3A_1415 = arith.constant 0 : index
    %swap3A_1416 = vector.load %arg3[%swap3A_1414, %swap3A_1415] : memref<351x256xf32, #tpu.memory_space<vmem>>, vector<1x256xf32>
    %swap3A_1417 = vector.shape_cast %swap3A_1416 : vector<1x256xf32> to vector<256xf32>
    %swap3A_1418 = vector.shape_cast %reduce_sum3A_1413 : vector<256xf32> to vector<1x256xf32>
    tpu.vector_store %arg3[%swap3A_1414, %swap3A_1415], %swap3A_1418 {strides = array<i32>} : memref<351x256xf32, #tpu.memory_space<vmem>>, vector<1x256xf32>,
    %slice3A_1419 = vector.extract_strided_slice %transpose3A_15 {offsets = [0, 0], sizes = [64, 256], strides = [1, 1]} : vector<128x256xf32> to vector<64x256xf32>
    %slice3A_1420 = vector.extract_strided_slice %transpose3A_19 {offsets = [64, 0], sizes = [64, 256], strides = [1, 1]} : vector<128x256xf32> to vector<64x256xf32>
    %mul3A_1421 = arith.mulf %slice3A_1419, %slice3A_1420 : vector<64x256xf32>
    %reduce_sum3A_1422 = arith.constant dense<0.000000e+00> : vector<256xf32>
    %reduce_sum3A_1423 = vector.multi_reduction <add>, %mul3A_1421, %reduce_sum3A_1422 [0] : vector<64x256xf32> to vector<256xf32>
    %swap3A_1424 = arith.constant 137 : index
    %swap3A_1425 = arith.constant 0 : index
    %swap3A_1426 = vector.load %arg3[%swap3A_1424, %swap3A_1425] : memref<351x256xf32, #tpu.memory_space<vmem>>, vector<1x256xf32>
    %swap3A_1427 = vector.shape_cast %swap3A_1426 : vector<1x256xf32> to vector<256xf32>
    %swap3A_1428 = vector.shape_cast %reduce_sum3A_1423 : vector<256xf32> to vector<1x256xf32>
    tpu.vector_store %arg3[%swap3A_1424, %swap3A_1425], %swap3A_1428 {strides = array<i32>} : memref<351x256xf32, #tpu.memory_space<vmem>>, vector<1x256xf32>,
    %slice3A_1429 = vector.extract_strided_slice %transpose3A_15 {offsets = [0, 0], sizes = [64, 256], strides = [1, 1]} : vector<128x256xf32> to vector<64x256xf32>
    %slice3A_1430 = vector.extract_strided_slice %transpose3A_23 {offsets = [0, 0], sizes = [64, 256], strides = [1, 1]} : vector<128x256xf32> to vector<64x256xf32>
    %mul3A_1431 = arith.mulf %slice3A_1429, %slice3A_1430 : vector<64x256xf32>
    %reduce_sum3A_1432 = arith.constant dense<0.000000e+00> : vector<256xf32>
    %reduce_sum3A_1433 = vector.multi_reduction <add>, %mul3A_1431, %reduce_sum3A_1432 [0] : vector<64x256xf32> to vector<256xf32>
    %swap3A_1434 = arith.constant 138 : index
    %swap3A_1435 = arith.constant 0 : index
    %swap3A_1436 = vector.load %arg3[%swap3A_1434, %swap3A_1435] : memref<351x256xf32, #tpu.memory_space<vmem>>, vector<1x256xf32>
    %swap3A_1437 = vector.shape_cast %swap3A_1436 : vector<1x256xf32> to vector<256xf32>
    %swap3A_1438 = vector.shape_cast %reduce_sum3A_1433 : vector<256xf32> to vector<1x256xf32>
    tpu.vector_store %arg3[%swap3A_1434, %swap3A_1435], %swap3A_1438 {strides = array<i32>} : memref<351x256xf32, #tpu.memory_space<vmem>>, vector<1x256xf32>,
    %slice3A_1439 = vector.extract_strided_slice %transpose3A_15 {offsets = [0, 0], sizes = [64, 256], strides = [1, 1]} : vector<128x256xf32> to vector<64x256xf32>
    %slice3A_1440 = vector.extract_strided_slice %transpose3A_23 {offsets = [64, 0], sizes = [64, 256], strides = [1, 1]} : vector<128x256xf32> to vector<64x256xf32>
    %mul3A_1441 = arith.mulf %slice3A_1439, %slice3A_1440 : vector<64x256xf32>
    %reduce_sum3A_1442 = arith.constant dense<0.000000e+00> : vector<256xf32>
    %reduce_sum3A_1443 = vector.multi_reduction <add>, %mul3A_1441, %reduce_sum3A_1442 [0] : vector<64x256xf32> to vector<256xf32>
    %swap3A_1444 = arith.constant 139 : index
    %swap3A_1445 = arith.constant 0 : index
    %swap3A_1446 = vector.load %arg3[%swap3A_1444, %swap3A_1445] : memref<351x256xf32, #tpu.memory_space<vmem>>, vector<1x256xf32>
    %swap3A_1447 = vector.shape_cast %swap3A_1446 : vector<1x256xf32> to vector<256xf32>
    %swap3A_1448 = vector.shape_cast %reduce_sum3A_1443 : vector<256xf32> to vector<1x256xf32>
    tpu.vector_store %arg3[%swap3A_1444, %swap3A_1445], %swap3A_1448 {strides = array<i32>} : memref<351x256xf32, #tpu.memory_space<vmem>>, vector<1x256xf32>,
    %slice3A_1449 = vector.extract_strided_slice %transpose3A_15 {offsets = [0, 0], sizes = [64, 256], strides = [1, 1]} : vector<128x256xf32> to vector<64x256xf32>
    %slice3A_1450 = vector.extract_strided_slice %transpose3A_27 {offsets = [0, 0], sizes = [64, 256], strides = [1, 1]} : vector<128x256xf32> to vector<64x256xf32>
    %mul3A_1451 = arith.mulf %slice3A_1449, %slice3A_1450 : vector<64x256xf32>
    %reduce_sum3A_1452 = arith.constant dense<0.000000e+00> : vector<256xf32>
    %reduce_sum3A_1453 = vector.multi_reduction <add>, %mul3A_1451, %reduce_sum3A_1452 [0] : vector<64x256xf32> to vector<256xf32>
    %swap3A_1454 = arith.constant 140 : index
    %swap3A_1455 = arith.constant 0 : index
    %swap3A_1456 = vector.load %arg3[%swap3A_1454, %swap3A_1455] : memref<351x256xf32, #tpu.memory_space<vmem>>, vector<1x256xf32>
    %swap3A_1457 = vector.shape_cast %swap3A_1456 : vector<1x256xf32> to vector<256xf32>
    %swap3A_1458 = vector.shape_cast %reduce_sum3A_1453 : vector<256xf32> to vector<1x256xf32>
    tpu.vector_store %arg3[%swap3A_1454, %swap3A_1455], %swap3A_1458 {strides = array<i32>} : memref<351x256xf32, #tpu.memory_space<vmem>>, vector<1x256xf32>,
    %slice3A_1459 = vector.extract_strided_slice %transpose3A_15 {offsets = [0, 0], sizes = [64, 256], strides = [1, 1]} : vector<128x256xf32> to vector<64x256xf32>
    %slice3A_1460 = vector.extract_strided_slice %transpose3A_27 {offsets = [64, 0], sizes = [64, 256], strides = [1, 1]} : vector<128x256xf32> to vector<64x256xf32>
    %mul3A_1461 = arith.mulf %slice3A_1459, %slice3A_1460 : vector<64x256xf32>
    %reduce_sum3A_1462 = arith.constant dense<0.000000e+00> : vector<256xf32>
    %reduce_sum3A_1463 = vector.multi_reduction <add>, %mul3A_1461, %reduce_sum3A_1462 [0] : vector<64x256xf32> to vector<256xf32>
    %swap3A_1464 = arith.constant 141 : index
    %swap3A_1465 = arith.constant 0 : index
    %swap3A_1466 = vector.load %arg3[%swap3A_1464, %swap3A_1465] : memref<351x256xf32, #tpu.memory_space<vmem>>, vector<1x256xf32>
    %swap3A_1467 = vector.shape_cast %swap3A_1466 : vector<1x256xf32> to vector<256xf32>
    %swap3A_1468 = vector.shape_cast %reduce_sum3A_1463 : vector<256xf32> to vector<1x256xf32>
    tpu.vector_store %arg3[%swap3A_1464, %swap3A_1465], %swap3A_1468 {strides = array<i32>} : memref<351x256xf32, #tpu.memory_space<vmem>>, vector<1x256xf32>,
    %slice3A_1469 = vector.extract_strided_slice %transpose3A_15 {offsets = [0, 0], sizes = [64, 256], strides = [1, 1]} : vector<128x256xf32> to vector<64x256xf32>
    %slice3A_1470 = vector.extract_strided_slice %transpose3A_31 {offsets = [0, 0], sizes = [64, 256], strides = [1, 1]} : vector<128x256xf32> to vector<64x256xf32>
    %mul3A_1471 = arith.mulf %slice3A_1469, %slice3A_1470 : vector<64x256xf32>
    %reduce_sum3A_1472 = arith.constant dense<0.000000e+00> : vector<256xf32>
    %reduce_sum3A_1473 = vector.multi_reduction <add>, %mul3A_1471, %reduce_sum3A_1472 [0] : vector<64x256xf32> to vector<256xf32>
    %swap3A_1474 = arith.constant 142 : index
    %swap3A_1475 = arith.constant 0 : index
    %swap3A_1476 = vector.load %arg3[%swap3A_1474, %swap3A_1475] : memref<351x256xf32, #tpu.memory_space<vmem>>, vector<1x256xf32>
    %swap3A_1477 = vector.shape_cast %swap3A_1476 : vector<1x256xf32> to vector<256xf32>
    %swap3A_1478 = vector.shape_cast %reduce_sum3A_1473 : vector<256xf32> to vector<1x256xf32>
    tpu.vector_store %arg3[%swap3A_1474, %swap3A_1475], %swap3A_1478 {strides = array<i32>} : memref<351x256xf32, #tpu.memory_space<vmem>>, vector<1x256xf32>,
    %slice3A_1479 = vector.extract_strided_slice %transpose3A_15 {offsets = [0, 0], sizes = [64, 256], strides = [1, 1]} : vector<128x256xf32> to vector<64x256xf32>
    %slice3A_1480 = vector.extract_strided_slice %transpose3A_31 {offsets = [64, 0], sizes = [64, 256], strides = [1, 1]} : vector<128x256xf32> to vector<64x256xf32>
    %mul3A_1481 = arith.mulf %slice3A_1479, %slice3A_1480 : vector<64x256xf32>
    %reduce_sum3A_1482 = arith.constant dense<0.000000e+00> : vector<256xf32>
    %reduce_sum3A_1483 = vector.multi_reduction <add>, %mul3A_1481, %reduce_sum3A_1482 [0] : vector<64x256xf32> to vector<256xf32>
    %swap3A_1484 = arith.constant 143 : index
    %swap3A_1485 = arith.constant 0 : index
    %swap3A_1486 = vector.load %arg3[%swap3A_1484, %swap3A_1485] : memref<351x256xf32, #tpu.memory_space<vmem>>, vector<1x256xf32>
    %swap3A_1487 = vector.shape_cast %swap3A_1486 : vector<1x256xf32> to vector<256xf32>
    %swap3A_1488 = vector.shape_cast %reduce_sum3A_1483 : vector<256xf32> to vector<1x256xf32>
    tpu.vector_store %arg3[%swap3A_1484, %swap3A_1485], %swap3A_1488 {strides = array<i32>} : memref<351x256xf32, #tpu.memory_space<vmem>>, vector<1x256xf32>,
    %slice3A_1489 = vector.extract_strided_slice %transpose3A_15 {offsets = [0, 0], sizes = [64, 256], strides = [1, 1]} : vector<128x256xf32> to vector<64x256xf32>
    %slice3A_1490 = vector.extract_strided_slice %transpose3A_35 {offsets = [0, 0], sizes = [64, 256], strides = [1, 1]} : vector<128x256xf32> to vector<64x256xf32>
    %mul3A_1491 = arith.mulf %slice3A_1489, %slice3A_1490 : vector<64x256xf32>
    %reduce_sum3A_1492 = arith.constant dense<0.000000e+00> : vector<256xf32>
    %reduce_sum3A_1493 = vector.multi_reduction <add>, %mul3A_1491, %reduce_sum3A_1492 [0] : vector<64x256xf32> to vector<256xf32>
    %swap3A_1494 = arith.constant 144 : index
    %swap3A_1495 = arith.constant 0 : index
    %swap3A_1496 = vector.load %arg3[%swap3A_1494, %swap3A_1495] : memref<351x256xf32, #tpu.memory_space<vmem>>, vector<1x256xf32>
    %swap3A_1497 = vector.shape_cast %swap3A_1496 : vector<1x256xf32> to vector<256xf32>
    %swap3A_1498 = vector.shape_cast %reduce_sum3A_1493 : vector<256xf32> to vector<1x256xf32>
    tpu.vector_store %arg3[%swap3A_1494, %swap3A_1495], %swap3A_1498 {strides = array<i32>} : memref<351x256xf32, #tpu.memory_space<vmem>>, vector<1x256xf32>,
    %slice3A_1499 = vector.extract_strided_slice %transpose3A_15 {offsets = [0, 0], sizes = [64, 256], strides = [1, 1]} : vector<128x256xf32> to vector<64x256xf32>
    %slice3A_1500 = vector.extract_strided_slice %transpose3A_35 {offsets = [64, 0], sizes = [64, 256], strides = [1, 1]} : vector<128x256xf32> to vector<64x256xf32>
    %mul3A_1501 = arith.mulf %slice3A_1499, %slice3A_1500 : vector<64x256xf32>
    %reduce_sum3A_1502 = arith.constant dense<0.000000e+00> : vector<256xf32>
    %reduce_sum3A_1503 = vector.multi_reduction <add>, %mul3A_1501, %reduce_sum3A_1502 [0] : vector<64x256xf32> to vector<256xf32>
    %swap3A_1504 = arith.constant 145 : index
    %swap3A_1505 = arith.constant 0 : index
    %swap3A_1506 = vector.load %arg3[%swap3A_1504, %swap3A_1505] : memref<351x256xf32, #tpu.memory_space<vmem>>, vector<1x256xf32>
    %swap3A_1507 = vector.shape_cast %swap3A_1506 : vector<1x256xf32> to vector<256xf32>
    %swap3A_1508 = vector.shape_cast %reduce_sum3A_1503 : vector<256xf32> to vector<1x256xf32>
    tpu.vector_store %arg3[%swap3A_1504, %swap3A_1505], %swap3A_1508 {strides = array<i32>} : memref<351x256xf32, #tpu.memory_space<vmem>>, vector<1x256xf32>,
    %slice3A_1509 = vector.extract_strided_slice %transpose3A_15 {offsets = [0, 0], sizes = [64, 256], strides = [1, 1]} : vector<128x256xf32> to vector<64x256xf32>
    %slice3A_1510 = vector.extract_strided_slice %transpose3A_39 {offsets = [0, 0], sizes = [64, 256], strides = [1, 1]} : vector<128x256xf32> to vector<64x256xf32>
    %mul3A_1511 = arith.mulf %slice3A_1509, %slice3A_1510 : vector<64x256xf32>
    %reduce_sum3A_1512 = arith.constant dense<0.000000e+00> : vector<256xf32>
    %reduce_sum3A_1513 = vector.multi_reduction <add>, %mul3A_1511, %reduce_sum3A_1512 [0] : vector<64x256xf32> to vector<256xf32>
    %swap3A_1514 = arith.constant 146 : index
    %swap3A_1515 = arith.constant 0 : index
    %swap3A_1516 = vector.load %arg3[%swap3A_1514, %swap3A_1515] : memref<351x256xf32, #tpu.memory_space<vmem>>, vector<1x256xf32>
    %swap3A_1517 = vector.shape_cast %swap3A_1516 : vector<1x256xf32> to vector<256xf32>
    %swap3A_1518 = vector.shape_cast %reduce_sum3A_1513 : vector<256xf32> to vector<1x256xf32>
    tpu.vector_store %arg3[%swap3A_1514, %swap3A_1515], %swap3A_1518 {strides = array<i32>} : memref<351x256xf32, #tpu.memory_space<vmem>>, vector<1x256xf32>,
    %slice3A_1519 = vector.extract_strided_slice %transpose3A_15 {offsets = [0, 0], sizes = [64, 256], strides = [1, 1]} : vector<128x256xf32> to vector<64x256xf32>
    %slice3A_1520 = vector.extract_strided_slice %transpose3A_39 {offsets = [64, 0], sizes = [64, 256], strides = [1, 1]} : vector<128x256xf32> to vector<64x256xf32>
    %mul3A_1521 = arith.mulf %slice3A_1519, %slice3A_1520 : vector<64x256xf32>
    %reduce_sum3A_1522 = arith.constant dense<0.000000e+00> : vector<256xf32>
    %reduce_sum3A_1523 = vector.multi_reduction <add>, %mul3A_1521, %reduce_sum3A_1522 [0] : vector<64x256xf32> to vector<256xf32>
    %swap3A_1524 = arith.constant 147 : index
    %swap3A_1525 = arith.constant 0 : index
    %swap3A_1526 = vector.load %arg3[%swap3A_1524, %swap3A_1525] : memref<351x256xf32, #tpu.memory_space<vmem>>, vector<1x256xf32>
    %swap3A_1527 = vector.shape_cast %swap3A_1526 : vector<1x256xf32> to vector<256xf32>
    %swap3A_1528 = vector.shape_cast %reduce_sum3A_1523 : vector<256xf32> to vector<1x256xf32>
    tpu.vector_store %arg3[%swap3A_1524, %swap3A_1525], %swap3A_1528 {strides = array<i32>} : memref<351x256xf32, #tpu.memory_space<vmem>>, vector<1x256xf32>,
    %slice3A_1529 = vector.extract_strided_slice %transpose3A_15 {offsets = [0, 0], sizes = [64, 256], strides = [1, 1]} : vector<128x256xf32> to vector<64x256xf32>
    %slice3A_1530 = vector.extract_strided_slice %transpose3A_43 {offsets = [0, 0], sizes = [64, 256], strides = [1, 1]} : vector<128x256xf32> to vector<64x256xf32>
    %mul3A_1531 = arith.mulf %slice3A_1529, %slice3A_1530 : vector<64x256xf32>
    %reduce_sum3A_1532 = arith.constant dense<0.000000e+00> : vector<256xf32>
    %reduce_sum3A_1533 = vector.multi_reduction <add>, %mul3A_1531, %reduce_sum3A_1532 [0] : vector<64x256xf32> to vector<256xf32>
    %swap3A_1534 = arith.constant 148 : index
    %swap3A_1535 = arith.constant 0 : index
    %swap3A_1536 = vector.load %arg3[%swap3A_1534, %swap3A_1535] : memref<351x256xf32, #tpu.memory_space<vmem>>, vector<1x256xf32>
    %swap3A_1537 = vector.shape_cast %swap3A_1536 : vector<1x256xf32> to vector<256xf32>
    %swap3A_1538 = vector.shape_cast %reduce_sum3A_1533 : vector<256xf32> to vector<1x256xf32>
    tpu.vector_store %arg3[%swap3A_1534, %swap3A_1535], %swap3A_1538 {strides = array<i32>} : memref<351x256xf32, #tpu.memory_space<vmem>>, vector<1x256xf32>,
    %slice3A_1539 = vector.extract_strided_slice %transpose3A_15 {offsets = [0, 0], sizes = [64, 256], strides = [1, 1]} : vector<128x256xf32> to vector<64x256xf32>
    %slice3A_1540 = vector.extract_strided_slice %transpose3A_43 {offsets = [64, 0], sizes = [64, 256], strides = [1, 1]} : vector<128x256xf32> to vector<64x256xf32>
    %mul3A_1541 = arith.mulf %slice3A_1539, %slice3A_1540 : vector<64x256xf32>
    %reduce_sum3A_1542 = arith.constant dense<0.000000e+00> : vector<256xf32>
    %reduce_sum3A_1543 = vector.multi_reduction <add>, %mul3A_1541, %reduce_sum3A_1542 [0] : vector<64x256xf32> to vector<256xf32>
    %swap3A_1544 = arith.constant 149 : index
    %swap3A_1545 = arith.constant 0 : index
    %swap3A_1546 = vector.load %arg3[%swap3A_1544, %swap3A_1545] : memref<351x256xf32, #tpu.memory_space<vmem>>, vector<1x256xf32>
    %swap3A_1547 = vector.shape_cast %swap3A_1546 : vector<1x256xf32> to vector<256xf32>
    %swap3A_1548 = vector.shape_cast %reduce_sum3A_1543 : vector<256xf32> to vector<1x256xf32>
    tpu.vector_store %arg3[%swap3A_1544, %swap3A_1545], %swap3A_1548 {strides = array<i32>} : memref<351x256xf32, #tpu.memory_space<vmem>>, vector<1x256xf32>,
    %slice3A_1549 = vector.extract_strided_slice %transpose3A_15 {offsets = [0, 0], sizes = [64, 256], strides = [1, 1]} : vector<128x256xf32> to vector<64x256xf32>
    %slice3A_1550 = vector.extract_strided_slice %transpose3A_47 {offsets = [0, 0], sizes = [64, 256], strides = [1, 1]} : vector<128x256xf32> to vector<64x256xf32>
    %mul3A_1551 = arith.mulf %slice3A_1549, %slice3A_1550 : vector<64x256xf32>
    %reduce_sum3A_1552 = arith.constant dense<0.000000e+00> : vector<256xf32>
    %reduce_sum3A_1553 = vector.multi_reduction <add>, %mul3A_1551, %reduce_sum3A_1552 [0] : vector<64x256xf32> to vector<256xf32>
    %swap3A_1554 = arith.constant 150 : index
    %swap3A_1555 = arith.constant 0 : index
    %swap3A_1556 = vector.load %arg3[%swap3A_1554, %swap3A_1555] : memref<351x256xf32, #tpu.memory_space<vmem>>, vector<1x256xf32>
    %swap3A_1557 = vector.shape_cast %swap3A_1556 : vector<1x256xf32> to vector<256xf32>
    %swap3A_1558 = vector.shape_cast %reduce_sum3A_1553 : vector<256xf32> to vector<1x256xf32>
    tpu.vector_store %arg3[%swap3A_1554, %swap3A_1555], %swap3A_1558 {strides = array<i32>} : memref<351x256xf32, #tpu.memory_space<vmem>>, vector<1x256xf32>,
    %slice3A_1559 = vector.extract_strided_slice %transpose3A_15 {offsets = [0, 0], sizes = [64, 256], strides = [1, 1]} : vector<128x256xf32> to vector<64x256xf32>
    %slice3A_1560 = vector.extract_strided_slice %transpose3A_47 {offsets = [64, 0], sizes = [64, 256], strides = [1, 1]} : vector<128x256xf32> to vector<64x256xf32>
    %mul3A_1561 = arith.mulf %slice3A_1559, %slice3A_1560 : vector<64x256xf32>
    %reduce_sum3A_1562 = arith.constant dense<0.000000e+00> : vector<256xf32>
    %reduce_sum3A_1563 = vector.multi_reduction <add>, %mul3A_1561, %reduce_sum3A_1562 [0] : vector<64x256xf32> to vector<256xf32>
    %swap3A_1564 = arith.constant 151 : index
    %swap3A_1565 = arith.constant 0 : index
    %swap3A_1566 = vector.load %arg3[%swap3A_1564, %swap3A_1565] : memref<351x256xf32, #tpu.memory_space<vmem>>, vector<1x256xf32>
    %swap3A_1567 = vector.shape_cast %swap3A_1566 : vector<1x256xf32> to vector<256xf32>
    %swap3A_1568 = vector.shape_cast %reduce_sum3A_1563 : vector<256xf32> to vector<1x256xf32>
    tpu.vector_store %arg3[%swap3A_1564, %swap3A_1565], %swap3A_1568 {strides = array<i32>} : memref<351x256xf32, #tpu.memory_space<vmem>>, vector<1x256xf32>,
    %slice3A_1569 = vector.extract_strided_slice %transpose3A_15 {offsets = [0, 0], sizes = [64, 256], strides = [1, 1]} : vector<128x256xf32> to vector<64x256xf32>
    %slice3A_1570 = vector.extract_strided_slice %transpose3A_51 {offsets = [0, 0], sizes = [64, 256], strides = [1, 1]} : vector<128x256xf32> to vector<64x256xf32>
    %mul3A_1571 = arith.mulf %slice3A_1569, %slice3A_1570 : vector<64x256xf32>
    %reduce_sum3A_1572 = arith.constant dense<0.000000e+00> : vector<256xf32>
    %reduce_sum3A_1573 = vector.multi_reduction <add>, %mul3A_1571, %reduce_sum3A_1572 [0] : vector<64x256xf32> to vector<256xf32>
    %swap3A_1574 = arith.constant 152 : index
    %swap3A_1575 = arith.constant 0 : index
    %swap3A_1576 = vector.load %arg3[%swap3A_1574, %swap3A_1575] : memref<351x256xf32, #tpu.memory_space<vmem>>, vector<1x256xf32>
    %swap3A_1577 = vector.shape_cast %swap3A_1576 : vector<1x256xf32> to vector<256xf32>
    %swap3A_1578 = vector.shape_cast %reduce_sum3A_1573 : vector<256xf32> to vector<1x256xf32>
    tpu.vector_store %arg3[%swap3A_1574, %swap3A_1575], %swap3A_1578 {strides = array<i32>} : memref<351x256xf32, #tpu.memory_space<vmem>>, vector<1x256xf32>,
    %slice3A_1579 = vector.extract_strided_slice %transpose3A_15 {offsets = [0, 0], sizes = [64, 256], strides = [1, 1]} : vector<128x256xf32> to vector<64x256xf32>
    %slice3A_1580 = vector.extract_strided_slice %transpose3A_51 {offsets = [64, 0], sizes = [64, 256], strides = [1, 1]} : vector<128x256xf32> to vector<64x256xf32>
    %mul3A_1581 = arith.mulf %slice3A_1579, %slice3A_1580 : vector<64x256xf32>
    %reduce_sum3A_1582 = arith.constant dense<0.000000e+00> : vector<256xf32>
    %reduce_sum3A_1583 = vector.multi_reduction <add>, %mul3A_1581, %reduce_sum3A_1582 [0] : vector<64x256xf32> to vector<256xf32>
    %swap3A_1584 = arith.constant 153 : index
    %swap3A_1585 = arith.constant 0 : index
    %swap3A_1586 = vector.load %arg3[%swap3A_1584, %swap3A_1585] : memref<351x256xf32, #tpu.memory_space<vmem>>, vector<1x256xf32>
    %swap3A_1587 = vector.shape_cast %swap3A_1586 : vector<1x256xf32> to vector<256xf32>
    %swap3A_1588 = vector.shape_cast %reduce_sum3A_1583 : vector<256xf32> to vector<1x256xf32>
    tpu.vector_store %arg3[%swap3A_1584, %swap3A_1585], %swap3A_1588 {strides = array<i32>} : memref<351x256xf32, #tpu.memory_space<vmem>>, vector<1x256xf32>,
    %slice3A_1589 = vector.extract_strided_slice %transpose3A_15 {offsets = [64, 0], sizes = [64, 256], strides = [1, 1]} : vector<128x256xf32> to vector<64x256xf32>
    %slice3A_1590 = vector.extract_strided_slice %transpose3A_19 {offsets = [0, 0], sizes = [64, 256], strides = [1, 1]} : vector<128x256xf32> to vector<64x256xf32>
    %mul3A_1591 = arith.mulf %slice3A_1589, %slice3A_1590 : vector<64x256xf32>
    %reduce_sum3A_1592 = arith.constant dense<0.000000e+00> : vector<256xf32>
    %reduce_sum3A_1593 = vector.multi_reduction <add>, %mul3A_1591, %reduce_sum3A_1592 [0] : vector<64x256xf32> to vector<256xf32>
    %swap3A_1594 = arith.constant 154 : index
    %swap3A_1595 = arith.constant 0 : index
    %swap3A_1596 = vector.load %arg3[%swap3A_1594, %swap3A_1595] : memref<351x256xf32, #tpu.memory_space<vmem>>, vector<1x256xf32>
    %swap3A_1597 = vector.shape_cast %swap3A_1596 : vector<1x256xf32> to vector<256xf32>
    %swap3A_1598 = vector.shape_cast %reduce_sum3A_1593 : vector<256xf32> to vector<1x256xf32>
    tpu.vector_store %arg3[%swap3A_1594, %swap3A_1595], %swap3A_1598 {strides = array<i32>} : memref<351x256xf32, #tpu.memory_space<vmem>>, vector<1x256xf32>,
    %slice3A_1599 = vector.extract_strided_slice %transpose3A_15 {offsets = [64, 0], sizes = [64, 256], strides = [1, 1]} : vector<128x256xf32> to vector<64x256xf32>
    %slice3A_1600 = vector.extract_strided_slice %transpose3A_19 {offsets = [64, 0], sizes = [64, 256], strides = [1, 1]} : vector<128x256xf32> to vector<64x256xf32>
    %mul3A_1601 = arith.mulf %slice3A_1599, %slice3A_1600 : vector<64x256xf32>
    %reduce_sum3A_1602 = arith.constant dense<0.000000e+00> : vector<256xf32>
    %reduce_sum3A_1603 = vector.multi_reduction <add>, %mul3A_1601, %reduce_sum3A_1602 [0] : vector<64x256xf32> to vector<256xf32>
    %swap3A_1604 = arith.constant 155 : index
    %swap3A_1605 = arith.constant 0 : index
    %swap3A_1606 = vector.load %arg3[%swap3A_1604, %swap3A_1605] : memref<351x256xf32, #tpu.memory_space<vmem>>, vector<1x256xf32>
    %swap3A_1607 = vector.shape_cast %swap3A_1606 : vector<1x256xf32> to vector<256xf32>
    %swap3A_1608 = vector.shape_cast %reduce_sum3A_1603 : vector<256xf32> to vector<1x256xf32>
    tpu.vector_store %arg3[%swap3A_1604, %swap3A_1605], %swap3A_1608 {strides = array<i32>} : memref<351x256xf32, #tpu.memory_space<vmem>>, vector<1x256xf32>,
    %slice3A_1609 = vector.extract_strided_slice %transpose3A_15 {offsets = [64, 0], sizes = [64, 256], strides = [1, 1]} : vector<128x256xf32> to vector<64x256xf32>
    %slice3A_1610 = vector.extract_strided_slice %transpose3A_23 {offsets = [0, 0], sizes = [64, 256], strides = [1, 1]} : vector<128x256xf32> to vector<64x256xf32>
    %mul3A_1611 = arith.mulf %slice3A_1609, %slice3A_1610 : vector<64x256xf32>
    %reduce_sum3A_1612 = arith.constant dense<0.000000e+00> : vector<256xf32>
    %reduce_sum3A_1613 = vector.multi_reduction <add>, %mul3A_1611, %reduce_sum3A_1612 [0] : vector<64x256xf32> to vector<256xf32>
    %swap3A_1614 = arith.constant 156 : index
    %swap3A_1615 = arith.constant 0 : index
    %swap3A_1616 = vector.load %arg3[%swap3A_1614, %swap3A_1615] : memref<351x256xf32, #tpu.memory_space<vmem>>, vector<1x256xf32>
    %swap3A_1617 = vector.shape_cast %swap3A_1616 : vector<1x256xf32> to vector<256xf32>
    %swap3A_1618 = vector.shape_cast %reduce_sum3A_1613 : vector<256xf32> to vector<1x256xf32>
    tpu.vector_store %arg3[%swap3A_1614, %swap3A_1615], %swap3A_1618 {strides = array<i32>} : memref<351x256xf32, #tpu.memory_space<vmem>>, vector<1x256xf32>,
    %slice3A_1619 = vector.extract_strided_slice %transpose3A_15 {offsets = [64, 0], sizes = [64, 256], strides = [1, 1]} : vector<128x256xf32> to vector<64x256xf32>
    %slice3A_1620 = vector.extract_strided_slice %transpose3A_23 {offsets = [64, 0], sizes = [64, 256], strides = [1, 1]} : vector<128x256xf32> to vector<64x256xf32>
    %mul3A_1621 = arith.mulf %slice3A_1619, %slice3A_1620 : vector<64x256xf32>
    %reduce_sum3A_1622 = arith.constant dense<0.000000e+00> : vector<256xf32>
    %reduce_sum3A_1623 = vector.multi_reduction <add>, %mul3A_1621, %reduce_sum3A_1622 [0] : vector<64x256xf32> to vector<256xf32>
    %swap3A_1624 = arith.constant 157 : index
    %swap3A_1625 = arith.constant 0 : index
    %swap3A_1626 = vector.load %arg3[%swap3A_1624, %swap3A_1625] : memref<351x256xf32, #tpu.memory_space<vmem>>, vector<1x256xf32>
    %swap3A_1627 = vector.shape_cast %swap3A_1626 : vector<1x256xf32> to vector<256xf32>
    %swap3A_1628 = vector.shape_cast %reduce_sum3A_1623 : vector<256xf32> to vector<1x256xf32>
    tpu.vector_store %arg3[%swap3A_1624, %swap3A_1625], %swap3A_1628 {strides = array<i32>} : memref<351x256xf32, #tpu.memory_space<vmem>>, vector<1x256xf32>,
    %slice3A_1629 = vector.extract_strided_slice %transpose3A_15 {offsets = [64, 0], sizes = [64, 256], strides = [1, 1]} : vector<128x256xf32> to vector<64x256xf32>
    %slice3A_1630 = vector.extract_strided_slice %transpose3A_27 {offsets = [0, 0], sizes = [64, 256], strides = [1, 1]} : vector<128x256xf32> to vector<64x256xf32>
    %mul3A_1631 = arith.mulf %slice3A_1629, %slice3A_1630 : vector<64x256xf32>
    %reduce_sum3A_1632 = arith.constant dense<0.000000e+00> : vector<256xf32>
    %reduce_sum3A_1633 = vector.multi_reduction <add>, %mul3A_1631, %reduce_sum3A_1632 [0] : vector<64x256xf32> to vector<256xf32>
    %swap3A_1634 = arith.constant 158 : index
    %swap3A_1635 = arith.constant 0 : index
    %swap3A_1636 = vector.load %arg3[%swap3A_1634, %swap3A_1635] : memref<351x256xf32, #tpu.memory_space<vmem>>, vector<1x256xf32>
    %swap3A_1637 = vector.shape_cast %swap3A_1636 : vector<1x256xf32> to vector<256xf32>
    %swap3A_1638 = vector.shape_cast %reduce_sum3A_1633 : vector<256xf32> to vector<1x256xf32>
    tpu.vector_store %arg3[%swap3A_1634, %swap3A_1635], %swap3A_1638 {strides = array<i32>} : memref<351x256xf32, #tpu.memory_space<vmem>>, vector<1x256xf32>,
    %slice3A_1639 = vector.extract_strided_slice %transpose3A_15 {offsets = [64, 0], sizes = [64, 256], strides = [1, 1]} : vector<128x256xf32> to vector<64x256xf32>
    %slice3A_1640 = vector.extract_strided_slice %transpose3A_27 {offsets = [64, 0], sizes = [64, 256], strides = [1, 1]} : vector<128x256xf32> to vector<64x256xf32>
    %mul3A_1641 = arith.mulf %slice3A_1639, %slice3A_1640 : vector<64x256xf32>
    %reduce_sum3A_1642 = arith.constant dense<0.000000e+00> : vector<256xf32>
    %reduce_sum3A_1643 = vector.multi_reduction <add>, %mul3A_1641, %reduce_sum3A_1642 [0] : vector<64x256xf32> to vector<256xf32>
    %swap3A_1644 = arith.constant 159 : index
    %swap3A_1645 = arith.constant 0 : index
    %swap3A_1646 = vector.load %arg3[%swap3A_1644, %swap3A_1645] : memref<351x256xf32, #tpu.memory_space<vmem>>, vector<1x256xf32>
    %swap3A_1647 = vector.shape_cast %swap3A_1646 : vector<1x256xf32> to vector<256xf32>
    %swap3A_1648 = vector.shape_cast %reduce_sum3A_1643 : vector<256xf32> to vector<1x256xf32>
    tpu.vector_store %arg3[%swap3A_1644, %swap3A_1645], %swap3A_1648 {strides = array<i32>} : memref<351x256xf32, #tpu.memory_space<vmem>>, vector<1x256xf32>,
    %slice3A_1649 = vector.extract_strided_slice %transpose3A_15 {offsets = [64, 0], sizes = [64, 256], strides = [1, 1]} : vector<128x256xf32> to vector<64x256xf32>
    %slice3A_1650 = vector.extract_strided_slice %transpose3A_31 {offsets = [0, 0], sizes = [64, 256], strides = [1, 1]} : vector<128x256xf32> to vector<64x256xf32>
    %mul3A_1651 = arith.mulf %slice3A_1649, %slice3A_1650 : vector<64x256xf32>
    %reduce_sum3A_1652 = arith.constant dense<0.000000e+00> : vector<256xf32>
    %reduce_sum3A_1653 = vector.multi_reduction <add>, %mul3A_1651, %reduce_sum3A_1652 [0] : vector<64x256xf32> to vector<256xf32>
    %swap3A_1654 = arith.constant 160 : index
    %swap3A_1655 = arith.constant 0 : index
    %swap3A_1656 = vector.load %arg3[%swap3A_1654, %swap3A_1655] : memref<351x256xf32, #tpu.memory_space<vmem>>, vector<1x256xf32>
    %swap3A_1657 = vector.shape_cast %swap3A_1656 : vector<1x256xf32> to vector<256xf32>
    %swap3A_1658 = vector.shape_cast %reduce_sum3A_1653 : vector<256xf32> to vector<1x256xf32>
    tpu.vector_store %arg3[%swap3A_1654, %swap3A_1655], %swap3A_1658 {strides = array<i32>} : memref<351x256xf32, #tpu.memory_space<vmem>>, vector<1x256xf32>,
    %slice3A_1659 = vector.extract_strided_slice %transpose3A_15 {offsets = [64, 0], sizes = [64, 256], strides = [1, 1]} : vector<128x256xf32> to vector<64x256xf32>
    %slice3A_1660 = vector.extract_strided_slice %transpose3A_31 {offsets = [64, 0], sizes = [64, 256], strides = [1, 1]} : vector<128x256xf32> to vector<64x256xf32>
    %mul3A_1661 = arith.mulf %slice3A_1659, %slice3A_1660 : vector<64x256xf32>
    %reduce_sum3A_1662 = arith.constant dense<0.000000e+00> : vector<256xf32>
    %reduce_sum3A_1663 = vector.multi_reduction <add>, %mul3A_1661, %reduce_sum3A_1662 [0] : vector<64x256xf32> to vector<256xf32>
    %swap3A_1664 = arith.constant 161 : index
    %swap3A_1665 = arith.constant 0 : index
    %swap3A_1666 = vector.load %arg3[%swap3A_1664, %swap3A_1665] : memref<351x256xf32, #tpu.memory_space<vmem>>, vector<1x256xf32>
    %swap3A_1667 = vector.shape_cast %swap3A_1666 : vector<1x256xf32> to vector<256xf32>
    %swap3A_1668 = vector.shape_cast %reduce_sum3A_1663 : vector<256xf32> to vector<1x256xf32>
    tpu.vector_store %arg3[%swap3A_1664, %swap3A_1665], %swap3A_1668 {strides = array<i32>} : memref<351x256xf32, #tpu.memory_space<vmem>>, vector<1x256xf32>,
    %slice3A_1669 = vector.extract_strided_slice %transpose3A_15 {offsets = [64, 0], sizes = [64, 256], strides = [1, 1]} : vector<128x256xf32> to vector<64x256xf32>
    %slice3A_1670 = vector.extract_strided_slice %transpose3A_35 {offsets = [0, 0], sizes = [64, 256], strides = [1, 1]} : vector<128x256xf32> to vector<64x256xf32>
    %mul3A_1671 = arith.mulf %slice3A_1669, %slice3A_1670 : vector<64x256xf32>
    %reduce_sum3A_1672 = arith.constant dense<0.000000e+00> : vector<256xf32>
    %reduce_sum3A_1673 = vector.multi_reduction <add>, %mul3A_1671, %reduce_sum3A_1672 [0] : vector<64x256xf32> to vector<256xf32>
    %swap3A_1674 = arith.constant 162 : index
    %swap3A_1675 = arith.constant 0 : index
    %swap3A_1676 = vector.load %arg3[%swap3A_1674, %swap3A_1675] : memref<351x256xf32, #tpu.memory_space<vmem>>, vector<1x256xf32>
    %swap3A_1677 = vector.shape_cast %swap3A_1676 : vector<1x256xf32> to vector<256xf32>
    %swap3A_1678 = vector.shape_cast %reduce_sum3A_1673 : vector<256xf32> to vector<1x256xf32>
    tpu.vector_store %arg3[%swap3A_1674, %swap3A_1675], %swap3A_1678 {strides = array<i32>} : memref<351x256xf32, #tpu.memory_space<vmem>>, vector<1x256xf32>,
    %slice3A_1679 = vector.extract_strided_slice %transpose3A_15 {offsets = [64, 0], sizes = [64, 256], strides = [1, 1]} : vector<128x256xf32> to vector<64x256xf32>
    %slice3A_1680 = vector.extract_strided_slice %transpose3A_35 {offsets = [64, 0], sizes = [64, 256], strides = [1, 1]} : vector<128x256xf32> to vector<64x256xf32>
    %mul3A_1681 = arith.mulf %slice3A_1679, %slice3A_1680 : vector<64x256xf32>
    %reduce_sum3A_1682 = arith.constant dense<0.000000e+00> : vector<256xf32>
    %reduce_sum3A_1683 = vector.multi_reduction <add>, %mul3A_1681, %reduce_sum3A_1682 [0] : vector<64x256xf32> to vector<256xf32>
    %swap3A_1684 = arith.constant 163 : index
    %swap3A_1685 = arith.constant 0 : index
    %swap3A_1686 = vector.load %arg3[%swap3A_1684, %swap3A_1685] : memref<351x256xf32, #tpu.memory_space<vmem>>, vector<1x256xf32>
    %swap3A_1687 = vector.shape_cast %swap3A_1686 : vector<1x256xf32> to vector<256xf32>
    %swap3A_1688 = vector.shape_cast %reduce_sum3A_1683 : vector<256xf32> to vector<1x256xf32>
    tpu.vector_store %arg3[%swap3A_1684, %swap3A_1685], %swap3A_1688 {strides = array<i32>} : memref<351x256xf32, #tpu.memory_space<vmem>>, vector<1x256xf32>,
    %slice3A_1689 = vector.extract_strided_slice %transpose3A_15 {offsets = [64, 0], sizes = [64, 256], strides = [1, 1]} : vector<128x256xf32> to vector<64x256xf32>
    %slice3A_1690 = vector.extract_strided_slice %transpose3A_39 {offsets = [0, 0], sizes = [64, 256], strides = [1, 1]} : vector<128x256xf32> to vector<64x256xf32>
    %mul3A_1691 = arith.mulf %slice3A_1689, %slice3A_1690 : vector<64x256xf32>
    %reduce_sum3A_1692 = arith.constant dense<0.000000e+00> : vector<256xf32>
    %reduce_sum3A_1693 = vector.multi_reduction <add>, %mul3A_1691, %reduce_sum3A_1692 [0] : vector<64x256xf32> to vector<256xf32>
    %swap3A_1694 = arith.constant 164 : index
    %swap3A_1695 = arith.constant 0 : index
    %swap3A_1696 = vector.load %arg3[%swap3A_1694, %swap3A_1695] : memref<351x256xf32, #tpu.memory_space<vmem>>, vector<1x256xf32>
    %swap3A_1697 = vector.shape_cast %swap3A_1696 : vector<1x256xf32> to vector<256xf32>
    %swap3A_1698 = vector.shape_cast %reduce_sum3A_1693 : vector<256xf32> to vector<1x256xf32>
    tpu.vector_store %arg3[%swap3A_1694, %swap3A_1695], %swap3A_1698 {strides = array<i32>} : memref<351x256xf32, #tpu.memory_space<vmem>>, vector<1x256xf32>,
    %slice3A_1699 = vector.extract_strided_slice %transpose3A_15 {offsets = [64, 0], sizes = [64, 256], strides = [1, 1]} : vector<128x256xf32> to vector<64x256xf32>
    %slice3A_1700 = vector.extract_strided_slice %transpose3A_39 {offsets = [64, 0], sizes = [64, 256], strides = [1, 1]} : vector<128x256xf32> to vector<64x256xf32>
    %mul3A_1701 = arith.mulf %slice3A_1699, %slice3A_1700 : vector<64x256xf32>
    %reduce_sum3A_1702 = arith.constant dense<0.000000e+00> : vector<256xf32>
    %reduce_sum3A_1703 = vector.multi_reduction <add>, %mul3A_1701, %reduce_sum3A_1702 [0] : vector<64x256xf32> to vector<256xf32>
    %swap3A_1704 = arith.constant 165 : index
    %swap3A_1705 = arith.constant 0 : index
    %swap3A_1706 = vector.load %arg3[%swap3A_1704, %swap3A_1705] : memref<351x256xf32, #tpu.memory_space<vmem>>, vector<1x256xf32>
    %swap3A_1707 = vector.shape_cast %swap3A_1706 : vector<1x256xf32> to vector<256xf32>
    %swap3A_1708 = vector.shape_cast %reduce_sum3A_1703 : vector<256xf32> to vector<1x256xf32>
    tpu.vector_store %arg3[%swap3A_1704, %swap3A_1705], %swap3A_1708 {strides = array<i32>} : memref<351x256xf32, #tpu.memory_space<vmem>>, vector<1x256xf32>,
    %slice3A_1709 = vector.extract_strided_slice %transpose3A_15 {offsets = [64, 0], sizes = [64, 256], strides = [1, 1]} : vector<128x256xf32> to vector<64x256xf32>
    %slice3A_1710 = vector.extract_strided_slice %transpose3A_43 {offsets = [0, 0], sizes = [64, 256], strides = [1, 1]} : vector<128x256xf32> to vector<64x256xf32>
    %mul3A_1711 = arith.mulf %slice3A_1709, %slice3A_1710 : vector<64x256xf32>
    %reduce_sum3A_1712 = arith.constant dense<0.000000e+00> : vector<256xf32>
    %reduce_sum3A_1713 = vector.multi_reduction <add>, %mul3A_1711, %reduce_sum3A_1712 [0] : vector<64x256xf32> to vector<256xf32>
    %swap3A_1714 = arith.constant 166 : index
    %swap3A_1715 = arith.constant 0 : index
    %swap3A_1716 = vector.load %arg3[%swap3A_1714, %swap3A_1715] : memref<351x256xf32, #tpu.memory_space<vmem>>, vector<1x256xf32>
    %swap3A_1717 = vector.shape_cast %swap3A_1716 : vector<1x256xf32> to vector<256xf32>
    %swap3A_1718 = vector.shape_cast %reduce_sum3A_1713 : vector<256xf32> to vector<1x256xf32>
    tpu.vector_store %arg3[%swap3A_1714, %swap3A_1715], %swap3A_1718 {strides = array<i32>} : memref<351x256xf32, #tpu.memory_space<vmem>>, vector<1x256xf32>,
    %slice3A_1719 = vector.extract_strided_slice %transpose3A_15 {offsets = [64, 0], sizes = [64, 256], strides = [1, 1]} : vector<128x256xf32> to vector<64x256xf32>
    %slice3A_1720 = vector.extract_strided_slice %transpose3A_43 {offsets = [64, 0], sizes = [64, 256], strides = [1, 1]} : vector<128x256xf32> to vector<64x256xf32>
    %mul3A_1721 = arith.mulf %slice3A_1719, %slice3A_1720 : vector<64x256xf32>
    %reduce_sum3A_1722 = arith.constant dense<0.000000e+00> : vector<256xf32>
    %reduce_sum3A_1723 = vector.multi_reduction <add>, %mul3A_1721, %reduce_sum3A_1722 [0] : vector<64x256xf32> to vector<256xf32>
    %swap3A_1724 = arith.constant 167 : index
    %swap3A_1725 = arith.constant 0 : index
    %swap3A_1726 = vector.load %arg3[%swap3A_1724, %swap3A_1725] : memref<351x256xf32, #tpu.memory_space<vmem>>, vector<1x256xf32>
    %swap3A_1727 = vector.shape_cast %swap3A_1726 : vector<1x256xf32> to vector<256xf32>
    %swap3A_1728 = vector.shape_cast %reduce_sum3A_1723 : vector<256xf32> to vector<1x256xf32>
    tpu.vector_store %arg3[%swap3A_1724, %swap3A_1725], %swap3A_1728 {strides = array<i32>} : memref<351x256xf32, #tpu.memory_space<vmem>>, vector<1x256xf32>,
    %slice3A_1729 = vector.extract_strided_slice %transpose3A_15 {offsets = [64, 0], sizes = [64, 256], strides = [1, 1]} : vector<128x256xf32> to vector<64x256xf32>
    %slice3A_1730 = vector.extract_strided_slice %transpose3A_47 {offsets = [0, 0], sizes = [64, 256], strides = [1, 1]} : vector<128x256xf32> to vector<64x256xf32>
    %mul3A_1731 = arith.mulf %slice3A_1729, %slice3A_1730 : vector<64x256xf32>
    %reduce_sum3A_1732 = arith.constant dense<0.000000e+00> : vector<256xf32>
    %reduce_sum3A_1733 = vector.multi_reduction <add>, %mul3A_1731, %reduce_sum3A_1732 [0] : vector<64x256xf32> to vector<256xf32>
    %swap3A_1734 = arith.constant 168 : index
    %swap3A_1735 = arith.constant 0 : index
    %swap3A_1736 = vector.load %arg3[%swap3A_1734, %swap3A_1735] : memref<351x256xf32, #tpu.memory_space<vmem>>, vector<1x256xf32>
    %swap3A_1737 = vector.shape_cast %swap3A_1736 : vector<1x256xf32> to vector<256xf32>
    %swap3A_1738 = vector.shape_cast %reduce_sum3A_1733 : vector<256xf32> to vector<1x256xf32>
    tpu.vector_store %arg3[%swap3A_1734, %swap3A_1735], %swap3A_1738 {strides = array<i32>} : memref<351x256xf32, #tpu.memory_space<vmem>>, vector<1x256xf32>,
    %slice3A_1739 = vector.extract_strided_slice %transpose3A_15 {offsets = [64, 0], sizes = [64, 256], strides = [1, 1]} : vector<128x256xf32> to vector<64x256xf32>
    %slice3A_1740 = vector.extract_strided_slice %transpose3A_47 {offsets = [64, 0], sizes = [64, 256], strides = [1, 1]} : vector<128x256xf32> to vector<64x256xf32>
    %mul3A_1741 = arith.mulf %slice3A_1739, %slice3A_1740 : vector<64x256xf32>
    %reduce_sum3A_1742 = arith.constant dense<0.000000e+00> : vector<256xf32>
    %reduce_sum3A_1743 = vector.multi_reduction <add>, %mul3A_1741, %reduce_sum3A_1742 [0] : vector<64x256xf32> to vector<256xf32>
    %swap3A_1744 = arith.constant 169 : index
    %swap3A_1745 = arith.constant 0 : index
    %swap3A_1746 = vector.load %arg3[%swap3A_1744, %swap3A_1745] : memref<351x256xf32, #tpu.memory_space<vmem>>, vector<1x256xf32>
    %swap3A_1747 = vector.shape_cast %swap3A_1746 : vector<1x256xf32> to vector<256xf32>
    %swap3A_1748 = vector.shape_cast %reduce_sum3A_1743 : vector<256xf32> to vector<1x256xf32>
    tpu.vector_store %arg3[%swap3A_1744, %swap3A_1745], %swap3A_1748 {strides = array<i32>} : memref<351x256xf32, #tpu.memory_space<vmem>>, vector<1x256xf32>,
    %slice3A_1749 = vector.extract_strided_slice %transpose3A_15 {offsets = [64, 0], sizes = [64, 256], strides = [1, 1]} : vector<128x256xf32> to vector<64x256xf32>
    %slice3A_1750 = vector.extract_strided_slice %transpose3A_51 {offsets = [0, 0], sizes = [64, 256], strides = [1, 1]} : vector<128x256xf32> to vector<64x256xf32>
    %mul3A_1751 = arith.mulf %slice3A_1749, %slice3A_1750 : vector<64x256xf32>
    %reduce_sum3A_1752 = arith.constant dense<0.000000e+00> : vector<256xf32>
    %reduce_sum3A_1753 = vector.multi_reduction <add>, %mul3A_1751, %reduce_sum3A_1752 [0] : vector<64x256xf32> to vector<256xf32>
    %swap3A_1754 = arith.constant 170 : index
    %swap3A_1755 = arith.constant 0 : index
    %swap3A_1756 = vector.load %arg3[%swap3A_1754, %swap3A_1755] : memref<351x256xf32, #tpu.memory_space<vmem>>, vector<1x256xf32>
    %swap3A_1757 = vector.shape_cast %swap3A_1756 : vector<1x256xf32> to vector<256xf32>
    %swap3A_1758 = vector.shape_cast %reduce_sum3A_1753 : vector<256xf32> to vector<1x256xf32>
    tpu.vector_store %arg3[%swap3A_1754, %swap3A_1755], %swap3A_1758 {strides = array<i32>} : memref<351x256xf32, #tpu.memory_space<vmem>>, vector<1x256xf32>,
    %slice3A_1759 = vector.extract_strided_slice %transpose3A_15 {offsets = [64, 0], sizes = [64, 256], strides = [1, 1]} : vector<128x256xf32> to vector<64x256xf32>
    %slice3A_1760 = vector.extract_strided_slice %transpose3A_51 {offsets = [64, 0], sizes = [64, 256], strides = [1, 1]} : vector<128x256xf32> to vector<64x256xf32>
    %mul3A_1761 = arith.mulf %slice3A_1759, %slice3A_1760 : vector<64x256xf32>
    %reduce_sum3A_1762 = arith.constant dense<0.000000e+00> : vector<256xf32>
    %reduce_sum3A_1763 = vector.multi_reduction <add>, %mul3A_1761, %reduce_sum3A_1762 [0] : vector<64x256xf32> to vector<256xf32>
    %swap3A_1764 = arith.constant 171 : index
    %swap3A_1765 = arith.constant 0 : index
    %swap3A_1766 = vector.load %arg3[%swap3A_1764, %swap3A_1765] : memref<351x256xf32, #tpu.memory_space<vmem>>, vector<1x256xf32>
    %swap3A_1767 = vector.shape_cast %swap3A_1766 : vector<1x256xf32> to vector<256xf32>
    %swap3A_1768 = vector.shape_cast %reduce_sum3A_1763 : vector<256xf32> to vector<1x256xf32>
    tpu.vector_store %arg3[%swap3A_1764, %swap3A_1765], %swap3A_1768 {strides = array<i32>} : memref<351x256xf32, #tpu.memory_space<vmem>>, vector<1x256xf32>,
    %slice3A_1769 = vector.extract_strided_slice %transpose3A_19 {offsets = [0, 0], sizes = [64, 256], strides = [1, 1]} : vector<128x256xf32> to vector<64x256xf32>
    %slice3A_1770 = vector.extract_strided_slice %transpose3A_19 {offsets = [64, 0], sizes = [64, 256], strides = [1, 1]} : vector<128x256xf32> to vector<64x256xf32>
    %mul3A_1771 = arith.mulf %slice3A_1769, %slice3A_1770 : vector<64x256xf32>
    %reduce_sum3A_1772 = arith.constant dense<0.000000e+00> : vector<256xf32>
    %reduce_sum3A_1773 = vector.multi_reduction <add>, %mul3A_1771, %reduce_sum3A_1772 [0] : vector<64x256xf32> to vector<256xf32>
    %swap3A_1774 = arith.constant 172 : index
    %swap3A_1775 = arith.constant 0 : index
    %swap3A_1776 = vector.load %arg3[%swap3A_1774, %swap3A_1775] : memref<351x256xf32, #tpu.memory_space<vmem>>, vector<1x256xf32>
    %swap3A_1777 = vector.shape_cast %swap3A_1776 : vector<1x256xf32> to vector<256xf32>
    %swap3A_1778 = vector.shape_cast %reduce_sum3A_1773 : vector<256xf32> to vector<1x256xf32>
    tpu.vector_store %arg3[%swap3A_1774, %swap3A_1775], %swap3A_1778 {strides = array<i32>} : memref<351x256xf32, #tpu.memory_space<vmem>>, vector<1x256xf32>,
    %slice3A_1779 = vector.extract_strided_slice %transpose3A_19 {offsets = [0, 0], sizes = [64, 256], strides = [1, 1]} : vector<128x256xf32> to vector<64x256xf32>
    %slice3A_1780 = vector.extract_strided_slice %transpose3A_23 {offsets = [0, 0], sizes = [64, 256], strides = [1, 1]} : vector<128x256xf32> to vector<64x256xf32>
    %mul3A_1781 = arith.mulf %slice3A_1779, %slice3A_1780 : vector<64x256xf32>
    %reduce_sum3A_1782 = arith.constant dense<0.000000e+00> : vector<256xf32>
    %reduce_sum3A_1783 = vector.multi_reduction <add>, %mul3A_1781, %reduce_sum3A_1782 [0] : vector<64x256xf32> to vector<256xf32>
    %swap3A_1784 = arith.constant 173 : index
    %swap3A_1785 = arith.constant 0 : index
    %swap3A_1786 = vector.load %arg3[%swap3A_1784, %swap3A_1785] : memref<351x256xf32, #tpu.memory_space<vmem>>, vector<1x256xf32>
    %swap3A_1787 = vector.shape_cast %swap3A_1786 : vector<1x256xf32> to vector<256xf32>
    %swap3A_1788 = vector.shape_cast %reduce_sum3A_1783 : vector<256xf32> to vector<1x256xf32>
    tpu.vector_store %arg3[%swap3A_1784, %swap3A_1785], %swap3A_1788 {strides = array<i32>} : memref<351x256xf32, #tpu.memory_space<vmem>>, vector<1x256xf32>,
    %slice3A_1789 = vector.extract_strided_slice %transpose3A_19 {offsets = [0, 0], sizes = [64, 256], strides = [1, 1]} : vector<128x256xf32> to vector<64x256xf32>
    %slice3A_1790 = vector.extract_strided_slice %transpose3A_23 {offsets = [64, 0], sizes = [64, 256], strides = [1, 1]} : vector<128x256xf32> to vector<64x256xf32>
    %mul3A_1791 = arith.mulf %slice3A_1789, %slice3A_1790 : vector<64x256xf32>
    %reduce_sum3A_1792 = arith.constant dense<0.000000e+00> : vector<256xf32>
    %reduce_sum3A_1793 = vector.multi_reduction <add>, %mul3A_1791, %reduce_sum3A_1792 [0] : vector<64x256xf32> to vector<256xf32>
    %swap3A_1794 = arith.constant 174 : index
    %swap3A_1795 = arith.constant 0 : index
    %swap3A_1796 = vector.load %arg3[%swap3A_1794, %swap3A_1795] : memref<351x256xf32, #tpu.memory_space<vmem>>, vector<1x256xf32>
    %swap3A_1797 = vector.shape_cast %swap3A_1796 : vector<1x256xf32> to vector<256xf32>
    %swap3A_1798 = vector.shape_cast %reduce_sum3A_1793 : vector<256xf32> to vector<1x256xf32>
    tpu.vector_store %arg3[%swap3A_1794, %swap3A_1795], %swap3A_1798 {strides = array<i32>} : memref<351x256xf32, #tpu.memory_space<vmem>>, vector<1x256xf32>,
    %slice3A_1799 = vector.extract_strided_slice %transpose3A_19 {offsets = [0, 0], sizes = [64, 256], strides = [1, 1]} : vector<128x256xf32> to vector<64x256xf32>
    %slice3A_1800 = vector.extract_strided_slice %transpose3A_27 {offsets = [0, 0], sizes = [64, 256], strides = [1, 1]} : vector<128x256xf32> to vector<64x256xf32>
    %mul3A_1801 = arith.mulf %slice3A_1799, %slice3A_1800 : vector<64x256xf32>
    %reduce_sum3A_1802 = arith.constant dense<0.000000e+00> : vector<256xf32>
    %reduce_sum3A_1803 = vector.multi_reduction <add>, %mul3A_1801, %reduce_sum3A_1802 [0] : vector<64x256xf32> to vector<256xf32>
    %swap3A_1804 = arith.constant 175 : index
    %swap3A_1805 = arith.constant 0 : index
    %swap3A_1806 = vector.load %arg3[%swap3A_1804, %swap3A_1805] : memref<351x256xf32, #tpu.memory_space<vmem>>, vector<1x256xf32>
    %swap3A_1807 = vector.shape_cast %swap3A_1806 : vector<1x256xf32> to vector<256xf32>
    %swap3A_1808 = vector.shape_cast %reduce_sum3A_1803 : vector<256xf32> to vector<1x256xf32>
    tpu.vector_store %arg3[%swap3A_1804, %swap3A_1805], %swap3A_1808 {strides = array<i32>} : memref<351x256xf32, #tpu.memory_space<vmem>>, vector<1x256xf32>,
    %slice3A_1809 = vector.extract_strided_slice %transpose3A_19 {offsets = [0, 0], sizes = [64, 256], strides = [1, 1]} : vector<128x256xf32> to vector<64x256xf32>
    %slice3A_1810 = vector.extract_strided_slice %transpose3A_27 {offsets = [64, 0], sizes = [64, 256], strides = [1, 1]} : vector<128x256xf32> to vector<64x256xf32>
    %mul3A_1811 = arith.mulf %slice3A_1809, %slice3A_1810 : vector<64x256xf32>
    %reduce_sum3A_1812 = arith.constant dense<0.000000e+00> : vector<256xf32>
    %reduce_sum3A_1813 = vector.multi_reduction <add>, %mul3A_1811, %reduce_sum3A_1812 [0] : vector<64x256xf32> to vector<256xf32>
    %swap3A_1814 = arith.constant 176 : index
    %swap3A_1815 = arith.constant 0 : index
    %swap3A_1816 = vector.load %arg3[%swap3A_1814, %swap3A_1815] : memref<351x256xf32, #tpu.memory_space<vmem>>, vector<1x256xf32>
    %swap3A_1817 = vector.shape_cast %swap3A_1816 : vector<1x256xf32> to vector<256xf32>
    %swap3A_1818 = vector.shape_cast %reduce_sum3A_1813 : vector<256xf32> to vector<1x256xf32>
    tpu.vector_store %arg3[%swap3A_1814, %swap3A_1815], %swap3A_1818 {strides = array<i32>} : memref<351x256xf32, #tpu.memory_space<vmem>>, vector<1x256xf32>,
    %slice3A_1819 = vector.extract_strided_slice %transpose3A_19 {offsets = [0, 0], sizes = [64, 256], strides = [1, 1]} : vector<128x256xf32> to vector<64x256xf32>
    %slice3A_1820 = vector.extract_strided_slice %transpose3A_31 {offsets = [0, 0], sizes = [64, 256], strides = [1, 1]} : vector<128x256xf32> to vector<64x256xf32>
    %mul3A_1821 = arith.mulf %slice3A_1819, %slice3A_1820 : vector<64x256xf32>
    %reduce_sum3A_1822 = arith.constant dense<0.000000e+00> : vector<256xf32>
    %reduce_sum3A_1823 = vector.multi_reduction <add>, %mul3A_1821, %reduce_sum3A_1822 [0] : vector<64x256xf32> to vector<256xf32>
    %swap3A_1824 = arith.constant 177 : index
    %swap3A_1825 = arith.constant 0 : index
    %swap3A_1826 = vector.load %arg3[%swap3A_1824, %swap3A_1825] : memref<351x256xf32, #tpu.memory_space<vmem>>, vector<1x256xf32>
    %swap3A_1827 = vector.shape_cast %swap3A_1826 : vector<1x256xf32> to vector<256xf32>
    %swap3A_1828 = vector.shape_cast %reduce_sum3A_1823 : vector<256xf32> to vector<1x256xf32>
    tpu.vector_store %arg3[%swap3A_1824, %swap3A_1825], %swap3A_1828 {strides = array<i32>} : memref<351x256xf32, #tpu.memory_space<vmem>>, vector<1x256xf32>,
    %slice3A_1829 = vector.extract_strided_slice %transpose3A_19 {offsets = [0, 0], sizes = [64, 256], strides = [1, 1]} : vector<128x256xf32> to vector<64x256xf32>
    %slice3A_1830 = vector.extract_strided_slice %transpose3A_31 {offsets = [64, 0], sizes = [64, 256], strides = [1, 1]} : vector<128x256xf32> to vector<64x256xf32>
    %mul3A_1831 = arith.mulf %slice3A_1829, %slice3A_1830 : vector<64x256xf32>
    %reduce_sum3A_1832 = arith.constant dense<0.000000e+00> : vector<256xf32>
    %reduce_sum3A_1833 = vector.multi_reduction <add>, %mul3A_1831, %reduce_sum3A_1832 [0] : vector<64x256xf32> to vector<256xf32>
    %swap3A_1834 = arith.constant 178 : index
    %swap3A_1835 = arith.constant 0 : index
    %swap3A_1836 = vector.load %arg3[%swap3A_1834, %swap3A_1835] : memref<351x256xf32, #tpu.memory_space<vmem>>, vector<1x256xf32>
    %swap3A_1837 = vector.shape_cast %swap3A_1836 : vector<1x256xf32> to vector<256xf32>
    %swap3A_1838 = vector.shape_cast %reduce_sum3A_1833 : vector<256xf32> to vector<1x256xf32>
    tpu.vector_store %arg3[%swap3A_1834, %swap3A_1835], %swap3A_1838 {strides = array<i32>} : memref<351x256xf32, #tpu.memory_space<vmem>>, vector<1x256xf32>,
    %slice3A_1839 = vector.extract_strided_slice %transpose3A_19 {offsets = [0, 0], sizes = [64, 256], strides = [1, 1]} : vector<128x256xf32> to vector<64x256xf32>
    %slice3A_1840 = vector.extract_strided_slice %transpose3A_35 {offsets = [0, 0], sizes = [64, 256], strides = [1, 1]} : vector<128x256xf32> to vector<64x256xf32>
    %mul3A_1841 = arith.mulf %slice3A_1839, %slice3A_1840 : vector<64x256xf32>
    %reduce_sum3A_1842 = arith.constant dense<0.000000e+00> : vector<256xf32>
    %reduce_sum3A_1843 = vector.multi_reduction <add>, %mul3A_1841, %reduce_sum3A_1842 [0] : vector<64x256xf32> to vector<256xf32>
    %swap3A_1844 = arith.constant 179 : index
    %swap3A_1845 = arith.constant 0 : index
    %swap3A_1846 = vector.load %arg3[%swap3A_1844, %swap3A_1845] : memref<351x256xf32, #tpu.memory_space<vmem>>, vector<1x256xf32>
    %swap3A_1847 = vector.shape_cast %swap3A_1846 : vector<1x256xf32> to vector<256xf32>
    %swap3A_1848 = vector.shape_cast %reduce_sum3A_1843 : vector<256xf32> to vector<1x256xf32>
    tpu.vector_store %arg3[%swap3A_1844, %swap3A_1845], %swap3A_1848 {strides = array<i32>} : memref<351x256xf32, #tpu.memory_space<vmem>>, vector<1x256xf32>,
    %slice3A_1849 = vector.extract_strided_slice %transpose3A_19 {offsets = [0, 0], sizes = [64, 256], strides = [1, 1]} : vector<128x256xf32> to vector<64x256xf32>
    %slice3A_1850 = vector.extract_strided_slice %transpose3A_35 {offsets = [64, 0], sizes = [64, 256], strides = [1, 1]} : vector<128x256xf32> to vector<64x256xf32>
    %mul3A_1851 = arith.mulf %slice3A_1849, %slice3A_1850 : vector<64x256xf32>
    %reduce_sum3A_1852 = arith.constant dense<0.000000e+00> : vector<256xf32>
    %reduce_sum3A_1853 = vector.multi_reduction <add>, %mul3A_1851, %reduce_sum3A_1852 [0] : vector<64x256xf32> to vector<256xf32>
    %swap3A_1854 = arith.constant 180 : index
    %swap3A_1855 = arith.constant 0 : index
    %swap3A_1856 = vector.load %arg3[%swap3A_1854, %swap3A_1855] : memref<351x256xf32, #tpu.memory_space<vmem>>, vector<1x256xf32>
    %swap3A_1857 = vector.shape_cast %swap3A_1856 : vector<1x256xf32> to vector<256xf32>
    %swap3A_1858 = vector.shape_cast %reduce_sum3A_1853 : vector<256xf32> to vector<1x256xf32>
    tpu.vector_store %arg3[%swap3A_1854, %swap3A_1855], %swap3A_1858 {strides = array<i32>} : memref<351x256xf32, #tpu.memory_space<vmem>>, vector<1x256xf32>,
    %slice3A_1859 = vector.extract_strided_slice %transpose3A_19 {offsets = [0, 0], sizes = [64, 256], strides = [1, 1]} : vector<128x256xf32> to vector<64x256xf32>
    %slice3A_1860 = vector.extract_strided_slice %transpose3A_39 {offsets = [0, 0], sizes = [64, 256], strides = [1, 1]} : vector<128x256xf32> to vector<64x256xf32>
    %mul3A_1861 = arith.mulf %slice3A_1859, %slice3A_1860 : vector<64x256xf32>
    %reduce_sum3A_1862 = arith.constant dense<0.000000e+00> : vector<256xf32>
    %reduce_sum3A_1863 = vector.multi_reduction <add>, %mul3A_1861, %reduce_sum3A_1862 [0] : vector<64x256xf32> to vector<256xf32>
    %swap3A_1864 = arith.constant 181 : index
    %swap3A_1865 = arith.constant 0 : index
    %swap3A_1866 = vector.load %arg3[%swap3A_1864, %swap3A_1865] : memref<351x256xf32, #tpu.memory_space<vmem>>, vector<1x256xf32>
    %swap3A_1867 = vector.shape_cast %swap3A_1866 : vector<1x256xf32> to vector<256xf32>
    %swap3A_1868 = vector.shape_cast %reduce_sum3A_1863 : vector<256xf32> to vector<1x256xf32>
    tpu.vector_store %arg3[%swap3A_1864, %swap3A_1865], %swap3A_1868 {strides = array<i32>} : memref<351x256xf32, #tpu.memory_space<vmem>>, vector<1x256xf32>,
    %slice3A_1869 = vector.extract_strided_slice %transpose3A_19 {offsets = [0, 0], sizes = [64, 256], strides = [1, 1]} : vector<128x256xf32> to vector<64x256xf32>
    %slice3A_1870 = vector.extract_strided_slice %transpose3A_39 {offsets = [64, 0], sizes = [64, 256], strides = [1, 1]} : vector<128x256xf32> to vector<64x256xf32>
    %mul3A_1871 = arith.mulf %slice3A_1869, %slice3A_1870 : vector<64x256xf32>
    %reduce_sum3A_1872 = arith.constant dense<0.000000e+00> : vector<256xf32>
    %reduce_sum3A_1873 = vector.multi_reduction <add>, %mul3A_1871, %reduce_sum3A_1872 [0] : vector<64x256xf32> to vector<256xf32>
    %swap3A_1874 = arith.constant 182 : index
    %swap3A_1875 = arith.constant 0 : index
    %swap3A_1876 = vector.load %arg3[%swap3A_1874, %swap3A_1875] : memref<351x256xf32, #tpu.memory_space<vmem>>, vector<1x256xf32>
    %swap3A_1877 = vector.shape_cast %swap3A_1876 : vector<1x256xf32> to vector<256xf32>
    %swap3A_1878 = vector.shape_cast %reduce_sum3A_1873 : vector<256xf32> to vector<1x256xf32>
    tpu.vector_store %arg3[%swap3A_1874, %swap3A_1875], %swap3A_1878 {strides = array<i32>} : memref<351x256xf32, #tpu.memory_space<vmem>>, vector<1x256xf32>,
    %slice3A_1879 = vector.extract_strided_slice %transpose3A_19 {offsets = [0, 0], sizes = [64, 256], strides = [1, 1]} : vector<128x256xf32> to vector<64x256xf32>
    %slice3A_1880 = vector.extract_strided_slice %transpose3A_43 {offsets = [0, 0], sizes = [64, 256], strides = [1, 1]} : vector<128x256xf32> to vector<64x256xf32>
    %mul3A_1881 = arith.mulf %slice3A_1879, %slice3A_1880 : vector<64x256xf32>
    %reduce_sum3A_1882 = arith.constant dense<0.000000e+00> : vector<256xf32>
    %reduce_sum3A_1883 = vector.multi_reduction <add>, %mul3A_1881, %reduce_sum3A_1882 [0] : vector<64x256xf32> to vector<256xf32>
    %swap3A_1884 = arith.constant 183 : index
    %swap3A_1885 = arith.constant 0 : index
    %swap3A_1886 = vector.load %arg3[%swap3A_1884, %swap3A_1885] : memref<351x256xf32, #tpu.memory_space<vmem>>, vector<1x256xf32>
    %swap3A_1887 = vector.shape_cast %swap3A_1886 : vector<1x256xf32> to vector<256xf32>
    %swap3A_1888 = vector.shape_cast %reduce_sum3A_1883 : vector<256xf32> to vector<1x256xf32>
    tpu.vector_store %arg3[%swap3A_1884, %swap3A_1885], %swap3A_1888 {strides = array<i32>} : memref<351x256xf32, #tpu.memory_space<vmem>>, vector<1x256xf32>,
    %slice3A_1889 = vector.extract_strided_slice %transpose3A_19 {offsets = [0, 0], sizes = [64, 256], strides = [1, 1]} : vector<128x256xf32> to vector<64x256xf32>
    %slice3A_1890 = vector.extract_strided_slice %transpose3A_43 {offsets = [64, 0], sizes = [64, 256], strides = [1, 1]} : vector<128x256xf32> to vector<64x256xf32>
    %mul3A_1891 = arith.mulf %slice3A_1889, %slice3A_1890 : vector<64x256xf32>
    %reduce_sum3A_1892 = arith.constant dense<0.000000e+00> : vector<256xf32>
    %reduce_sum3A_1893 = vector.multi_reduction <add>, %mul3A_1891, %reduce_sum3A_1892 [0] : vector<64x256xf32> to vector<256xf32>
    %swap3A_1894 = arith.constant 184 : index
    %swap3A_1895 = arith.constant 0 : index
    %swap3A_1896 = vector.load %arg3[%swap3A_1894, %swap3A_1895] : memref<351x256xf32, #tpu.memory_space<vmem>>, vector<1x256xf32>
    %swap3A_1897 = vector.shape_cast %swap3A_1896 : vector<1x256xf32> to vector<256xf32>
    %swap3A_1898 = vector.shape_cast %reduce_sum3A_1893 : vector<256xf32> to vector<1x256xf32>
    tpu.vector_store %arg3[%swap3A_1894, %swap3A_1895], %swap3A_1898 {strides = array<i32>} : memref<351x256xf32, #tpu.memory_space<vmem>>, vector<1x256xf32>,
    %slice3A_1899 = vector.extract_strided_slice %transpose3A_19 {offsets = [0, 0], sizes = [64, 256], strides = [1, 1]} : vector<128x256xf32> to vector<64x256xf32>
    %slice3A_1900 = vector.extract_strided_slice %transpose3A_47 {offsets = [0, 0], sizes = [64, 256], strides = [1, 1]} : vector<128x256xf32> to vector<64x256xf32>
    %mul3A_1901 = arith.mulf %slice3A_1899, %slice3A_1900 : vector<64x256xf32>
    %reduce_sum3A_1902 = arith.constant dense<0.000000e+00> : vector<256xf32>
    %reduce_sum3A_1903 = vector.multi_reduction <add>, %mul3A_1901, %reduce_sum3A_1902 [0] : vector<64x256xf32> to vector<256xf32>
    %swap3A_1904 = arith.constant 185 : index
    %swap3A_1905 = arith.constant 0 : index
    %swap3A_1906 = vector.load %arg3[%swap3A_1904, %swap3A_1905] : memref<351x256xf32, #tpu.memory_space<vmem>>, vector<1x256xf32>
    %swap3A_1907 = vector.shape_cast %swap3A_1906 : vector<1x256xf32> to vector<256xf32>
    %swap3A_1908 = vector.shape_cast %reduce_sum3A_1903 : vector<256xf32> to vector<1x256xf32>
    tpu.vector_store %arg3[%swap3A_1904, %swap3A_1905], %swap3A_1908 {strides = array<i32>} : memref<351x256xf32, #tpu.memory_space<vmem>>, vector<1x256xf32>,
    %slice3A_1909 = vector.extract_strided_slice %transpose3A_19 {offsets = [0, 0], sizes = [64, 256], strides = [1, 1]} : vector<128x256xf32> to vector<64x256xf32>
    %slice3A_1910 = vector.extract_strided_slice %transpose3A_47 {offsets = [64, 0], sizes = [64, 256], strides = [1, 1]} : vector<128x256xf32> to vector<64x256xf32>
    %mul3A_1911 = arith.mulf %slice3A_1909, %slice3A_1910 : vector<64x256xf32>
    %reduce_sum3A_1912 = arith.constant dense<0.000000e+00> : vector<256xf32>
    %reduce_sum3A_1913 = vector.multi_reduction <add>, %mul3A_1911, %reduce_sum3A_1912 [0] : vector<64x256xf32> to vector<256xf32>
    %swap3A_1914 = arith.constant 186 : index
    %swap3A_1915 = arith.constant 0 : index
    %swap3A_1916 = vector.load %arg3[%swap3A_1914, %swap3A_1915] : memref<351x256xf32, #tpu.memory_space<vmem>>, vector<1x256xf32>
    %swap3A_1917 = vector.shape_cast %swap3A_1916 : vector<1x256xf32> to vector<256xf32>
    %swap3A_1918 = vector.shape_cast %reduce_sum3A_1913 : vector<256xf32> to vector<1x256xf32>
    tpu.vector_store %arg3[%swap3A_1914, %swap3A_1915], %swap3A_1918 {strides = array<i32>} : memref<351x256xf32, #tpu.memory_space<vmem>>, vector<1x256xf32>,
    %slice3A_1919 = vector.extract_strided_slice %transpose3A_19 {offsets = [0, 0], sizes = [64, 256], strides = [1, 1]} : vector<128x256xf32> to vector<64x256xf32>
    %slice3A_1920 = vector.extract_strided_slice %transpose3A_51 {offsets = [0, 0], sizes = [64, 256], strides = [1, 1]} : vector<128x256xf32> to vector<64x256xf32>
    %mul3A_1921 = arith.mulf %slice3A_1919, %slice3A_1920 : vector<64x256xf32>
    %reduce_sum3A_1922 = arith.constant dense<0.000000e+00> : vector<256xf32>
    %reduce_sum3A_1923 = vector.multi_reduction <add>, %mul3A_1921, %reduce_sum3A_1922 [0] : vector<64x256xf32> to vector<256xf32>
    %swap3A_1924 = arith.constant 187 : index
    %swap3A_1925 = arith.constant 0 : index
    %swap3A_1926 = vector.load %arg3[%swap3A_1924, %swap3A_1925] : memref<351x256xf32, #tpu.memory_space<vmem>>, vector<1x256xf32>
    %swap3A_1927 = vector.shape_cast %swap3A_1926 : vector<1x256xf32> to vector<256xf32>
    %swap3A_1928 = vector.shape_cast %reduce_sum3A_1923 : vector<256xf32> to vector<1x256xf32>
    tpu.vector_store %arg3[%swap3A_1924, %swap3A_1925], %swap3A_1928 {strides = array<i32>} : memref<351x256xf32, #tpu.memory_space<vmem>>, vector<1x256xf32>,
    %slice3A_1929 = vector.extract_strided_slice %transpose3A_19 {offsets = [0, 0], sizes = [64, 256], strides = [1, 1]} : vector<128x256xf32> to vector<64x256xf32>
    %slice3A_1930 = vector.extract_strided_slice %transpose3A_51 {offsets = [64, 0], sizes = [64, 256], strides = [1, 1]} : vector<128x256xf32> to vector<64x256xf32>
    %mul3A_1931 = arith.mulf %slice3A_1929, %slice3A_1930 : vector<64x256xf32>
    %reduce_sum3A_1932 = arith.constant dense<0.000000e+00> : vector<256xf32>
    %reduce_sum3A_1933 = vector.multi_reduction <add>, %mul3A_1931, %reduce_sum3A_1932 [0] : vector<64x256xf32> to vector<256xf32>
    %swap3A_1934 = arith.constant 188 : index
    %swap3A_1935 = arith.constant 0 : index
    %swap3A_1936 = vector.load %arg3[%swap3A_1934, %swap3A_1935] : memref<351x256xf32, #tpu.memory_space<vmem>>, vector<1x256xf32>
    %swap3A_1937 = vector.shape_cast %swap3A_1936 : vector<1x256xf32> to vector<256xf32>
    %swap3A_1938 = vector.shape_cast %reduce_sum3A_1933 : vector<256xf32> to vector<1x256xf32>
    tpu.vector_store %arg3[%swap3A_1934, %swap3A_1935], %swap3A_1938 {strides = array<i32>} : memref<351x256xf32, #tpu.memory_space<vmem>>, vector<1x256xf32>,
    %slice3A_1939 = vector.extract_strided_slice %transpose3A_19 {offsets = [64, 0], sizes = [64, 256], strides = [1, 1]} : vector<128x256xf32> to vector<64x256xf32>
    %slice3A_1940 = vector.extract_strided_slice %transpose3A_23 {offsets = [0, 0], sizes = [64, 256], strides = [1, 1]} : vector<128x256xf32> to vector<64x256xf32>
    %mul3A_1941 = arith.mulf %slice3A_1939, %slice3A_1940 : vector<64x256xf32>
    %reduce_sum3A_1942 = arith.constant dense<0.000000e+00> : vector<256xf32>
    %reduce_sum3A_1943 = vector.multi_reduction <add>, %mul3A_1941, %reduce_sum3A_1942 [0] : vector<64x256xf32> to vector<256xf32>
    %swap3A_1944 = arith.constant 189 : index
    %swap3A_1945 = arith.constant 0 : index
    %swap3A_1946 = vector.load %arg3[%swap3A_1944, %swap3A_1945] : memref<351x256xf32, #tpu.memory_space<vmem>>, vector<1x256xf32>
    %swap3A_1947 = vector.shape_cast %swap3A_1946 : vector<1x256xf32> to vector<256xf32>
    %swap3A_1948 = vector.shape_cast %reduce_sum3A_1943 : vector<256xf32> to vector<1x256xf32>
    tpu.vector_store %arg3[%swap3A_1944, %swap3A_1945], %swap3A_1948 {strides = array<i32>} : memref<351x256xf32, #tpu.memory_space<vmem>>, vector<1x256xf32>,
    %slice3A_1949 = vector.extract_strided_slice %transpose3A_19 {offsets = [64, 0], sizes = [64, 256], strides = [1, 1]} : vector<128x256xf32> to vector<64x256xf32>
    %slice3A_1950 = vector.extract_strided_slice %transpose3A_23 {offsets = [64, 0], sizes = [64, 256], strides = [1, 1]} : vector<128x256xf32> to vector<64x256xf32>
    %mul3A_1951 = arith.mulf %slice3A_1949, %slice3A_1950 : vector<64x256xf32>
    %reduce_sum3A_1952 = arith.constant dense<0.000000e+00> : vector<256xf32>
    %reduce_sum3A_1953 = vector.multi_reduction <add>, %mul3A_1951, %reduce_sum3A_1952 [0] : vector<64x256xf32> to vector<256xf32>
    %swap3A_1954 = arith.constant 190 : index
    %swap3A_1955 = arith.constant 0 : index
    %swap3A_1956 = vector.load %arg3[%swap3A_1954, %swap3A_1955] : memref<351x256xf32, #tpu.memory_space<vmem>>, vector<1x256xf32>
    %swap3A_1957 = vector.shape_cast %swap3A_1956 : vector<1x256xf32> to vector<256xf32>
    %swap3A_1958 = vector.shape_cast %reduce_sum3A_1953 : vector<256xf32> to vector<1x256xf32>
    tpu.vector_store %arg3[%swap3A_1954, %swap3A_1955], %swap3A_1958 {strides = array<i32>} : memref<351x256xf32, #tpu.memory_space<vmem>>, vector<1x256xf32>,
    %slice3A_1959 = vector.extract_strided_slice %transpose3A_19 {offsets = [64, 0], sizes = [64, 256], strides = [1, 1]} : vector<128x256xf32> to vector<64x256xf32>
    %slice3A_1960 = vector.extract_strided_slice %transpose3A_27 {offsets = [0, 0], sizes = [64, 256], strides = [1, 1]} : vector<128x256xf32> to vector<64x256xf32>
    %mul3A_1961 = arith.mulf %slice3A_1959, %slice3A_1960 : vector<64x256xf32>
    %reduce_sum3A_1962 = arith.constant dense<0.000000e+00> : vector<256xf32>
    %reduce_sum3A_1963 = vector.multi_reduction <add>, %mul3A_1961, %reduce_sum3A_1962 [0] : vector<64x256xf32> to vector<256xf32>
    %swap3A_1964 = arith.constant 191 : index
    %swap3A_1965 = arith.constant 0 : index
    %swap3A_1966 = vector.load %arg3[%swap3A_1964, %swap3A_1965] : memref<351x256xf32, #tpu.memory_space<vmem>>, vector<1x256xf32>
    %swap3A_1967 = vector.shape_cast %swap3A_1966 : vector<1x256xf32> to vector<256xf32>
    %swap3A_1968 = vector.shape_cast %reduce_sum3A_1963 : vector<256xf32> to vector<1x256xf32>
    tpu.vector_store %arg3[%swap3A_1964, %swap3A_1965], %swap3A_1968 {strides = array<i32>} : memref<351x256xf32, #tpu.memory_space<vmem>>, vector<1x256xf32>,
    %slice3A_1969 = vector.extract_strided_slice %transpose3A_19 {offsets = [64, 0], sizes = [64, 256], strides = [1, 1]} : vector<128x256xf32> to vector<64x256xf32>
    %slice3A_1970 = vector.extract_strided_slice %transpose3A_27 {offsets = [64, 0], sizes = [64, 256], strides = [1, 1]} : vector<128x256xf32> to vector<64x256xf32>
    %mul3A_1971 = arith.mulf %slice3A_1969, %slice3A_1970 : vector<64x256xf32>
    %reduce_sum3A_1972 = arith.constant dense<0.000000e+00> : vector<256xf32>
    %reduce_sum3A_1973 = vector.multi_reduction <add>, %mul3A_1971, %reduce_sum3A_1972 [0] : vector<64x256xf32> to vector<256xf32>
    %swap3A_1974 = arith.constant 192 : index
    %swap3A_1975 = arith.constant 0 : index
    %swap3A_1976 = vector.load %arg3[%swap3A_1974, %swap3A_1975] : memref<351x256xf32, #tpu.memory_space<vmem>>, vector<1x256xf32>
    %swap3A_1977 = vector.shape_cast %swap3A_1976 : vector<1x256xf32> to vector<256xf32>
    %swap3A_1978 = vector.shape_cast %reduce_sum3A_1973 : vector<256xf32> to vector<1x256xf32>
    tpu.vector_store %arg3[%swap3A_1974, %swap3A_1975], %swap3A_1978 {strides = array<i32>} : memref<351x256xf32, #tpu.memory_space<vmem>>, vector<1x256xf32>,
    %slice3A_1979 = vector.extract_strided_slice %transpose3A_19 {offsets = [64, 0], sizes = [64, 256], strides = [1, 1]} : vector<128x256xf32> to vector<64x256xf32>
    %slice3A_1980 = vector.extract_strided_slice %transpose3A_31 {offsets = [0, 0], sizes = [64, 256], strides = [1, 1]} : vector<128x256xf32> to vector<64x256xf32>
    %mul3A_1981 = arith.mulf %slice3A_1979, %slice3A_1980 : vector<64x256xf32>
    %reduce_sum3A_1982 = arith.constant dense<0.000000e+00> : vector<256xf32>
    %reduce_sum3A_1983 = vector.multi_reduction <add>, %mul3A_1981, %reduce_sum3A_1982 [0] : vector<64x256xf32> to vector<256xf32>
    %swap3A_1984 = arith.constant 193 : index
    %swap3A_1985 = arith.constant 0 : index
    %swap3A_1986 = vector.load %arg3[%swap3A_1984, %swap3A_1985] : memref<351x256xf32, #tpu.memory_space<vmem>>, vector<1x256xf32>
    %swap3A_1987 = vector.shape_cast %swap3A_1986 : vector<1x256xf32> to vector<256xf32>
    %swap3A_1988 = vector.shape_cast %reduce_sum3A_1983 : vector<256xf32> to vector<1x256xf32>
    tpu.vector_store %arg3[%swap3A_1984, %swap3A_1985], %swap3A_1988 {strides = array<i32>} : memref<351x256xf32, #tpu.memory_space<vmem>>, vector<1x256xf32>,
    %slice3A_1989 = vector.extract_strided_slice %transpose3A_19 {offsets = [64, 0], sizes = [64, 256], strides = [1, 1]} : vector<128x256xf32> to vector<64x256xf32>
    %slice3A_1990 = vector.extract_strided_slice %transpose3A_31 {offsets = [64, 0], sizes = [64, 256], strides = [1, 1]} : vector<128x256xf32> to vector<64x256xf32>
    %mul3A_1991 = arith.mulf %slice3A_1989, %slice3A_1990 : vector<64x256xf32>
    %reduce_sum3A_1992 = arith.constant dense<0.000000e+00> : vector<256xf32>
    %reduce_sum3A_1993 = vector.multi_reduction <add>, %mul3A_1991, %reduce_sum3A_1992 [0] : vector<64x256xf32> to vector<256xf32>
    %swap3A_1994 = arith.constant 194 : index
    %swap3A_1995 = arith.constant 0 : index
    %swap3A_1996 = vector.load %arg3[%swap3A_1994, %swap3A_1995] : memref<351x256xf32, #tpu.memory_space<vmem>>, vector<1x256xf32>
    %swap3A_1997 = vector.shape_cast %swap3A_1996 : vector<1x256xf32> to vector<256xf32>
    %swap3A_1998 = vector.shape_cast %reduce_sum3A_1993 : vector<256xf32> to vector<1x256xf32>
    tpu.vector_store %arg3[%swap3A_1994, %swap3A_1995], %swap3A_1998 {strides = array<i32>} : memref<351x256xf32, #tpu.memory_space<vmem>>, vector<1x256xf32>,
    %slice3A_1999 = vector.extract_strided_slice %transpose3A_19 {offsets = [64, 0], sizes = [64, 256], strides = [1, 1]} : vector<128x256xf32> to vector<64x256xf32>
    %slice3A_2000 = vector.extract_strided_slice %transpose3A_35 {offsets = [0, 0], sizes = [64, 256], strides = [1, 1]} : vector<128x256xf32> to vector<64x256xf32>
    %mul3A_2001 = arith.mulf %slice3A_1999, %slice3A_2000 : vector<64x256xf32>
    %reduce_sum3A_2002 = arith.constant dense<0.000000e+00> : vector<256xf32>
    %reduce_sum3A_2003 = vector.multi_reduction <add>, %mul3A_2001, %reduce_sum3A_2002 [0] : vector<64x256xf32> to vector<256xf32>
    %swap3A_2004 = arith.constant 195 : index
    %swap3A_2005 = arith.constant 0 : index
    %swap3A_2006 = vector.load %arg3[%swap3A_2004, %swap3A_2005] : memref<351x256xf32, #tpu.memory_space<vmem>>, vector<1x256xf32>
    %swap3A_2007 = vector.shape_cast %swap3A_2006 : vector<1x256xf32> to vector<256xf32>
    %swap3A_2008 = vector.shape_cast %reduce_sum3A_2003 : vector<256xf32> to vector<1x256xf32>
    tpu.vector_store %arg3[%swap3A_2004, %swap3A_2005], %swap3A_2008 {strides = array<i32>} : memref<351x256xf32, #tpu.memory_space<vmem>>, vector<1x256xf32>,
    %slice3A_2009 = vector.extract_strided_slice %transpose3A_19 {offsets = [64, 0], sizes = [64, 256], strides = [1, 1]} : vector<128x256xf32> to vector<64x256xf32>
    %slice3A_2010 = vector.extract_strided_slice %transpose3A_35 {offsets = [64, 0], sizes = [64, 256], strides = [1, 1]} : vector<128x256xf32> to vector<64x256xf32>
    %mul3A_2011 = arith.mulf %slice3A_2009, %slice3A_2010 : vector<64x256xf32>
    %reduce_sum3A_2012 = arith.constant dense<0.000000e+00> : vector<256xf32>
    %reduce_sum3A_2013 = vector.multi_reduction <add>, %mul3A_2011, %reduce_sum3A_2012 [0] : vector<64x256xf32> to vector<256xf32>
    %swap3A_2014 = arith.constant 196 : index
    %swap3A_2015 = arith.constant 0 : index
    %swap3A_2016 = vector.load %arg3[%swap3A_2014, %swap3A_2015] : memref<351x256xf32, #tpu.memory_space<vmem>>, vector<1x256xf32>
    %swap3A_2017 = vector.shape_cast %swap3A_2016 : vector<1x256xf32> to vector<256xf32>
    %swap3A_2018 = vector.shape_cast %reduce_sum3A_2013 : vector<256xf32> to vector<1x256xf32>
    tpu.vector_store %arg3[%swap3A_2014, %swap3A_2015], %swap3A_2018 {strides = array<i32>} : memref<351x256xf32, #tpu.memory_space<vmem>>, vector<1x256xf32>,
    %slice3A_2019 = vector.extract_strided_slice %transpose3A_19 {offsets = [64, 0], sizes = [64, 256], strides = [1, 1]} : vector<128x256xf32> to vector<64x256xf32>
    %slice3A_2020 = vector.extract_strided_slice %transpose3A_39 {offsets = [0, 0], sizes = [64, 256], strides = [1, 1]} : vector<128x256xf32> to vector<64x256xf32>
    %mul3A_2021 = arith.mulf %slice3A_2019, %slice3A_2020 : vector<64x256xf32>
    %reduce_sum3A_2022 = arith.constant dense<0.000000e+00> : vector<256xf32>
    %reduce_sum3A_2023 = vector.multi_reduction <add>, %mul3A_2021, %reduce_sum3A_2022 [0] : vector<64x256xf32> to vector<256xf32>
    %swap3A_2024 = arith.constant 197 : index
    %swap3A_2025 = arith.constant 0 : index
    %swap3A_2026 = vector.load %arg3[%swap3A_2024, %swap3A_2025] : memref<351x256xf32, #tpu.memory_space<vmem>>, vector<1x256xf32>
    %swap3A_2027 = vector.shape_cast %swap3A_2026 : vector<1x256xf32> to vector<256xf32>
    %swap3A_2028 = vector.shape_cast %reduce_sum3A_2023 : vector<256xf32> to vector<1x256xf32>
    tpu.vector_store %arg3[%swap3A_2024, %swap3A_2025], %swap3A_2028 {strides = array<i32>} : memref<351x256xf32, #tpu.memory_space<vmem>>, vector<1x256xf32>,
    %slice3A_2029 = vector.extract_strided_slice %transpose3A_19 {offsets = [64, 0], sizes = [64, 256], strides = [1, 1]} : vector<128x256xf32> to vector<64x256xf32>
    %slice3A_2030 = vector.extract_strided_slice %transpose3A_39 {offsets = [64, 0], sizes = [64, 256], strides = [1, 1]} : vector<128x256xf32> to vector<64x256xf32>
    %mul3A_2031 = arith.mulf %slice3A_2029, %slice3A_2030 : vector<64x256xf32>
    %reduce_sum3A_2032 = arith.constant dense<0.000000e+00> : vector<256xf32>
    %reduce_sum3A_2033 = vector.multi_reduction <add>, %mul3A_2031, %reduce_sum3A_2032 [0] : vector<64x256xf32> to vector<256xf32>
    %swap3A_2034 = arith.constant 198 : index
    %swap3A_2035 = arith.constant 0 : index
    %swap3A_2036 = vector.load %arg3[%swap3A_2034, %swap3A_2035] : memref<351x256xf32, #tpu.memory_space<vmem>>, vector<1x256xf32>
    %swap3A_2037 = vector.shape_cast %swap3A_2036 : vector<1x256xf32> to vector<256xf32>
    %swap3A_2038 = vector.shape_cast %reduce_sum3A_2033 : vector<256xf32> to vector<1x256xf32>
    tpu.vector_store %arg3[%swap3A_2034, %swap3A_2035], %swap3A_2038 {strides = array<i32>} : memref<351x256xf32, #tpu.memory_space<vmem>>, vector<1x256xf32>,
    %slice3A_2039 = vector.extract_strided_slice %transpose3A_19 {offsets = [64, 0], sizes = [64, 256], strides = [1, 1]} : vector<128x256xf32> to vector<64x256xf32>
    %slice3A_2040 = vector.extract_strided_slice %transpose3A_43 {offsets = [0, 0], sizes = [64, 256], strides = [1, 1]} : vector<128x256xf32> to vector<64x256xf32>
    %mul3A_2041 = arith.mulf %slice3A_2039, %slice3A_2040 : vector<64x256xf32>
    %reduce_sum3A_2042 = arith.constant dense<0.000000e+00> : vector<256xf32>
    %reduce_sum3A_2043 = vector.multi_reduction <add>, %mul3A_2041, %reduce_sum3A_2042 [0] : vector<64x256xf32> to vector<256xf32>
    %swap3A_2044 = arith.constant 199 : index
    %swap3A_2045 = arith.constant 0 : index
    %swap3A_2046 = vector.load %arg3[%swap3A_2044, %swap3A_2045] : memref<351x256xf32, #tpu.memory_space<vmem>>, vector<1x256xf32>
    %swap3A_2047 = vector.shape_cast %swap3A_2046 : vector<1x256xf32> to vector<256xf32>
    %swap3A_2048 = vector.shape_cast %reduce_sum3A_2043 : vector<256xf32> to vector<1x256xf32>
    tpu.vector_store %arg3[%swap3A_2044, %swap3A_2045], %swap3A_2048 {strides = array<i32>} : memref<351x256xf32, #tpu.memory_space<vmem>>, vector<1x256xf32>,
    %slice3A_2049 = vector.extract_strided_slice %transpose3A_19 {offsets = [64, 0], sizes = [64, 256], strides = [1, 1]} : vector<128x256xf32> to vector<64x256xf32>
    %slice3A_2050 = vector.extract_strided_slice %transpose3A_43 {offsets = [64, 0], sizes = [64, 256], strides = [1, 1]} : vector<128x256xf32> to vector<64x256xf32>
    %mul3A_2051 = arith.mulf %slice3A_2049, %slice3A_2050 : vector<64x256xf32>
    %reduce_sum3A_2052 = arith.constant dense<0.000000e+00> : vector<256xf32>
    %reduce_sum3A_2053 = vector.multi_reduction <add>, %mul3A_2051, %reduce_sum3A_2052 [0] : vector<64x256xf32> to vector<256xf32>
    %swap3A_2054 = arith.constant 200 : index
    %swap3A_2055 = arith.constant 0 : index
    %swap3A_2056 = vector.load %arg3[%swap3A_2054, %swap3A_2055] : memref<351x256xf32, #tpu.memory_space<vmem>>, vector<1x256xf32>
    %swap3A_2057 = vector.shape_cast %swap3A_2056 : vector<1x256xf32> to vector<256xf32>
    %swap3A_2058 = vector.shape_cast %reduce_sum3A_2053 : vector<256xf32> to vector<1x256xf32>
    tpu.vector_store %arg3[%swap3A_2054, %swap3A_2055], %swap3A_2058 {strides = array<i32>} : memref<351x256xf32, #tpu.memory_space<vmem>>, vector<1x256xf32>,
    %slice3A_2059 = vector.extract_strided_slice %transpose3A_19 {offsets = [64, 0], sizes = [64, 256], strides = [1, 1]} : vector<128x256xf32> to vector<64x256xf32>
    %slice3A_2060 = vector.extract_strided_slice %transpose3A_47 {offsets = [0, 0], sizes = [64, 256], strides = [1, 1]} : vector<128x256xf32> to vector<64x256xf32>
    %mul3A_2061 = arith.mulf %slice3A_2059, %slice3A_2060 : vector<64x256xf32>
    %reduce_sum3A_2062 = arith.constant dense<0.000000e+00> : vector<256xf32>
    %reduce_sum3A_2063 = vector.multi_reduction <add>, %mul3A_2061, %reduce_sum3A_2062 [0] : vector<64x256xf32> to vector<256xf32>
    %swap3A_2064 = arith.constant 201 : index
    %swap3A_2065 = arith.constant 0 : index
    %swap3A_2066 = vector.load %arg3[%swap3A_2064, %swap3A_2065] : memref<351x256xf32, #tpu.memory_space<vmem>>, vector<1x256xf32>
    %swap3A_2067 = vector.shape_cast %swap3A_2066 : vector<1x256xf32> to vector<256xf32>
    %swap3A_2068 = vector.shape_cast %reduce_sum3A_2063 : vector<256xf32> to vector<1x256xf32>
    tpu.vector_store %arg3[%swap3A_2064, %swap3A_2065], %swap3A_2068 {strides = array<i32>} : memref<351x256xf32, #tpu.memory_space<vmem>>, vector<1x256xf32>,
    %slice3A_2069 = vector.extract_strided_slice %transpose3A_19 {offsets = [64, 0], sizes = [64, 256], strides = [1, 1]} : vector<128x256xf32> to vector<64x256xf32>
    %slice3A_2070 = vector.extract_strided_slice %transpose3A_47 {offsets = [64, 0], sizes = [64, 256], strides = [1, 1]} : vector<128x256xf32> to vector<64x256xf32>
    %mul3A_2071 = arith.mulf %slice3A_2069, %slice3A_2070 : vector<64x256xf32>
    %reduce_sum3A_2072 = arith.constant dense<0.000000e+00> : vector<256xf32>
    %reduce_sum3A_2073 = vector.multi_reduction <add>, %mul3A_2071, %reduce_sum3A_2072 [0] : vector<64x256xf32> to vector<256xf32>
    %swap3A_2074 = arith.constant 202 : index
    %swap3A_2075 = arith.constant 0 : index
    %swap3A_2076 = vector.load %arg3[%swap3A_2074, %swap3A_2075] : memref<351x256xf32, #tpu.memory_space<vmem>>, vector<1x256xf32>
    %swap3A_2077 = vector.shape_cast %swap3A_2076 : vector<1x256xf32> to vector<256xf32>
    %swap3A_2078 = vector.shape_cast %reduce_sum3A_2073 : vector<256xf32> to vector<1x256xf32>
    tpu.vector_store %arg3[%swap3A_2074, %swap3A_2075], %swap3A_2078 {strides = array<i32>} : memref<351x256xf32, #tpu.memory_space<vmem>>, vector<1x256xf32>,
    %slice3A_2079 = vector.extract_strided_slice %transpose3A_19 {offsets = [64, 0], sizes = [64, 256], strides = [1, 1]} : vector<128x256xf32> to vector<64x256xf32>
    %slice3A_2080 = vector.extract_strided_slice %transpose3A_51 {offsets = [0, 0], sizes = [64, 256], strides = [1, 1]} : vector<128x256xf32> to vector<64x256xf32>
    %mul3A_2081 = arith.mulf %slice3A_2079, %slice3A_2080 : vector<64x256xf32>
    %reduce_sum3A_2082 = arith.constant dense<0.000000e+00> : vector<256xf32>
    %reduce_sum3A_2083 = vector.multi_reduction <add>, %mul3A_2081, %reduce_sum3A_2082 [0] : vector<64x256xf32> to vector<256xf32>
    %swap3A_2084 = arith.constant 203 : index
    %swap3A_2085 = arith.constant 0 : index
    %swap3A_2086 = vector.load %arg3[%swap3A_2084, %swap3A_2085] : memref<351x256xf32, #tpu.memory_space<vmem>>, vector<1x256xf32>
    %swap3A_2087 = vector.shape_cast %swap3A_2086 : vector<1x256xf32> to vector<256xf32>
    %swap3A_2088 = vector.shape_cast %reduce_sum3A_2083 : vector<256xf32> to vector<1x256xf32>
    tpu.vector_store %arg3[%swap3A_2084, %swap3A_2085], %swap3A_2088 {strides = array<i32>} : memref<351x256xf32, #tpu.memory_space<vmem>>, vector<1x256xf32>,
    %slice3A_2089 = vector.extract_strided_slice %transpose3A_19 {offsets = [64, 0], sizes = [64, 256], strides = [1, 1]} : vector<128x256xf32> to vector<64x256xf32>
    %slice3A_2090 = vector.extract_strided_slice %transpose3A_51 {offsets = [64, 0], sizes = [64, 256], strides = [1, 1]} : vector<128x256xf32> to vector<64x256xf32>
    %mul3A_2091 = arith.mulf %slice3A_2089, %slice3A_2090 : vector<64x256xf32>
    %reduce_sum3A_2092 = arith.constant dense<0.000000e+00> : vector<256xf32>
    %reduce_sum3A_2093 = vector.multi_reduction <add>, %mul3A_2091, %reduce_sum3A_2092 [0] : vector<64x256xf32> to vector<256xf32>
    %swap3A_2094 = arith.constant 204 : index
    %swap3A_2095 = arith.constant 0 : index
    %swap3A_2096 = vector.load %arg3[%swap3A_2094, %swap3A_2095] : memref<351x256xf32, #tpu.memory_space<vmem>>, vector<1x256xf32>
    %swap3A_2097 = vector.shape_cast %swap3A_2096 : vector<1x256xf32> to vector<256xf32>
    %swap3A_2098 = vector.shape_cast %reduce_sum3A_2093 : vector<256xf32> to vector<1x256xf32>
    tpu.vector_store %arg3[%swap3A_2094, %swap3A_2095], %swap3A_2098 {strides = array<i32>} : memref<351x256xf32, #tpu.memory_space<vmem>>, vector<1x256xf32>,
    %slice3A_2099 = vector.extract_strided_slice %transpose3A_23 {offsets = [0, 0], sizes = [64, 256], strides = [1, 1]} : vector<128x256xf32> to vector<64x256xf32>
    %slice3A_2100 = vector.extract_strided_slice %transpose3A_23 {offsets = [64, 0], sizes = [64, 256], strides = [1, 1]} : vector<128x256xf32> to vector<64x256xf32>
    %mul3A_2101 = arith.mulf %slice3A_2099, %slice3A_2100 : vector<64x256xf32>
    %reduce_sum3A_2102 = arith.constant dense<0.000000e+00> : vector<256xf32>
    %reduce_sum3A_2103 = vector.multi_reduction <add>, %mul3A_2101, %reduce_sum3A_2102 [0] : vector<64x256xf32> to vector<256xf32>
    %swap3A_2104 = arith.constant 205 : index
    %swap3A_2105 = arith.constant 0 : index
    %swap3A_2106 = vector.load %arg3[%swap3A_2104, %swap3A_2105] : memref<351x256xf32, #tpu.memory_space<vmem>>, vector<1x256xf32>
    %swap3A_2107 = vector.shape_cast %swap3A_2106 : vector<1x256xf32> to vector<256xf32>
    %swap3A_2108 = vector.shape_cast %reduce_sum3A_2103 : vector<256xf32> to vector<1x256xf32>
    tpu.vector_store %arg3[%swap3A_2104, %swap3A_2105], %swap3A_2108 {strides = array<i32>} : memref<351x256xf32, #tpu.memory_space<vmem>>, vector<1x256xf32>,
    %slice3A_2109 = vector.extract_strided_slice %transpose3A_23 {offsets = [0, 0], sizes = [64, 256], strides = [1, 1]} : vector<128x256xf32> to vector<64x256xf32>
    %slice3A_2110 = vector.extract_strided_slice %transpose3A_27 {offsets = [0, 0], sizes = [64, 256], strides = [1, 1]} : vector<128x256xf32> to vector<64x256xf32>
    %mul3A_2111 = arith.mulf %slice3A_2109, %slice3A_2110 : vector<64x256xf32>
    %reduce_sum3A_2112 = arith.constant dense<0.000000e+00> : vector<256xf32>
    %reduce_sum3A_2113 = vector.multi_reduction <add>, %mul3A_2111, %reduce_sum3A_2112 [0] : vector<64x256xf32> to vector<256xf32>
    %swap3A_2114 = arith.constant 206 : index
    %swap3A_2115 = arith.constant 0 : index
    %swap3A_2116 = vector.load %arg3[%swap3A_2114, %swap3A_2115] : memref<351x256xf32, #tpu.memory_space<vmem>>, vector<1x256xf32>
    %swap3A_2117 = vector.shape_cast %swap3A_2116 : vector<1x256xf32> to vector<256xf32>
    %swap3A_2118 = vector.shape_cast %reduce_sum3A_2113 : vector<256xf32> to vector<1x256xf32>
    tpu.vector_store %arg3[%swap3A_2114, %swap3A_2115], %swap3A_2118 {strides = array<i32>} : memref<351x256xf32, #tpu.memory_space<vmem>>, vector<1x256xf32>,
    %slice3A_2119 = vector.extract_strided_slice %transpose3A_23 {offsets = [0, 0], sizes = [64, 256], strides = [1, 1]} : vector<128x256xf32> to vector<64x256xf32>
    %slice3A_2120 = vector.extract_strided_slice %transpose3A_27 {offsets = [64, 0], sizes = [64, 256], strides = [1, 1]} : vector<128x256xf32> to vector<64x256xf32>
    %mul3A_2121 = arith.mulf %slice3A_2119, %slice3A_2120 : vector<64x256xf32>
    %reduce_sum3A_2122 = arith.constant dense<0.000000e+00> : vector<256xf32>
    %reduce_sum3A_2123 = vector.multi_reduction <add>, %mul3A_2121, %reduce_sum3A_2122 [0] : vector<64x256xf32> to vector<256xf32>
    %swap3A_2124 = arith.constant 207 : index
    %swap3A_2125 = arith.constant 0 : index
    %swap3A_2126 = vector.load %arg3[%swap3A_2124, %swap3A_2125] : memref<351x256xf32, #tpu.memory_space<vmem>>, vector<1x256xf32>
    %swap3A_2127 = vector.shape_cast %swap3A_2126 : vector<1x256xf32> to vector<256xf32>
    %swap3A_2128 = vector.shape_cast %reduce_sum3A_2123 : vector<256xf32> to vector<1x256xf32>
    tpu.vector_store %arg3[%swap3A_2124, %swap3A_2125], %swap3A_2128 {strides = array<i32>} : memref<351x256xf32, #tpu.memory_space<vmem>>, vector<1x256xf32>,
    %slice3A_2129 = vector.extract_strided_slice %transpose3A_23 {offsets = [0, 0], sizes = [64, 256], strides = [1, 1]} : vector<128x256xf32> to vector<64x256xf32>
    %slice3A_2130 = vector.extract_strided_slice %transpose3A_31 {offsets = [0, 0], sizes = [64, 256], strides = [1, 1]} : vector<128x256xf32> to vector<64x256xf32>
    %mul3A_2131 = arith.mulf %slice3A_2129, %slice3A_2130 : vector<64x256xf32>
    %reduce_sum3A_2132 = arith.constant dense<0.000000e+00> : vector<256xf32>
    %reduce_sum3A_2133 = vector.multi_reduction <add>, %mul3A_2131, %reduce_sum3A_2132 [0] : vector<64x256xf32> to vector<256xf32>
    %swap3A_2134 = arith.constant 208 : index
    %swap3A_2135 = arith.constant 0 : index
    %swap3A_2136 = vector.load %arg3[%swap3A_2134, %swap3A_2135] : memref<351x256xf32, #tpu.memory_space<vmem>>, vector<1x256xf32>
    %swap3A_2137 = vector.shape_cast %swap3A_2136 : vector<1x256xf32> to vector<256xf32>
    %swap3A_2138 = vector.shape_cast %reduce_sum3A_2133 : vector<256xf32> to vector<1x256xf32>
    tpu.vector_store %arg3[%swap3A_2134, %swap3A_2135], %swap3A_2138 {strides = array<i32>} : memref<351x256xf32, #tpu.memory_space<vmem>>, vector<1x256xf32>,
    %slice3A_2139 = vector.extract_strided_slice %transpose3A_23 {offsets = [0, 0], sizes = [64, 256], strides = [1, 1]} : vector<128x256xf32> to vector<64x256xf32>
    %slice3A_2140 = vector.extract_strided_slice %transpose3A_31 {offsets = [64, 0], sizes = [64, 256], strides = [1, 1]} : vector<128x256xf32> to vector<64x256xf32>
    %mul3A_2141 = arith.mulf %slice3A_2139, %slice3A_2140 : vector<64x256xf32>
    %reduce_sum3A_2142 = arith.constant dense<0.000000e+00> : vector<256xf32>
    %reduce_sum3A_2143 = vector.multi_reduction <add>, %mul3A_2141, %reduce_sum3A_2142 [0] : vector<64x256xf32> to vector<256xf32>
    %swap3A_2144 = arith.constant 209 : index
    %swap3A_2145 = arith.constant 0 : index
    %swap3A_2146 = vector.load %arg3[%swap3A_2144, %swap3A_2145] : memref<351x256xf32, #tpu.memory_space<vmem>>, vector<1x256xf32>
    %swap3A_2147 = vector.shape_cast %swap3A_2146 : vector<1x256xf32> to vector<256xf32>
    %swap3A_2148 = vector.shape_cast %reduce_sum3A_2143 : vector<256xf32> to vector<1x256xf32>
    tpu.vector_store %arg3[%swap3A_2144, %swap3A_2145], %swap3A_2148 {strides = array<i32>} : memref<351x256xf32, #tpu.memory_space<vmem>>, vector<1x256xf32>,
    %slice3A_2149 = vector.extract_strided_slice %transpose3A_23 {offsets = [0, 0], sizes = [64, 256], strides = [1, 1]} : vector<128x256xf32> to vector<64x256xf32>
    %slice3A_2150 = vector.extract_strided_slice %transpose3A_35 {offsets = [0, 0], sizes = [64, 256], strides = [1, 1]} : vector<128x256xf32> to vector<64x256xf32>
    %mul3A_2151 = arith.mulf %slice3A_2149, %slice3A_2150 : vector<64x256xf32>
    %reduce_sum3A_2152 = arith.constant dense<0.000000e+00> : vector<256xf32>
    %reduce_sum3A_2153 = vector.multi_reduction <add>, %mul3A_2151, %reduce_sum3A_2152 [0] : vector<64x256xf32> to vector<256xf32>
    %swap3A_2154 = arith.constant 210 : index
    %swap3A_2155 = arith.constant 0 : index
    %swap3A_2156 = vector.load %arg3[%swap3A_2154, %swap3A_2155] : memref<351x256xf32, #tpu.memory_space<vmem>>, vector<1x256xf32>
    %swap3A_2157 = vector.shape_cast %swap3A_2156 : vector<1x256xf32> to vector<256xf32>
    %swap3A_2158 = vector.shape_cast %reduce_sum3A_2153 : vector<256xf32> to vector<1x256xf32>
    tpu.vector_store %arg3[%swap3A_2154, %swap3A_2155], %swap3A_2158 {strides = array<i32>} : memref<351x256xf32, #tpu.memory_space<vmem>>, vector<1x256xf32>,
    %slice3A_2159 = vector.extract_strided_slice %transpose3A_23 {offsets = [0, 0], sizes = [64, 256], strides = [1, 1]} : vector<128x256xf32> to vector<64x256xf32>
    %slice3A_2160 = vector.extract_strided_slice %transpose3A_35 {offsets = [64, 0], sizes = [64, 256], strides = [1, 1]} : vector<128x256xf32> to vector<64x256xf32>
    %mul3A_2161 = arith.mulf %slice3A_2159, %slice3A_2160 : vector<64x256xf32>
    %reduce_sum3A_2162 = arith.constant dense<0.000000e+00> : vector<256xf32>
    %reduce_sum3A_2163 = vector.multi_reduction <add>, %mul3A_2161, %reduce_sum3A_2162 [0] : vector<64x256xf32> to vector<256xf32>
    %swap3A_2164 = arith.constant 211 : index
    %swap3A_2165 = arith.constant 0 : index
    %swap3A_2166 = vector.load %arg3[%swap3A_2164, %swap3A_2165] : memref<351x256xf32, #tpu.memory_space<vmem>>, vector<1x256xf32>
    %swap3A_2167 = vector.shape_cast %swap3A_2166 : vector<1x256xf32> to vector<256xf32>
    %swap3A_2168 = vector.shape_cast %reduce_sum3A_2163 : vector<256xf32> to vector<1x256xf32>
    tpu.vector_store %arg3[%swap3A_2164, %swap3A_2165], %swap3A_2168 {strides = array<i32>} : memref<351x256xf32, #tpu.memory_space<vmem>>, vector<1x256xf32>,
    %slice3A_2169 = vector.extract_strided_slice %transpose3A_23 {offsets = [0, 0], sizes = [64, 256], strides = [1, 1]} : vector<128x256xf32> to vector<64x256xf32>
    %slice3A_2170 = vector.extract_strided_slice %transpose3A_39 {offsets = [0, 0], sizes = [64, 256], strides = [1, 1]} : vector<128x256xf32> to vector<64x256xf32>
    %mul3A_2171 = arith.mulf %slice3A_2169, %slice3A_2170 : vector<64x256xf32>
    %reduce_sum3A_2172 = arith.constant dense<0.000000e+00> : vector<256xf32>
    %reduce_sum3A_2173 = vector.multi_reduction <add>, %mul3A_2171, %reduce_sum3A_2172 [0] : vector<64x256xf32> to vector<256xf32>
    %swap3A_2174 = arith.constant 212 : index
    %swap3A_2175 = arith.constant 0 : index
    %swap3A_2176 = vector.load %arg3[%swap3A_2174, %swap3A_2175] : memref<351x256xf32, #tpu.memory_space<vmem>>, vector<1x256xf32>
    %swap3A_2177 = vector.shape_cast %swap3A_2176 : vector<1x256xf32> to vector<256xf32>
    %swap3A_2178 = vector.shape_cast %reduce_sum3A_2173 : vector<256xf32> to vector<1x256xf32>
    tpu.vector_store %arg3[%swap3A_2174, %swap3A_2175], %swap3A_2178 {strides = array<i32>} : memref<351x256xf32, #tpu.memory_space<vmem>>, vector<1x256xf32>,
    %slice3A_2179 = vector.extract_strided_slice %transpose3A_23 {offsets = [0, 0], sizes = [64, 256], strides = [1, 1]} : vector<128x256xf32> to vector<64x256xf32>
    %slice3A_2180 = vector.extract_strided_slice %transpose3A_39 {offsets = [64, 0], sizes = [64, 256], strides = [1, 1]} : vector<128x256xf32> to vector<64x256xf32>
    %mul3A_2181 = arith.mulf %slice3A_2179, %slice3A_2180 : vector<64x256xf32>
    %reduce_sum3A_2182 = arith.constant dense<0.000000e+00> : vector<256xf32>
    %reduce_sum3A_2183 = vector.multi_reduction <add>, %mul3A_2181, %reduce_sum3A_2182 [0] : vector<64x256xf32> to vector<256xf32>
    %swap3A_2184 = arith.constant 213 : index
    %swap3A_2185 = arith.constant 0 : index
    %swap3A_2186 = vector.load %arg3[%swap3A_2184, %swap3A_2185] : memref<351x256xf32, #tpu.memory_space<vmem>>, vector<1x256xf32>
    %swap3A_2187 = vector.shape_cast %swap3A_2186 : vector<1x256xf32> to vector<256xf32>
    %swap3A_2188 = vector.shape_cast %reduce_sum3A_2183 : vector<256xf32> to vector<1x256xf32>
    tpu.vector_store %arg3[%swap3A_2184, %swap3A_2185], %swap3A_2188 {strides = array<i32>} : memref<351x256xf32, #tpu.memory_space<vmem>>, vector<1x256xf32>,
    %slice3A_2189 = vector.extract_strided_slice %transpose3A_23 {offsets = [0, 0], sizes = [64, 256], strides = [1, 1]} : vector<128x256xf32> to vector<64x256xf32>
    %slice3A_2190 = vector.extract_strided_slice %transpose3A_43 {offsets = [0, 0], sizes = [64, 256], strides = [1, 1]} : vector<128x256xf32> to vector<64x256xf32>
    %mul3A_2191 = arith.mulf %slice3A_2189, %slice3A_2190 : vector<64x256xf32>
    %reduce_sum3A_2192 = arith.constant dense<0.000000e+00> : vector<256xf32>
    %reduce_sum3A_2193 = vector.multi_reduction <add>, %mul3A_2191, %reduce_sum3A_2192 [0] : vector<64x256xf32> to vector<256xf32>
    %swap3A_2194 = arith.constant 214 : index
    %swap3A_2195 = arith.constant 0 : index
    %swap3A_2196 = vector.load %arg3[%swap3A_2194, %swap3A_2195] : memref<351x256xf32, #tpu.memory_space<vmem>>, vector<1x256xf32>
    %swap3A_2197 = vector.shape_cast %swap3A_2196 : vector<1x256xf32> to vector<256xf32>
    %swap3A_2198 = vector.shape_cast %reduce_sum3A_2193 : vector<256xf32> to vector<1x256xf32>
    tpu.vector_store %arg3[%swap3A_2194, %swap3A_2195], %swap3A_2198 {strides = array<i32>} : memref<351x256xf32, #tpu.memory_space<vmem>>, vector<1x256xf32>,
    %slice3A_2199 = vector.extract_strided_slice %transpose3A_23 {offsets = [0, 0], sizes = [64, 256], strides = [1, 1]} : vector<128x256xf32> to vector<64x256xf32>
    %slice3A_2200 = vector.extract_strided_slice %transpose3A_43 {offsets = [64, 0], sizes = [64, 256], strides = [1, 1]} : vector<128x256xf32> to vector<64x256xf32>
    %mul3A_2201 = arith.mulf %slice3A_2199, %slice3A_2200 : vector<64x256xf32>
    %reduce_sum3A_2202 = arith.constant dense<0.000000e+00> : vector<256xf32>
    %reduce_sum3A_2203 = vector.multi_reduction <add>, %mul3A_2201, %reduce_sum3A_2202 [0] : vector<64x256xf32> to vector<256xf32>
    %swap3A_2204 = arith.constant 215 : index
    %swap3A_2205 = arith.constant 0 : index
    %swap3A_2206 = vector.load %arg3[%swap3A_2204, %swap3A_2205] : memref<351x256xf32, #tpu.memory_space<vmem>>, vector<1x256xf32>
    %swap3A_2207 = vector.shape_cast %swap3A_2206 : vector<1x256xf32> to vector<256xf32>
    %swap3A_2208 = vector.shape_cast %reduce_sum3A_2203 : vector<256xf32> to vector<1x256xf32>
    tpu.vector_store %arg3[%swap3A_2204, %swap3A_2205], %swap3A_2208 {strides = array<i32>} : memref<351x256xf32, #tpu.memory_space<vmem>>, vector<1x256xf32>,
    %slice3A_2209 = vector.extract_strided_slice %transpose3A_23 {offsets = [0, 0], sizes = [64, 256], strides = [1, 1]} : vector<128x256xf32> to vector<64x256xf32>
    %slice3A_2210 = vector.extract_strided_slice %transpose3A_47 {offsets = [0, 0], sizes = [64, 256], strides = [1, 1]} : vector<128x256xf32> to vector<64x256xf32>
    %mul3A_2211 = arith.mulf %slice3A_2209, %slice3A_2210 : vector<64x256xf32>
    %reduce_sum3A_2212 = arith.constant dense<0.000000e+00> : vector<256xf32>
    %reduce_sum3A_2213 = vector.multi_reduction <add>, %mul3A_2211, %reduce_sum3A_2212 [0] : vector<64x256xf32> to vector<256xf32>
    %swap3A_2214 = arith.constant 216 : index
    %swap3A_2215 = arith.constant 0 : index
    %swap3A_2216 = vector.load %arg3[%swap3A_2214, %swap3A_2215] : memref<351x256xf32, #tpu.memory_space<vmem>>, vector<1x256xf32>
    %swap3A_2217 = vector.shape_cast %swap3A_2216 : vector<1x256xf32> to vector<256xf32>
    %swap3A_2218 = vector.shape_cast %reduce_sum3A_2213 : vector<256xf32> to vector<1x256xf32>
    tpu.vector_store %arg3[%swap3A_2214, %swap3A_2215], %swap3A_2218 {strides = array<i32>} : memref<351x256xf32, #tpu.memory_space<vmem>>, vector<1x256xf32>,
    %slice3A_2219 = vector.extract_strided_slice %transpose3A_23 {offsets = [0, 0], sizes = [64, 256], strides = [1, 1]} : vector<128x256xf32> to vector<64x256xf32>
    %slice3A_2220 = vector.extract_strided_slice %transpose3A_47 {offsets = [64, 0], sizes = [64, 256], strides = [1, 1]} : vector<128x256xf32> to vector<64x256xf32>
    %mul3A_2221 = arith.mulf %slice3A_2219, %slice3A_2220 : vector<64x256xf32>
    %reduce_sum3A_2222 = arith.constant dense<0.000000e+00> : vector<256xf32>
    %reduce_sum3A_2223 = vector.multi_reduction <add>, %mul3A_2221, %reduce_sum3A_2222 [0] : vector<64x256xf32> to vector<256xf32>
    %swap3A_2224 = arith.constant 217 : index
    %swap3A_2225 = arith.constant 0 : index
    %swap3A_2226 = vector.load %arg3[%swap3A_2224, %swap3A_2225] : memref<351x256xf32, #tpu.memory_space<vmem>>, vector<1x256xf32>
    %swap3A_2227 = vector.shape_cast %swap3A_2226 : vector<1x256xf32> to vector<256xf32>
    %swap3A_2228 = vector.shape_cast %reduce_sum3A_2223 : vector<256xf32> to vector<1x256xf32>
    tpu.vector_store %arg3[%swap3A_2224, %swap3A_2225], %swap3A_2228 {strides = array<i32>} : memref<351x256xf32, #tpu.memory_space<vmem>>, vector<1x256xf32>,
    %slice3A_2229 = vector.extract_strided_slice %transpose3A_23 {offsets = [0, 0], sizes = [64, 256], strides = [1, 1]} : vector<128x256xf32> to vector<64x256xf32>
    %slice3A_2230 = vector.extract_strided_slice %transpose3A_51 {offsets = [0, 0], sizes = [64, 256], strides = [1, 1]} : vector<128x256xf32> to vector<64x256xf32>
    %mul3A_2231 = arith.mulf %slice3A_2229, %slice3A_2230 : vector<64x256xf32>
    %reduce_sum3A_2232 = arith.constant dense<0.000000e+00> : vector<256xf32>
    %reduce_sum3A_2233 = vector.multi_reduction <add>, %mul3A_2231, %reduce_sum3A_2232 [0] : vector<64x256xf32> to vector<256xf32>
    %swap3A_2234 = arith.constant 218 : index
    %swap3A_2235 = arith.constant 0 : index
    %swap3A_2236 = vector.load %arg3[%swap3A_2234, %swap3A_2235] : memref<351x256xf32, #tpu.memory_space<vmem>>, vector<1x256xf32>
    %swap3A_2237 = vector.shape_cast %swap3A_2236 : vector<1x256xf32> to vector<256xf32>
    %swap3A_2238 = vector.shape_cast %reduce_sum3A_2233 : vector<256xf32> to vector<1x256xf32>
    tpu.vector_store %arg3[%swap3A_2234, %swap3A_2235], %swap3A_2238 {strides = array<i32>} : memref<351x256xf32, #tpu.memory_space<vmem>>, vector<1x256xf32>,
    %slice3A_2239 = vector.extract_strided_slice %transpose3A_23 {offsets = [0, 0], sizes = [64, 256], strides = [1, 1]} : vector<128x256xf32> to vector<64x256xf32>
    %slice3A_2240 = vector.extract_strided_slice %transpose3A_51 {offsets = [64, 0], sizes = [64, 256], strides = [1, 1]} : vector<128x256xf32> to vector<64x256xf32>
    %mul3A_2241 = arith.mulf %slice3A_2239, %slice3A_2240 : vector<64x256xf32>
    %reduce_sum3A_2242 = arith.constant dense<0.000000e+00> : vector<256xf32>
    %reduce_sum3A_2243 = vector.multi_reduction <add>, %mul3A_2241, %reduce_sum3A_2242 [0] : vector<64x256xf32> to vector<256xf32>
    %swap3A_2244 = arith.constant 219 : index
    %swap3A_2245 = arith.constant 0 : index
    %swap3A_2246 = vector.load %arg3[%swap3A_2244, %swap3A_2245] : memref<351x256xf32, #tpu.memory_space<vmem>>, vector<1x256xf32>
    %swap3A_2247 = vector.shape_cast %swap3A_2246 : vector<1x256xf32> to vector<256xf32>
    %swap3A_2248 = vector.shape_cast %reduce_sum3A_2243 : vector<256xf32> to vector<1x256xf32>
    tpu.vector_store %arg3[%swap3A_2244, %swap3A_2245], %swap3A_2248 {strides = array<i32>} : memref<351x256xf32, #tpu.memory_space<vmem>>, vector<1x256xf32>,
    %slice3A_2249 = vector.extract_strided_slice %transpose3A_23 {offsets = [64, 0], sizes = [64, 256], strides = [1, 1]} : vector<128x256xf32> to vector<64x256xf32>
    %slice3A_2250 = vector.extract_strided_slice %transpose3A_27 {offsets = [0, 0], sizes = [64, 256], strides = [1, 1]} : vector<128x256xf32> to vector<64x256xf32>
    %mul3A_2251 = arith.mulf %slice3A_2249, %slice3A_2250 : vector<64x256xf32>
    %reduce_sum3A_2252 = arith.constant dense<0.000000e+00> : vector<256xf32>
    %reduce_sum3A_2253 = vector.multi_reduction <add>, %mul3A_2251, %reduce_sum3A_2252 [0] : vector<64x256xf32> to vector<256xf32>
    %swap3A_2254 = arith.constant 220 : index
    %swap3A_2255 = arith.constant 0 : index
    %swap3A_2256 = vector.load %arg3[%swap3A_2254, %swap3A_2255] : memref<351x256xf32, #tpu.memory_space<vmem>>, vector<1x256xf32>
    %swap3A_2257 = vector.shape_cast %swap3A_2256 : vector<1x256xf32> to vector<256xf32>
    %swap3A_2258 = vector.shape_cast %reduce_sum3A_2253 : vector<256xf32> to vector<1x256xf32>
    tpu.vector_store %arg3[%swap3A_2254, %swap3A_2255], %swap3A_2258 {strides = array<i32>} : memref<351x256xf32, #tpu.memory_space<vmem>>, vector<1x256xf32>,
    %slice3A_2259 = vector.extract_strided_slice %transpose3A_23 {offsets = [64, 0], sizes = [64, 256], strides = [1, 1]} : vector<128x256xf32> to vector<64x256xf32>
    %slice3A_2260 = vector.extract_strided_slice %transpose3A_27 {offsets = [64, 0], sizes = [64, 256], strides = [1, 1]} : vector<128x256xf32> to vector<64x256xf32>
    %mul3A_2261 = arith.mulf %slice3A_2259, %slice3A_2260 : vector<64x256xf32>
    %reduce_sum3A_2262 = arith.constant dense<0.000000e+00> : vector<256xf32>
    %reduce_sum3A_2263 = vector.multi_reduction <add>, %mul3A_2261, %reduce_sum3A_2262 [0] : vector<64x256xf32> to vector<256xf32>
    %swap3A_2264 = arith.constant 221 : index
    %swap3A_2265 = arith.constant 0 : index
    %swap3A_2266 = vector.load %arg3[%swap3A_2264, %swap3A_2265] : memref<351x256xf32, #tpu.memory_space<vmem>>, vector<1x256xf32>
    %swap3A_2267 = vector.shape_cast %swap3A_2266 : vector<1x256xf32> to vector<256xf32>
    %swap3A_2268 = vector.shape_cast %reduce_sum3A_2263 : vector<256xf32> to vector<1x256xf32>
    tpu.vector_store %arg3[%swap3A_2264, %swap3A_2265], %swap3A_2268 {strides = array<i32>} : memref<351x256xf32, #tpu.memory_space<vmem>>, vector<1x256xf32>,
    %slice3A_2269 = vector.extract_strided_slice %transpose3A_23 {offsets = [64, 0], sizes = [64, 256], strides = [1, 1]} : vector<128x256xf32> to vector<64x256xf32>
    %slice3A_2270 = vector.extract_strided_slice %transpose3A_31 {offsets = [0, 0], sizes = [64, 256], strides = [1, 1]} : vector<128x256xf32> to vector<64x256xf32>
    %mul3A_2271 = arith.mulf %slice3A_2269, %slice3A_2270 : vector<64x256xf32>
    %reduce_sum3A_2272 = arith.constant dense<0.000000e+00> : vector<256xf32>
    %reduce_sum3A_2273 = vector.multi_reduction <add>, %mul3A_2271, %reduce_sum3A_2272 [0] : vector<64x256xf32> to vector<256xf32>
    %swap3A_2274 = arith.constant 222 : index
    %swap3A_2275 = arith.constant 0 : index
    %swap3A_2276 = vector.load %arg3[%swap3A_2274, %swap3A_2275] : memref<351x256xf32, #tpu.memory_space<vmem>>, vector<1x256xf32>
    %swap3A_2277 = vector.shape_cast %swap3A_2276 : vector<1x256xf32> to vector<256xf32>
    %swap3A_2278 = vector.shape_cast %reduce_sum3A_2273 : vector<256xf32> to vector<1x256xf32>
    tpu.vector_store %arg3[%swap3A_2274, %swap3A_2275], %swap3A_2278 {strides = array<i32>} : memref<351x256xf32, #tpu.memory_space<vmem>>, vector<1x256xf32>,
    %slice3A_2279 = vector.extract_strided_slice %transpose3A_23 {offsets = [64, 0], sizes = [64, 256], strides = [1, 1]} : vector<128x256xf32> to vector<64x256xf32>
    %slice3A_2280 = vector.extract_strided_slice %transpose3A_31 {offsets = [64, 0], sizes = [64, 256], strides = [1, 1]} : vector<128x256xf32> to vector<64x256xf32>
    %mul3A_2281 = arith.mulf %slice3A_2279, %slice3A_2280 : vector<64x256xf32>
    %reduce_sum3A_2282 = arith.constant dense<0.000000e+00> : vector<256xf32>
    %reduce_sum3A_2283 = vector.multi_reduction <add>, %mul3A_2281, %reduce_sum3A_2282 [0] : vector<64x256xf32> to vector<256xf32>
    %swap3A_2284 = arith.constant 223 : index
    %swap3A_2285 = arith.constant 0 : index
    %swap3A_2286 = vector.load %arg3[%swap3A_2284, %swap3A_2285] : memref<351x256xf32, #tpu.memory_space<vmem>>, vector<1x256xf32>
    %swap3A_2287 = vector.shape_cast %swap3A_2286 : vector<1x256xf32> to vector<256xf32>
    %swap3A_2288 = vector.shape_cast %reduce_sum3A_2283 : vector<256xf32> to vector<1x256xf32>
    tpu.vector_store %arg3[%swap3A_2284, %swap3A_2285], %swap3A_2288 {strides = array<i32>} : memref<351x256xf32, #tpu.memory_space<vmem>>, vector<1x256xf32>,
    %slice3A_2289 = vector.extract_strided_slice %transpose3A_23 {offsets = [64, 0], sizes = [64, 256], strides = [1, 1]} : vector<128x256xf32> to vector<64x256xf32>
    %slice3A_2290 = vector.extract_strided_slice %transpose3A_35 {offsets = [0, 0], sizes = [64, 256], strides = [1, 1]} : vector<128x256xf32> to vector<64x256xf32>
    %mul3A_2291 = arith.mulf %slice3A_2289, %slice3A_2290 : vector<64x256xf32>
    %reduce_sum3A_2292 = arith.constant dense<0.000000e+00> : vector<256xf32>
    %reduce_sum3A_2293 = vector.multi_reduction <add>, %mul3A_2291, %reduce_sum3A_2292 [0] : vector<64x256xf32> to vector<256xf32>
    %swap3A_2294 = arith.constant 224 : index
    %swap3A_2295 = arith.constant 0 : index
    %swap3A_2296 = vector.load %arg3[%swap3A_2294, %swap3A_2295] : memref<351x256xf32, #tpu.memory_space<vmem>>, vector<1x256xf32>
    %swap3A_2297 = vector.shape_cast %swap3A_2296 : vector<1x256xf32> to vector<256xf32>
    %swap3A_2298 = vector.shape_cast %reduce_sum3A_2293 : vector<256xf32> to vector<1x256xf32>
    tpu.vector_store %arg3[%swap3A_2294, %swap3A_2295], %swap3A_2298 {strides = array<i32>} : memref<351x256xf32, #tpu.memory_space<vmem>>, vector<1x256xf32>,
    %slice3A_2299 = vector.extract_strided_slice %transpose3A_23 {offsets = [64, 0], sizes = [64, 256], strides = [1, 1]} : vector<128x256xf32> to vector<64x256xf32>
    %slice3A_2300 = vector.extract_strided_slice %transpose3A_35 {offsets = [64, 0], sizes = [64, 256], strides = [1, 1]} : vector<128x256xf32> to vector<64x256xf32>
    %mul3A_2301 = arith.mulf %slice3A_2299, %slice3A_2300 : vector<64x256xf32>
    %reduce_sum3A_2302 = arith.constant dense<0.000000e+00> : vector<256xf32>
    %reduce_sum3A_2303 = vector.multi_reduction <add>, %mul3A_2301, %reduce_sum3A_2302 [0] : vector<64x256xf32> to vector<256xf32>
    %swap3A_2304 = arith.constant 225 : index
    %swap3A_2305 = arith.constant 0 : index
    %swap3A_2306 = vector.load %arg3[%swap3A_2304, %swap3A_2305] : memref<351x256xf32, #tpu.memory_space<vmem>>, vector<1x256xf32>
    %swap3A_2307 = vector.shape_cast %swap3A_2306 : vector<1x256xf32> to vector<256xf32>
    %swap3A_2308 = vector.shape_cast %reduce_sum3A_2303 : vector<256xf32> to vector<1x256xf32>
    tpu.vector_store %arg3[%swap3A_2304, %swap3A_2305], %swap3A_2308 {strides = array<i32>} : memref<351x256xf32, #tpu.memory_space<vmem>>, vector<1x256xf32>,
    %slice3A_2309 = vector.extract_strided_slice %transpose3A_23 {offsets = [64, 0], sizes = [64, 256], strides = [1, 1]} : vector<128x256xf32> to vector<64x256xf32>
    %slice3A_2310 = vector.extract_strided_slice %transpose3A_39 {offsets = [0, 0], sizes = [64, 256], strides = [1, 1]} : vector<128x256xf32> to vector<64x256xf32>
    %mul3A_2311 = arith.mulf %slice3A_2309, %slice3A_2310 : vector<64x256xf32>
    %reduce_sum3A_2312 = arith.constant dense<0.000000e+00> : vector<256xf32>
    %reduce_sum3A_2313 = vector.multi_reduction <add>, %mul3A_2311, %reduce_sum3A_2312 [0] : vector<64x256xf32> to vector<256xf32>
    %swap3A_2314 = arith.constant 226 : index
    %swap3A_2315 = arith.constant 0 : index
    %swap3A_2316 = vector.load %arg3[%swap3A_2314, %swap3A_2315] : memref<351x256xf32, #tpu.memory_space<vmem>>, vector<1x256xf32>
    %swap3A_2317 = vector.shape_cast %swap3A_2316 : vector<1x256xf32> to vector<256xf32>
    %swap3A_2318 = vector.shape_cast %reduce_sum3A_2313 : vector<256xf32> to vector<1x256xf32>
    tpu.vector_store %arg3[%swap3A_2314, %swap3A_2315], %swap3A_2318 {strides = array<i32>} : memref<351x256xf32, #tpu.memory_space<vmem>>, vector<1x256xf32>,
    %slice3A_2319 = vector.extract_strided_slice %transpose3A_23 {offsets = [64, 0], sizes = [64, 256], strides = [1, 1]} : vector<128x256xf32> to vector<64x256xf32>
    %slice3A_2320 = vector.extract_strided_slice %transpose3A_39 {offsets = [64, 0], sizes = [64, 256], strides = [1, 1]} : vector<128x256xf32> to vector<64x256xf32>
    %mul3A_2321 = arith.mulf %slice3A_2319, %slice3A_2320 : vector<64x256xf32>
    %reduce_sum3A_2322 = arith.constant dense<0.000000e+00> : vector<256xf32>
    %reduce_sum3A_2323 = vector.multi_reduction <add>, %mul3A_2321, %reduce_sum3A_2322 [0] : vector<64x256xf32> to vector<256xf32>
    %swap3A_2324 = arith.constant 227 : index
    %swap3A_2325 = arith.constant 0 : index
    %swap3A_2326 = vector.load %arg3[%swap3A_2324, %swap3A_2325] : memref<351x256xf32, #tpu.memory_space<vmem>>, vector<1x256xf32>
    %swap3A_2327 = vector.shape_cast %swap3A_2326 : vector<1x256xf32> to vector<256xf32>
    %swap3A_2328 = vector.shape_cast %reduce_sum3A_2323 : vector<256xf32> to vector<1x256xf32>
    tpu.vector_store %arg3[%swap3A_2324, %swap3A_2325], %swap3A_2328 {strides = array<i32>} : memref<351x256xf32, #tpu.memory_space<vmem>>, vector<1x256xf32>,
    %slice3A_2329 = vector.extract_strided_slice %transpose3A_23 {offsets = [64, 0], sizes = [64, 256], strides = [1, 1]} : vector<128x256xf32> to vector<64x256xf32>
    %slice3A_2330 = vector.extract_strided_slice %transpose3A_43 {offsets = [0, 0], sizes = [64, 256], strides = [1, 1]} : vector<128x256xf32> to vector<64x256xf32>
    %mul3A_2331 = arith.mulf %slice3A_2329, %slice3A_2330 : vector<64x256xf32>
    %reduce_sum3A_2332 = arith.constant dense<0.000000e+00> : vector<256xf32>
    %reduce_sum3A_2333 = vector.multi_reduction <add>, %mul3A_2331, %reduce_sum3A_2332 [0] : vector<64x256xf32> to vector<256xf32>
    %swap3A_2334 = arith.constant 228 : index
    %swap3A_2335 = arith.constant 0 : index
    %swap3A_2336 = vector.load %arg3[%swap3A_2334, %swap3A_2335] : memref<351x256xf32, #tpu.memory_space<vmem>>, vector<1x256xf32>
    %swap3A_2337 = vector.shape_cast %swap3A_2336 : vector<1x256xf32> to vector<256xf32>
    %swap3A_2338 = vector.shape_cast %reduce_sum3A_2333 : vector<256xf32> to vector<1x256xf32>
    tpu.vector_store %arg3[%swap3A_2334, %swap3A_2335], %swap3A_2338 {strides = array<i32>} : memref<351x256xf32, #tpu.memory_space<vmem>>, vector<1x256xf32>,
    %slice3A_2339 = vector.extract_strided_slice %transpose3A_23 {offsets = [64, 0], sizes = [64, 256], strides = [1, 1]} : vector<128x256xf32> to vector<64x256xf32>
    %slice3A_2340 = vector.extract_strided_slice %transpose3A_43 {offsets = [64, 0], sizes = [64, 256], strides = [1, 1]} : vector<128x256xf32> to vector<64x256xf32>
    %mul3A_2341 = arith.mulf %slice3A_2339, %slice3A_2340 : vector<64x256xf32>
    %reduce_sum3A_2342 = arith.constant dense<0.000000e+00> : vector<256xf32>
    %reduce_sum3A_2343 = vector.multi_reduction <add>, %mul3A_2341, %reduce_sum3A_2342 [0] : vector<64x256xf32> to vector<256xf32>
    %swap3A_2344 = arith.constant 229 : index
    %swap3A_2345 = arith.constant 0 : index
    %swap3A_2346 = vector.load %arg3[%swap3A_2344, %swap3A_2345] : memref<351x256xf32, #tpu.memory_space<vmem>>, vector<1x256xf32>
    %swap3A_2347 = vector.shape_cast %swap3A_2346 : vector<1x256xf32> to vector<256xf32>
    %swap3A_2348 = vector.shape_cast %reduce_sum3A_2343 : vector<256xf32> to vector<1x256xf32>
    tpu.vector_store %arg3[%swap3A_2344, %swap3A_2345], %swap3A_2348 {strides = array<i32>} : memref<351x256xf32, #tpu.memory_space<vmem>>, vector<1x256xf32>,
    %slice3A_2349 = vector.extract_strided_slice %transpose3A_23 {offsets = [64, 0], sizes = [64, 256], strides = [1, 1]} : vector<128x256xf32> to vector<64x256xf32>
    %slice3A_2350 = vector.extract_strided_slice %transpose3A_47 {offsets = [0, 0], sizes = [64, 256], strides = [1, 1]} : vector<128x256xf32> to vector<64x256xf32>
    %mul3A_2351 = arith.mulf %slice3A_2349, %slice3A_2350 : vector<64x256xf32>
    %reduce_sum3A_2352 = arith.constant dense<0.000000e+00> : vector<256xf32>
    %reduce_sum3A_2353 = vector.multi_reduction <add>, %mul3A_2351, %reduce_sum3A_2352 [0] : vector<64x256xf32> to vector<256xf32>
    %swap3A_2354 = arith.constant 230 : index
    %swap3A_2355 = arith.constant 0 : index
    %swap3A_2356 = vector.load %arg3[%swap3A_2354, %swap3A_2355] : memref<351x256xf32, #tpu.memory_space<vmem>>, vector<1x256xf32>
    %swap3A_2357 = vector.shape_cast %swap3A_2356 : vector<1x256xf32> to vector<256xf32>
    %swap3A_2358 = vector.shape_cast %reduce_sum3A_2353 : vector<256xf32> to vector<1x256xf32>
    tpu.vector_store %arg3[%swap3A_2354, %swap3A_2355], %swap3A_2358 {strides = array<i32>} : memref<351x256xf32, #tpu.memory_space<vmem>>, vector<1x256xf32>,
    %slice3A_2359 = vector.extract_strided_slice %transpose3A_23 {offsets = [64, 0], sizes = [64, 256], strides = [1, 1]} : vector<128x256xf32> to vector<64x256xf32>
    %slice3A_2360 = vector.extract_strided_slice %transpose3A_47 {offsets = [64, 0], sizes = [64, 256], strides = [1, 1]} : vector<128x256xf32> to vector<64x256xf32>
    %mul3A_2361 = arith.mulf %slice3A_2359, %slice3A_2360 : vector<64x256xf32>
    %reduce_sum3A_2362 = arith.constant dense<0.000000e+00> : vector<256xf32>
    %reduce_sum3A_2363 = vector.multi_reduction <add>, %mul3A_2361, %reduce_sum3A_2362 [0] : vector<64x256xf32> to vector<256xf32>
    %swap3A_2364 = arith.constant 231 : index
    %swap3A_2365 = arith.constant 0 : index
    %swap3A_2366 = vector.load %arg3[%swap3A_2364, %swap3A_2365] : memref<351x256xf32, #tpu.memory_space<vmem>>, vector<1x256xf32>
    %swap3A_2367 = vector.shape_cast %swap3A_2366 : vector<1x256xf32> to vector<256xf32>
    %swap3A_2368 = vector.shape_cast %reduce_sum3A_2363 : vector<256xf32> to vector<1x256xf32>
    tpu.vector_store %arg3[%swap3A_2364, %swap3A_2365], %swap3A_2368 {strides = array<i32>} : memref<351x256xf32, #tpu.memory_space<vmem>>, vector<1x256xf32>,
    %slice3A_2369 = vector.extract_strided_slice %transpose3A_23 {offsets = [64, 0], sizes = [64, 256], strides = [1, 1]} : vector<128x256xf32> to vector<64x256xf32>
    %slice3A_2370 = vector.extract_strided_slice %transpose3A_51 {offsets = [0, 0], sizes = [64, 256], strides = [1, 1]} : vector<128x256xf32> to vector<64x256xf32>
    %mul3A_2371 = arith.mulf %slice3A_2369, %slice3A_2370 : vector<64x256xf32>
    %reduce_sum3A_2372 = arith.constant dense<0.000000e+00> : vector<256xf32>
    %reduce_sum3A_2373 = vector.multi_reduction <add>, %mul3A_2371, %reduce_sum3A_2372 [0] : vector<64x256xf32> to vector<256xf32>
    %swap3A_2374 = arith.constant 232 : index
    %swap3A_2375 = arith.constant 0 : index
    %swap3A_2376 = vector.load %arg3[%swap3A_2374, %swap3A_2375] : memref<351x256xf32, #tpu.memory_space<vmem>>, vector<1x256xf32>
    %swap3A_2377 = vector.shape_cast %swap3A_2376 : vector<1x256xf32> to vector<256xf32>
    %swap3A_2378 = vector.shape_cast %reduce_sum3A_2373 : vector<256xf32> to vector<1x256xf32>
    tpu.vector_store %arg3[%swap3A_2374, %swap3A_2375], %swap3A_2378 {strides = array<i32>} : memref<351x256xf32, #tpu.memory_space<vmem>>, vector<1x256xf32>,
    %slice3A_2379 = vector.extract_strided_slice %transpose3A_23 {offsets = [64, 0], sizes = [64, 256], strides = [1, 1]} : vector<128x256xf32> to vector<64x256xf32>
    %slice3A_2380 = vector.extract_strided_slice %transpose3A_51 {offsets = [64, 0], sizes = [64, 256], strides = [1, 1]} : vector<128x256xf32> to vector<64x256xf32>
    %mul3A_2381 = arith.mulf %slice3A_2379, %slice3A_2380 : vector<64x256xf32>
    %reduce_sum3A_2382 = arith.constant dense<0.000000e+00> : vector<256xf32>
    %reduce_sum3A_2383 = vector.multi_reduction <add>, %mul3A_2381, %reduce_sum3A_2382 [0] : vector<64x256xf32> to vector<256xf32>
    %swap3A_2384 = arith.constant 233 : index
    %swap3A_2385 = arith.constant 0 : index
    %swap3A_2386 = vector.load %arg3[%swap3A_2384, %swap3A_2385] : memref<351x256xf32, #tpu.memory_space<vmem>>, vector<1x256xf32>
    %swap3A_2387 = vector.shape_cast %swap3A_2386 : vector<1x256xf32> to vector<256xf32>
    %swap3A_2388 = vector.shape_cast %reduce_sum3A_2383 : vector<256xf32> to vector<1x256xf32>
    tpu.vector_store %arg3[%swap3A_2384, %swap3A_2385], %swap3A_2388 {strides = array<i32>} : memref<351x256xf32, #tpu.memory_space<vmem>>, vector<1x256xf32>,
    %slice3A_2389 = vector.extract_strided_slice %transpose3A_27 {offsets = [0, 0], sizes = [64, 256], strides = [1, 1]} : vector<128x256xf32> to vector<64x256xf32>
    %slice3A_2390 = vector.extract_strided_slice %transpose3A_27 {offsets = [64, 0], sizes = [64, 256], strides = [1, 1]} : vector<128x256xf32> to vector<64x256xf32>
    %mul3A_2391 = arith.mulf %slice3A_2389, %slice3A_2390 : vector<64x256xf32>
    %reduce_sum3A_2392 = arith.constant dense<0.000000e+00> : vector<256xf32>
    %reduce_sum3A_2393 = vector.multi_reduction <add>, %mul3A_2391, %reduce_sum3A_2392 [0] : vector<64x256xf32> to vector<256xf32>
    %swap3A_2394 = arith.constant 234 : index
    %swap3A_2395 = arith.constant 0 : index
    %swap3A_2396 = vector.load %arg3[%swap3A_2394, %swap3A_2395] : memref<351x256xf32, #tpu.memory_space<vmem>>, vector<1x256xf32>
    %swap3A_2397 = vector.shape_cast %swap3A_2396 : vector<1x256xf32> to vector<256xf32>
    %swap3A_2398 = vector.shape_cast %reduce_sum3A_2393 : vector<256xf32> to vector<1x256xf32>
    tpu.vector_store %arg3[%swap3A_2394, %swap3A_2395], %swap3A_2398 {strides = array<i32>} : memref<351x256xf32, #tpu.memory_space<vmem>>, vector<1x256xf32>,
    %slice3A_2399 = vector.extract_strided_slice %transpose3A_27 {offsets = [0, 0], sizes = [64, 256], strides = [1, 1]} : vector<128x256xf32> to vector<64x256xf32>
    %slice3A_2400 = vector.extract_strided_slice %transpose3A_31 {offsets = [0, 0], sizes = [64, 256], strides = [1, 1]} : vector<128x256xf32> to vector<64x256xf32>
    %mul3A_2401 = arith.mulf %slice3A_2399, %slice3A_2400 : vector<64x256xf32>
    %reduce_sum3A_2402 = arith.constant dense<0.000000e+00> : vector<256xf32>
    %reduce_sum3A_2403 = vector.multi_reduction <add>, %mul3A_2401, %reduce_sum3A_2402 [0] : vector<64x256xf32> to vector<256xf32>
    %swap3A_2404 = arith.constant 235 : index
    %swap3A_2405 = arith.constant 0 : index
    %swap3A_2406 = vector.load %arg3[%swap3A_2404, %swap3A_2405] : memref<351x256xf32, #tpu.memory_space<vmem>>, vector<1x256xf32>
    %swap3A_2407 = vector.shape_cast %swap3A_2406 : vector<1x256xf32> to vector<256xf32>
    %swap3A_2408 = vector.shape_cast %reduce_sum3A_2403 : vector<256xf32> to vector<1x256xf32>
    tpu.vector_store %arg3[%swap3A_2404, %swap3A_2405], %swap3A_2408 {strides = array<i32>} : memref<351x256xf32, #tpu.memory_space<vmem>>, vector<1x256xf32>,
    %slice3A_2409 = vector.extract_strided_slice %transpose3A_27 {offsets = [0, 0], sizes = [64, 256], strides = [1, 1]} : vector<128x256xf32> to vector<64x256xf32>
    %slice3A_2410 = vector.extract_strided_slice %transpose3A_31 {offsets = [64, 0], sizes = [64, 256], strides = [1, 1]} : vector<128x256xf32> to vector<64x256xf32>
    %mul3A_2411 = arith.mulf %slice3A_2409, %slice3A_2410 : vector<64x256xf32>
    %reduce_sum3A_2412 = arith.constant dense<0.000000e+00> : vector<256xf32>
    %reduce_sum3A_2413 = vector.multi_reduction <add>, %mul3A_2411, %reduce_sum3A_2412 [0] : vector<64x256xf32> to vector<256xf32>
    %swap3A_2414 = arith.constant 236 : index
    %swap3A_2415 = arith.constant 0 : index
    %swap3A_2416 = vector.load %arg3[%swap3A_2414, %swap3A_2415] : memref<351x256xf32, #tpu.memory_space<vmem>>, vector<1x256xf32>
    %swap3A_2417 = vector.shape_cast %swap3A_2416 : vector<1x256xf32> to vector<256xf32>
    %swap3A_2418 = vector.shape_cast %reduce_sum3A_2413 : vector<256xf32> to vector<1x256xf32>
    tpu.vector_store %arg3[%swap3A_2414, %swap3A_2415], %swap3A_2418 {strides = array<i32>} : memref<351x256xf32, #tpu.memory_space<vmem>>, vector<1x256xf32>,
    %slice3A_2419 = vector.extract_strided_slice %transpose3A_27 {offsets = [0, 0], sizes = [64, 256], strides = [1, 1]} : vector<128x256xf32> to vector<64x256xf32>
    %slice3A_2420 = vector.extract_strided_slice %transpose3A_35 {offsets = [0, 0], sizes = [64, 256], strides = [1, 1]} : vector<128x256xf32> to vector<64x256xf32>
    %mul3A_2421 = arith.mulf %slice3A_2419, %slice3A_2420 : vector<64x256xf32>
    %reduce_sum3A_2422 = arith.constant dense<0.000000e+00> : vector<256xf32>
    %reduce_sum3A_2423 = vector.multi_reduction <add>, %mul3A_2421, %reduce_sum3A_2422 [0] : vector<64x256xf32> to vector<256xf32>
    %swap3A_2424 = arith.constant 237 : index
    %swap3A_2425 = arith.constant 0 : index
    %swap3A_2426 = vector.load %arg3[%swap3A_2424, %swap3A_2425] : memref<351x256xf32, #tpu.memory_space<vmem>>, vector<1x256xf32>
    %swap3A_2427 = vector.shape_cast %swap3A_2426 : vector<1x256xf32> to vector<256xf32>
    %swap3A_2428 = vector.shape_cast %reduce_sum3A_2423 : vector<256xf32> to vector<1x256xf32>
    tpu.vector_store %arg3[%swap3A_2424, %swap3A_2425], %swap3A_2428 {strides = array<i32>} : memref<351x256xf32, #tpu.memory_space<vmem>>, vector<1x256xf32>,
    %slice3A_2429 = vector.extract_strided_slice %transpose3A_27 {offsets = [0, 0], sizes = [64, 256], strides = [1, 1]} : vector<128x256xf32> to vector<64x256xf32>
    %slice3A_2430 = vector.extract_strided_slice %transpose3A_35 {offsets = [64, 0], sizes = [64, 256], strides = [1, 1]} : vector<128x256xf32> to vector<64x256xf32>
    %mul3A_2431 = arith.mulf %slice3A_2429, %slice3A_2430 : vector<64x256xf32>
    %reduce_sum3A_2432 = arith.constant dense<0.000000e+00> : vector<256xf32>
    %reduce_sum3A_2433 = vector.multi_reduction <add>, %mul3A_2431, %reduce_sum3A_2432 [0] : vector<64x256xf32> to vector<256xf32>
    %swap3A_2434 = arith.constant 238 : index
    %swap3A_2435 = arith.constant 0 : index
    %swap3A_2436 = vector.load %arg3[%swap3A_2434, %swap3A_2435] : memref<351x256xf32, #tpu.memory_space<vmem>>, vector<1x256xf32>
    %swap3A_2437 = vector.shape_cast %swap3A_2436 : vector<1x256xf32> to vector<256xf32>
    %swap3A_2438 = vector.shape_cast %reduce_sum3A_2433 : vector<256xf32> to vector<1x256xf32>
    tpu.vector_store %arg3[%swap3A_2434, %swap3A_2435], %swap3A_2438 {strides = array<i32>} : memref<351x256xf32, #tpu.memory_space<vmem>>, vector<1x256xf32>,
    %slice3A_2439 = vector.extract_strided_slice %transpose3A_27 {offsets = [0, 0], sizes = [64, 256], strides = [1, 1]} : vector<128x256xf32> to vector<64x256xf32>
    %slice3A_2440 = vector.extract_strided_slice %transpose3A_39 {offsets = [0, 0], sizes = [64, 256], strides = [1, 1]} : vector<128x256xf32> to vector<64x256xf32>
    %mul3A_2441 = arith.mulf %slice3A_2439, %slice3A_2440 : vector<64x256xf32>
    %reduce_sum3A_2442 = arith.constant dense<0.000000e+00> : vector<256xf32>
    %reduce_sum3A_2443 = vector.multi_reduction <add>, %mul3A_2441, %reduce_sum3A_2442 [0] : vector<64x256xf32> to vector<256xf32>
    %swap3A_2444 = arith.constant 239 : index
    %swap3A_2445 = arith.constant 0 : index
    %swap3A_2446 = vector.load %arg3[%swap3A_2444, %swap3A_2445] : memref<351x256xf32, #tpu.memory_space<vmem>>, vector<1x256xf32>
    %swap3A_2447 = vector.shape_cast %swap3A_2446 : vector<1x256xf32> to vector<256xf32>
    %swap3A_2448 = vector.shape_cast %reduce_sum3A_2443 : vector<256xf32> to vector<1x256xf32>
    tpu.vector_store %arg3[%swap3A_2444, %swap3A_2445], %swap3A_2448 {strides = array<i32>} : memref<351x256xf32, #tpu.memory_space<vmem>>, vector<1x256xf32>,
    %slice3A_2449 = vector.extract_strided_slice %transpose3A_27 {offsets = [0, 0], sizes = [64, 256], strides = [1, 1]} : vector<128x256xf32> to vector<64x256xf32>
    %slice3A_2450 = vector.extract_strided_slice %transpose3A_39 {offsets = [64, 0], sizes = [64, 256], strides = [1, 1]} : vector<128x256xf32> to vector<64x256xf32>
    %mul3A_2451 = arith.mulf %slice3A_2449, %slice3A_2450 : vector<64x256xf32>
    %reduce_sum3A_2452 = arith.constant dense<0.000000e+00> : vector<256xf32>
    %reduce_sum3A_2453 = vector.multi_reduction <add>, %mul3A_2451, %reduce_sum3A_2452 [0] : vector<64x256xf32> to vector<256xf32>
    %swap3A_2454 = arith.constant 240 : index
    %swap3A_2455 = arith.constant 0 : index
    %swap3A_2456 = vector.load %arg3[%swap3A_2454, %swap3A_2455] : memref<351x256xf32, #tpu.memory_space<vmem>>, vector<1x256xf32>
    %swap3A_2457 = vector.shape_cast %swap3A_2456 : vector<1x256xf32> to vector<256xf32>
    %swap3A_2458 = vector.shape_cast %reduce_sum3A_2453 : vector<256xf32> to vector<1x256xf32>
    tpu.vector_store %arg3[%swap3A_2454, %swap3A_2455], %swap3A_2458 {strides = array<i32>} : memref<351x256xf32, #tpu.memory_space<vmem>>, vector<1x256xf32>,
    %slice3A_2459 = vector.extract_strided_slice %transpose3A_27 {offsets = [0, 0], sizes = [64, 256], strides = [1, 1]} : vector<128x256xf32> to vector<64x256xf32>
    %slice3A_2460 = vector.extract_strided_slice %transpose3A_43 {offsets = [0, 0], sizes = [64, 256], strides = [1, 1]} : vector<128x256xf32> to vector<64x256xf32>
    %mul3A_2461 = arith.mulf %slice3A_2459, %slice3A_2460 : vector<64x256xf32>
    %reduce_sum3A_2462 = arith.constant dense<0.000000e+00> : vector<256xf32>
    %reduce_sum3A_2463 = vector.multi_reduction <add>, %mul3A_2461, %reduce_sum3A_2462 [0] : vector<64x256xf32> to vector<256xf32>
    %swap3A_2464 = arith.constant 241 : index
    %swap3A_2465 = arith.constant 0 : index
    %swap3A_2466 = vector.load %arg3[%swap3A_2464, %swap3A_2465] : memref<351x256xf32, #tpu.memory_space<vmem>>, vector<1x256xf32>
    %swap3A_2467 = vector.shape_cast %swap3A_2466 : vector<1x256xf32> to vector<256xf32>
    %swap3A_2468 = vector.shape_cast %reduce_sum3A_2463 : vector<256xf32> to vector<1x256xf32>
    tpu.vector_store %arg3[%swap3A_2464, %swap3A_2465], %swap3A_2468 {strides = array<i32>} : memref<351x256xf32, #tpu.memory_space<vmem>>, vector<1x256xf32>,
    %slice3A_2469 = vector.extract_strided_slice %transpose3A_27 {offsets = [0, 0], sizes = [64, 256], strides = [1, 1]} : vector<128x256xf32> to vector<64x256xf32>
    %slice3A_2470 = vector.extract_strided_slice %transpose3A_43 {offsets = [64, 0], sizes = [64, 256], strides = [1, 1]} : vector<128x256xf32> to vector<64x256xf32>
    %mul3A_2471 = arith.mulf %slice3A_2469, %slice3A_2470 : vector<64x256xf32>
    %reduce_sum3A_2472 = arith.constant dense<0.000000e+00> : vector<256xf32>
    %reduce_sum3A_2473 = vector.multi_reduction <add>, %mul3A_2471, %reduce_sum3A_2472 [0] : vector<64x256xf32> to vector<256xf32>
    %swap3A_2474 = arith.constant 242 : index
    %swap3A_2475 = arith.constant 0 : index
    %swap3A_2476 = vector.load %arg3[%swap3A_2474, %swap3A_2475] : memref<351x256xf32, #tpu.memory_space<vmem>>, vector<1x256xf32>
    %swap3A_2477 = vector.shape_cast %swap3A_2476 : vector<1x256xf32> to vector<256xf32>
    %swap3A_2478 = vector.shape_cast %reduce_sum3A_2473 : vector<256xf32> to vector<1x256xf32>
    tpu.vector_store %arg3[%swap3A_2474, %swap3A_2475], %swap3A_2478 {strides = array<i32>} : memref<351x256xf32, #tpu.memory_space<vmem>>, vector<1x256xf32>,
    %slice3A_2479 = vector.extract_strided_slice %transpose3A_27 {offsets = [0, 0], sizes = [64, 256], strides = [1, 1]} : vector<128x256xf32> to vector<64x256xf32>
    %slice3A_2480 = vector.extract_strided_slice %transpose3A_47 {offsets = [0, 0], sizes = [64, 256], strides = [1, 1]} : vector<128x256xf32> to vector<64x256xf32>
    %mul3A_2481 = arith.mulf %slice3A_2479, %slice3A_2480 : vector<64x256xf32>
    %reduce_sum3A_2482 = arith.constant dense<0.000000e+00> : vector<256xf32>
    %reduce_sum3A_2483 = vector.multi_reduction <add>, %mul3A_2481, %reduce_sum3A_2482 [0] : vector<64x256xf32> to vector<256xf32>
    %swap3A_2484 = arith.constant 243 : index
    %swap3A_2485 = arith.constant 0 : index
    %swap3A_2486 = vector.load %arg3[%swap3A_2484, %swap3A_2485] : memref<351x256xf32, #tpu.memory_space<vmem>>, vector<1x256xf32>
    %swap3A_2487 = vector.shape_cast %swap3A_2486 : vector<1x256xf32> to vector<256xf32>
    %swap3A_2488 = vector.shape_cast %reduce_sum3A_2483 : vector<256xf32> to vector<1x256xf32>
    tpu.vector_store %arg3[%swap3A_2484, %swap3A_2485], %swap3A_2488 {strides = array<i32>} : memref<351x256xf32, #tpu.memory_space<vmem>>, vector<1x256xf32>,
    %slice3A_2489 = vector.extract_strided_slice %transpose3A_27 {offsets = [0, 0], sizes = [64, 256], strides = [1, 1]} : vector<128x256xf32> to vector<64x256xf32>
    %slice3A_2490 = vector.extract_strided_slice %transpose3A_47 {offsets = [64, 0], sizes = [64, 256], strides = [1, 1]} : vector<128x256xf32> to vector<64x256xf32>
    %mul3A_2491 = arith.mulf %slice3A_2489, %slice3A_2490 : vector<64x256xf32>
    %reduce_sum3A_2492 = arith.constant dense<0.000000e+00> : vector<256xf32>
    %reduce_sum3A_2493 = vector.multi_reduction <add>, %mul3A_2491, %reduce_sum3A_2492 [0] : vector<64x256xf32> to vector<256xf32>
    %swap3A_2494 = arith.constant 244 : index
    %swap3A_2495 = arith.constant 0 : index
    %swap3A_2496 = vector.load %arg3[%swap3A_2494, %swap3A_2495] : memref<351x256xf32, #tpu.memory_space<vmem>>, vector<1x256xf32>
    %swap3A_2497 = vector.shape_cast %swap3A_2496 : vector<1x256xf32> to vector<256xf32>
    %swap3A_2498 = vector.shape_cast %reduce_sum3A_2493 : vector<256xf32> to vector<1x256xf32>
    tpu.vector_store %arg3[%swap3A_2494, %swap3A_2495], %swap3A_2498 {strides = array<i32>} : memref<351x256xf32, #tpu.memory_space<vmem>>, vector<1x256xf32>,
    %slice3A_2499 = vector.extract_strided_slice %transpose3A_27 {offsets = [0, 0], sizes = [64, 256], strides = [1, 1]} : vector<128x256xf32> to vector<64x256xf32>
    %slice3A_2500 = vector.extract_strided_slice %transpose3A_51 {offsets = [0, 0], sizes = [64, 256], strides = [1, 1]} : vector<128x256xf32> to vector<64x256xf32>
    %mul3A_2501 = arith.mulf %slice3A_2499, %slice3A_2500 : vector<64x256xf32>
    %reduce_sum3A_2502 = arith.constant dense<0.000000e+00> : vector<256xf32>
    %reduce_sum3A_2503 = vector.multi_reduction <add>, %mul3A_2501, %reduce_sum3A_2502 [0] : vector<64x256xf32> to vector<256xf32>
    %swap3A_2504 = arith.constant 245 : index
    %swap3A_2505 = arith.constant 0 : index
    %swap3A_2506 = vector.load %arg3[%swap3A_2504, %swap3A_2505] : memref<351x256xf32, #tpu.memory_space<vmem>>, vector<1x256xf32>
    %swap3A_2507 = vector.shape_cast %swap3A_2506 : vector<1x256xf32> to vector<256xf32>
    %swap3A_2508 = vector.shape_cast %reduce_sum3A_2503 : vector<256xf32> to vector<1x256xf32>
    tpu.vector_store %arg3[%swap3A_2504, %swap3A_2505], %swap3A_2508 {strides = array<i32>} : memref<351x256xf32, #tpu.memory_space<vmem>>, vector<1x256xf32>,
    %slice3A_2509 = vector.extract_strided_slice %transpose3A_27 {offsets = [0, 0], sizes = [64, 256], strides = [1, 1]} : vector<128x256xf32> to vector<64x256xf32>
    %slice3A_2510 = vector.extract_strided_slice %transpose3A_51 {offsets = [64, 0], sizes = [64, 256], strides = [1, 1]} : vector<128x256xf32> to vector<64x256xf32>
    %mul3A_2511 = arith.mulf %slice3A_2509, %slice3A_2510 : vector<64x256xf32>
    %reduce_sum3A_2512 = arith.constant dense<0.000000e+00> : vector<256xf32>
    %reduce_sum3A_2513 = vector.multi_reduction <add>, %mul3A_2511, %reduce_sum3A_2512 [0] : vector<64x256xf32> to vector<256xf32>
    %swap3A_2514 = arith.constant 246 : index
    %swap3A_2515 = arith.constant 0 : index
    %swap3A_2516 = vector.load %arg3[%swap3A_2514, %swap3A_2515] : memref<351x256xf32, #tpu.memory_space<vmem>>, vector<1x256xf32>
    %swap3A_2517 = vector.shape_cast %swap3A_2516 : vector<1x256xf32> to vector<256xf32>
    %swap3A_2518 = vector.shape_cast %reduce_sum3A_2513 : vector<256xf32> to vector<1x256xf32>
    tpu.vector_store %arg3[%swap3A_2514, %swap3A_2515], %swap3A_2518 {strides = array<i32>} : memref<351x256xf32, #tpu.memory_space<vmem>>, vector<1x256xf32>,
    %slice3A_2519 = vector.extract_strided_slice %transpose3A_27 {offsets = [64, 0], sizes = [64, 256], strides = [1, 1]} : vector<128x256xf32> to vector<64x256xf32>
    %slice3A_2520 = vector.extract_strided_slice %transpose3A_31 {offsets = [0, 0], sizes = [64, 256], strides = [1, 1]} : vector<128x256xf32> to vector<64x256xf32>
    %mul3A_2521 = arith.mulf %slice3A_2519, %slice3A_2520 : vector<64x256xf32>
    %reduce_sum3A_2522 = arith.constant dense<0.000000e+00> : vector<256xf32>
    %reduce_sum3A_2523 = vector.multi_reduction <add>, %mul3A_2521, %reduce_sum3A_2522 [0] : vector<64x256xf32> to vector<256xf32>
    %swap3A_2524 = arith.constant 247 : index
    %swap3A_2525 = arith.constant 0 : index
    %swap3A_2526 = vector.load %arg3[%swap3A_2524, %swap3A_2525] : memref<351x256xf32, #tpu.memory_space<vmem>>, vector<1x256xf32>
    %swap3A_2527 = vector.shape_cast %swap3A_2526 : vector<1x256xf32> to vector<256xf32>
    %swap3A_2528 = vector.shape_cast %reduce_sum3A_2523 : vector<256xf32> to vector<1x256xf32>
    tpu.vector_store %arg3[%swap3A_2524, %swap3A_2525], %swap3A_2528 {strides = array<i32>} : memref<351x256xf32, #tpu.memory_space<vmem>>, vector<1x256xf32>,
    %slice3A_2529 = vector.extract_strided_slice %transpose3A_27 {offsets = [64, 0], sizes = [64, 256], strides = [1, 1]} : vector<128x256xf32> to vector<64x256xf32>
    %slice3A_2530 = vector.extract_strided_slice %transpose3A_31 {offsets = [64, 0], sizes = [64, 256], strides = [1, 1]} : vector<128x256xf32> to vector<64x256xf32>
    %mul3A_2531 = arith.mulf %slice3A_2529, %slice3A_2530 : vector<64x256xf32>
    %reduce_sum3A_2532 = arith.constant dense<0.000000e+00> : vector<256xf32>
    %reduce_sum3A_2533 = vector.multi_reduction <add>, %mul3A_2531, %reduce_sum3A_2532 [0] : vector<64x256xf32> to vector<256xf32>
    %swap3A_2534 = arith.constant 248 : index
    %swap3A_2535 = arith.constant 0 : index
    %swap3A_2536 = vector.load %arg3[%swap3A_2534, %swap3A_2535] : memref<351x256xf32, #tpu.memory_space<vmem>>, vector<1x256xf32>
    %swap3A_2537 = vector.shape_cast %swap3A_2536 : vector<1x256xf32> to vector<256xf32>
    %swap3A_2538 = vector.shape_cast %reduce_sum3A_2533 : vector<256xf32> to vector<1x256xf32>
    tpu.vector_store %arg3[%swap3A_2534, %swap3A_2535], %swap3A_2538 {strides = array<i32>} : memref<351x256xf32, #tpu.memory_space<vmem>>, vector<1x256xf32>,
    %slice3A_2539 = vector.extract_strided_slice %transpose3A_27 {offsets = [64, 0], sizes = [64, 256], strides = [1, 1]} : vector<128x256xf32> to vector<64x256xf32>
    %slice3A_2540 = vector.extract_strided_slice %transpose3A_35 {offsets = [0, 0], sizes = [64, 256], strides = [1, 1]} : vector<128x256xf32> to vector<64x256xf32>
    %mul3A_2541 = arith.mulf %slice3A_2539, %slice3A_2540 : vector<64x256xf32>
    %reduce_sum3A_2542 = arith.constant dense<0.000000e+00> : vector<256xf32>
    %reduce_sum3A_2543 = vector.multi_reduction <add>, %mul3A_2541, %reduce_sum3A_2542 [0] : vector<64x256xf32> to vector<256xf32>
    %swap3A_2544 = arith.constant 249 : index
    %swap3A_2545 = arith.constant 0 : index
    %swap3A_2546 = vector.load %arg3[%swap3A_2544, %swap3A_2545] : memref<351x256xf32, #tpu.memory_space<vmem>>, vector<1x256xf32>
    %swap3A_2547 = vector.shape_cast %swap3A_2546 : vector<1x256xf32> to vector<256xf32>
    %swap3A_2548 = vector.shape_cast %reduce_sum3A_2543 : vector<256xf32> to vector<1x256xf32>
    tpu.vector_store %arg3[%swap3A_2544, %swap3A_2545], %swap3A_2548 {strides = array<i32>} : memref<351x256xf32, #tpu.memory_space<vmem>>, vector<1x256xf32>,
    %slice3A_2549 = vector.extract_strided_slice %transpose3A_27 {offsets = [64, 0], sizes = [64, 256], strides = [1, 1]} : vector<128x256xf32> to vector<64x256xf32>
    %slice3A_2550 = vector.extract_strided_slice %transpose3A_35 {offsets = [64, 0], sizes = [64, 256], strides = [1, 1]} : vector<128x256xf32> to vector<64x256xf32>
    %mul3A_2551 = arith.mulf %slice3A_2549, %slice3A_2550 : vector<64x256xf32>
    %reduce_sum3A_2552 = arith.constant dense<0.000000e+00> : vector<256xf32>
    %reduce_sum3A_2553 = vector.multi_reduction <add>, %mul3A_2551, %reduce_sum3A_2552 [0] : vector<64x256xf32> to vector<256xf32>
    %swap3A_2554 = arith.constant 250 : index
    %swap3A_2555 = arith.constant 0 : index
    %swap3A_2556 = vector.load %arg3[%swap3A_2554, %swap3A_2555] : memref<351x256xf32, #tpu.memory_space<vmem>>, vector<1x256xf32>
    %swap3A_2557 = vector.shape_cast %swap3A_2556 : vector<1x256xf32> to vector<256xf32>
    %swap3A_2558 = vector.shape_cast %reduce_sum3A_2553 : vector<256xf32> to vector<1x256xf32>
    tpu.vector_store %arg3[%swap3A_2554, %swap3A_2555], %swap3A_2558 {strides = array<i32>} : memref<351x256xf32, #tpu.memory_space<vmem>>, vector<1x256xf32>,
    %slice3A_2559 = vector.extract_strided_slice %transpose3A_27 {offsets = [64, 0], sizes = [64, 256], strides = [1, 1]} : vector<128x256xf32> to vector<64x256xf32>
    %slice3A_2560 = vector.extract_strided_slice %transpose3A_39 {offsets = [0, 0], sizes = [64, 256], strides = [1, 1]} : vector<128x256xf32> to vector<64x256xf32>
    %mul3A_2561 = arith.mulf %slice3A_2559, %slice3A_2560 : vector<64x256xf32>
    %reduce_sum3A_2562 = arith.constant dense<0.000000e+00> : vector<256xf32>
    %reduce_sum3A_2563 = vector.multi_reduction <add>, %mul3A_2561, %reduce_sum3A_2562 [0] : vector<64x256xf32> to vector<256xf32>
    %swap3A_2564 = arith.constant 251 : index
    %swap3A_2565 = arith.constant 0 : index
    %swap3A_2566 = vector.load %arg3[%swap3A_2564, %swap3A_2565] : memref<351x256xf32, #tpu.memory_space<vmem>>, vector<1x256xf32>
    %swap3A_2567 = vector.shape_cast %swap3A_2566 : vector<1x256xf32> to vector<256xf32>
    %swap3A_2568 = vector.shape_cast %reduce_sum3A_2563 : vector<256xf32> to vector<1x256xf32>
    tpu.vector_store %arg3[%swap3A_2564, %swap3A_2565], %swap3A_2568 {strides = array<i32>} : memref<351x256xf32, #tpu.memory_space<vmem>>, vector<1x256xf32>,
    %slice3A_2569 = vector.extract_strided_slice %transpose3A_27 {offsets = [64, 0], sizes = [64, 256], strides = [1, 1]} : vector<128x256xf32> to vector<64x256xf32>
    %slice3A_2570 = vector.extract_strided_slice %transpose3A_39 {offsets = [64, 0], sizes = [64, 256], strides = [1, 1]} : vector<128x256xf32> to vector<64x256xf32>
    %mul3A_2571 = arith.mulf %slice3A_2569, %slice3A_2570 : vector<64x256xf32>
    %reduce_sum3A_2572 = arith.constant dense<0.000000e+00> : vector<256xf32>
    %reduce_sum3A_2573 = vector.multi_reduction <add>, %mul3A_2571, %reduce_sum3A_2572 [0] : vector<64x256xf32> to vector<256xf32>
    %swap3A_2574 = arith.constant 252 : index
    %swap3A_2575 = arith.constant 0 : index
    %swap3A_2576 = vector.load %arg3[%swap3A_2574, %swap3A_2575] : memref<351x256xf32, #tpu.memory_space<vmem>>, vector<1x256xf32>
    %swap3A_2577 = vector.shape_cast %swap3A_2576 : vector<1x256xf32> to vector<256xf32>
    %swap3A_2578 = vector.shape_cast %reduce_sum3A_2573 : vector<256xf32> to vector<1x256xf32>
    tpu.vector_store %arg3[%swap3A_2574, %swap3A_2575], %swap3A_2578 {strides = array<i32>} : memref<351x256xf32, #tpu.memory_space<vmem>>, vector<1x256xf32>,
    %slice3A_2579 = vector.extract_strided_slice %transpose3A_27 {offsets = [64, 0], sizes = [64, 256], strides = [1, 1]} : vector<128x256xf32> to vector<64x256xf32>
    %slice3A_2580 = vector.extract_strided_slice %transpose3A_43 {offsets = [0, 0], sizes = [64, 256], strides = [1, 1]} : vector<128x256xf32> to vector<64x256xf32>
    %mul3A_2581 = arith.mulf %slice3A_2579, %slice3A_2580 : vector<64x256xf32>
    %reduce_sum3A_2582 = arith.constant dense<0.000000e+00> : vector<256xf32>
    %reduce_sum3A_2583 = vector.multi_reduction <add>, %mul3A_2581, %reduce_sum3A_2582 [0] : vector<64x256xf32> to vector<256xf32>
    %swap3A_2584 = arith.constant 253 : index
    %swap3A_2585 = arith.constant 0 : index
    %swap3A_2586 = vector.load %arg3[%swap3A_2584, %swap3A_2585] : memref<351x256xf32, #tpu.memory_space<vmem>>, vector<1x256xf32>
    %swap3A_2587 = vector.shape_cast %swap3A_2586 : vector<1x256xf32> to vector<256xf32>
    %swap3A_2588 = vector.shape_cast %reduce_sum3A_2583 : vector<256xf32> to vector<1x256xf32>
    tpu.vector_store %arg3[%swap3A_2584, %swap3A_2585], %swap3A_2588 {strides = array<i32>} : memref<351x256xf32, #tpu.memory_space<vmem>>, vector<1x256xf32>,
    %slice3A_2589 = vector.extract_strided_slice %transpose3A_27 {offsets = [64, 0], sizes = [64, 256], strides = [1, 1]} : vector<128x256xf32> to vector<64x256xf32>
    %slice3A_2590 = vector.extract_strided_slice %transpose3A_43 {offsets = [64, 0], sizes = [64, 256], strides = [1, 1]} : vector<128x256xf32> to vector<64x256xf32>
    %mul3A_2591 = arith.mulf %slice3A_2589, %slice3A_2590 : vector<64x256xf32>
    %reduce_sum3A_2592 = arith.constant dense<0.000000e+00> : vector<256xf32>
    %reduce_sum3A_2593 = vector.multi_reduction <add>, %mul3A_2591, %reduce_sum3A_2592 [0] : vector<64x256xf32> to vector<256xf32>
    %swap3A_2594 = arith.constant 254 : index
    %swap3A_2595 = arith.constant 0 : index
    %swap3A_2596 = vector.load %arg3[%swap3A_2594, %swap3A_2595] : memref<351x256xf32, #tpu.memory_space<vmem>>, vector<1x256xf32>
    %swap3A_2597 = vector.shape_cast %swap3A_2596 : vector<1x256xf32> to vector<256xf32>
    %swap3A_2598 = vector.shape_cast %reduce_sum3A_2593 : vector<256xf32> to vector<1x256xf32>
    tpu.vector_store %arg3[%swap3A_2594, %swap3A_2595], %swap3A_2598 {strides = array<i32>} : memref<351x256xf32, #tpu.memory_space<vmem>>, vector<1x256xf32>,
    %slice3A_2599 = vector.extract_strided_slice %transpose3A_27 {offsets = [64, 0], sizes = [64, 256], strides = [1, 1]} : vector<128x256xf32> to vector<64x256xf32>
    %slice3A_2600 = vector.extract_strided_slice %transpose3A_47 {offsets = [0, 0], sizes = [64, 256], strides = [1, 1]} : vector<128x256xf32> to vector<64x256xf32>
    %mul3A_2601 = arith.mulf %slice3A_2599, %slice3A_2600 : vector<64x256xf32>
    %reduce_sum3A_2602 = arith.constant dense<0.000000e+00> : vector<256xf32>
    %reduce_sum3A_2603 = vector.multi_reduction <add>, %mul3A_2601, %reduce_sum3A_2602 [0] : vector<64x256xf32> to vector<256xf32>
    %swap3A_2604 = arith.constant 255 : index
    %swap3A_2605 = arith.constant 0 : index
    %swap3A_2606 = vector.load %arg3[%swap3A_2604, %swap3A_2605] : memref<351x256xf32, #tpu.memory_space<vmem>>, vector<1x256xf32>
    %swap3A_2607 = vector.shape_cast %swap3A_2606 : vector<1x256xf32> to vector<256xf32>
    %swap3A_2608 = vector.shape_cast %reduce_sum3A_2603 : vector<256xf32> to vector<1x256xf32>
    tpu.vector_store %arg3[%swap3A_2604, %swap3A_2605], %swap3A_2608 {strides = array<i32>} : memref<351x256xf32, #tpu.memory_space<vmem>>, vector<1x256xf32>,
    %slice3A_2609 = vector.extract_strided_slice %transpose3A_27 {offsets = [64, 0], sizes = [64, 256], strides = [1, 1]} : vector<128x256xf32> to vector<64x256xf32>
    %slice3A_2610 = vector.extract_strided_slice %transpose3A_47 {offsets = [64, 0], sizes = [64, 256], strides = [1, 1]} : vector<128x256xf32> to vector<64x256xf32>
    %mul3A_2611 = arith.mulf %slice3A_2609, %slice3A_2610 : vector<64x256xf32>
    %reduce_sum3A_2612 = arith.constant dense<0.000000e+00> : vector<256xf32>
    %reduce_sum3A_2613 = vector.multi_reduction <add>, %mul3A_2611, %reduce_sum3A_2612 [0] : vector<64x256xf32> to vector<256xf32>
    %swap3A_2614 = arith.constant 256 : index
    %swap3A_2615 = arith.constant 0 : index
    %swap3A_2616 = vector.load %arg3[%swap3A_2614, %swap3A_2615] : memref<351x256xf32, #tpu.memory_space<vmem>>, vector<1x256xf32>
    %swap3A_2617 = vector.shape_cast %swap3A_2616 : vector<1x256xf32> to vector<256xf32>
    %swap3A_2618 = vector.shape_cast %reduce_sum3A_2613 : vector<256xf32> to vector<1x256xf32>
    tpu.vector_store %arg3[%swap3A_2614, %swap3A_2615], %swap3A_2618 {strides = array<i32>} : memref<351x256xf32, #tpu.memory_space<vmem>>, vector<1x256xf32>,
    %slice3A_2619 = vector.extract_strided_slice %transpose3A_27 {offsets = [64, 0], sizes = [64, 256], strides = [1, 1]} : vector<128x256xf32> to vector<64x256xf32>
    %slice3A_2620 = vector.extract_strided_slice %transpose3A_51 {offsets = [0, 0], sizes = [64, 256], strides = [1, 1]} : vector<128x256xf32> to vector<64x256xf32>
    %mul3A_2621 = arith.mulf %slice3A_2619, %slice3A_2620 : vector<64x256xf32>
    %reduce_sum3A_2622 = arith.constant dense<0.000000e+00> : vector<256xf32>
    %reduce_sum3A_2623 = vector.multi_reduction <add>, %mul3A_2621, %reduce_sum3A_2622 [0] : vector<64x256xf32> to vector<256xf32>
    %swap3A_2624 = arith.constant 257 : index
    %swap3A_2625 = arith.constant 0 : index
    %swap3A_2626 = vector.load %arg3[%swap3A_2624, %swap3A_2625] : memref<351x256xf32, #tpu.memory_space<vmem>>, vector<1x256xf32>
    %swap3A_2627 = vector.shape_cast %swap3A_2626 : vector<1x256xf32> to vector<256xf32>
    %swap3A_2628 = vector.shape_cast %reduce_sum3A_2623 : vector<256xf32> to vector<1x256xf32>
    tpu.vector_store %arg3[%swap3A_2624, %swap3A_2625], %swap3A_2628 {strides = array<i32>} : memref<351x256xf32, #tpu.memory_space<vmem>>, vector<1x256xf32>,
    %slice3A_2629 = vector.extract_strided_slice %transpose3A_27 {offsets = [64, 0], sizes = [64, 256], strides = [1, 1]} : vector<128x256xf32> to vector<64x256xf32>
    %slice3A_2630 = vector.extract_strided_slice %transpose3A_51 {offsets = [64, 0], sizes = [64, 256], strides = [1, 1]} : vector<128x256xf32> to vector<64x256xf32>
    %mul3A_2631 = arith.mulf %slice3A_2629, %slice3A_2630 : vector<64x256xf32>
    %reduce_sum3A_2632 = arith.constant dense<0.000000e+00> : vector<256xf32>
    %reduce_sum3A_2633 = vector.multi_reduction <add>, %mul3A_2631, %reduce_sum3A_2632 [0] : vector<64x256xf32> to vector<256xf32>
    %swap3A_2634 = arith.constant 258 : index
    %swap3A_2635 = arith.constant 0 : index
    %swap3A_2636 = vector.load %arg3[%swap3A_2634, %swap3A_2635] : memref<351x256xf32, #tpu.memory_space<vmem>>, vector<1x256xf32>
    %swap3A_2637 = vector.shape_cast %swap3A_2636 : vector<1x256xf32> to vector<256xf32>
    %swap3A_2638 = vector.shape_cast %reduce_sum3A_2633 : vector<256xf32> to vector<1x256xf32>
    tpu.vector_store %arg3[%swap3A_2634, %swap3A_2635], %swap3A_2638 {strides = array<i32>} : memref<351x256xf32, #tpu.memory_space<vmem>>, vector<1x256xf32>,
    %slice3A_2639 = vector.extract_strided_slice %transpose3A_31 {offsets = [0, 0], sizes = [64, 256], strides = [1, 1]} : vector<128x256xf32> to vector<64x256xf32>
    %slice3A_2640 = vector.extract_strided_slice %transpose3A_31 {offsets = [64, 0], sizes = [64, 256], strides = [1, 1]} : vector<128x256xf32> to vector<64x256xf32>
    %mul3A_2641 = arith.mulf %slice3A_2639, %slice3A_2640 : vector<64x256xf32>
    %reduce_sum3A_2642 = arith.constant dense<0.000000e+00> : vector<256xf32>
    %reduce_sum3A_2643 = vector.multi_reduction <add>, %mul3A_2641, %reduce_sum3A_2642 [0] : vector<64x256xf32> to vector<256xf32>
    %swap3A_2644 = arith.constant 259 : index
    %swap3A_2645 = arith.constant 0 : index
    %swap3A_2646 = vector.load %arg3[%swap3A_2644, %swap3A_2645] : memref<351x256xf32, #tpu.memory_space<vmem>>, vector<1x256xf32>
    %swap3A_2647 = vector.shape_cast %swap3A_2646 : vector<1x256xf32> to vector<256xf32>
    %swap3A_2648 = vector.shape_cast %reduce_sum3A_2643 : vector<256xf32> to vector<1x256xf32>
    tpu.vector_store %arg3[%swap3A_2644, %swap3A_2645], %swap3A_2648 {strides = array<i32>} : memref<351x256xf32, #tpu.memory_space<vmem>>, vector<1x256xf32>,
    %slice3A_2649 = vector.extract_strided_slice %transpose3A_31 {offsets = [0, 0], sizes = [64, 256], strides = [1, 1]} : vector<128x256xf32> to vector<64x256xf32>
    %slice3A_2650 = vector.extract_strided_slice %transpose3A_35 {offsets = [0, 0], sizes = [64, 256], strides = [1, 1]} : vector<128x256xf32> to vector<64x256xf32>
    %mul3A_2651 = arith.mulf %slice3A_2649, %slice3A_2650 : vector<64x256xf32>
    %reduce_sum3A_2652 = arith.constant dense<0.000000e+00> : vector<256xf32>
    %reduce_sum3A_2653 = vector.multi_reduction <add>, %mul3A_2651, %reduce_sum3A_2652 [0] : vector<64x256xf32> to vector<256xf32>
    %swap3A_2654 = arith.constant 260 : index
    %swap3A_2655 = arith.constant 0 : index
    %swap3A_2656 = vector.load %arg3[%swap3A_2654, %swap3A_2655] : memref<351x256xf32, #tpu.memory_space<vmem>>, vector<1x256xf32>
    %swap3A_2657 = vector.shape_cast %swap3A_2656 : vector<1x256xf32> to vector<256xf32>
    %swap3A_2658 = vector.shape_cast %reduce_sum3A_2653 : vector<256xf32> to vector<1x256xf32>
    tpu.vector_store %arg3[%swap3A_2654, %swap3A_2655], %swap3A_2658 {strides = array<i32>} : memref<351x256xf32, #tpu.memory_space<vmem>>, vector<1x256xf32>,
    %slice3A_2659 = vector.extract_strided_slice %transpose3A_31 {offsets = [0, 0], sizes = [64, 256], strides = [1, 1]} : vector<128x256xf32> to vector<64x256xf32>
    %slice3A_2660 = vector.extract_strided_slice %transpose3A_35 {offsets = [64, 0], sizes = [64, 256], strides = [1, 1]} : vector<128x256xf32> to vector<64x256xf32>
    %mul3A_2661 = arith.mulf %slice3A_2659, %slice3A_2660 : vector<64x256xf32>
    %reduce_sum3A_2662 = arith.constant dense<0.000000e+00> : vector<256xf32>
    %reduce_sum3A_2663 = vector.multi_reduction <add>, %mul3A_2661, %reduce_sum3A_2662 [0] : vector<64x256xf32> to vector<256xf32>
    %swap3A_2664 = arith.constant 261 : index
    %swap3A_2665 = arith.constant 0 : index
    %swap3A_2666 = vector.load %arg3[%swap3A_2664, %swap3A_2665] : memref<351x256xf32, #tpu.memory_space<vmem>>, vector<1x256xf32>
    %swap3A_2667 = vector.shape_cast %swap3A_2666 : vector<1x256xf32> to vector<256xf32>
    %swap3A_2668 = vector.shape_cast %reduce_sum3A_2663 : vector<256xf32> to vector<1x256xf32>
    tpu.vector_store %arg3[%swap3A_2664, %swap3A_2665], %swap3A_2668 {strides = array<i32>} : memref<351x256xf32, #tpu.memory_space<vmem>>, vector<1x256xf32>,
    %slice3A_2669 = vector.extract_strided_slice %transpose3A_31 {offsets = [0, 0], sizes = [64, 256], strides = [1, 1]} : vector<128x256xf32> to vector<64x256xf32>
    %slice3A_2670 = vector.extract_strided_slice %transpose3A_39 {offsets = [0, 0], sizes = [64, 256], strides = [1, 1]} : vector<128x256xf32> to vector<64x256xf32>
    %mul3A_2671 = arith.mulf %slice3A_2669, %slice3A_2670 : vector<64x256xf32>
    %reduce_sum3A_2672 = arith.constant dense<0.000000e+00> : vector<256xf32>
    %reduce_sum3A_2673 = vector.multi_reduction <add>, %mul3A_2671, %reduce_sum3A_2672 [0] : vector<64x256xf32> to vector<256xf32>
    %swap3A_2674 = arith.constant 262 : index
    %swap3A_2675 = arith.constant 0 : index
    %swap3A_2676 = vector.load %arg3[%swap3A_2674, %swap3A_2675] : memref<351x256xf32, #tpu.memory_space<vmem>>, vector<1x256xf32>
    %swap3A_2677 = vector.shape_cast %swap3A_2676 : vector<1x256xf32> to vector<256xf32>
    %swap3A_2678 = vector.shape_cast %reduce_sum3A_2673 : vector<256xf32> to vector<1x256xf32>
    tpu.vector_store %arg3[%swap3A_2674, %swap3A_2675], %swap3A_2678 {strides = array<i32>} : memref<351x256xf32, #tpu.memory_space<vmem>>, vector<1x256xf32>,
    %slice3A_2679 = vector.extract_strided_slice %transpose3A_31 {offsets = [0, 0], sizes = [64, 256], strides = [1, 1]} : vector<128x256xf32> to vector<64x256xf32>
    %slice3A_2680 = vector.extract_strided_slice %transpose3A_39 {offsets = [64, 0], sizes = [64, 256], strides = [1, 1]} : vector<128x256xf32> to vector<64x256xf32>
    %mul3A_2681 = arith.mulf %slice3A_2679, %slice3A_2680 : vector<64x256xf32>
    %reduce_sum3A_2682 = arith.constant dense<0.000000e+00> : vector<256xf32>
    %reduce_sum3A_2683 = vector.multi_reduction <add>, %mul3A_2681, %reduce_sum3A_2682 [0] : vector<64x256xf32> to vector<256xf32>
    %swap3A_2684 = arith.constant 263 : index
    %swap3A_2685 = arith.constant 0 : index
    %swap3A_2686 = vector.load %arg3[%swap3A_2684, %swap3A_2685] : memref<351x256xf32, #tpu.memory_space<vmem>>, vector<1x256xf32>
    %swap3A_2687 = vector.shape_cast %swap3A_2686 : vector<1x256xf32> to vector<256xf32>
    %swap3A_2688 = vector.shape_cast %reduce_sum3A_2683 : vector<256xf32> to vector<1x256xf32>
    tpu.vector_store %arg3[%swap3A_2684, %swap3A_2685], %swap3A_2688 {strides = array<i32>} : memref<351x256xf32, #tpu.memory_space<vmem>>, vector<1x256xf32>,
    %slice3A_2689 = vector.extract_strided_slice %transpose3A_31 {offsets = [0, 0], sizes = [64, 256], strides = [1, 1]} : vector<128x256xf32> to vector<64x256xf32>
    %slice3A_2690 = vector.extract_strided_slice %transpose3A_43 {offsets = [0, 0], sizes = [64, 256], strides = [1, 1]} : vector<128x256xf32> to vector<64x256xf32>
    %mul3A_2691 = arith.mulf %slice3A_2689, %slice3A_2690 : vector<64x256xf32>
    %reduce_sum3A_2692 = arith.constant dense<0.000000e+00> : vector<256xf32>
    %reduce_sum3A_2693 = vector.multi_reduction <add>, %mul3A_2691, %reduce_sum3A_2692 [0] : vector<64x256xf32> to vector<256xf32>
    %swap3A_2694 = arith.constant 264 : index
    %swap3A_2695 = arith.constant 0 : index
    %swap3A_2696 = vector.load %arg3[%swap3A_2694, %swap3A_2695] : memref<351x256xf32, #tpu.memory_space<vmem>>, vector<1x256xf32>
    %swap3A_2697 = vector.shape_cast %swap3A_2696 : vector<1x256xf32> to vector<256xf32>
    %swap3A_2698 = vector.shape_cast %reduce_sum3A_2693 : vector<256xf32> to vector<1x256xf32>
    tpu.vector_store %arg3[%swap3A_2694, %swap3A_2695], %swap3A_2698 {strides = array<i32>} : memref<351x256xf32, #tpu.memory_space<vmem>>, vector<1x256xf32>,
    %slice3A_2699 = vector.extract_strided_slice %transpose3A_31 {offsets = [0, 0], sizes = [64, 256], strides = [1, 1]} : vector<128x256xf32> to vector<64x256xf32>
    %slice3A_2700 = vector.extract_strided_slice %transpose3A_43 {offsets = [64, 0], sizes = [64, 256], strides = [1, 1]} : vector<128x256xf32> to vector<64x256xf32>
    %mul3A_2701 = arith.mulf %slice3A_2699, %slice3A_2700 : vector<64x256xf32>
    %reduce_sum3A_2702 = arith.constant dense<0.000000e+00> : vector<256xf32>
    %reduce_sum3A_2703 = vector.multi_reduction <add>, %mul3A_2701, %reduce_sum3A_2702 [0] : vector<64x256xf32> to vector<256xf32>
    %swap3A_2704 = arith.constant 265 : index
    %swap3A_2705 = arith.constant 0 : index
    %swap3A_2706 = vector.load %arg3[%swap3A_2704, %swap3A_2705] : memref<351x256xf32, #tpu.memory_space<vmem>>, vector<1x256xf32>
    %swap3A_2707 = vector.shape_cast %swap3A_2706 : vector<1x256xf32> to vector<256xf32>
    %swap3A_2708 = vector.shape_cast %reduce_sum3A_2703 : vector<256xf32> to vector<1x256xf32>
    tpu.vector_store %arg3[%swap3A_2704, %swap3A_2705], %swap3A_2708 {strides = array<i32>} : memref<351x256xf32, #tpu.memory_space<vmem>>, vector<1x256xf32>,
    %slice3A_2709 = vector.extract_strided_slice %transpose3A_31 {offsets = [0, 0], sizes = [64, 256], strides = [1, 1]} : vector<128x256xf32> to vector<64x256xf32>
    %slice3A_2710 = vector.extract_strided_slice %transpose3A_47 {offsets = [0, 0], sizes = [64, 256], strides = [1, 1]} : vector<128x256xf32> to vector<64x256xf32>
    %mul3A_2711 = arith.mulf %slice3A_2709, %slice3A_2710 : vector<64x256xf32>
    %reduce_sum3A_2712 = arith.constant dense<0.000000e+00> : vector<256xf32>
    %reduce_sum3A_2713 = vector.multi_reduction <add>, %mul3A_2711, %reduce_sum3A_2712 [0] : vector<64x256xf32> to vector<256xf32>
    %swap3A_2714 = arith.constant 266 : index
    %swap3A_2715 = arith.constant 0 : index
    %swap3A_2716 = vector.load %arg3[%swap3A_2714, %swap3A_2715] : memref<351x256xf32, #tpu.memory_space<vmem>>, vector<1x256xf32>
    %swap3A_2717 = vector.shape_cast %swap3A_2716 : vector<1x256xf32> to vector<256xf32>
    %swap3A_2718 = vector.shape_cast %reduce_sum3A_2713 : vector<256xf32> to vector<1x256xf32>
    tpu.vector_store %arg3[%swap3A_2714, %swap3A_2715], %swap3A_2718 {strides = array<i32>} : memref<351x256xf32, #tpu.memory_space<vmem>>, vector<1x256xf32>,
    %slice3A_2719 = vector.extract_strided_slice %transpose3A_31 {offsets = [0, 0], sizes = [64, 256], strides = [1, 1]} : vector<128x256xf32> to vector<64x256xf32>
    %slice3A_2720 = vector.extract_strided_slice %transpose3A_47 {offsets = [64, 0], sizes = [64, 256], strides = [1, 1]} : vector<128x256xf32> to vector<64x256xf32>
    %mul3A_2721 = arith.mulf %slice3A_2719, %slice3A_2720 : vector<64x256xf32>
    %reduce_sum3A_2722 = arith.constant dense<0.000000e+00> : vector<256xf32>
    %reduce_sum3A_2723 = vector.multi_reduction <add>, %mul3A_2721, %reduce_sum3A_2722 [0] : vector<64x256xf32> to vector<256xf32>
    %swap3A_2724 = arith.constant 267 : index
    %swap3A_2725 = arith.constant 0 : index
    %swap3A_2726 = vector.load %arg3[%swap3A_2724, %swap3A_2725] : memref<351x256xf32, #tpu.memory_space<vmem>>, vector<1x256xf32>
    %swap3A_2727 = vector.shape_cast %swap3A_2726 : vector<1x256xf32> to vector<256xf32>
    %swap3A_2728 = vector.shape_cast %reduce_sum3A_2723 : vector<256xf32> to vector<1x256xf32>
    tpu.vector_store %arg3[%swap3A_2724, %swap3A_2725], %swap3A_2728 {strides = array<i32>} : memref<351x256xf32, #tpu.memory_space<vmem>>, vector<1x256xf32>,
    %slice3A_2729 = vector.extract_strided_slice %transpose3A_31 {offsets = [0, 0], sizes = [64, 256], strides = [1, 1]} : vector<128x256xf32> to vector<64x256xf32>
    %slice3A_2730 = vector.extract_strided_slice %transpose3A_51 {offsets = [0, 0], sizes = [64, 256], strides = [1, 1]} : vector<128x256xf32> to vector<64x256xf32>
    %mul3A_2731 = arith.mulf %slice3A_2729, %slice3A_2730 : vector<64x256xf32>
    %reduce_sum3A_2732 = arith.constant dense<0.000000e+00> : vector<256xf32>
    %reduce_sum3A_2733 = vector.multi_reduction <add>, %mul3A_2731, %reduce_sum3A_2732 [0] : vector<64x256xf32> to vector<256xf32>
    %swap3A_2734 = arith.constant 268 : index
    %swap3A_2735 = arith.constant 0 : index
    %swap3A_2736 = vector.load %arg3[%swap3A_2734, %swap3A_2735] : memref<351x256xf32, #tpu.memory_space<vmem>>, vector<1x256xf32>
    %swap3A_2737 = vector.shape_cast %swap3A_2736 : vector<1x256xf32> to vector<256xf32>
    %swap3A_2738 = vector.shape_cast %reduce_sum3A_2733 : vector<256xf32> to vector<1x256xf32>
    tpu.vector_store %arg3[%swap3A_2734, %swap3A_2735], %swap3A_2738 {strides = array<i32>} : memref<351x256xf32, #tpu.memory_space<vmem>>, vector<1x256xf32>,
    %slice3A_2739 = vector.extract_strided_slice %transpose3A_31 {offsets = [0, 0], sizes = [64, 256], strides = [1, 1]} : vector<128x256xf32> to vector<64x256xf32>
    %slice3A_2740 = vector.extract_strided_slice %transpose3A_51 {offsets = [64, 0], sizes = [64, 256], strides = [1, 1]} : vector<128x256xf32> to vector<64x256xf32>
    %mul3A_2741 = arith.mulf %slice3A_2739, %slice3A_2740 : vector<64x256xf32>
    %reduce_sum3A_2742 = arith.constant dense<0.000000e+00> : vector<256xf32>
    %reduce_sum3A_2743 = vector.multi_reduction <add>, %mul3A_2741, %reduce_sum3A_2742 [0] : vector<64x256xf32> to vector<256xf32>
    %swap3A_2744 = arith.constant 269 : index
    %swap3A_2745 = arith.constant 0 : index
    %swap3A_2746 = vector.load %arg3[%swap3A_2744, %swap3A_2745] : memref<351x256xf32, #tpu.memory_space<vmem>>, vector<1x256xf32>
    %swap3A_2747 = vector.shape_cast %swap3A_2746 : vector<1x256xf32> to vector<256xf32>
    %swap3A_2748 = vector.shape_cast %reduce_sum3A_2743 : vector<256xf32> to vector<1x256xf32>
    tpu.vector_store %arg3[%swap3A_2744, %swap3A_2745], %swap3A_2748 {strides = array<i32>} : memref<351x256xf32, #tpu.memory_space<vmem>>, vector<1x256xf32>,
    %slice3A_2749 = vector.extract_strided_slice %transpose3A_31 {offsets = [64, 0], sizes = [64, 256], strides = [1, 1]} : vector<128x256xf32> to vector<64x256xf32>
    %slice3A_2750 = vector.extract_strided_slice %transpose3A_35 {offsets = [0, 0], sizes = [64, 256], strides = [1, 1]} : vector<128x256xf32> to vector<64x256xf32>
    %mul3A_2751 = arith.mulf %slice3A_2749, %slice3A_2750 : vector<64x256xf32>
    %reduce_sum3A_2752 = arith.constant dense<0.000000e+00> : vector<256xf32>
    %reduce_sum3A_2753 = vector.multi_reduction <add>, %mul3A_2751, %reduce_sum3A_2752 [0] : vector<64x256xf32> to vector<256xf32>
    %swap3A_2754 = arith.constant 270 : index
    %swap3A_2755 = arith.constant 0 : index
    %swap3A_2756 = vector.load %arg3[%swap3A_2754, %swap3A_2755] : memref<351x256xf32, #tpu.memory_space<vmem>>, vector<1x256xf32>
    %swap3A_2757 = vector.shape_cast %swap3A_2756 : vector<1x256xf32> to vector<256xf32>
    %swap3A_2758 = vector.shape_cast %reduce_sum3A_2753 : vector<256xf32> to vector<1x256xf32>
    tpu.vector_store %arg3[%swap3A_2754, %swap3A_2755], %swap3A_2758 {strides = array<i32>} : memref<351x256xf32, #tpu.memory_space<vmem>>, vector<1x256xf32>,
    %slice3A_2759 = vector.extract_strided_slice %transpose3A_31 {offsets = [64, 0], sizes = [64, 256], strides = [1, 1]} : vector<128x256xf32> to vector<64x256xf32>
    %slice3A_2760 = vector.extract_strided_slice %transpose3A_35 {offsets = [64, 0], sizes = [64, 256], strides = [1, 1]} : vector<128x256xf32> to vector<64x256xf32>
    %mul3A_2761 = arith.mulf %slice3A_2759, %slice3A_2760 : vector<64x256xf32>
    %reduce_sum3A_2762 = arith.constant dense<0.000000e+00> : vector<256xf32>
    %reduce_sum3A_2763 = vector.multi_reduction <add>, %mul3A_2761, %reduce_sum3A_2762 [0] : vector<64x256xf32> to vector<256xf32>
    %swap3A_2764 = arith.constant 271 : index
    %swap3A_2765 = arith.constant 0 : index
    %swap3A_2766 = vector.load %arg3[%swap3A_2764, %swap3A_2765] : memref<351x256xf32, #tpu.memory_space<vmem>>, vector<1x256xf32>
    %swap3A_2767 = vector.shape_cast %swap3A_2766 : vector<1x256xf32> to vector<256xf32>
    %swap3A_2768 = vector.shape_cast %reduce_sum3A_2763 : vector<256xf32> to vector<1x256xf32>
    tpu.vector_store %arg3[%swap3A_2764, %swap3A_2765], %swap3A_2768 {strides = array<i32>} : memref<351x256xf32, #tpu.memory_space<vmem>>, vector<1x256xf32>,
    %slice3A_2769 = vector.extract_strided_slice %transpose3A_31 {offsets = [64, 0], sizes = [64, 256], strides = [1, 1]} : vector<128x256xf32> to vector<64x256xf32>
    %slice3A_2770 = vector.extract_strided_slice %transpose3A_39 {offsets = [0, 0], sizes = [64, 256], strides = [1, 1]} : vector<128x256xf32> to vector<64x256xf32>
    %mul3A_2771 = arith.mulf %slice3A_2769, %slice3A_2770 : vector<64x256xf32>
    %reduce_sum3A_2772 = arith.constant dense<0.000000e+00> : vector<256xf32>
    %reduce_sum3A_2773 = vector.multi_reduction <add>, %mul3A_2771, %reduce_sum3A_2772 [0] : vector<64x256xf32> to vector<256xf32>
    %swap3A_2774 = arith.constant 272 : index
    %swap3A_2775 = arith.constant 0 : index
    %swap3A_2776 = vector.load %arg3[%swap3A_2774, %swap3A_2775] : memref<351x256xf32, #tpu.memory_space<vmem>>, vector<1x256xf32>
    %swap3A_2777 = vector.shape_cast %swap3A_2776 : vector<1x256xf32> to vector<256xf32>
    %swap3A_2778 = vector.shape_cast %reduce_sum3A_2773 : vector<256xf32> to vector<1x256xf32>
    tpu.vector_store %arg3[%swap3A_2774, %swap3A_2775], %swap3A_2778 {strides = array<i32>} : memref<351x256xf32, #tpu.memory_space<vmem>>, vector<1x256xf32>,
    %slice3A_2779 = vector.extract_strided_slice %transpose3A_31 {offsets = [64, 0], sizes = [64, 256], strides = [1, 1]} : vector<128x256xf32> to vector<64x256xf32>
    %slice3A_2780 = vector.extract_strided_slice %transpose3A_39 {offsets = [64, 0], sizes = [64, 256], strides = [1, 1]} : vector<128x256xf32> to vector<64x256xf32>
    %mul3A_2781 = arith.mulf %slice3A_2779, %slice3A_2780 : vector<64x256xf32>
    %reduce_sum3A_2782 = arith.constant dense<0.000000e+00> : vector<256xf32>
    %reduce_sum3A_2783 = vector.multi_reduction <add>, %mul3A_2781, %reduce_sum3A_2782 [0] : vector<64x256xf32> to vector<256xf32>
    %swap3A_2784 = arith.constant 273 : index
    %swap3A_2785 = arith.constant 0 : index
    %swap3A_2786 = vector.load %arg3[%swap3A_2784, %swap3A_2785] : memref<351x256xf32, #tpu.memory_space<vmem>>, vector<1x256xf32>
    %swap3A_2787 = vector.shape_cast %swap3A_2786 : vector<1x256xf32> to vector<256xf32>
    %swap3A_2788 = vector.shape_cast %reduce_sum3A_2783 : vector<256xf32> to vector<1x256xf32>
    tpu.vector_store %arg3[%swap3A_2784, %swap3A_2785], %swap3A_2788 {strides = array<i32>} : memref<351x256xf32, #tpu.memory_space<vmem>>, vector<1x256xf32>,
    %slice3A_2789 = vector.extract_strided_slice %transpose3A_31 {offsets = [64, 0], sizes = [64, 256], strides = [1, 1]} : vector<128x256xf32> to vector<64x256xf32>
    %slice3A_2790 = vector.extract_strided_slice %transpose3A_43 {offsets = [0, 0], sizes = [64, 256], strides = [1, 1]} : vector<128x256xf32> to vector<64x256xf32>
    %mul3A_2791 = arith.mulf %slice3A_2789, %slice3A_2790 : vector<64x256xf32>
    %reduce_sum3A_2792 = arith.constant dense<0.000000e+00> : vector<256xf32>
    %reduce_sum3A_2793 = vector.multi_reduction <add>, %mul3A_2791, %reduce_sum3A_2792 [0] : vector<64x256xf32> to vector<256xf32>
    %swap3A_2794 = arith.constant 274 : index
    %swap3A_2795 = arith.constant 0 : index
    %swap3A_2796 = vector.load %arg3[%swap3A_2794, %swap3A_2795] : memref<351x256xf32, #tpu.memory_space<vmem>>, vector<1x256xf32>
    %swap3A_2797 = vector.shape_cast %swap3A_2796 : vector<1x256xf32> to vector<256xf32>
    %swap3A_2798 = vector.shape_cast %reduce_sum3A_2793 : vector<256xf32> to vector<1x256xf32>
    tpu.vector_store %arg3[%swap3A_2794, %swap3A_2795], %swap3A_2798 {strides = array<i32>} : memref<351x256xf32, #tpu.memory_space<vmem>>, vector<1x256xf32>,
    %slice3A_2799 = vector.extract_strided_slice %transpose3A_31 {offsets = [64, 0], sizes = [64, 256], strides = [1, 1]} : vector<128x256xf32> to vector<64x256xf32>
    %slice3A_2800 = vector.extract_strided_slice %transpose3A_43 {offsets = [64, 0], sizes = [64, 256], strides = [1, 1]} : vector<128x256xf32> to vector<64x256xf32>
    %mul3A_2801 = arith.mulf %slice3A_2799, %slice3A_2800 : vector<64x256xf32>
    %reduce_sum3A_2802 = arith.constant dense<0.000000e+00> : vector<256xf32>
    %reduce_sum3A_2803 = vector.multi_reduction <add>, %mul3A_2801, %reduce_sum3A_2802 [0] : vector<64x256xf32> to vector<256xf32>
    %swap3A_2804 = arith.constant 275 : index
    %swap3A_2805 = arith.constant 0 : index
    %swap3A_2806 = vector.load %arg3[%swap3A_2804, %swap3A_2805] : memref<351x256xf32, #tpu.memory_space<vmem>>, vector<1x256xf32>
    %swap3A_2807 = vector.shape_cast %swap3A_2806 : vector<1x256xf32> to vector<256xf32>
    %swap3A_2808 = vector.shape_cast %reduce_sum3A_2803 : vector<256xf32> to vector<1x256xf32>
    tpu.vector_store %arg3[%swap3A_2804, %swap3A_2805], %swap3A_2808 {strides = array<i32>} : memref<351x256xf32, #tpu.memory_space<vmem>>, vector<1x256xf32>,
    %slice3A_2809 = vector.extract_strided_slice %transpose3A_31 {offsets = [64, 0], sizes = [64, 256], strides = [1, 1]} : vector<128x256xf32> to vector<64x256xf32>
    %slice3A_2810 = vector.extract_strided_slice %transpose3A_47 {offsets = [0, 0], sizes = [64, 256], strides = [1, 1]} : vector<128x256xf32> to vector<64x256xf32>
    %mul3A_2811 = arith.mulf %slice3A_2809, %slice3A_2810 : vector<64x256xf32>
    %reduce_sum3A_2812 = arith.constant dense<0.000000e+00> : vector<256xf32>
    %reduce_sum3A_2813 = vector.multi_reduction <add>, %mul3A_2811, %reduce_sum3A_2812 [0] : vector<64x256xf32> to vector<256xf32>
    %swap3A_2814 = arith.constant 276 : index
    %swap3A_2815 = arith.constant 0 : index
    %swap3A_2816 = vector.load %arg3[%swap3A_2814, %swap3A_2815] : memref<351x256xf32, #tpu.memory_space<vmem>>, vector<1x256xf32>
    %swap3A_2817 = vector.shape_cast %swap3A_2816 : vector<1x256xf32> to vector<256xf32>
    %swap3A_2818 = vector.shape_cast %reduce_sum3A_2813 : vector<256xf32> to vector<1x256xf32>
    tpu.vector_store %arg3[%swap3A_2814, %swap3A_2815], %swap3A_2818 {strides = array<i32>} : memref<351x256xf32, #tpu.memory_space<vmem>>, vector<1x256xf32>,
    %slice3A_2819 = vector.extract_strided_slice %transpose3A_31 {offsets = [64, 0], sizes = [64, 256], strides = [1, 1]} : vector<128x256xf32> to vector<64x256xf32>
    %slice3A_2820 = vector.extract_strided_slice %transpose3A_47 {offsets = [64, 0], sizes = [64, 256], strides = [1, 1]} : vector<128x256xf32> to vector<64x256xf32>
    %mul3A_2821 = arith.mulf %slice3A_2819, %slice3A_2820 : vector<64x256xf32>
    %reduce_sum3A_2822 = arith.constant dense<0.000000e+00> : vector<256xf32>
    %reduce_sum3A_2823 = vector.multi_reduction <add>, %mul3A_2821, %reduce_sum3A_2822 [0] : vector<64x256xf32> to vector<256xf32>
    %swap3A_2824 = arith.constant 277 : index
    %swap3A_2825 = arith.constant 0 : index
    %swap3A_2826 = vector.load %arg3[%swap3A_2824, %swap3A_2825] : memref<351x256xf32, #tpu.memory_space<vmem>>, vector<1x256xf32>
    %swap3A_2827 = vector.shape_cast %swap3A_2826 : vector<1x256xf32> to vector<256xf32>
    %swap3A_2828 = vector.shape_cast %reduce_sum3A_2823 : vector<256xf32> to vector<1x256xf32>
    tpu.vector_store %arg3[%swap3A_2824, %swap3A_2825], %swap3A_2828 {strides = array<i32>} : memref<351x256xf32, #tpu.memory_space<vmem>>, vector<1x256xf32>,
    %slice3A_2829 = vector.extract_strided_slice %transpose3A_31 {offsets = [64, 0], sizes = [64, 256], strides = [1, 1]} : vector<128x256xf32> to vector<64x256xf32>
    %slice3A_2830 = vector.extract_strided_slice %transpose3A_51 {offsets = [0, 0], sizes = [64, 256], strides = [1, 1]} : vector<128x256xf32> to vector<64x256xf32>
    %mul3A_2831 = arith.mulf %slice3A_2829, %slice3A_2830 : vector<64x256xf32>
    %reduce_sum3A_2832 = arith.constant dense<0.000000e+00> : vector<256xf32>
    %reduce_sum3A_2833 = vector.multi_reduction <add>, %mul3A_2831, %reduce_sum3A_2832 [0] : vector<64x256xf32> to vector<256xf32>
    %swap3A_2834 = arith.constant 278 : index
    %swap3A_2835 = arith.constant 0 : index
    %swap3A_2836 = vector.load %arg3[%swap3A_2834, %swap3A_2835] : memref<351x256xf32, #tpu.memory_space<vmem>>, vector<1x256xf32>
    %swap3A_2837 = vector.shape_cast %swap3A_2836 : vector<1x256xf32> to vector<256xf32>
    %swap3A_2838 = vector.shape_cast %reduce_sum3A_2833 : vector<256xf32> to vector<1x256xf32>
    tpu.vector_store %arg3[%swap3A_2834, %swap3A_2835], %swap3A_2838 {strides = array<i32>} : memref<351x256xf32, #tpu.memory_space<vmem>>, vector<1x256xf32>,
    %slice3A_2839 = vector.extract_strided_slice %transpose3A_31 {offsets = [64, 0], sizes = [64, 256], strides = [1, 1]} : vector<128x256xf32> to vector<64x256xf32>
    %slice3A_2840 = vector.extract_strided_slice %transpose3A_51 {offsets = [64, 0], sizes = [64, 256], strides = [1, 1]} : vector<128x256xf32> to vector<64x256xf32>
    %mul3A_2841 = arith.mulf %slice3A_2839, %slice3A_2840 : vector<64x256xf32>
    %reduce_sum3A_2842 = arith.constant dense<0.000000e+00> : vector<256xf32>
    %reduce_sum3A_2843 = vector.multi_reduction <add>, %mul3A_2841, %reduce_sum3A_2842 [0] : vector<64x256xf32> to vector<256xf32>
    %swap3A_2844 = arith.constant 279 : index
    %swap3A_2845 = arith.constant 0 : index
    %swap3A_2846 = vector.load %arg3[%swap3A_2844, %swap3A_2845] : memref<351x256xf32, #tpu.memory_space<vmem>>, vector<1x256xf32>
    %swap3A_2847 = vector.shape_cast %swap3A_2846 : vector<1x256xf32> to vector<256xf32>
    %swap3A_2848 = vector.shape_cast %reduce_sum3A_2843 : vector<256xf32> to vector<1x256xf32>
    tpu.vector_store %arg3[%swap3A_2844, %swap3A_2845], %swap3A_2848 {strides = array<i32>} : memref<351x256xf32, #tpu.memory_space<vmem>>, vector<1x256xf32>,
    %slice3A_2849 = vector.extract_strided_slice %transpose3A_35 {offsets = [0, 0], sizes = [64, 256], strides = [1, 1]} : vector<128x256xf32> to vector<64x256xf32>
    %slice3A_2850 = vector.extract_strided_slice %transpose3A_35 {offsets = [64, 0], sizes = [64, 256], strides = [1, 1]} : vector<128x256xf32> to vector<64x256xf32>
    %mul3A_2851 = arith.mulf %slice3A_2849, %slice3A_2850 : vector<64x256xf32>
    %reduce_sum3A_2852 = arith.constant dense<0.000000e+00> : vector<256xf32>
    %reduce_sum3A_2853 = vector.multi_reduction <add>, %mul3A_2851, %reduce_sum3A_2852 [0] : vector<64x256xf32> to vector<256xf32>
    %swap3A_2854 = arith.constant 280 : index
    %swap3A_2855 = arith.constant 0 : index
    %swap3A_2856 = vector.load %arg3[%swap3A_2854, %swap3A_2855] : memref<351x256xf32, #tpu.memory_space<vmem>>, vector<1x256xf32>
    %swap3A_2857 = vector.shape_cast %swap3A_2856 : vector<1x256xf32> to vector<256xf32>
    %swap3A_2858 = vector.shape_cast %reduce_sum3A_2853 : vector<256xf32> to vector<1x256xf32>
    tpu.vector_store %arg3[%swap3A_2854, %swap3A_2855], %swap3A_2858 {strides = array<i32>} : memref<351x256xf32, #tpu.memory_space<vmem>>, vector<1x256xf32>,
    %slice3A_2859 = vector.extract_strided_slice %transpose3A_35 {offsets = [0, 0], sizes = [64, 256], strides = [1, 1]} : vector<128x256xf32> to vector<64x256xf32>
    %slice3A_2860 = vector.extract_strided_slice %transpose3A_39 {offsets = [0, 0], sizes = [64, 256], strides = [1, 1]} : vector<128x256xf32> to vector<64x256xf32>
    %mul3A_2861 = arith.mulf %slice3A_2859, %slice3A_2860 : vector<64x256xf32>
    %reduce_sum3A_2862 = arith.constant dense<0.000000e+00> : vector<256xf32>
    %reduce_sum3A_2863 = vector.multi_reduction <add>, %mul3A_2861, %reduce_sum3A_2862 [0] : vector<64x256xf32> to vector<256xf32>
    %swap3A_2864 = arith.constant 281 : index
    %swap3A_2865 = arith.constant 0 : index
    %swap3A_2866 = vector.load %arg3[%swap3A_2864, %swap3A_2865] : memref<351x256xf32, #tpu.memory_space<vmem>>, vector<1x256xf32>
    %swap3A_2867 = vector.shape_cast %swap3A_2866 : vector<1x256xf32> to vector<256xf32>
    %swap3A_2868 = vector.shape_cast %reduce_sum3A_2863 : vector<256xf32> to vector<1x256xf32>
    tpu.vector_store %arg3[%swap3A_2864, %swap3A_2865], %swap3A_2868 {strides = array<i32>} : memref<351x256xf32, #tpu.memory_space<vmem>>, vector<1x256xf32>,
    %slice3A_2869 = vector.extract_strided_slice %transpose3A_35 {offsets = [0, 0], sizes = [64, 256], strides = [1, 1]} : vector<128x256xf32> to vector<64x256xf32>
    %slice3A_2870 = vector.extract_strided_slice %transpose3A_39 {offsets = [64, 0], sizes = [64, 256], strides = [1, 1]} : vector<128x256xf32> to vector<64x256xf32>
    %mul3A_2871 = arith.mulf %slice3A_2869, %slice3A_2870 : vector<64x256xf32>
    %reduce_sum3A_2872 = arith.constant dense<0.000000e+00> : vector<256xf32>
    %reduce_sum3A_2873 = vector.multi_reduction <add>, %mul3A_2871, %reduce_sum3A_2872 [0] : vector<64x256xf32> to vector<256xf32>
    %swap3A_2874 = arith.constant 282 : index
    %swap3A_2875 = arith.constant 0 : index
    %swap3A_2876 = vector.load %arg3[%swap3A_2874, %swap3A_2875] : memref<351x256xf32, #tpu.memory_space<vmem>>, vector<1x256xf32>
    %swap3A_2877 = vector.shape_cast %swap3A_2876 : vector<1x256xf32> to vector<256xf32>
    %swap3A_2878 = vector.shape_cast %reduce_sum3A_2873 : vector<256xf32> to vector<1x256xf32>
    tpu.vector_store %arg3[%swap3A_2874, %swap3A_2875], %swap3A_2878 {strides = array<i32>} : memref<351x256xf32, #tpu.memory_space<vmem>>, vector<1x256xf32>,
    %slice3A_2879 = vector.extract_strided_slice %transpose3A_35 {offsets = [0, 0], sizes = [64, 256], strides = [1, 1]} : vector<128x256xf32> to vector<64x256xf32>
    %slice3A_2880 = vector.extract_strided_slice %transpose3A_43 {offsets = [0, 0], sizes = [64, 256], strides = [1, 1]} : vector<128x256xf32> to vector<64x256xf32>
    %mul3A_2881 = arith.mulf %slice3A_2879, %slice3A_2880 : vector<64x256xf32>
    %reduce_sum3A_2882 = arith.constant dense<0.000000e+00> : vector<256xf32>
    %reduce_sum3A_2883 = vector.multi_reduction <add>, %mul3A_2881, %reduce_sum3A_2882 [0] : vector<64x256xf32> to vector<256xf32>
    %swap3A_2884 = arith.constant 283 : index
    %swap3A_2885 = arith.constant 0 : index
    %swap3A_2886 = vector.load %arg3[%swap3A_2884, %swap3A_2885] : memref<351x256xf32, #tpu.memory_space<vmem>>, vector<1x256xf32>
    %swap3A_2887 = vector.shape_cast %swap3A_2886 : vector<1x256xf32> to vector<256xf32>
    %swap3A_2888 = vector.shape_cast %reduce_sum3A_2883 : vector<256xf32> to vector<1x256xf32>
    tpu.vector_store %arg3[%swap3A_2884, %swap3A_2885], %swap3A_2888 {strides = array<i32>} : memref<351x256xf32, #tpu.memory_space<vmem>>, vector<1x256xf32>,
    %slice3A_2889 = vector.extract_strided_slice %transpose3A_35 {offsets = [0, 0], sizes = [64, 256], strides = [1, 1]} : vector<128x256xf32> to vector<64x256xf32>
    %slice3A_2890 = vector.extract_strided_slice %transpose3A_43 {offsets = [64, 0], sizes = [64, 256], strides = [1, 1]} : vector<128x256xf32> to vector<64x256xf32>
    %mul3A_2891 = arith.mulf %slice3A_2889, %slice3A_2890 : vector<64x256xf32>
    %reduce_sum3A_2892 = arith.constant dense<0.000000e+00> : vector<256xf32>
    %reduce_sum3A_2893 = vector.multi_reduction <add>, %mul3A_2891, %reduce_sum3A_2892 [0] : vector<64x256xf32> to vector<256xf32>
    %swap3A_2894 = arith.constant 284 : index
    %swap3A_2895 = arith.constant 0 : index
    %swap3A_2896 = vector.load %arg3[%swap3A_2894, %swap3A_2895] : memref<351x256xf32, #tpu.memory_space<vmem>>, vector<1x256xf32>
    %swap3A_2897 = vector.shape_cast %swap3A_2896 : vector<1x256xf32> to vector<256xf32>
    %swap3A_2898 = vector.shape_cast %reduce_sum3A_2893 : vector<256xf32> to vector<1x256xf32>
    tpu.vector_store %arg3[%swap3A_2894, %swap3A_2895], %swap3A_2898 {strides = array<i32>} : memref<351x256xf32, #tpu.memory_space<vmem>>, vector<1x256xf32>,
    %slice3A_2899 = vector.extract_strided_slice %transpose3A_35 {offsets = [0, 0], sizes = [64, 256], strides = [1, 1]} : vector<128x256xf32> to vector<64x256xf32>
    %slice3A_2900 = vector.extract_strided_slice %transpose3A_47 {offsets = [0, 0], sizes = [64, 256], strides = [1, 1]} : vector<128x256xf32> to vector<64x256xf32>
    %mul3A_2901 = arith.mulf %slice3A_2899, %slice3A_2900 : vector<64x256xf32>
    %reduce_sum3A_2902 = arith.constant dense<0.000000e+00> : vector<256xf32>
    %reduce_sum3A_2903 = vector.multi_reduction <add>, %mul3A_2901, %reduce_sum3A_2902 [0] : vector<64x256xf32> to vector<256xf32>
    %swap3A_2904 = arith.constant 285 : index
    %swap3A_2905 = arith.constant 0 : index
    %swap3A_2906 = vector.load %arg3[%swap3A_2904, %swap3A_2905] : memref<351x256xf32, #tpu.memory_space<vmem>>, vector<1x256xf32>
    %swap3A_2907 = vector.shape_cast %swap3A_2906 : vector<1x256xf32> to vector<256xf32>
    %swap3A_2908 = vector.shape_cast %reduce_sum3A_2903 : vector<256xf32> to vector<1x256xf32>
    tpu.vector_store %arg3[%swap3A_2904, %swap3A_2905], %swap3A_2908 {strides = array<i32>} : memref<351x256xf32, #tpu.memory_space<vmem>>, vector<1x256xf32>,
    %slice3A_2909 = vector.extract_strided_slice %transpose3A_35 {offsets = [0, 0], sizes = [64, 256], strides = [1, 1]} : vector<128x256xf32> to vector<64x256xf32>
    %slice3A_2910 = vector.extract_strided_slice %transpose3A_47 {offsets = [64, 0], sizes = [64, 256], strides = [1, 1]} : vector<128x256xf32> to vector<64x256xf32>
    %mul3A_2911 = arith.mulf %slice3A_2909, %slice3A_2910 : vector<64x256xf32>
    %reduce_sum3A_2912 = arith.constant dense<0.000000e+00> : vector<256xf32>
    %reduce_sum3A_2913 = vector.multi_reduction <add>, %mul3A_2911, %reduce_sum3A_2912 [0] : vector<64x256xf32> to vector<256xf32>
    %swap3A_2914 = arith.constant 286 : index
    %swap3A_2915 = arith.constant 0 : index
    %swap3A_2916 = vector.load %arg3[%swap3A_2914, %swap3A_2915] : memref<351x256xf32, #tpu.memory_space<vmem>>, vector<1x256xf32>
    %swap3A_2917 = vector.shape_cast %swap3A_2916 : vector<1x256xf32> to vector<256xf32>
    %swap3A_2918 = vector.shape_cast %reduce_sum3A_2913 : vector<256xf32> to vector<1x256xf32>
    tpu.vector_store %arg3[%swap3A_2914, %swap3A_2915], %swap3A_2918 {strides = array<i32>} : memref<351x256xf32, #tpu.memory_space<vmem>>, vector<1x256xf32>,
    %slice3A_2919 = vector.extract_strided_slice %transpose3A_35 {offsets = [0, 0], sizes = [64, 256], strides = [1, 1]} : vector<128x256xf32> to vector<64x256xf32>
    %slice3A_2920 = vector.extract_strided_slice %transpose3A_51 {offsets = [0, 0], sizes = [64, 256], strides = [1, 1]} : vector<128x256xf32> to vector<64x256xf32>
    %mul3A_2921 = arith.mulf %slice3A_2919, %slice3A_2920 : vector<64x256xf32>
    %reduce_sum3A_2922 = arith.constant dense<0.000000e+00> : vector<256xf32>
    %reduce_sum3A_2923 = vector.multi_reduction <add>, %mul3A_2921, %reduce_sum3A_2922 [0] : vector<64x256xf32> to vector<256xf32>
    %swap3A_2924 = arith.constant 287 : index
    %swap3A_2925 = arith.constant 0 : index
    %swap3A_2926 = vector.load %arg3[%swap3A_2924, %swap3A_2925] : memref<351x256xf32, #tpu.memory_space<vmem>>, vector<1x256xf32>
    %swap3A_2927 = vector.shape_cast %swap3A_2926 : vector<1x256xf32> to vector<256xf32>
    %swap3A_2928 = vector.shape_cast %reduce_sum3A_2923 : vector<256xf32> to vector<1x256xf32>
    tpu.vector_store %arg3[%swap3A_2924, %swap3A_2925], %swap3A_2928 {strides = array<i32>} : memref<351x256xf32, #tpu.memory_space<vmem>>, vector<1x256xf32>,
    %slice3A_2929 = vector.extract_strided_slice %transpose3A_35 {offsets = [0, 0], sizes = [64, 256], strides = [1, 1]} : vector<128x256xf32> to vector<64x256xf32>
    %slice3A_2930 = vector.extract_strided_slice %transpose3A_51 {offsets = [64, 0], sizes = [64, 256], strides = [1, 1]} : vector<128x256xf32> to vector<64x256xf32>
    %mul3A_2931 = arith.mulf %slice3A_2929, %slice3A_2930 : vector<64x256xf32>
    %reduce_sum3A_2932 = arith.constant dense<0.000000e+00> : vector<256xf32>
    %reduce_sum3A_2933 = vector.multi_reduction <add>, %mul3A_2931, %reduce_sum3A_2932 [0] : vector<64x256xf32> to vector<256xf32>
    %swap3A_2934 = arith.constant 288 : index
    %swap3A_2935 = arith.constant 0 : index
    %swap3A_2936 = vector.load %arg3[%swap3A_2934, %swap3A_2935] : memref<351x256xf32, #tpu.memory_space<vmem>>, vector<1x256xf32>
    %swap3A_2937 = vector.shape_cast %swap3A_2936 : vector<1x256xf32> to vector<256xf32>
    %swap3A_2938 = vector.shape_cast %reduce_sum3A_2933 : vector<256xf32> to vector<1x256xf32>
    tpu.vector_store %arg3[%swap3A_2934, %swap3A_2935], %swap3A_2938 {strides = array<i32>} : memref<351x256xf32, #tpu.memory_space<vmem>>, vector<1x256xf32>,
    %slice3A_2939 = vector.extract_strided_slice %transpose3A_35 {offsets = [64, 0], sizes = [64, 256], strides = [1, 1]} : vector<128x256xf32> to vector<64x256xf32>
    %slice3A_2940 = vector.extract_strided_slice %transpose3A_39 {offsets = [0, 0], sizes = [64, 256], strides = [1, 1]} : vector<128x256xf32> to vector<64x256xf32>
    %mul3A_2941 = arith.mulf %slice3A_2939, %slice3A_2940 : vector<64x256xf32>
    %reduce_sum3A_2942 = arith.constant dense<0.000000e+00> : vector<256xf32>
    %reduce_sum3A_2943 = vector.multi_reduction <add>, %mul3A_2941, %reduce_sum3A_2942 [0] : vector<64x256xf32> to vector<256xf32>
    %swap3A_2944 = arith.constant 289 : index
    %swap3A_2945 = arith.constant 0 : index
    %swap3A_2946 = vector.load %arg3[%swap3A_2944, %swap3A_2945] : memref<351x256xf32, #tpu.memory_space<vmem>>, vector<1x256xf32>
    %swap3A_2947 = vector.shape_cast %swap3A_2946 : vector<1x256xf32> to vector<256xf32>
    %swap3A_2948 = vector.shape_cast %reduce_sum3A_2943 : vector<256xf32> to vector<1x256xf32>
    tpu.vector_store %arg3[%swap3A_2944, %swap3A_2945], %swap3A_2948 {strides = array<i32>} : memref<351x256xf32, #tpu.memory_space<vmem>>, vector<1x256xf32>,
    %slice3A_2949 = vector.extract_strided_slice %transpose3A_35 {offsets = [64, 0], sizes = [64, 256], strides = [1, 1]} : vector<128x256xf32> to vector<64x256xf32>
    %slice3A_2950 = vector.extract_strided_slice %transpose3A_39 {offsets = [64, 0], sizes = [64, 256], strides = [1, 1]} : vector<128x256xf32> to vector<64x256xf32>
    %mul3A_2951 = arith.mulf %slice3A_2949, %slice3A_2950 : vector<64x256xf32>
    %reduce_sum3A_2952 = arith.constant dense<0.000000e+00> : vector<256xf32>
    %reduce_sum3A_2953 = vector.multi_reduction <add>, %mul3A_2951, %reduce_sum3A_2952 [0] : vector<64x256xf32> to vector<256xf32>
    %swap3A_2954 = arith.constant 290 : index
    %swap3A_2955 = arith.constant 0 : index
    %swap3A_2956 = vector.load %arg3[%swap3A_2954, %swap3A_2955] : memref<351x256xf32, #tpu.memory_space<vmem>>, vector<1x256xf32>
    %swap3A_2957 = vector.shape_cast %swap3A_2956 : vector<1x256xf32> to vector<256xf32>
    %swap3A_2958 = vector.shape_cast %reduce_sum3A_2953 : vector<256xf32> to vector<1x256xf32>
    tpu.vector_store %arg3[%swap3A_2954, %swap3A_2955], %swap3A_2958 {strides = array<i32>} : memref<351x256xf32, #tpu.memory_space<vmem>>, vector<1x256xf32>,
    %slice3A_2959 = vector.extract_strided_slice %transpose3A_35 {offsets = [64, 0], sizes = [64, 256], strides = [1, 1]} : vector<128x256xf32> to vector<64x256xf32>
    %slice3A_2960 = vector.extract_strided_slice %transpose3A_43 {offsets = [0, 0], sizes = [64, 256], strides = [1, 1]} : vector<128x256xf32> to vector<64x256xf32>
    %mul3A_2961 = arith.mulf %slice3A_2959, %slice3A_2960 : vector<64x256xf32>
    %reduce_sum3A_2962 = arith.constant dense<0.000000e+00> : vector<256xf32>
    %reduce_sum3A_2963 = vector.multi_reduction <add>, %mul3A_2961, %reduce_sum3A_2962 [0] : vector<64x256xf32> to vector<256xf32>
    %swap3A_2964 = arith.constant 291 : index
    %swap3A_2965 = arith.constant 0 : index
    %swap3A_2966 = vector.load %arg3[%swap3A_2964, %swap3A_2965] : memref<351x256xf32, #tpu.memory_space<vmem>>, vector<1x256xf32>
    %swap3A_2967 = vector.shape_cast %swap3A_2966 : vector<1x256xf32> to vector<256xf32>
    %swap3A_2968 = vector.shape_cast %reduce_sum3A_2963 : vector<256xf32> to vector<1x256xf32>
    tpu.vector_store %arg3[%swap3A_2964, %swap3A_2965], %swap3A_2968 {strides = array<i32>} : memref<351x256xf32, #tpu.memory_space<vmem>>, vector<1x256xf32>,
    %slice3A_2969 = vector.extract_strided_slice %transpose3A_35 {offsets = [64, 0], sizes = [64, 256], strides = [1, 1]} : vector<128x256xf32> to vector<64x256xf32>
    %slice3A_2970 = vector.extract_strided_slice %transpose3A_43 {offsets = [64, 0], sizes = [64, 256], strides = [1, 1]} : vector<128x256xf32> to vector<64x256xf32>
    %mul3A_2971 = arith.mulf %slice3A_2969, %slice3A_2970 : vector<64x256xf32>
    %reduce_sum3A_2972 = arith.constant dense<0.000000e+00> : vector<256xf32>
    %reduce_sum3A_2973 = vector.multi_reduction <add>, %mul3A_2971, %reduce_sum3A_2972 [0] : vector<64x256xf32> to vector<256xf32>
    %swap3A_2974 = arith.constant 292 : index
    %swap3A_2975 = arith.constant 0 : index
    %swap3A_2976 = vector.load %arg3[%swap3A_2974, %swap3A_2975] : memref<351x256xf32, #tpu.memory_space<vmem>>, vector<1x256xf32>
    %swap3A_2977 = vector.shape_cast %swap3A_2976 : vector<1x256xf32> to vector<256xf32>
    %swap3A_2978 = vector.shape_cast %reduce_sum3A_2973 : vector<256xf32> to vector<1x256xf32>
    tpu.vector_store %arg3[%swap3A_2974, %swap3A_2975], %swap3A_2978 {strides = array<i32>} : memref<351x256xf32, #tpu.memory_space<vmem>>, vector<1x256xf32>,
    %slice3A_2979 = vector.extract_strided_slice %transpose3A_35 {offsets = [64, 0], sizes = [64, 256], strides = [1, 1]} : vector<128x256xf32> to vector<64x256xf32>
    %slice3A_2980 = vector.extract_strided_slice %transpose3A_47 {offsets = [0, 0], sizes = [64, 256], strides = [1, 1]} : vector<128x256xf32> to vector<64x256xf32>
    %mul3A_2981 = arith.mulf %slice3A_2979, %slice3A_2980 : vector<64x256xf32>
    %reduce_sum3A_2982 = arith.constant dense<0.000000e+00> : vector<256xf32>
    %reduce_sum3A_2983 = vector.multi_reduction <add>, %mul3A_2981, %reduce_sum3A_2982 [0] : vector<64x256xf32> to vector<256xf32>
    %swap3A_2984 = arith.constant 293 : index
    %swap3A_2985 = arith.constant 0 : index
    %swap3A_2986 = vector.load %arg3[%swap3A_2984, %swap3A_2985] : memref<351x256xf32, #tpu.memory_space<vmem>>, vector<1x256xf32>
    %swap3A_2987 = vector.shape_cast %swap3A_2986 : vector<1x256xf32> to vector<256xf32>
    %swap3A_2988 = vector.shape_cast %reduce_sum3A_2983 : vector<256xf32> to vector<1x256xf32>
    tpu.vector_store %arg3[%swap3A_2984, %swap3A_2985], %swap3A_2988 {strides = array<i32>} : memref<351x256xf32, #tpu.memory_space<vmem>>, vector<1x256xf32>,
    %slice3A_2989 = vector.extract_strided_slice %transpose3A_35 {offsets = [64, 0], sizes = [64, 256], strides = [1, 1]} : vector<128x256xf32> to vector<64x256xf32>
    %slice3A_2990 = vector.extract_strided_slice %transpose3A_47 {offsets = [64, 0], sizes = [64, 256], strides = [1, 1]} : vector<128x256xf32> to vector<64x256xf32>
    %mul3A_2991 = arith.mulf %slice3A_2989, %slice3A_2990 : vector<64x256xf32>
    %reduce_sum3A_2992 = arith.constant dense<0.000000e+00> : vector<256xf32>
    %reduce_sum3A_2993 = vector.multi_reduction <add>, %mul3A_2991, %reduce_sum3A_2992 [0] : vector<64x256xf32> to vector<256xf32>
    %swap3A_2994 = arith.constant 294 : index
    %swap3A_2995 = arith.constant 0 : index
    %swap3A_2996 = vector.load %arg3[%swap3A_2994, %swap3A_2995] : memref<351x256xf32, #tpu.memory_space<vmem>>, vector<1x256xf32>
    %swap3A_2997 = vector.shape_cast %swap3A_2996 : vector<1x256xf32> to vector<256xf32>
    %swap3A_2998 = vector.shape_cast %reduce_sum3A_2993 : vector<256xf32> to vector<1x256xf32>
    tpu.vector_store %arg3[%swap3A_2994, %swap3A_2995], %swap3A_2998 {strides = array<i32>} : memref<351x256xf32, #tpu.memory_space<vmem>>, vector<1x256xf32>,
    %slice3A_2999 = vector.extract_strided_slice %transpose3A_35 {offsets = [64, 0], sizes = [64, 256], strides = [1, 1]} : vector<128x256xf32> to vector<64x256xf32>
    %slice3A_3000 = vector.extract_strided_slice %transpose3A_51 {offsets = [0, 0], sizes = [64, 256], strides = [1, 1]} : vector<128x256xf32> to vector<64x256xf32>
    %mul3A_3001 = arith.mulf %slice3A_2999, %slice3A_3000 : vector<64x256xf32>
    %reduce_sum3A_3002 = arith.constant dense<0.000000e+00> : vector<256xf32>
    %reduce_sum3A_3003 = vector.multi_reduction <add>, %mul3A_3001, %reduce_sum3A_3002 [0] : vector<64x256xf32> to vector<256xf32>
    %swap3A_3004 = arith.constant 295 : index
    %swap3A_3005 = arith.constant 0 : index
    %swap3A_3006 = vector.load %arg3[%swap3A_3004, %swap3A_3005] : memref<351x256xf32, #tpu.memory_space<vmem>>, vector<1x256xf32>
    %swap3A_3007 = vector.shape_cast %swap3A_3006 : vector<1x256xf32> to vector<256xf32>
    %swap3A_3008 = vector.shape_cast %reduce_sum3A_3003 : vector<256xf32> to vector<1x256xf32>
    tpu.vector_store %arg3[%swap3A_3004, %swap3A_3005], %swap3A_3008 {strides = array<i32>} : memref<351x256xf32, #tpu.memory_space<vmem>>, vector<1x256xf32>,
    %slice3A_3009 = vector.extract_strided_slice %transpose3A_35 {offsets = [64, 0], sizes = [64, 256], strides = [1, 1]} : vector<128x256xf32> to vector<64x256xf32>
    %slice3A_3010 = vector.extract_strided_slice %transpose3A_51 {offsets = [64, 0], sizes = [64, 256], strides = [1, 1]} : vector<128x256xf32> to vector<64x256xf32>
    %mul3A_3011 = arith.mulf %slice3A_3009, %slice3A_3010 : vector<64x256xf32>
    %reduce_sum3A_3012 = arith.constant dense<0.000000e+00> : vector<256xf32>
    %reduce_sum3A_3013 = vector.multi_reduction <add>, %mul3A_3011, %reduce_sum3A_3012 [0] : vector<64x256xf32> to vector<256xf32>
    %swap3A_3014 = arith.constant 296 : index
    %swap3A_3015 = arith.constant 0 : index
    %swap3A_3016 = vector.load %arg3[%swap3A_3014, %swap3A_3015] : memref<351x256xf32, #tpu.memory_space<vmem>>, vector<1x256xf32>
    %swap3A_3017 = vector.shape_cast %swap3A_3016 : vector<1x256xf32> to vector<256xf32>
    %swap3A_3018 = vector.shape_cast %reduce_sum3A_3013 : vector<256xf32> to vector<1x256xf32>
    tpu.vector_store %arg3[%swap3A_3014, %swap3A_3015], %swap3A_3018 {strides = array<i32>} : memref<351x256xf32, #tpu.memory_space<vmem>>, vector<1x256xf32>,
    %slice3A_3019 = vector.extract_strided_slice %transpose3A_39 {offsets = [0, 0], sizes = [64, 256], strides = [1, 1]} : vector<128x256xf32> to vector<64x256xf32>
    %slice3A_3020 = vector.extract_strided_slice %transpose3A_39 {offsets = [64, 0], sizes = [64, 256], strides = [1, 1]} : vector<128x256xf32> to vector<64x256xf32>
    %mul3A_3021 = arith.mulf %slice3A_3019, %slice3A_3020 : vector<64x256xf32>
    %reduce_sum3A_3022 = arith.constant dense<0.000000e+00> : vector<256xf32>
    %reduce_sum3A_3023 = vector.multi_reduction <add>, %mul3A_3021, %reduce_sum3A_3022 [0] : vector<64x256xf32> to vector<256xf32>
    %swap3A_3024 = arith.constant 297 : index
    %swap3A_3025 = arith.constant 0 : index
    %swap3A_3026 = vector.load %arg3[%swap3A_3024, %swap3A_3025] : memref<351x256xf32, #tpu.memory_space<vmem>>, vector<1x256xf32>
    %swap3A_3027 = vector.shape_cast %swap3A_3026 : vector<1x256xf32> to vector<256xf32>
    %swap3A_3028 = vector.shape_cast %reduce_sum3A_3023 : vector<256xf32> to vector<1x256xf32>
    tpu.vector_store %arg3[%swap3A_3024, %swap3A_3025], %swap3A_3028 {strides = array<i32>} : memref<351x256xf32, #tpu.memory_space<vmem>>, vector<1x256xf32>,
    %slice3A_3029 = vector.extract_strided_slice %transpose3A_39 {offsets = [0, 0], sizes = [64, 256], strides = [1, 1]} : vector<128x256xf32> to vector<64x256xf32>
    %slice3A_3030 = vector.extract_strided_slice %transpose3A_43 {offsets = [0, 0], sizes = [64, 256], strides = [1, 1]} : vector<128x256xf32> to vector<64x256xf32>
    %mul3A_3031 = arith.mulf %slice3A_3029, %slice3A_3030 : vector<64x256xf32>
    %reduce_sum3A_3032 = arith.constant dense<0.000000e+00> : vector<256xf32>
    %reduce_sum3A_3033 = vector.multi_reduction <add>, %mul3A_3031, %reduce_sum3A_3032 [0] : vector<64x256xf32> to vector<256xf32>
    %swap3A_3034 = arith.constant 298 : index
    %swap3A_3035 = arith.constant 0 : index
    %swap3A_3036 = vector.load %arg3[%swap3A_3034, %swap3A_3035] : memref<351x256xf32, #tpu.memory_space<vmem>>, vector<1x256xf32>
    %swap3A_3037 = vector.shape_cast %swap3A_3036 : vector<1x256xf32> to vector<256xf32>
    %swap3A_3038 = vector.shape_cast %reduce_sum3A_3033 : vector<256xf32> to vector<1x256xf32>
    tpu.vector_store %arg3[%swap3A_3034, %swap3A_3035], %swap3A_3038 {strides = array<i32>} : memref<351x256xf32, #tpu.memory_space<vmem>>, vector<1x256xf32>,
    %slice3A_3039 = vector.extract_strided_slice %transpose3A_39 {offsets = [0, 0], sizes = [64, 256], strides = [1, 1]} : vector<128x256xf32> to vector<64x256xf32>
    %slice3A_3040 = vector.extract_strided_slice %transpose3A_43 {offsets = [64, 0], sizes = [64, 256], strides = [1, 1]} : vector<128x256xf32> to vector<64x256xf32>
    %mul3A_3041 = arith.mulf %slice3A_3039, %slice3A_3040 : vector<64x256xf32>
    %reduce_sum3A_3042 = arith.constant dense<0.000000e+00> : vector<256xf32>
    %reduce_sum3A_3043 = vector.multi_reduction <add>, %mul3A_3041, %reduce_sum3A_3042 [0] : vector<64x256xf32> to vector<256xf32>
    %swap3A_3044 = arith.constant 299 : index
    %swap3A_3045 = arith.constant 0 : index
    %swap3A_3046 = vector.load %arg3[%swap3A_3044, %swap3A_3045] : memref<351x256xf32, #tpu.memory_space<vmem>>, vector<1x256xf32>
    %swap3A_3047 = vector.shape_cast %swap3A_3046 : vector<1x256xf32> to vector<256xf32>
    %swap3A_3048 = vector.shape_cast %reduce_sum3A_3043 : vector<256xf32> to vector<1x256xf32>
    tpu.vector_store %arg3[%swap3A_3044, %swap3A_3045], %swap3A_3048 {strides = array<i32>} : memref<351x256xf32, #tpu.memory_space<vmem>>, vector<1x256xf32>,
    %slice3A_3049 = vector.extract_strided_slice %transpose3A_39 {offsets = [0, 0], sizes = [64, 256], strides = [1, 1]} : vector<128x256xf32> to vector<64x256xf32>
    %slice3A_3050 = vector.extract_strided_slice %transpose3A_47 {offsets = [0, 0], sizes = [64, 256], strides = [1, 1]} : vector<128x256xf32> to vector<64x256xf32>
    %mul3A_3051 = arith.mulf %slice3A_3049, %slice3A_3050 : vector<64x256xf32>
    %reduce_sum3A_3052 = arith.constant dense<0.000000e+00> : vector<256xf32>
    %reduce_sum3A_3053 = vector.multi_reduction <add>, %mul3A_3051, %reduce_sum3A_3052 [0] : vector<64x256xf32> to vector<256xf32>
    %swap3A_3054 = arith.constant 300 : index
    %swap3A_3055 = arith.constant 0 : index
    %swap3A_3056 = vector.load %arg3[%swap3A_3054, %swap3A_3055] : memref<351x256xf32, #tpu.memory_space<vmem>>, vector<1x256xf32>
    %swap3A_3057 = vector.shape_cast %swap3A_3056 : vector<1x256xf32> to vector<256xf32>
    %swap3A_3058 = vector.shape_cast %reduce_sum3A_3053 : vector<256xf32> to vector<1x256xf32>
    tpu.vector_store %arg3[%swap3A_3054, %swap3A_3055], %swap3A_3058 {strides = array<i32>} : memref<351x256xf32, #tpu.memory_space<vmem>>, vector<1x256xf32>,
    %slice3A_3059 = vector.extract_strided_slice %transpose3A_39 {offsets = [0, 0], sizes = [64, 256], strides = [1, 1]} : vector<128x256xf32> to vector<64x256xf32>
    %slice3A_3060 = vector.extract_strided_slice %transpose3A_47 {offsets = [64, 0], sizes = [64, 256], strides = [1, 1]} : vector<128x256xf32> to vector<64x256xf32>
    %mul3A_3061 = arith.mulf %slice3A_3059, %slice3A_3060 : vector<64x256xf32>
    %reduce_sum3A_3062 = arith.constant dense<0.000000e+00> : vector<256xf32>
    %reduce_sum3A_3063 = vector.multi_reduction <add>, %mul3A_3061, %reduce_sum3A_3062 [0] : vector<64x256xf32> to vector<256xf32>
    %swap3A_3064 = arith.constant 301 : index
    %swap3A_3065 = arith.constant 0 : index
    %swap3A_3066 = vector.load %arg3[%swap3A_3064, %swap3A_3065] : memref<351x256xf32, #tpu.memory_space<vmem>>, vector<1x256xf32>
    %swap3A_3067 = vector.shape_cast %swap3A_3066 : vector<1x256xf32> to vector<256xf32>
    %swap3A_3068 = vector.shape_cast %reduce_sum3A_3063 : vector<256xf32> to vector<1x256xf32>
    tpu.vector_store %arg3[%swap3A_3064, %swap3A_3065], %swap3A_3068 {strides = array<i32>} : memref<351x256xf32, #tpu.memory_space<vmem>>, vector<1x256xf32>,
    %slice3A_3069 = vector.extract_strided_slice %transpose3A_39 {offsets = [0, 0], sizes = [64, 256], strides = [1, 1]} : vector<128x256xf32> to vector<64x256xf32>
    %slice3A_3070 = vector.extract_strided_slice %transpose3A_51 {offsets = [0, 0], sizes = [64, 256], strides = [1, 1]} : vector<128x256xf32> to vector<64x256xf32>
    %mul3A_3071 = arith.mulf %slice3A_3069, %slice3A_3070 : vector<64x256xf32>
    %reduce_sum3A_3072 = arith.constant dense<0.000000e+00> : vector<256xf32>
    %reduce_sum3A_3073 = vector.multi_reduction <add>, %mul3A_3071, %reduce_sum3A_3072 [0] : vector<64x256xf32> to vector<256xf32>
    %swap3A_3074 = arith.constant 302 : index
    %swap3A_3075 = arith.constant 0 : index
    %swap3A_3076 = vector.load %arg3[%swap3A_3074, %swap3A_3075] : memref<351x256xf32, #tpu.memory_space<vmem>>, vector<1x256xf32>
    %swap3A_3077 = vector.shape_cast %swap3A_3076 : vector<1x256xf32> to vector<256xf32>
    %swap3A_3078 = vector.shape_cast %reduce_sum3A_3073 : vector<256xf32> to vector<1x256xf32>
    tpu.vector_store %arg3[%swap3A_3074, %swap3A_3075], %swap3A_3078 {strides = array<i32>} : memref<351x256xf32, #tpu.memory_space<vmem>>, vector<1x256xf32>,
    %slice3A_3079 = vector.extract_strided_slice %transpose3A_39 {offsets = [0, 0], sizes = [64, 256], strides = [1, 1]} : vector<128x256xf32> to vector<64x256xf32>
    %slice3A_3080 = vector.extract_strided_slice %transpose3A_51 {offsets = [64, 0], sizes = [64, 256], strides = [1, 1]} : vector<128x256xf32> to vector<64x256xf32>
    %mul3A_3081 = arith.mulf %slice3A_3079, %slice3A_3080 : vector<64x256xf32>
    %reduce_sum3A_3082 = arith.constant dense<0.000000e+00> : vector<256xf32>
    %reduce_sum3A_3083 = vector.multi_reduction <add>, %mul3A_3081, %reduce_sum3A_3082 [0] : vector<64x256xf32> to vector<256xf32>
    %swap3A_3084 = arith.constant 303 : index
    %swap3A_3085 = arith.constant 0 : index
    %swap3A_3086 = vector.load %arg3[%swap3A_3084, %swap3A_3085] : memref<351x256xf32, #tpu.memory_space<vmem>>, vector<1x256xf32>
    %swap3A_3087 = vector.shape_cast %swap3A_3086 : vector<1x256xf32> to vector<256xf32>
    %swap3A_3088 = vector.shape_cast %reduce_sum3A_3083 : vector<256xf32> to vector<1x256xf32>
    tpu.vector_store %arg3[%swap3A_3084, %swap3A_3085], %swap3A_3088 {strides = array<i32>} : memref<351x256xf32, #tpu.memory_space<vmem>>, vector<1x256xf32>,
    %slice3A_3089 = vector.extract_strided_slice %transpose3A_39 {offsets = [64, 0], sizes = [64, 256], strides = [1, 1]} : vector<128x256xf32> to vector<64x256xf32>
    %slice3A_3090 = vector.extract_strided_slice %transpose3A_43 {offsets = [0, 0], sizes = [64, 256], strides = [1, 1]} : vector<128x256xf32> to vector<64x256xf32>
    %mul3A_3091 = arith.mulf %slice3A_3089, %slice3A_3090 : vector<64x256xf32>
    %reduce_sum3A_3092 = arith.constant dense<0.000000e+00> : vector<256xf32>
    %reduce_sum3A_3093 = vector.multi_reduction <add>, %mul3A_3091, %reduce_sum3A_3092 [0] : vector<64x256xf32> to vector<256xf32>
    %swap3A_3094 = arith.constant 304 : index
    %swap3A_3095 = arith.constant 0 : index
    %swap3A_3096 = vector.load %arg3[%swap3A_3094, %swap3A_3095] : memref<351x256xf32, #tpu.memory_space<vmem>>, vector<1x256xf32>
    %swap3A_3097 = vector.shape_cast %swap3A_3096 : vector<1x256xf32> to vector<256xf32>
    %swap3A_3098 = vector.shape_cast %reduce_sum3A_3093 : vector<256xf32> to vector<1x256xf32>
    tpu.vector_store %arg3[%swap3A_3094, %swap3A_3095], %swap3A_3098 {strides = array<i32>} : memref<351x256xf32, #tpu.memory_space<vmem>>, vector<1x256xf32>,
    %slice3A_3099 = vector.extract_strided_slice %transpose3A_39 {offsets = [64, 0], sizes = [64, 256], strides = [1, 1]} : vector<128x256xf32> to vector<64x256xf32>
    %slice3A_3100 = vector.extract_strided_slice %transpose3A_43 {offsets = [64, 0], sizes = [64, 256], strides = [1, 1]} : vector<128x256xf32> to vector<64x256xf32>
    %mul3A_3101 = arith.mulf %slice3A_3099, %slice3A_3100 : vector<64x256xf32>
    %reduce_sum3A_3102 = arith.constant dense<0.000000e+00> : vector<256xf32>
    %reduce_sum3A_3103 = vector.multi_reduction <add>, %mul3A_3101, %reduce_sum3A_3102 [0] : vector<64x256xf32> to vector<256xf32>
    %swap3A_3104 = arith.constant 305 : index
    %swap3A_3105 = arith.constant 0 : index
    %swap3A_3106 = vector.load %arg3[%swap3A_3104, %swap3A_3105] : memref<351x256xf32, #tpu.memory_space<vmem>>, vector<1x256xf32>
    %swap3A_3107 = vector.shape_cast %swap3A_3106 : vector<1x256xf32> to vector<256xf32>
    %swap3A_3108 = vector.shape_cast %reduce_sum3A_3103 : vector<256xf32> to vector<1x256xf32>
    tpu.vector_store %arg3[%swap3A_3104, %swap3A_3105], %swap3A_3108 {strides = array<i32>} : memref<351x256xf32, #tpu.memory_space<vmem>>, vector<1x256xf32>,
    %slice3A_3109 = vector.extract_strided_slice %transpose3A_39 {offsets = [64, 0], sizes = [64, 256], strides = [1, 1]} : vector<128x256xf32> to vector<64x256xf32>
    %slice3A_3110 = vector.extract_strided_slice %transpose3A_47 {offsets = [0, 0], sizes = [64, 256], strides = [1, 1]} : vector<128x256xf32> to vector<64x256xf32>
    %mul3A_3111 = arith.mulf %slice3A_3109, %slice3A_3110 : vector<64x256xf32>
    %reduce_sum3A_3112 = arith.constant dense<0.000000e+00> : vector<256xf32>
    %reduce_sum3A_3113 = vector.multi_reduction <add>, %mul3A_3111, %reduce_sum3A_3112 [0] : vector<64x256xf32> to vector<256xf32>
    %swap3A_3114 = arith.constant 306 : index
    %swap3A_3115 = arith.constant 0 : index
    %swap3A_3116 = vector.load %arg3[%swap3A_3114, %swap3A_3115] : memref<351x256xf32, #tpu.memory_space<vmem>>, vector<1x256xf32>
    %swap3A_3117 = vector.shape_cast %swap3A_3116 : vector<1x256xf32> to vector<256xf32>
    %swap3A_3118 = vector.shape_cast %reduce_sum3A_3113 : vector<256xf32> to vector<1x256xf32>
    tpu.vector_store %arg3[%swap3A_3114, %swap3A_3115], %swap3A_3118 {strides = array<i32>} : memref<351x256xf32, #tpu.memory_space<vmem>>, vector<1x256xf32>,
    %slice3A_3119 = vector.extract_strided_slice %transpose3A_39 {offsets = [64, 0], sizes = [64, 256], strides = [1, 1]} : vector<128x256xf32> to vector<64x256xf32>
    %slice3A_3120 = vector.extract_strided_slice %transpose3A_47 {offsets = [64, 0], sizes = [64, 256], strides = [1, 1]} : vector<128x256xf32> to vector<64x256xf32>
    %mul3A_3121 = arith.mulf %slice3A_3119, %slice3A_3120 : vector<64x256xf32>
    %reduce_sum3A_3122 = arith.constant dense<0.000000e+00> : vector<256xf32>
    %reduce_sum3A_3123 = vector.multi_reduction <add>, %mul3A_3121, %reduce_sum3A_3122 [0] : vector<64x256xf32> to vector<256xf32>
    %swap3A_3124 = arith.constant 307 : index
    %swap3A_3125 = arith.constant 0 : index
    %swap3A_3126 = vector.load %arg3[%swap3A_3124, %swap3A_3125] : memref<351x256xf32, #tpu.memory_space<vmem>>, vector<1x256xf32>
    %swap3A_3127 = vector.shape_cast %swap3A_3126 : vector<1x256xf32> to vector<256xf32>
    %swap3A_3128 = vector.shape_cast %reduce_sum3A_3123 : vector<256xf32> to vector<1x256xf32>
    tpu.vector_store %arg3[%swap3A_3124, %swap3A_3125], %swap3A_3128 {strides = array<i32>} : memref<351x256xf32, #tpu.memory_space<vmem>>, vector<1x256xf32>,
    %slice3A_3129 = vector.extract_strided_slice %transpose3A_39 {offsets = [64, 0], sizes = [64, 256], strides = [1, 1]} : vector<128x256xf32> to vector<64x256xf32>
    %slice3A_3130 = vector.extract_strided_slice %transpose3A_51 {offsets = [0, 0], sizes = [64, 256], strides = [1, 1]} : vector<128x256xf32> to vector<64x256xf32>
    %mul3A_3131 = arith.mulf %slice3A_3129, %slice3A_3130 : vector<64x256xf32>
    %reduce_sum3A_3132 = arith.constant dense<0.000000e+00> : vector<256xf32>
    %reduce_sum3A_3133 = vector.multi_reduction <add>, %mul3A_3131, %reduce_sum3A_3132 [0] : vector<64x256xf32> to vector<256xf32>
    %swap3A_3134 = arith.constant 308 : index
    %swap3A_3135 = arith.constant 0 : index
    %swap3A_3136 = vector.load %arg3[%swap3A_3134, %swap3A_3135] : memref<351x256xf32, #tpu.memory_space<vmem>>, vector<1x256xf32>
    %swap3A_3137 = vector.shape_cast %swap3A_3136 : vector<1x256xf32> to vector<256xf32>
    %swap3A_3138 = vector.shape_cast %reduce_sum3A_3133 : vector<256xf32> to vector<1x256xf32>
    tpu.vector_store %arg3[%swap3A_3134, %swap3A_3135], %swap3A_3138 {strides = array<i32>} : memref<351x256xf32, #tpu.memory_space<vmem>>, vector<1x256xf32>,
    %slice3A_3139 = vector.extract_strided_slice %transpose3A_39 {offsets = [64, 0], sizes = [64, 256], strides = [1, 1]} : vector<128x256xf32> to vector<64x256xf32>
    %slice3A_3140 = vector.extract_strided_slice %transpose3A_51 {offsets = [64, 0], sizes = [64, 256], strides = [1, 1]} : vector<128x256xf32> to vector<64x256xf32>
    %mul3A_3141 = arith.mulf %slice3A_3139, %slice3A_3140 : vector<64x256xf32>
    %reduce_sum3A_3142 = arith.constant dense<0.000000e+00> : vector<256xf32>
    %reduce_sum3A_3143 = vector.multi_reduction <add>, %mul3A_3141, %reduce_sum3A_3142 [0] : vector<64x256xf32> to vector<256xf32>
    %swap3A_3144 = arith.constant 309 : index
    %swap3A_3145 = arith.constant 0 : index
    %swap3A_3146 = vector.load %arg3[%swap3A_3144, %swap3A_3145] : memref<351x256xf32, #tpu.memory_space<vmem>>, vector<1x256xf32>
    %swap3A_3147 = vector.shape_cast %swap3A_3146 : vector<1x256xf32> to vector<256xf32>
    %swap3A_3148 = vector.shape_cast %reduce_sum3A_3143 : vector<256xf32> to vector<1x256xf32>
    tpu.vector_store %arg3[%swap3A_3144, %swap3A_3145], %swap3A_3148 {strides = array<i32>} : memref<351x256xf32, #tpu.memory_space<vmem>>, vector<1x256xf32>,
    %slice3A_3149 = vector.extract_strided_slice %transpose3A_43 {offsets = [0, 0], sizes = [64, 256], strides = [1, 1]} : vector<128x256xf32> to vector<64x256xf32>
    %slice3A_3150 = vector.extract_strided_slice %transpose3A_43 {offsets = [64, 0], sizes = [64, 256], strides = [1, 1]} : vector<128x256xf32> to vector<64x256xf32>
    %mul3A_3151 = arith.mulf %slice3A_3149, %slice3A_3150 : vector<64x256xf32>
    %reduce_sum3A_3152 = arith.constant dense<0.000000e+00> : vector<256xf32>
    %reduce_sum3A_3153 = vector.multi_reduction <add>, %mul3A_3151, %reduce_sum3A_3152 [0] : vector<64x256xf32> to vector<256xf32>
    %swap3A_3154 = arith.constant 310 : index
    %swap3A_3155 = arith.constant 0 : index
    %swap3A_3156 = vector.load %arg3[%swap3A_3154, %swap3A_3155] : memref<351x256xf32, #tpu.memory_space<vmem>>, vector<1x256xf32>
    %swap3A_3157 = vector.shape_cast %swap3A_3156 : vector<1x256xf32> to vector<256xf32>
    %swap3A_3158 = vector.shape_cast %reduce_sum3A_3153 : vector<256xf32> to vector<1x256xf32>
    tpu.vector_store %arg3[%swap3A_3154, %swap3A_3155], %swap3A_3158 {strides = array<i32>} : memref<351x256xf32, #tpu.memory_space<vmem>>, vector<1x256xf32>,
    %slice3A_3159 = vector.extract_strided_slice %transpose3A_43 {offsets = [0, 0], sizes = [64, 256], strides = [1, 1]} : vector<128x256xf32> to vector<64x256xf32>
    %slice3A_3160 = vector.extract_strided_slice %transpose3A_47 {offsets = [0, 0], sizes = [64, 256], strides = [1, 1]} : vector<128x256xf32> to vector<64x256xf32>
    %mul3A_3161 = arith.mulf %slice3A_3159, %slice3A_3160 : vector<64x256xf32>
    %reduce_sum3A_3162 = arith.constant dense<0.000000e+00> : vector<256xf32>
    %reduce_sum3A_3163 = vector.multi_reduction <add>, %mul3A_3161, %reduce_sum3A_3162 [0] : vector<64x256xf32> to vector<256xf32>
    %swap3A_3164 = arith.constant 311 : index
    %swap3A_3165 = arith.constant 0 : index
    %swap3A_3166 = vector.load %arg3[%swap3A_3164, %swap3A_3165] : memref<351x256xf32, #tpu.memory_space<vmem>>, vector<1x256xf32>
    %swap3A_3167 = vector.shape_cast %swap3A_3166 : vector<1x256xf32> to vector<256xf32>
    %swap3A_3168 = vector.shape_cast %reduce_sum3A_3163 : vector<256xf32> to vector<1x256xf32>
    tpu.vector_store %arg3[%swap3A_3164, %swap3A_3165], %swap3A_3168 {strides = array<i32>} : memref<351x256xf32, #tpu.memory_space<vmem>>, vector<1x256xf32>,
    %slice3A_3169 = vector.extract_strided_slice %transpose3A_43 {offsets = [0, 0], sizes = [64, 256], strides = [1, 1]} : vector<128x256xf32> to vector<64x256xf32>
    %slice3A_3170 = vector.extract_strided_slice %transpose3A_47 {offsets = [64, 0], sizes = [64, 256], strides = [1, 1]} : vector<128x256xf32> to vector<64x256xf32>
    %mul3A_3171 = arith.mulf %slice3A_3169, %slice3A_3170 : vector<64x256xf32>
    %reduce_sum3A_3172 = arith.constant dense<0.000000e+00> : vector<256xf32>
    %reduce_sum3A_3173 = vector.multi_reduction <add>, %mul3A_3171, %reduce_sum3A_3172 [0] : vector<64x256xf32> to vector<256xf32>
    %swap3A_3174 = arith.constant 312 : index
    %swap3A_3175 = arith.constant 0 : index
    %swap3A_3176 = vector.load %arg3[%swap3A_3174, %swap3A_3175] : memref<351x256xf32, #tpu.memory_space<vmem>>, vector<1x256xf32>
    %swap3A_3177 = vector.shape_cast %swap3A_3176 : vector<1x256xf32> to vector<256xf32>
    %swap3A_3178 = vector.shape_cast %reduce_sum3A_3173 : vector<256xf32> to vector<1x256xf32>
    tpu.vector_store %arg3[%swap3A_3174, %swap3A_3175], %swap3A_3178 {strides = array<i32>} : memref<351x256xf32, #tpu.memory_space<vmem>>, vector<1x256xf32>,
    %slice3A_3179 = vector.extract_strided_slice %transpose3A_43 {offsets = [0, 0], sizes = [64, 256], strides = [1, 1]} : vector<128x256xf32> to vector<64x256xf32>
    %slice3A_3180 = vector.extract_strided_slice %transpose3A_51 {offsets = [0, 0], sizes = [64, 256], strides = [1, 1]} : vector<128x256xf32> to vector<64x256xf32>
    %mul3A_3181 = arith.mulf %slice3A_3179, %slice3A_3180 : vector<64x256xf32>
    %reduce_sum3A_3182 = arith.constant dense<0.000000e+00> : vector<256xf32>
    %reduce_sum3A_3183 = vector.multi_reduction <add>, %mul3A_3181, %reduce_sum3A_3182 [0] : vector<64x256xf32> to vector<256xf32>
    %swap3A_3184 = arith.constant 313 : index
    %swap3A_3185 = arith.constant 0 : index
    %swap3A_3186 = vector.load %arg3[%swap3A_3184, %swap3A_3185] : memref<351x256xf32, #tpu.memory_space<vmem>>, vector<1x256xf32>
    %swap3A_3187 = vector.shape_cast %swap3A_3186 : vector<1x256xf32> to vector<256xf32>
    %swap3A_3188 = vector.shape_cast %reduce_sum3A_3183 : vector<256xf32> to vector<1x256xf32>
    tpu.vector_store %arg3[%swap3A_3184, %swap3A_3185], %swap3A_3188 {strides = array<i32>} : memref<351x256xf32, #tpu.memory_space<vmem>>, vector<1x256xf32>,
    %slice3A_3189 = vector.extract_strided_slice %transpose3A_43 {offsets = [0, 0], sizes = [64, 256], strides = [1, 1]} : vector<128x256xf32> to vector<64x256xf32>
    %slice3A_3190 = vector.extract_strided_slice %transpose3A_51 {offsets = [64, 0], sizes = [64, 256], strides = [1, 1]} : vector<128x256xf32> to vector<64x256xf32>
    %mul3A_3191 = arith.mulf %slice3A_3189, %slice3A_3190 : vector<64x256xf32>
    %reduce_sum3A_3192 = arith.constant dense<0.000000e+00> : vector<256xf32>
    %reduce_sum3A_3193 = vector.multi_reduction <add>, %mul3A_3191, %reduce_sum3A_3192 [0] : vector<64x256xf32> to vector<256xf32>
    %swap3A_3194 = arith.constant 314 : index
    %swap3A_3195 = arith.constant 0 : index
    %swap3A_3196 = vector.load %arg3[%swap3A_3194, %swap3A_3195] : memref<351x256xf32, #tpu.memory_space<vmem>>, vector<1x256xf32>
    %swap3A_3197 = vector.shape_cast %swap3A_3196 : vector<1x256xf32> to vector<256xf32>
    %swap3A_3198 = vector.shape_cast %reduce_sum3A_3193 : vector<256xf32> to vector<1x256xf32>
    tpu.vector_store %arg3[%swap3A_3194, %swap3A_3195], %swap3A_3198 {strides = array<i32>} : memref<351x256xf32, #tpu.memory_space<vmem>>, vector<1x256xf32>,
    %slice3A_3199 = vector.extract_strided_slice %transpose3A_43 {offsets = [64, 0], sizes = [64, 256], strides = [1, 1]} : vector<128x256xf32> to vector<64x256xf32>
    %slice3A_3200 = vector.extract_strided_slice %transpose3A_47 {offsets = [0, 0], sizes = [64, 256], strides = [1, 1]} : vector<128x256xf32> to vector<64x256xf32>
    %mul3A_3201 = arith.mulf %slice3A_3199, %slice3A_3200 : vector<64x256xf32>
    %reduce_sum3A_3202 = arith.constant dense<0.000000e+00> : vector<256xf32>
    %reduce_sum3A_3203 = vector.multi_reduction <add>, %mul3A_3201, %reduce_sum3A_3202 [0] : vector<64x256xf32> to vector<256xf32>
    %swap3A_3204 = arith.constant 315 : index
    %swap3A_3205 = arith.constant 0 : index
    %swap3A_3206 = vector.load %arg3[%swap3A_3204, %swap3A_3205] : memref<351x256xf32, #tpu.memory_space<vmem>>, vector<1x256xf32>
    %swap3A_3207 = vector.shape_cast %swap3A_3206 : vector<1x256xf32> to vector<256xf32>
    %swap3A_3208 = vector.shape_cast %reduce_sum3A_3203 : vector<256xf32> to vector<1x256xf32>
    tpu.vector_store %arg3[%swap3A_3204, %swap3A_3205], %swap3A_3208 {strides = array<i32>} : memref<351x256xf32, #tpu.memory_space<vmem>>, vector<1x256xf32>,
    %slice3A_3209 = vector.extract_strided_slice %transpose3A_43 {offsets = [64, 0], sizes = [64, 256], strides = [1, 1]} : vector<128x256xf32> to vector<64x256xf32>
    %slice3A_3210 = vector.extract_strided_slice %transpose3A_47 {offsets = [64, 0], sizes = [64, 256], strides = [1, 1]} : vector<128x256xf32> to vector<64x256xf32>
    %mul3A_3211 = arith.mulf %slice3A_3209, %slice3A_3210 : vector<64x256xf32>
    %reduce_sum3A_3212 = arith.constant dense<0.000000e+00> : vector<256xf32>
    %reduce_sum3A_3213 = vector.multi_reduction <add>, %mul3A_3211, %reduce_sum3A_3212 [0] : vector<64x256xf32> to vector<256xf32>
    %swap3A_3214 = arith.constant 316 : index
    %swap3A_3215 = arith.constant 0 : index
    %swap3A_3216 = vector.load %arg3[%swap3A_3214, %swap3A_3215] : memref<351x256xf32, #tpu.memory_space<vmem>>, vector<1x256xf32>
    %swap3A_3217 = vector.shape_cast %swap3A_3216 : vector<1x256xf32> to vector<256xf32>
    %swap3A_3218 = vector.shape_cast %reduce_sum3A_3213 : vector<256xf32> to vector<1x256xf32>
    tpu.vector_store %arg3[%swap3A_3214, %swap3A_3215], %swap3A_3218 {strides = array<i32>} : memref<351x256xf32, #tpu.memory_space<vmem>>, vector<1x256xf32>,
    %slice3A_3219 = vector.extract_strided_slice %transpose3A_43 {offsets = [64, 0], sizes = [64, 256], strides = [1, 1]} : vector<128x256xf32> to vector<64x256xf32>
    %slice3A_3220 = vector.extract_strided_slice %transpose3A_51 {offsets = [0, 0], sizes = [64, 256], strides = [1, 1]} : vector<128x256xf32> to vector<64x256xf32>
    %mul3A_3221 = arith.mulf %slice3A_3219, %slice3A_3220 : vector<64x256xf32>
    %reduce_sum3A_3222 = arith.constant dense<0.000000e+00> : vector<256xf32>
    %reduce_sum3A_3223 = vector.multi_reduction <add>, %mul3A_3221, %reduce_sum3A_3222 [0] : vector<64x256xf32> to vector<256xf32>
    %swap3A_3224 = arith.constant 317 : index
    %swap3A_3225 = arith.constant 0 : index
    %swap3A_3226 = vector.load %arg3[%swap3A_3224, %swap3A_3225] : memref<351x256xf32, #tpu.memory_space<vmem>>, vector<1x256xf32>
    %swap3A_3227 = vector.shape_cast %swap3A_3226 : vector<1x256xf32> to vector<256xf32>
    %swap3A_3228 = vector.shape_cast %reduce_sum3A_3223 : vector<256xf32> to vector<1x256xf32>
    tpu.vector_store %arg3[%swap3A_3224, %swap3A_3225], %swap3A_3228 {strides = array<i32>} : memref<351x256xf32, #tpu.memory_space<vmem>>, vector<1x256xf32>,
    %slice3A_3229 = vector.extract_strided_slice %transpose3A_43 {offsets = [64, 0], sizes = [64, 256], strides = [1, 1]} : vector<128x256xf32> to vector<64x256xf32>
    %slice3A_3230 = vector.extract_strided_slice %transpose3A_51 {offsets = [64, 0], sizes = [64, 256], strides = [1, 1]} : vector<128x256xf32> to vector<64x256xf32>
    %mul3A_3231 = arith.mulf %slice3A_3229, %slice3A_3230 : vector<64x256xf32>
    %reduce_sum3A_3232 = arith.constant dense<0.000000e+00> : vector<256xf32>
    %reduce_sum3A_3233 = vector.multi_reduction <add>, %mul3A_3231, %reduce_sum3A_3232 [0] : vector<64x256xf32> to vector<256xf32>
    %swap3A_3234 = arith.constant 318 : index
    %swap3A_3235 = arith.constant 0 : index
    %swap3A_3236 = vector.load %arg3[%swap3A_3234, %swap3A_3235] : memref<351x256xf32, #tpu.memory_space<vmem>>, vector<1x256xf32>
    %swap3A_3237 = vector.shape_cast %swap3A_3236 : vector<1x256xf32> to vector<256xf32>
    %swap3A_3238 = vector.shape_cast %reduce_sum3A_3233 : vector<256xf32> to vector<1x256xf32>
    tpu.vector_store %arg3[%swap3A_3234, %swap3A_3235], %swap3A_3238 {strides = array<i32>} : memref<351x256xf32, #tpu.memory_space<vmem>>, vector<1x256xf32>,
    %slice3A_3239 = vector.extract_strided_slice %transpose3A_47 {offsets = [0, 0], sizes = [64, 256], strides = [1, 1]} : vector<128x256xf32> to vector<64x256xf32>
    %slice3A_3240 = vector.extract_strided_slice %transpose3A_47 {offsets = [64, 0], sizes = [64, 256], strides = [1, 1]} : vector<128x256xf32> to vector<64x256xf32>
    %mul3A_3241 = arith.mulf %slice3A_3239, %slice3A_3240 : vector<64x256xf32>
    %reduce_sum3A_3242 = arith.constant dense<0.000000e+00> : vector<256xf32>
    %reduce_sum3A_3243 = vector.multi_reduction <add>, %mul3A_3241, %reduce_sum3A_3242 [0] : vector<64x256xf32> to vector<256xf32>
    %swap3A_3244 = arith.constant 319 : index
    %swap3A_3245 = arith.constant 0 : index
    %swap3A_3246 = vector.load %arg3[%swap3A_3244, %swap3A_3245] : memref<351x256xf32, #tpu.memory_space<vmem>>, vector<1x256xf32>
    %swap3A_3247 = vector.shape_cast %swap3A_3246 : vector<1x256xf32> to vector<256xf32>
    %swap3A_3248 = vector.shape_cast %reduce_sum3A_3243 : vector<256xf32> to vector<1x256xf32>
    tpu.vector_store %arg3[%swap3A_3244, %swap3A_3245], %swap3A_3248 {strides = array<i32>} : memref<351x256xf32, #tpu.memory_space<vmem>>, vector<1x256xf32>,
    %slice3A_3249 = vector.extract_strided_slice %transpose3A_47 {offsets = [0, 0], sizes = [64, 256], strides = [1, 1]} : vector<128x256xf32> to vector<64x256xf32>
    %slice3A_3250 = vector.extract_strided_slice %transpose3A_51 {offsets = [0, 0], sizes = [64, 256], strides = [1, 1]} : vector<128x256xf32> to vector<64x256xf32>
    %mul3A_3251 = arith.mulf %slice3A_3249, %slice3A_3250 : vector<64x256xf32>
    %reduce_sum3A_3252 = arith.constant dense<0.000000e+00> : vector<256xf32>
    %reduce_sum3A_3253 = vector.multi_reduction <add>, %mul3A_3251, %reduce_sum3A_3252 [0] : vector<64x256xf32> to vector<256xf32>
    %swap3A_3254 = arith.constant 320 : index
    %swap3A_3255 = arith.constant 0 : index
    %swap3A_3256 = vector.load %arg3[%swap3A_3254, %swap3A_3255] : memref<351x256xf32, #tpu.memory_space<vmem>>, vector<1x256xf32>
    %swap3A_3257 = vector.shape_cast %swap3A_3256 : vector<1x256xf32> to vector<256xf32>
    %swap3A_3258 = vector.shape_cast %reduce_sum3A_3253 : vector<256xf32> to vector<1x256xf32>
    tpu.vector_store %arg3[%swap3A_3254, %swap3A_3255], %swap3A_3258 {strides = array<i32>} : memref<351x256xf32, #tpu.memory_space<vmem>>, vector<1x256xf32>,
    %slice3A_3259 = vector.extract_strided_slice %transpose3A_47 {offsets = [0, 0], sizes = [64, 256], strides = [1, 1]} : vector<128x256xf32> to vector<64x256xf32>
    %slice3A_3260 = vector.extract_strided_slice %transpose3A_51 {offsets = [64, 0], sizes = [64, 256], strides = [1, 1]} : vector<128x256xf32> to vector<64x256xf32>
    %mul3A_3261 = arith.mulf %slice3A_3259, %slice3A_3260 : vector<64x256xf32>
    %reduce_sum3A_3262 = arith.constant dense<0.000000e+00> : vector<256xf32>
    %reduce_sum3A_3263 = vector.multi_reduction <add>, %mul3A_3261, %reduce_sum3A_3262 [0] : vector<64x256xf32> to vector<256xf32>
    %swap3A_3264 = arith.constant 321 : index
    %swap3A_3265 = arith.constant 0 : index
    %swap3A_3266 = vector.load %arg3[%swap3A_3264, %swap3A_3265] : memref<351x256xf32, #tpu.memory_space<vmem>>, vector<1x256xf32>
    %swap3A_3267 = vector.shape_cast %swap3A_3266 : vector<1x256xf32> to vector<256xf32>
    %swap3A_3268 = vector.shape_cast %reduce_sum3A_3263 : vector<256xf32> to vector<1x256xf32>
    tpu.vector_store %arg3[%swap3A_3264, %swap3A_3265], %swap3A_3268 {strides = array<i32>} : memref<351x256xf32, #tpu.memory_space<vmem>>, vector<1x256xf32>,
    %slice3A_3269 = vector.extract_strided_slice %transpose3A_47 {offsets = [64, 0], sizes = [64, 256], strides = [1, 1]} : vector<128x256xf32> to vector<64x256xf32>
    %slice3A_3270 = vector.extract_strided_slice %transpose3A_51 {offsets = [0, 0], sizes = [64, 256], strides = [1, 1]} : vector<128x256xf32> to vector<64x256xf32>
    %mul3A_3271 = arith.mulf %slice3A_3269, %slice3A_3270 : vector<64x256xf32>
    %reduce_sum3A_3272 = arith.constant dense<0.000000e+00> : vector<256xf32>
    %reduce_sum3A_3273 = vector.multi_reduction <add>, %mul3A_3271, %reduce_sum3A_3272 [0] : vector<64x256xf32> to vector<256xf32>
    %swap3A_3274 = arith.constant 322 : index
    %swap3A_3275 = arith.constant 0 : index
    %swap3A_3276 = vector.load %arg3[%swap3A_3274, %swap3A_3275] : memref<351x256xf32, #tpu.memory_space<vmem>>, vector<1x256xf32>
    %swap3A_3277 = vector.shape_cast %swap3A_3276 : vector<1x256xf32> to vector<256xf32>
    %swap3A_3278 = vector.shape_cast %reduce_sum3A_3273 : vector<256xf32> to vector<1x256xf32>
    tpu.vector_store %arg3[%swap3A_3274, %swap3A_3275], %swap3A_3278 {strides = array<i32>} : memref<351x256xf32, #tpu.memory_space<vmem>>, vector<1x256xf32>,
    %slice3A_3279 = vector.extract_strided_slice %transpose3A_47 {offsets = [64, 0], sizes = [64, 256], strides = [1, 1]} : vector<128x256xf32> to vector<64x256xf32>
    %slice3A_3280 = vector.extract_strided_slice %transpose3A_51 {offsets = [64, 0], sizes = [64, 256], strides = [1, 1]} : vector<128x256xf32> to vector<64x256xf32>
    %mul3A_3281 = arith.mulf %slice3A_3279, %slice3A_3280 : vector<64x256xf32>
    %reduce_sum3A_3282 = arith.constant dense<0.000000e+00> : vector<256xf32>
    %reduce_sum3A_3283 = vector.multi_reduction <add>, %mul3A_3281, %reduce_sum3A_3282 [0] : vector<64x256xf32> to vector<256xf32>
    %swap3A_3284 = arith.constant 323 : index
    %swap3A_3285 = arith.constant 0 : index
    %swap3A_3286 = vector.load %arg3[%swap3A_3284, %swap3A_3285] : memref<351x256xf32, #tpu.memory_space<vmem>>, vector<1x256xf32>
    %swap3A_3287 = vector.shape_cast %swap3A_3286 : vector<1x256xf32> to vector<256xf32>
    %swap3A_3288 = vector.shape_cast %reduce_sum3A_3283 : vector<256xf32> to vector<1x256xf32>
    tpu.vector_store %arg3[%swap3A_3284, %swap3A_3285], %swap3A_3288 {strides = array<i32>} : memref<351x256xf32, #tpu.memory_space<vmem>>, vector<1x256xf32>,
    %slice3A_3289 = vector.extract_strided_slice %transpose3A_51 {offsets = [0, 0], sizes = [64, 256], strides = [1, 1]} : vector<128x256xf32> to vector<64x256xf32>
    %slice3A_3290 = vector.extract_strided_slice %transpose3A_51 {offsets = [64, 0], sizes = [64, 256], strides = [1, 1]} : vector<128x256xf32> to vector<64x256xf32>
    %mul3A_3291 = arith.mulf %slice3A_3289, %slice3A_3290 : vector<64x256xf32>
    %reduce_sum3A_3292 = arith.constant dense<0.000000e+00> : vector<256xf32>
    %reduce_sum3A_3293 = vector.multi_reduction <add>, %mul3A_3291, %reduce_sum3A_3292 [0] : vector<64x256xf32> to vector<256xf32>
    %swap3A_3294 = arith.constant 324 : index
    %swap3A_3295 = arith.constant 0 : index
    %swap3A_3296 = vector.load %arg3[%swap3A_3294, %swap3A_3295] : memref<351x256xf32, #tpu.memory_space<vmem>>, vector<1x256xf32>
    %swap3A_3297 = vector.shape_cast %swap3A_3296 : vector<1x256xf32> to vector<256xf32>
    %swap3A_3298 = vector.shape_cast %reduce_sum3A_3293 : vector<256xf32> to vector<1x256xf32>
    tpu.vector_store %arg3[%swap3A_3294, %swap3A_3295], %swap3A_3298 {strides = array<i32>} : memref<351x256xf32, #tpu.memory_space<vmem>>, vector<1x256xf32>,
    %get3A_3299 = arith.constant 0 : index
    %get3A_3300 = arith.constant 0 : index
    %get3A_3301 = vector.load %arg2[%get3A_3299, %get3A_3300] : memref<26x256xf32, #tpu.memory_space<vmem>>, vector<26x256xf32>
    %swap3A_3302 = arith.constant 325 : index
    %swap3A_3303 = arith.constant 0 : index
    %swap3A_3304 = vector.load %arg3[%swap3A_3302, %swap3A_3303] : memref<351x256xf32, #tpu.memory_space<vmem>>, vector<26x256xf32>
    tpu.vector_store %arg3[%swap3A_3302, %swap3A_3303], %get3A_3301 {strides = array<i32>} : memref<351x256xf32, #tpu.memory_space<vmem>>, vector<26x256xf32>,
    return
  }
  func.func @transform_0(%arg0: i32) -> (i32, i32, i32, i32) {
    %c0_i32 = arith.constant 0 : i32
    %c0_i32_0 = arith.constant 0 : i32
    %c0_i32_1 = arith.constant 0 : i32
    %c0_i32_2 = arith.constant 0 : i32
    return %arg0, %c0_i32, %c0_i32_0, %c0_i32_1 : i32, i32, i32, i32
  }
  func.func @transform_1(%arg0: i32) -> (i32, i32) {
    %c0_i32 = arith.constant 0 : i32
    %c0_i32_0 = arith.constant 0 : i32
    return %c0_i32, %arg0 : i32, i32
  }
  func.func @transform_2(%arg0: i32) -> (i32, i32) {
    %c0_i32 = arith.constant 0 : i32
    %c0_i32_0 = arith.constant 0 : i32
    return %c0_i32, %arg0 : i32, i32
  }
}

</mosaic_0001>

<sc_bundles>
// kernel: kernel.4.cloned.1.call-start
scs
__scs_entry_jumppad:
0x0: {  	(pc) =	sbr.rel $0x88, $3  }
0x1: {  	(tag) =	ssettag $0x0;
	lr =	simm.s32 $0x1  }
0x2: {  	[smem:$0x3F9E] =	sst lr;
	_ =	strace $0xD0000000  }
0x3: {  	_ = 	snop  }
0x4: {  	_ = 	snop  }
0x5: {  	_ = 	snop  }
0x6: {  	_ = 	snop  }
0x7: {  	_ = 	snop  }
__scs_overlays_trampoline_lowered:
0x8: {  	[smem:$0x3FAD] =	sst s0  }
0x9: {  	[smem:$0x3FAE] =	sst s1  }
0xa: {  	[smem:$0x3FAF] =	sst s2  }
0xb: {  	[smem:$0x3FB0] =	sst s3  }
0xc: {  	[smem:$0x3FB1] =	sst s4  }
0xd: {  	[smem:$0x3FB2] =	sst s5  }
0xe: {  	[smem:$0x3FB3] =	sst s6  }
0xf: {  	[smem:$0x3FB4] =	sst s7  }
0x10: {  	[smem:$0x3FB5] =	sst s8  }
0x11: {  	[smem:$0x3FB6] =	sst s9;
	s0 =	simm.s32 @!p0 $0x0  }
0x12: {  	s1 =	sld [smem:$0x3F9C];
	s0 =	simm.s32 @p0 $0x1  }
0x13: {  	[smem:$0x3FB7] =	sst s0;
	s0 =	simm.s32 @!p1 $0x0  }
0x14: {  	s2 =	sld [smem:$0x3F9B];
	s0 =	simm.s32 @p1 $0x1  }
0x15: {  	[smem:$0x3FB8] =	sst s0;
	s0 =	simm.s32 @!p2 $0x0  }
0x16: {  	s3 =	sld [smem:$0x3FDB];
	s0 =	simm.s32 @p2 $0x1  }
0x17: {  	s4 =	simm.s32 $0x1BF5;
	[smem:$0x3FBA] =	sst s0  }
0x18: {  	s0 =	sld [smem:$0x3F9D];
	_ =	swait.ge [sflag:s4], $0x0  }
0x19: {  	s7 =	sld [smem:$0x3F9E]  }
0x1a: {  	s8 =	sadd.s32 $0xFFFFE003, lr  }
0x1b: {  	s9 =	sadd.s32 $0xFFFFFEF7, lr;
	s5 =	simm.s32 $0xFFFFFFFF;
	p2 =	slt.u32 s8, $0xFFFFF086  }
0x1c: {  	p1 =	slt.u32 s9, $0xF7A;
	s5 =	simm.s32 @!p2 $0x0  }
0x1d: {  	s5 =	simm.s32 @p1 $0x1;
	p0 =	seq.s32 s7, s2  }
0x1e: {  	s7 =	smul.u32 @!p0 $0xF7A, s2;
	p2 =	seq.s32 @!p0 s5, $0x0  }
0x1f: {  	s9 =	smul.u32 $0xF7A, s1;
	s8 =	simm.s32 @!p0 $0x1BF5;
	p2 =	por !p2, p0  }
0x20: {  	[sflag:s8] =	ssyncset.s32 @!p0 $0xFFFFF086;
	s6 =	sadd.s32 @!p0 s3, s7;
	s7 =	simm.s32 @!p0 $0x108  }
0x21: {  	s3 =	sadd.s32 s3, s9;
	s6 =	sadd.s32 @!p0 $0x88, s6;
	s7 =	simm.s32 @p2 $0x1082  }
0x22: {  	[simem:s7], [sflag:s8] =	dma.local @!p0 [hbm:s6], $0xF7A  }
0x23: {  	s9 =	sor.u32 $0xD0000000, s2;
	s6 =	simm.s32 $0x108;
	_ =	swait.ge @!p0 [sflag:s8], $0x0  }
0x24: {  	s3 =	sadd.s32 $0x88, s3;
	s6 =	simm.s32 @!p1 $0x1082;
	[sflag:s4] =	ssyncset.s32 $0xFFFFF086  }
0x25: {  	[simem:s6], [sflag:s4] =	dma.local [hbm:s3], $0xF7A  }
0x26: {  	[smem:$0x3F9E] =	sst s1;
	(tag) =	ssettag s2;
	_ =	strace s9  }
0x27: {  	s1 =	sld [smem:$0x3FAE]  }
0x28: {  	s2 =	sld [smem:$0x3FAF]  }
0x29: {  	s4 =	sld [smem:$0x3FB1]  }
0x2a: {  	p0 =	seq.s32 s5, $0x0;
	s5 =	sld [smem:$0x3FB2]  }
0x2b: {  	s6 =	sld [smem:$0x3FB3]  }
0x2c: {  	s7 =	sld [smem:$0x3FB4]  }
0x2d: {  	s3 =	simm.s32 $0x108;
	s8 =	sld [smem:$0x3FB5]  }
0x2e: {  	s3 =	simm.s32 @!p0 $0x1082;
	s9 =	sld [smem:$0x3FB6]  }
0x2f: {  	lr =	sadd.s32 s0, s3;
	s0 =	sld [smem:$0x3FAD]  }
0x30: {  	s3 =	sld [smem:$0x3FB0]  }
0x31: {  	[smem:$0x3FB9] =	sst s10  }
0x32: {  	s10 =	sld [smem:$0x3FB7];
	_ =	sdelay $0x3  }
0x33: {  	p0 =	seq.s32 s10, $0x1;
	s10 =	sld [smem:$0x3FB9];
	_ =	sdelay $0x3  }
0x34: {  	[smem:$0x3FB9] =	sst s10  }
0x35: {  	s10 =	sld [smem:$0x3FB8];
	_ =	sdelay $0x3  }
0x36: {  	p1 =	seq.s32 s10, $0x1;
	s10 =	sld [smem:$0x3FB9];
	_ =	sdelay $0x3  }
0x37: {  	[smem:$0x3FB9] =	sst s10  }
0x38: {  	s10 =	sld [smem:$0x3FBA]  }
0x39: {  	_ = 	snop;
	(pc) =	sbr.ind lr, $3  }
0x3a: {  	_ = 	snop  }
0x3b: {  	_ = 	snop  }
0x3c: {  	p2 =	seq.s32 s10, $0x1;
	s10 =	sld [smem:$0x3FB9]  }
0x3d: {  	_ =	shalt  }
0x3e: {  	_ =	shalt  }
0x3f: {  	_ =	shalt  }
0x40: {  	_ =	shalt  }
0x41: {  	_ =	shalt  }
0x42: {  	_ =	shalt  }
0x43: {  	_ =	shalt  }
0x44: {  	_ =	shalt  }
0x45: {  	_ =	shalt  }
0x46: {  	_ =	shalt  }
0x47: {  	_ =	shalt  }
0x48: {  	_ =	shalt  }
0x49: {  	_ =	shalt  }
0x4a: {  	_ =	shalt  }
0x4b: {  	_ =	shalt  }
0x4c: {  	_ =	shalt  }
0x4d: {  	_ =	shalt  }
0x4e: {  	_ =	shalt  }
0x4f: {  	_ =	shalt  }
0x50: {  	_ =	shalt  }
0x51: {  	_ =	shalt  }
0x52: {  	_ =	shalt  }
0x53: {  	_ =	shalt  }
0x54: {  	_ =	shalt  }
0x55: {  	_ =	shalt  }
0x56: {  	_ =	shalt  }
0x57: {  	_ =	shalt  }
0x58: {  	_ =	shalt  }
0x59: {  	_ =	shalt  }
0x5a: {  	_ =	shalt  }
0x5b: {  	_ =	shalt  }
0x5c: {  	_ =	shalt  }
0x5d: {  	_ =	shalt  }
0x5e: {  	_ =	shalt  }
0x5f: {  	_ =	shalt  }
0x60: {  	_ =	shalt  }
0x61: {  	_ =	shalt  }
0x62: {  	_ =	shalt  }
0x63: {  	_ =	shalt  }
0x64: {  	_ =	shalt  }
0x65: {  	_ =	shalt  }
0x66: {  	_ =	shalt  }
0x67: {  	_ =	shalt  }
0x68: {  	_ =	shalt  }
0x69: {  	_ =	shalt  }
0x6a: {  	_ =	shalt  }
0x6b: {  	_ =	shalt  }
0x6c: {  	_ =	shalt  }
0x6d: {  	_ =	shalt  }
0x6e: {  	_ =	shalt  }
0x6f: {  	_ =	shalt  }
0x70: {  	_ =	shalt  }
0x71: {  	_ =	shalt  }
0x72: {  	_ =	shalt  }
0x73: {  	_ =	shalt  }
0x74: {  	_ =	shalt  }
0x75: {  	_ =	shalt  }
0x76: {  	_ =	shalt  }
0x77: {  	_ =	shalt  }
0x78: {  	_ =	shalt  }
0x79: {  	_ =	shalt  }
0x7a: {  	_ =	shalt  }
0x7b: {  	_ =	shalt  }
0x7c: {  	_ =	shalt  }
0x7d: {  	_ =	shalt  }
0x7e: {  	_ =	shalt  }
0x7f: {  	_ =	shalt  }
0x80: {  	_ =	shalt  }
0x81: {  	_ =	shalt  }
0x82: {  	_ =	shalt  }
0x83: {  	_ =	shalt  }
0x84: {  	_ =	shalt  }
0x85: {  	_ =	shalt  }
0x86: {  	_ =	shalt  }
0x87: {  	_ =	shalt  }
.Lfunc_end0:
.L_simem_size_0:
called_computation_lowered:
.L_overlay_start_0:
0x88: {  	s2 =	sld [smem:$0x3FD9]  }
0x89: {  	s3 =	sld [smem:$0x3FFE];
	_ =	sdelay $0x1  }
0x8a: {  	s1 =	srdreg.scid  }
0x8b: {  	s0 =	sand.u32 $0x1, s1  }
0x8c: {  	s17 =	sshll.u32 s0, $0xA;
	s2 =	sadd.s32 s3, s2  }
0x8d: {  	s2 =	sadd.s32 s2, s17  }
0x8e: {  	[smem:$0x3FC5] =	sst s2  }
0x8f: {  	_ = 	snop  }
0x90: {  	s2 =	sld [smem:$0x3FD0];
	(tm) =	ssettm $0x1  }
0x91: {  	s18 =	sld [smem:$0x3FFB];
	_ =	sdelay $0x3  }
0x92: {  	_ =	strace s18  }
0x93: {  	s3 =	sld [smem:$0x3FFC];
	_ =	sdelay $0x3  }
0x94: {  	_ =	strace s3  }
0x95: {  	s3 =	sld [smem:$0x3FFD];
	_ =	sdelay $0x3  }
0x96: {  	_ =	strace s3  }
0x97: {  	_ =	strace $0x8FFFFFFF  }
0x98: {  	s19 =	sld [smem:$0x3FDB];
	_ =	sdelay $0x1  }
0x99: {  	s4 =	simm.s32 $_scs_section_size  }
0x9a: {  	s5 =	simm.s32 $_size__tile_overlayer_lowered;
	s6 =	simm.s32 $_tile_overlayer_lowered  }
0x9b: {  	s22 =	simm.s32 $0x1BFF;
	s21 =	sshll.u32 s6, $0x1;
	s3 =	sadd.s32 s4, s19  }
0x9c: {  	s7 =	simm.s32 $0x0;
	s20 =	sshll.u32 s5, $0x1;
	s5 =	sadd.s32 s21, s3  }
0x9d: {  	[timem:s7], [sflag:s22] =	dma.local [hbm:s5], s20  }
0x9e: {  	_ =	swait.ge [sflag:s22], s20  }
0x9f: {  	s4 =	ssub.s32 $0x0, s20;
	[sflag:s22] =	ssyncset.done $0x0  }
0xa0: {  	[sflag:s22] =	ssyncadd.s32 s4;
	_ =	sdelay $0x1  }
0xa1: {  	s23 =	simm.s32 $0x1B8B  }
0xa2: {  	_ =	swait.ge [sflag:s23], $0x1  }
0xa3: {  	[sflag:s23] =	ssyncset.done $0x0  }
0xa4: {  	s25 =	simm.s32 $0x1B8E;
	s24 =	sld [smem:$0x3FFE];
	[sflag:s23] =	ssyncadd.s32 $0xFFFFFFFF  }
0xa5: {  	s26 =	simm.s32 $execute0_lowered;
	[smem:$0x3FD2] =	sst s25  }
0xa6: {  	s5 =	sshll.u32 s26, $0x1;
	_ =	strace $0x80000046;
	[dreg:$0x1] =	wrdreg $0xFFFFFFFF  }
0xa7: {  	s28 =	simm.s32 $_size_execute0_lowered;
	s3 =	sadd.s32 s3, s5;
	[dreg:$0x0] =	wrdreg $0x0  }
0xa8: {  	s5 =	sshll.u32 s28, $0x1;
	[dreg:$0x2] =	wrdreg s3  }
0xa9: {  	[dreg:$0x3] =	wrdreg s5  }
0xaa: {  	[dreg:$0x4] =	wrdreg $0xC0  }
0xab: {  	_ =	task [dreg:s7], $0x5FFFF  }
0xac: {  	[dreg:$0x1] =	wrdreg $0xFFFFFFFF  }
0xad: {  	[dreg:$0x0] =	wrdreg $0x60  }
0xae: {  	[dreg:$0x2] =	wrdreg s2  }
0xaf: {  	[dreg:$0x3] =	wrdreg s24  }
0xb0: {  	[dreg:$0x4] =	wrdreg $0x9  }
0xb1: {  	_ =	task.clear_ibuf [dreg:s7], $0x5FFFF;
	_ =	strace $0x90000046  }
0xb2: {  	s29 =	simm.s32 $0x9;
	_ =	strace $0x80000048  }
0xb3: {  	_ =	swait.ge [sflag:s29], $0x1  }
0xb4: {  	[sflag:s29] =	ssyncadd.s32 $0xFFFFFFFF  }
0xb5: {  	_ =	strace $0x90000048  }
0xb6: {  	_ =	sfence  }
0xb7: {  	s30 =	sld [smem:$0x0];
	_ =	sdelay $0x2  }
0xb8: {  	s31 =	sshll.u32 s1, $0xD;
	s1 =	sshrl.u32 s1, $0x2  }
0xb9: {  	s3 =	sand.u32 $0x4000, s31;
	s1 =	sadd.s32 s1, s30  }
0xba: {  	s0 =	sor.u32 s3, s0;
	s1 =	sshll.u32 s1, $0x11  }
0xbb: {  	s0 =	sor.u32 s1, s0  }
0xbc: {  	s0 =	sadd.s32 $0x8F2B, s0  }
0xbd: {  	[sflag:s0] =	ssyncadd.remote.s32 $0x1  }
0xbe: {  	_ =	sfence.sel $0xFFFF  }
0xbf: {  	[dreg:$0x0] =	wrdreg $0xFFFFFFFF;
	(pc) =	sbr.abs _section_cstart, $3  }
0xc0: {  	[dreg:$0x1] =	wrdreg $0xFFFFFFFF  }
0xc1: {  	_ =	task.clear_ibuf [dreg:s7], $0x2FFFF;
	_ =	strace $0x9FFFFFFF  }
0xc2: {  	(tm) =	ssettm $0x7FFFFFFF  }
0xc3: {  	_ =	shalt  }
tec
execute0_lowered:
.L_overlay_start_1:
0x0: {  	(tag) =	ssettag $0x1  }
0x1: {  	s1 =	srdreg.scid;
	s0 =	stileid.u32  }
0x2: {  	s3 =	rddreg [dreg:$0x0];
	s21 =	sand.u32 $0x1, s1;
	s30 =	sshll.u32 s0, $0x1  }
0x3: {  	s13 =	rddreg [dreg:$0x1];
	s4 =	sor.u32 s21, s30  }
0x4: {  	s2 =	simm.s32 $0x0;
	s1 =	rddreg [dreg:$0x2];
	s5 =	smul.u32 $0x1A0, s4  }
0x5: {  	[smem:$0x7FF] =	sst s2  }
0x6: {  	_ =	strace $0x80000047;
	s4 =	sadd.s32 s3, s5;
	s3 =	simm.s32 $0x3  }
0x7: {  	[tilespmem:s2], [sflag:$0x3] =	stream.linear.gather [hbm4b:s4+s2], $0xD00, $0x38;
	[tilespmem:$0x1C700] =	vst v63  }
0x8: {  	_ =	swait.ge [sflag:s3], $0xD00  }
0x9: {  	s22 =	sadd.s32 s5, s13;
	[sflag:s3] =	ssyncset.done $0x0  }
0xa: {  	s6 =	simm.s32 $0xD00;
	s5 =	sadd.s32 $0xA00, s22;
	[sflag:s3] =	ssyncadd.s32 $0xFFFFF300  }
0xb: {  	[tilespmem:s6], [sflag:$0x3] =	stream.linear.gather [hbm4b:s5+s2], $0xD00, $0x38;
	[tilespmem:$0x1C700] =	vst v63  }
0xc: {  	_ =	swait.ge [sflag:s3], $0xD00  }
0xd: {  	s9 =	simm.s32 $0x1BA00;
	[sflag:s3] =	ssyncset.done $0x0  }
0xe: {  	s10 =	simm.s32 $0x340;
	s8 =	sadd.s32 $0x3E00, s13;
	[sflag:s3] =	ssyncadd.s32 $0xFFFFF300  }
0xf: {  	[tilespmem:s9], [sflag:$0x1] =	stream.indirect.gather [hbm4b:s8+s6], $0x1, s2, s6, $0xb8;
	[tilespmem:$0x1C700] =	vst v63  }
0x10: {  	s11 =	simm.s32 $0x1A00;
	s12 =	simm.s32 $0x1;
	s7 =	sadd.s32 $0x187400, s13  }
0x11: {  	[tilespmem:s11], [sflag:$0x1] =	stream.indirect.gather [hbm4b:s7+s10], $0x40, s2, s10, $0xb8;
	[tilespmem:$0x1C700] =	vst v63  }
0x12: {  	_ =	swait.ge [sflag:s12], $0xD000  }
0x13: {  	[sflag:s12] =	ssyncset.done $0x0  }
0x14: {  	s13 =	sadd.s32 $0xA400, s13;
	[sflag:s12] =	ssyncadd.s32 $0xFFFF3000  }
0x15: {  	[hbm4b:s13+s10] =	stream.indirect.scatter [tilespmem:s11], [sflag:$0x2], $0x40, s6, s10, $0xb8;
	[tilespmem:$0x1C700] =	vst v63  }
0x16: {  	s14 =	simm.s32 $0xEA00  }
0x17: {  	[tilespmem:s14], [sflag:$0x1] =	stream.indirect.gather [hbm4b:s7+s10], $0x40, s10, s10, $0xb8;
	[tilespmem:$0x1C700] =	vst v63  }
0x18: {  	_ =	swait.ge [sflag:s12], $0xD000  }
0x19: {  	[sflag:s12] =	ssyncset.done $0x0  }
0x1a: {  	s15 =	simm.s32 $0x1040;
	[sflag:s12] =	ssyncadd.s32 $0xFFFF3000  }
0x1b: {  	[hbm4b:s13+s10] =	stream.indirect.scatter [tilespmem:s14], [sflag:$0x2], $0x40, s15, s10, $0xb8;
	[tilespmem:$0x1C700] =	vst v63  }
0x1c: {  	s16 =	simm.s32 $0x680;
	s17 =	simm.s32 $0x2  }
0x1d: {  	[tilespmem:s11], [sflag:$0x1] =	stream.indirect.gather [hbm4b:s7+s10], $0x40, s16, s10, $0xb8;
	[tilespmem:$0x1C700] =	vst v63  }
0x1e: {  	_ =	swait.ge [sflag:s17], $0xD000  }
0x1f: {  	[sflag:s17] =	ssyncset.done $0x0  }
0x20: {  	[sflag:s17] =	ssyncadd.s32 $0xFFFF3000  }
0x21: {  	_ =	swait.ge [sflag:s12], $0xD000  }
0x22: {  	[sflag:s12] =	ssyncset.done $0x0  }
0x23: {  	s18 =	simm.s32 $0x1380;
	[sflag:s12] =	ssyncadd.s32 $0xFFFF3000  }
0x24: {  	[hbm4b:s13+s10] =	stream.indirect.scatter [tilespmem:s11], [sflag:$0x2], $0x40, s18, s10, $0xb8;
	[tilespmem:$0x1C700] =	vst v63  }
0x25: {  	s19 =	simm.s32 $0x9C0  }
0x26: {  	[tilespmem:s14], [sflag:$0x1] =	stream.indirect.gather [hbm4b:s7+s10], $0x40, s19, s10, $0xb8;
	[tilespmem:$0x1C700] =	vst v63  }
0x27: {  	_ =	swait.ge [sflag:s17], $0xD000  }
0x28: {  	[sflag:s17] =	ssyncset.done $0x0  }
0x29: {  	[sflag:s17] =	ssyncadd.s32 $0xFFFF3000  }
0x2a: {  	_ =	swait.ge [sflag:s12], $0xD000  }
0x2b: {  	[sflag:s12] =	ssyncset.done $0x0  }
0x2c: {  	s20 =	simm.s32 $0x16C0;
	[sflag:s12] =	ssyncadd.s32 $0xFFFF3000  }
0x2d: {  	[hbm4b:s13+s10] =	stream.indirect.scatter [tilespmem:s14], [sflag:$0x2], $0x40, s20, s10, $0xb8;
	[tilespmem:$0x1C700] =	vst v63  }
0x2e: {  	_ =	swait.ge [sflag:s12], $0xD00  }
0x2f: {  	[sflag:s12] =	ssyncset.done $0x0  }
0x30: {  	s21 =	ssub.s32 $0x2, s21;
	[sflag:s12] =	ssyncadd.s32 $0xFFFFF300  }
0x31: {  	s23 =	sshrl.u32 s21, $0x1;
	_ =	swait.ge [sflag:s17], $0xD000  }
0x32: {  	s23 =	ssub.s32 s21, s23;
	[sflag:s17] =	ssyncset.done $0x0  }
0x33: {  	s31 =	smax.u32 s23, $0x1;
	[sflag:s17] =	ssyncadd.s32 $0xFFFF3000  }
0x34: {  	p0 =	sne.s32 s31, $0x1;
	_ =	swait.ge [sflag:s17], $0xD000  }
.Ltmp0:
0x35: {  	[sflag:s17] =	ssyncset.done $0x0;
	(pc) =	sbr.rel @!p0 .LBB2_2-.Ltmp0, $4  }
0x36: {  	s21 =	sadd.s32 $0x7000, s22;
	[sflag:s17] =	ssyncadd.s32 $0xFFFF3000  }
0x37: {  	[hbm4b:s21+s2] =	stream.linear.scatter [tilespmem:s9], [sflag:$0x3], $0xD00, $0x38;
	[tilespmem:$0x1C700] =	vst v63  }
0x38: {  	_ =	swait.ge [sflag:s3], $0xD00  }
0x39: {  	s22 =	sadd.s32 $0xFFFFFFFF, s31;
	[sflag:s3] =	ssyncset.done $0x0  }
.LBB2_1:
0x3a: {  	p0 =	sne.s32 s22, $0x1;
	s22 =	sadd.s32 $0xFFFFFFFF, s22;
	[sflag:s3] =	ssyncadd.s32 $0xFFFFF300  }
0x3b: {  	[tilespmem:s2], [sflag:$0x3] =	stream.linear.gather [hbm4b:s4+s2], $0xD00, $0x38;
	[tilespmem:$0x1C700] =	vst v63  }
0x3c: {  	_ =	swait.ge [sflag:s3], $0xD00  }
0x3d: {  	[sflag:s3] =	ssyncset.done $0x0  }
0x3e: {  	[sflag:s3] =	ssyncadd.s32 $0xFFFFF300  }
0x3f: {  	[tilespmem:s6], [sflag:$0x3] =	stream.linear.gather [hbm4b:s5+s2], $0xD00, $0x38;
	[tilespmem:$0x1C700] =	vst v63  }
0x40: {  	_ =	swait.ge [sflag:s3], $0xD00  }
0x41: {  	[sflag:s3] =	ssyncset.done $0x0  }
0x42: {  	[sflag:s3] =	ssyncadd.s32 $0xFFFFF300  }
0x43: {  	[tilespmem:s9], [sflag:$0x1] =	stream.indirect.gather [hbm4b:s8+s6], $0x1, s2, s6, $0xb8;
	[tilespmem:$0x1C700] =	vst v63  }
0x44: {  	_ = 	snop  }
0x45: {  	[tilespmem:s11], [sflag:$0x1] =	stream.indirect.gather [hbm4b:s7+s10], $0x40, s2, s10, $0xb8;
	[tilespmem:$0x1C700] =	vst v63  }
0x46: {  	_ =	swait.ge [sflag:s12], $0xD000  }
0x47: {  	[sflag:s12] =	ssyncset.done $0x0  }
0x48: {  	[sflag:s12] =	ssyncadd.s32 $0xFFFF3000  }
0x49: {  	[hbm4b:s13+s10] =	stream.indirect.scatter [tilespmem:s11], [sflag:$0x2], $0x40, s6, s10, $0xb8;
	[tilespmem:$0x1C700] =	vst v63  }
0x4a: {  	_ = 	snop  }
0x4b: {  	[tilespmem:s14], [sflag:$0x1] =	stream.indirect.gather [hbm4b:s7+s10], $0x40, s10, s10, $0xb8;
	[tilespmem:$0x1C700] =	vst v63  }
0x4c: {  	_ =	swait.ge [sflag:s12], $0xD000  }
0x4d: {  	[sflag:s12] =	ssyncset.done $0x0  }
0x4e: {  	[sflag:s12] =	ssyncadd.s32 $0xFFFF3000  }
0x4f: {  	[hbm4b:s13+s10] =	stream.indirect.scatter [tilespmem:s14], [sflag:$0x2], $0x40, s15, s10, $0xb8;
	[tilespmem:$0x1C700] =	vst v63  }
0x50: {  	_ = 	snop  }
0x51: {  	[tilespmem:s11], [sflag:$0x1] =	stream.indirect.gather [hbm4b:s7+s10], $0x40, s16, s10, $0xb8;
	[tilespmem:$0x1C700] =	vst v63  }
0x52: {  	_ =	swait.ge [sflag:s17], $0xD000  }
0x53: {  	[sflag:s17] =	ssyncset.done $0x0  }
0x54: {  	[sflag:s17] =	ssyncadd.s32 $0xFFFF3000  }
0x55: {  	_ =	swait.ge [sflag:s12], $0xD000  }
0x56: {  	[sflag:s12] =	ssyncset.done $0x0  }
0x57: {  	[sflag:s12] =	ssyncadd.s32 $0xFFFF3000  }
0x58: {  	[hbm4b:s13+s10] =	stream.indirect.scatter [tilespmem:s11], [sflag:$0x2], $0x40, s18, s10, $0xb8;
	[tilespmem:$0x1C700] =	vst v63  }
0x59: {  	_ = 	snop  }
0x5a: {  	[tilespmem:s14], [sflag:$0x1] =	stream.indirect.gather [hbm4b:s7+s10], $0x40, s19, s10, $0xb8;
	[tilespmem:$0x1C700] =	vst v63  }
0x5b: {  	_ =	swait.ge [sflag:s17], $0xD000  }
0x5c: {  	[sflag:s17] =	ssyncset.done $0x0  }
0x5d: {  	[sflag:s17] =	ssyncadd.s32 $0xFFFF3000  }
0x5e: {  	_ =	swait.ge [sflag:s12], $0xD000  }
0x5f: {  	[sflag:s12] =	ssyncset.done $0x0  }
0x60: {  	[sflag:s12] =	ssyncadd.s32 $0xFFFF3000  }
0x61: {  	[hbm4b:s13+s10] =	stream.indirect.scatter [tilespmem:s14], [sflag:$0x2], $0x40, s20, s10, $0xb8;
	[tilespmem:$0x1C700] =	vst v63  }
0x62: {  	_ =	swait.ge [sflag:s12], $0xD00  }
0x63: {  	[sflag:s12] =	ssyncset.done $0x0  }
0x64: {  	[sflag:s12] =	ssyncadd.s32 $0xFFFFF300  }
0x65: {  	_ =	swait.ge [sflag:s17], $0xD000  }
0x66: {  	[sflag:s17] =	ssyncset.done $0x0  }
0x67: {  	[sflag:s17] =	ssyncadd.s32 $0xFFFF3000  }
0x68: {  	_ =	swait.ge [sflag:s17], $0xD000  }
.Ltmp1:
0x69: {  	[sflag:s17] =	ssyncset.done $0x0;
	(pc) =	sbr.rel @p0 .LBB2_1-.Ltmp1, $4  }
0x6a: {  	[sflag:s17] =	ssyncadd.s32 $0xFFFF3000  }
0x6b: {  	[hbm4b:s21+s2] =	stream.linear.scatter [tilespmem:s9], [sflag:$0x3], $0xD00, $0x38;
	[tilespmem:$0x1C700] =	vst v63  }
0x6c: {  	_ =	swait.ge [sflag:s3], $0xD00  }
0x6d: {  	[sflag:s3] =	ssyncset.done $0x0  }
.LBB2_2:
0x6e: {  	[sflag:s3] =	ssyncadd.s32 $0xFFFFF300  }
0x6f: {  	_ =	sfence.sel $0x180000  }
0x70: {  	[bflag:$0x0] =	sbarrier.arrive $0xFFFF  }
0x71: {  	p0 =	sne.s32 s0, $0x0;
	_ =	strace $0x90000047  }
0x72: {  	s0 =	sadd.s32 @!p0 $0x100000, s1;
	[bflag:$0x2] =	sbarrier.arrive $0xFFFF  }
0x73: {  	[sflag:s0] =	ssyncadd.tile.s32 @!p0 $0x1;
	_ =	shalt  }
.Lfunc_end2:
_tile_overlayer_lowered:
.L_overlay_start_2:
0x74: {  	(tag) =	ssettag $0x2  }
0x75: {  	s0 =	rddreg [dreg:$0x0];
	s2 =	stileid.u32  }
0x76: {  	s1 =	rddreg [dreg:$0x1];
	p0 =	sne.s32 s2, $0x0  }
0x77: {  	s3 =	rddreg [dreg:$0x2];
	[bflag:$0x3] =	sbarrier.arrive $0xFFFF;
	s2 =	simm.s32 @!p0 $0x1C03  }
0x78: {  	[timem:s3], [sflag:s2] =	dma.local @!p0 [hbm:s0], s1  }
0x79: {  	s0 =	simm.s32 @!p0 $0x3  }
0x7a: {  	_ =	swait.ge @!p0 [sflag:s0], s1  }
0x7b: {  	s1 =	ssub.s32 @!p0 $0x0, s1;
	[sflag:s0] =	ssyncset.done @!p0 $0x0  }
0x7c: {  	[sflag:s0] =	ssyncadd.s32 @!p0 s1  }
0x7d: {  	[bflag:$0x3] =	sbarrier.arrive $0xFFFF  }
0x7e: {  	_ =	shalt  }

</sc_bundles>
